<compile_context>
chip_gen: v7x
topology: tpu7x:2x2x1
jax: 0.10.2.dev20260603
libtpu: 0.0.44.dev20260713+nightly
codegen_flags: <defaults>
</compile_context>

<pallas_src>
import functools

import jax
import jax.numpy as jnp
from jax import lax
from jax.experimental import pallas as pl
from jax.experimental.pallas import tpu as pltpu
from jax.experimental.pallas import tpu_sc as plsc

T = 2048
H = 1024
I = 1024
E = 8
K = 2
P = T * K
TILE = 256
NT = 24
NP = NT * TILE

NC, NS = 2, 16
NW = NC * NS
RPW = NP // NW
GCH = 64
TPW = T // NW
CCH = 16


def _router_kernel(x_ref, gw_ref, dest_ref, w_ref, xi_ref, meta_ref):
    xi_ref[...] = x_ref[...].astype(jnp.bfloat16)
    logits = lax.dot_general(
        x_ref[...], gw_ref[...], (((1,), (1,)), ((), ())),
        preferred_element_type=jnp.float32)
    a1 = jnp.argmax(logits, axis=1)
    l1 = jnp.max(logits, axis=1)
    cols = lax.broadcasted_iota(jnp.int32, (T, E), 1)
    masked = jnp.where(cols == a1[:, None], -jnp.inf, logits)
    a2 = jnp.argmax(masked, axis=1)
    l2 = jnp.max(masked, axis=1)
    w1 = jax.nn.sigmoid(l1 - l2)
    w_ref[0, :] = w1
    w_ref[1, :] = 1.0 - w1

    onea = (cols == a1[:, None]).astype(jnp.float32)
    oneb = (cols == a2[:, None]).astype(jnp.float32)
    s = onea + oneb
    cum = s
    for step in (1, 2, 4, 8, 16, 32, 64, 128, 256, 512, 1024):
        cum = cum + jnp.concatenate(
            [jnp.zeros((step, E), jnp.float32), cum[:T - step]], axis=0)
    cum_excl = cum - s
    counts = cum[T - 1, :].reshape(1, E)
    pad_counts = jnp.floor((counts + (TILE - 1)) * (1.0 / TILE)) * TILE
    rr_r = lax.broadcasted_iota(jnp.int32, (E, E), 0)
    rr_c = lax.broadcasted_iota(jnp.int32, (E, E), 1)
    tri_x = (rr_c > rr_r).astype(jnp.float32)
    pad_off = jnp.dot(pad_counts, tri_x,
                      preferred_element_type=jnp.float32)
    rank0 = jnp.sum(onea * cum_excl, axis=1)
    rank1 = jnp.sum(oneb * cum_excl, axis=1)
    off0 = jnp.sum(onea * pad_off, axis=1)
    off1 = jnp.sum(oneb * pad_off, axis=1)
    dest_ref[0, :] = (off0 + rank0).astype(jnp.int32)
    dest_ref[1, :] = (off1 + rank1).astype(jnp.int32)

    pad_end = pad_off + pad_counts
    n_tiles_f = pad_end[0, E - 1] * (1.0 / TILE)
    i128 = lax.broadcasted_iota(jnp.int32, (128,), 0).astype(jnp.float32)
    g128 = i128 * float(TILE)
    te = jnp.minimum(
        jnp.sum((g128[:, None] >= pad_end).astype(jnp.float32), axis=1),
        float(E - 1))
    last_e = jnp.sum(jnp.where(i128 == n_tiles_f - 1.0, te, 0.0))
    te = jnp.where(i128 < n_tiles_f, te, last_e)
    meta = jnp.where(i128 == float(NT), n_tiles_f, te)
    meta_ref[0, :] = meta.astype(jnp.int32)


def _router(x, gate_proj_w):
    return pl.pallas_call(
        _router_kernel,
        in_specs=[
            pl.BlockSpec((T, H), lambda: (0, 0)),
            pl.BlockSpec((E, H), lambda: (0, 0)),
        ],
        out_specs=[
            pl.BlockSpec((K, T), lambda: (0, 0)),
            pl.BlockSpec((K, T), lambda: (0, 0)),
            pl.BlockSpec((T, H), lambda: (0, 0)),
            pl.BlockSpec((1, 128), lambda: (0, 0)),
        ],
        out_shape=[
            jax.ShapeDtypeStruct((K, T), jnp.int32),
            jax.ShapeDtypeStruct((K, T), jnp.float32),
            jax.ShapeDtypeStruct((T, H), jnp.bfloat16),
            jax.ShapeDtypeStruct((1, 128), jnp.int32),
        ],
    )(x, gate_proj_w)


def _ffn_kernel(meta_ref, xb_ref, dest_ref, w2_ref, wg_ref, wu_ref, wd_ref,
                ys_ref):
    g = pl.program_id(0)

    @pl.when(g < meta_ref[NT])
    def _():
        rows = lax.broadcasted_iota(jnp.int32, (TILE, T), 0) + g * TILE
        m0 = (dest_ref[0, :][None, :] == rows).astype(jnp.bfloat16)
        m1 = (dest_ref[1, :][None, :] == rows).astype(jnp.bfloat16)
        ms = m0 + m1
        xg = jnp.dot(ms, xb_ref[...],
                     preferred_element_type=jnp.float32).astype(jnp.bfloat16)
        w = (jnp.dot(m0, w2_ref[0, :].astype(jnp.bfloat16),
                     preferred_element_type=jnp.float32)
             + jnp.dot(m1, w2_ref[1, :].astype(jnp.bfloat16),
                       preferred_element_type=jnp.float32))
        wg = wg_ref[0].astype(jnp.bfloat16)
        wu = wu_ref[0].astype(jnp.bfloat16)
        wd = wd_ref[0].astype(jnp.bfloat16)
        gate = jnp.dot(xg, wg, preferred_element_type=jnp.float32)
        up = jnp.dot(xg, wu, preferred_element_type=jnp.float32)
        inter = (gate * jax.nn.sigmoid(gate) * up).astype(jnp.bfloat16)
        d = jnp.dot(inter, wd, preferred_element_type=jnp.float32)
        ys_ref[...] = w[:, None] * d


def _ffn(meta, xb, dests, w2, gate_weights, up_weights, down_weights):
    grid_spec = pltpu.PrefetchScalarGridSpec(
        num_scalar_prefetch=1,
        grid=(NT,),
        in_specs=[
            pl.BlockSpec((T, H), lambda g, m: (0, 0)),
            pl.BlockSpec((K, T), lambda g, m: (0, 0)),
            pl.BlockSpec((K, T), lambda g, m: (0, 0)),
            pl.BlockSpec((1, H, I), lambda g, m: (m[g], 0, 0)),
            pl.BlockSpec((1, H, I), lambda g, m: (m[g], 0, 0)),
            pl.BlockSpec((1, I, H), lambda g, m: (m[g], 0, 0)),
        ],
        out_specs=pl.BlockSpec((TILE, H), lambda g, m: (g, 0)),
    )
    return pl.pallas_call(
        _ffn_kernel,
        grid_spec=grid_spec,
        out_shape=jax.ShapeDtypeStruct((NP, H), jnp.float32),
    )(meta, xb, dests, w2, gate_weights, up_weights, down_weights)


CNCH = TPW // CCH


@functools.lru_cache(maxsize=None)
def _make_sc_combine():
    mesh = plsc.VectorSubcoreMesh(core_axis_name="c", subcore_axis_name="s",
                                  num_cores=NC, num_subcores=NS)

    @functools.partial(
        pl.kernel,
        out_type=jax.ShapeDtypeStruct((T, H), jnp.float32),
        mesh=mesh,
        scratch_types=[
            pltpu.VMEM((CNCH, CCH), jnp.int32),
            pltpu.VMEM((CNCH, CCH), jnp.int32),
            pltpu.VMEM((CCH, H), jnp.float32),
            pltpu.VMEM((CCH, H), jnp.float32),
            pltpu.VMEM((CCH, H), jnp.float32),
            pltpu.VMEM((CCH, H), jnp.float32),
            pltpu.VMEM((CCH, H), jnp.float32),
            pltpu.VMEM((CCH, H), jnp.float32),
            pltpu.SemaphoreType.DMA,
            pltpu.SemaphoreType.DMA,
            pltpu.SemaphoreType.DMA,
            pltpu.SemaphoreType.DMA,
        ],
    )
    def sc_combine(ys_hbm, sa_hbm, sb_hbm, out_hbm,
                   ia_v, ib_v, a0, a1, b0, b1, o0, o1, sg0, sg1, so0, so1):
        wid = lax.axis_index("s") * NC + lax.axis_index("c")
        pltpu.sync_copy(sa_hbm.at[wid], ia_v)
        pltpu.sync_copy(sb_hbm.at[wid], ib_v)
        a = (a0, a1)
        b = (b0, b1)
        o = (o0, o1)
        sg = (sg0, sg1)
        so = (so0, so1)
        ga = [None, None]
        gb = [None, None]
        oc = [None, None]
        ga[0] = pltpu.async_copy(ys_hbm.at[ia_v.at[0]], a0, sg0)
        gb[0] = pltpu.async_copy(ys_hbm.at[ib_v.at[0]], b0, sg0)
        for c in range(CNCH):
            p = c % 2
            ga[p].wait()
            gb[p].wait()
            if c + 1 < CNCH:
                q = (c + 1) % 2
                ga[q] = pltpu.async_copy(ys_hbm.at[ia_v.at[c + 1]], a[q], sg[q])
                gb[q] = pltpu.async_copy(ys_hbm.at[ib_v.at[c + 1]], b[q], sg[q])
            if c >= 2:
                oc[p].wait()
            av, bv, ov = a[p], b[p], o[p]

            def row_add(r, carry, av=av, bv=bv, ov=ov):
                for u in range(H // 16):
                    s = pl.ds(u * 16, 16)
                    ov[r, s] = av[r, s] + bv[r, s]
                return carry

            lax.fori_loop(0, CCH, row_add, 0)
            oc[p] = pltpu.async_copy(
                ov, out_hbm.at[pl.ds(wid * TPW + c * CCH, CCH)], so[p])
        oc[0].wait()
        oc[1].wait()

    return sc_combine


def _sc_combine(ys, slots_a, slots_b):
    return _make_sc_combine()(
        ys, slots_a.reshape(NW, CNCH, CCH), slots_b.reshape(NW, CNCH, CCH))


def kernel(hidden_states, gate_proj_w, gate_weights, up_weights, down_weights):
    dests, w2, xb, meta_row = _router(hidden_states, gate_proj_w)
    meta = meta_row.reshape(128)
    ys = _ffn(meta, xb, dests, w2, gate_weights, up_weights, down_weights)
    return _sc_combine(ys, dests[0, :], dests[1, :])

# --- scband reference (transcript-rebuilt; emitter-appended) ---
"""Pipeline reference for scband-intel-xpumo-elayer-9088150798542 (READ-ONLY COPY).

The authoritative reference and input builder live on the scoring server;
editing this copy changes nothing except your own understanding.
"""

import jax, jax.numpy as jnp
import numpy as np

T = 2048      # tokens = batch * seq_len
H = 1024      # hidden_size
I = 1024      # intermediate_size
E = 8         # num_experts
TOP_K = 2

def setup_inputs(seed: int = 0) -> dict:
    key = jax.random.key(seed)
    k1, k2, k3, k4, k5 = jax.random.split(key, 5)
    hidden_states = jax.random.normal(k1, (T, H), dtype=jnp.float32)
    # gate_proj: nn.Linear(hidden_size, num_experts, bias=False) -> weight [E, H]
    gate_proj_w = jax.random.normal(k2, (E, H), dtype=jnp.float32) * (1.0 / np.sqrt(H))
    # expert weights, xavier-uniform-like scale
    lim_gi = np.sqrt(6.0 / (H + I))
    lim_ih = np.sqrt(6.0 / (I + H))
    gate_weights = jax.random.uniform(k3, (E, H, I), dtype=jnp.float32, minval=-lim_gi, maxval=lim_gi)
    up_weights = jax.random.uniform(k4, (E, H, I), dtype=jnp.float32, minval=-lim_gi, maxval=lim_gi)
    down_weights = jax.random.uniform(k5, (E, I, H), dtype=jnp.float32, minval=-lim_ih, maxval=lim_ih)
    return {
        "hidden_states": hidden_states,
        "gate_proj_w": gate_proj_w,
        "gate_weights": gate_weights,
        "up_weights": up_weights,
        "down_weights": down_weights,
    }

def reference(hidden_states, gate_proj_w, gate_weights, up_weights, down_weights):
    # Router
    gate_logits = hidden_states @ gate_proj_w.T                      # [T, E]
    gate_probs = jax.nn.softmax(gate_logits, axis=-1)                # [T, E]
    topk_weights, topk_indices = jax.lax.top_k(gate_probs, TOP_K)    # [T, K]
    topk_weights = topk_weights / jnp.sum(topk_weights, axis=-1, keepdims=True)  # renormalize
    # Combine matrix [T, E] via scatter-add of routing weights
    combine = jnp.zeros((T, E), dtype=hidden_states.dtype)
    combine = combine.at[jnp.arange(T)[:, None], topk_indices].add(topk_weights)
    # Expert computation (SwiGLU): silu(x @ Wg) * (x @ Wu) @ Wd per expert
    gate_out = jnp.einsum('th,ehi->eti', hidden_states, gate_weights)  # [E, T, I]
    up_out = jnp.einsum('th,ehi->eti', hidden_states, up_weights)      # [E, T, I]
    gate_act = gate_out * jax.nn.sigmoid(gate_out)                     # SiLU (x*sigmoid(x))
    intermediate = gate_act * up_out                                   # [E, T, I]
    expert_out = jnp.einsum('eti,eih->eth', intermediate, down_weights)  # [E, T, H]
    # Weighted combine over experts
    output = jnp.einsum('te,eth->th', combine, expert_out)             # [T, H]
    return output

if __name__ == "__main__":
    import jax
    _d = setup_inputs()
    print(jax.jit(kernel)(*tuple(_d.values())))

</pallas_src>

<mosaic_0001>
#map = affine_map<(d0, d1) -> (0, 0)>
#map1 = affine_map<(d0, d1) -> (0, 0, 0)>
module attributes {stable_mosaic.version = 14 : i64} {
  func.func @sc_combine(%arg0: i32, %arg1: i32, %arg2: memref<6144x1024xf32, #tpu.memory_space<hbm>>, %arg3: memref<32x4x16xi32, #tpu.memory_space<hbm>>, %arg4: memref<32x4x16xi32, #tpu.memory_space<hbm>>, %arg5: memref<2048x1024xf32, #tpu.memory_space<hbm>>, %arg6: memref<4x16xi32, #tpu.memory_space<vmem>>, %arg7: memref<4x16xi32, #tpu.memory_space<vmem>>, %arg8: memref<16x1024xf32, #tpu.memory_space<vmem>>, %arg9: memref<16x1024xf32, #tpu.memory_space<vmem>>, %arg10: memref<16x1024xf32, #tpu.memory_space<vmem>>, %arg11: memref<16x1024xf32, #tpu.memory_space<vmem>>, %arg12: memref<16x1024xf32, #tpu.memory_space<vmem>>, %arg13: memref<16x1024xf32, #tpu.memory_space<vmem>>, %arg14: memref<!tpu.dma_semaphore, #tpu.memory_space<semaphore_mem>>, %arg15: memref<!tpu.dma_semaphore, #tpu.memory_space<semaphore_mem>>, %arg16: memref<!tpu.dma_semaphore, #tpu.memory_space<semaphore_mem>>, %arg17: memref<!tpu.dma_semaphore, #tpu.memory_space<semaphore_mem>>) attributes {dimension_semantics = [#tpu.dimension_semantics<core_parallel>, #tpu.dimension_semantics<subcore_parallel>], iteration_bounds = array<i64: 2, 16>, scalar_prefetch = 0 : i64, scratch_operands = 12 : i64, tpu.core_type = #tpu.core_type<sc_vector_subcore>, window_params = [{transform_indices = #map}, {transform_indices = #map1}, {transform_indices = #map1}, {transform_indices = #map}]} {
    %mul3A = arith.constant 2 : i32
    %mul3A_0 = arith.muli %arg1, %mul3A : i32
    %add3A = arith.addi %mul3A_0, %arg0 : i32
    "tpu.region"() ({
      %run_scoped3A = tpu.sem_alloc : memref<!tpu.dma_semaphore, #tpu.memory_space<semaphore_mem>>
      %dma_start3A_182 = arith.constant 0 : i32
      %dma_start3A_183 = arith.constant 0 : i32
      %dma_start3A_184 = tpu.memref_slice %arg3[%add3A, %dma_start3A_182, %dma_start3A_183] : memref<32x4x16xi32, #tpu.memory_space<hbm>> -> memref<1x4x16xi32, #tpu.memory_space<hbm>>
      %dma_start3A_185 = tpu.memref_squeeze %dma_start3A_184 : memref<1x4x16xi32, #tpu.memory_space<hbm>> -> memref<4x16xi32, #tpu.memory_space<hbm>>
      %dma_start3A_186 = arith.constant 0 : i32
      %dma_start3A_187 = arith.constant 0 : i32
      %dma_start3A_188 = tpu.memref_slice %arg3[%add3A, %dma_start3A_186, %dma_start3A_187] : memref<32x4x16xi32, #tpu.memory_space<hbm>> -> memref<1x4x16xi32, #tpu.memory_space<hbm>>
      %dma_start3A_189 = tpu.memref_squeeze %dma_start3A_188 : memref<1x4x16xi32, #tpu.memory_space<hbm>> -> memref<4x16xi32, #tpu.memory_space<hbm>>
      tpu.enqueue_dma source(%dma_start3A_189 : memref<4x16xi32, #tpu.memory_space<hbm>>) target(%arg6 : memref<4x16xi32, #tpu.memory_space<vmem>>) target_semaphore(%run_scoped3A : memref<!tpu.dma_semaphore, #tpu.memory_space<semaphore_mem>>)
      %dma_wait3A_190 = arith.constant 0 : i32
      %dma_wait3A_191 = arith.constant 0 : i32
      %dma_wait3A_192 = tpu.memref_slice %arg3[%add3A, %dma_wait3A_190, %dma_wait3A_191] : memref<32x4x16xi32, #tpu.memory_space<hbm>> -> memref<1x4x16xi32, #tpu.memory_space<hbm>>
      %dma_wait3A_193 = tpu.memref_squeeze %dma_wait3A_192 : memref<1x4x16xi32, #tpu.memory_space<hbm>> -> memref<4x16xi32, #tpu.memory_space<hbm>>
      %dma_wait3A_194 = arith.constant 0 : i32
      %dma_wait3A_195 = arith.constant 0 : i32
      %dma_wait3A_196 = tpu.memref_slice %arg3[%add3A, %dma_wait3A_194, %dma_wait3A_195] : memref<32x4x16xi32, #tpu.memory_space<hbm>> -> memref<1x4x16xi32, #tpu.memory_space<hbm>>
      %dma_wait3A_197 = tpu.memref_squeeze %dma_wait3A_196 : memref<1x4x16xi32, #tpu.memory_space<hbm>> -> memref<4x16xi32, #tpu.memory_space<hbm>>
      tpu.wait_dma2 semaphore(%run_scoped3A : memref<!tpu.dma_semaphore, #tpu.memory_space<semaphore_mem>>) src(%dma_wait3A_197 : memref<4x16xi32, #tpu.memory_space<hbm>>) dst(%arg6 : memref<4x16xi32, #tpu.memory_space<vmem>>)
      tpu.yield
    }) : () -> ()
    "tpu.region"() ({
      %run_scoped3A = tpu.sem_alloc : memref<!tpu.dma_semaphore, #tpu.memory_space<semaphore_mem>>
      %dma_start3A_182 = arith.constant 0 : i32
      %dma_start3A_183 = arith.constant 0 : i32
      %dma_start3A_184 = tpu.memref_slice %arg4[%add3A, %dma_start3A_182, %dma_start3A_183] : memref<32x4x16xi32, #tpu.memory_space<hbm>> -> memref<1x4x16xi32, #tpu.memory_space<hbm>>
      %dma_start3A_185 = tpu.memref_squeeze %dma_start3A_184 : memref<1x4x16xi32, #tpu.memory_space<hbm>> -> memref<4x16xi32, #tpu.memory_space<hbm>>
      %dma_start3A_186 = arith.constant 0 : i32
      %dma_start3A_187 = arith.constant 0 : i32
      %dma_start3A_188 = tpu.memref_slice %arg4[%add3A, %dma_start3A_186, %dma_start3A_187] : memref<32x4x16xi32, #tpu.memory_space<hbm>> -> memref<1x4x16xi32, #tpu.memory_space<hbm>>
      %dma_start3A_189 = tpu.memref_squeeze %dma_start3A_188 : memref<1x4x16xi32, #tpu.memory_space<hbm>> -> memref<4x16xi32, #tpu.memory_space<hbm>>
      tpu.enqueue_dma source(%dma_start3A_189 : memref<4x16xi32, #tpu.memory_space<hbm>>) target(%arg7 : memref<4x16xi32, #tpu.memory_space<vmem>>) target_semaphore(%run_scoped3A : memref<!tpu.dma_semaphore, #tpu.memory_space<semaphore_mem>>)
      %dma_wait3A_190 = arith.constant 0 : i32
      %dma_wait3A_191 = arith.constant 0 : i32
      %dma_wait3A_192 = tpu.memref_slice %arg4[%add3A, %dma_wait3A_190, %dma_wait3A_191] : memref<32x4x16xi32, #tpu.memory_space<hbm>> -> memref<1x4x16xi32, #tpu.memory_space<hbm>>
      %dma_wait3A_193 = tpu.memref_squeeze %dma_wait3A_192 : memref<1x4x16xi32, #tpu.memory_space<hbm>> -> memref<4x16xi32, #tpu.memory_space<hbm>>
      %dma_wait3A_194 = arith.constant 0 : i32
      %dma_wait3A_195 = arith.constant 0 : i32
      %dma_wait3A_196 = tpu.memref_slice %arg4[%add3A, %dma_wait3A_194, %dma_wait3A_195] : memref<32x4x16xi32, #tpu.memory_space<hbm>> -> memref<1x4x16xi32, #tpu.memory_space<hbm>>
      %dma_wait3A_197 = tpu.memref_squeeze %dma_wait3A_196 : memref<1x4x16xi32, #tpu.memory_space<hbm>> -> memref<4x16xi32, #tpu.memory_space<hbm>>
      tpu.wait_dma2 semaphore(%run_scoped3A : memref<!tpu.dma_semaphore, #tpu.memory_space<semaphore_mem>>) src(%dma_wait3A_197 : memref<4x16xi32, #tpu.memory_space<hbm>>) dst(%arg7 : memref<4x16xi32, #tpu.memory_space<vmem>>)
      tpu.yield
    }) : () -> ()
    %dma_start3A = arith.constant 0 : i32
    %dma_start3A_1 = arith.constant 0 : i32
    %dma_start3A_2 = tpu.memref_slice %arg6[%dma_start3A, %dma_start3A_1] : memref<4x16xi32, #tpu.memory_space<vmem>> -> memref<1x16xi32, #tpu.memory_space<vmem>>
    %dma_start3A_3 = tpu.memref_squeeze %dma_start3A_2 : memref<1x16xi32, #tpu.memory_space<vmem>> -> memref<16xi32, #tpu.memory_space<vmem>>
    %dma_start3A_4 = arith.constant 0 : i32
    %dma_start3A_5 = arith.constant 0 : i32
    %dma_start3A_6 = tpu.memref_slice %arg2[%dma_start3A_4, %dma_start3A_5] : memref<6144x1024xf32, #tpu.memory_space<hbm>> -> memref<6144x1024xf32, #tpu.memory_space<hbm>>
    tpu.enqueue_indirect_dma source(%dma_start3A_6 : memref<6144x1024xf32, #tpu.memory_space<hbm>>) target(%arg8 : memref<16x1024xf32, #tpu.memory_space<vmem>>) offsets(%dma_start3A_3 : memref<16xi32, #tpu.memory_space<vmem>>) semaphore(%arg14 : memref<!tpu.dma_semaphore, #tpu.memory_space<semaphore_mem>>)
    %dma_start3A_7 = arith.constant 0 : i32
    %dma_start3A_8 = arith.constant 0 : i32
    %dma_start3A_9 = tpu.memref_slice %arg7[%dma_start3A_7, %dma_start3A_8] : memref<4x16xi32, #tpu.memory_space<vmem>> -> memref<1x16xi32, #tpu.memory_space<vmem>>
    %dma_start3A_10 = tpu.memref_squeeze %dma_start3A_9 : memref<1x16xi32, #tpu.memory_space<vmem>> -> memref<16xi32, #tpu.memory_space<vmem>>
    %dma_start3A_11 = arith.constant 0 : i32
    %dma_start3A_12 = arith.constant 0 : i32
    %dma_start3A_13 = tpu.memref_slice %arg2[%dma_start3A_11, %dma_start3A_12] : memref<6144x1024xf32, #tpu.memory_space<hbm>> -> memref<6144x1024xf32, #tpu.memory_space<hbm>>
    tpu.enqueue_indirect_dma source(%dma_start3A_13 : memref<6144x1024xf32, #tpu.memory_space<hbm>>) target(%arg10 : memref<16x1024xf32, #tpu.memory_space<vmem>>) offsets(%dma_start3A_10 : memref<16xi32, #tpu.memory_space<vmem>>) semaphore(%arg14 : memref<!tpu.dma_semaphore, #tpu.memory_space<semaphore_mem>>)
    %dma_wait3A = arith.constant 0 : i32
    %dma_wait3A_14 = arith.constant 0 : i32
    %dma_wait3A_15 = tpu.memref_slice %arg6[%dma_wait3A, %dma_wait3A_14] : memref<4x16xi32, #tpu.memory_space<vmem>> -> memref<1x16xi32, #tpu.memory_space<vmem>>
    %dma_wait3A_16 = tpu.memref_squeeze %dma_wait3A_15 : memref<1x16xi32, #tpu.memory_space<vmem>> -> memref<16xi32, #tpu.memory_space<vmem>>
    %dma_wait3A_17 = arith.constant 0 : i32
    %dma_wait3A_18 = arith.constant 0 : i32
    %dma_wait3A_19 = tpu.memref_slice %arg2[%dma_wait3A_17, %dma_wait3A_18] : memref<6144x1024xf32, #tpu.memory_space<hbm>> -> memref<6144x1024xf32, #tpu.memory_space<hbm>>
    tpu.wait_indirect_dma semaphore(%arg14 : memref<!tpu.dma_semaphore, #tpu.memory_space<semaphore_mem>>) src(%dma_wait3A_19 : memref<6144x1024xf32, #tpu.memory_space<hbm>>) dst(%arg8 : memref<16x1024xf32, #tpu.memory_space<vmem>>)
    %dma_wait3A_20 = arith.constant 0 : i32
    %dma_wait3A_21 = arith.constant 0 : i32
    %dma_wait3A_22 = tpu.memref_slice %arg7[%dma_wait3A_20, %dma_wait3A_21] : memref<4x16xi32, #tpu.memory_space<vmem>> -> memref<1x16xi32, #tpu.memory_space<vmem>>
    %dma_wait3A_23 = tpu.memref_squeeze %dma_wait3A_22 : memref<1x16xi32, #tpu.memory_space<vmem>> -> memref<16xi32, #tpu.memory_space<vmem>>
    %dma_wait3A_24 = arith.constant 0 : i32
    %dma_wait3A_25 = arith.constant 0 : i32
    %dma_wait3A_26 = tpu.memref_slice %arg2[%dma_wait3A_24, %dma_wait3A_25] : memref<6144x1024xf32, #tpu.memory_space<hbm>> -> memref<6144x1024xf32, #tpu.memory_space<hbm>>
    tpu.wait_indirect_dma semaphore(%arg14 : memref<!tpu.dma_semaphore, #tpu.memory_space<semaphore_mem>>) src(%dma_wait3A_26 : memref<6144x1024xf32, #tpu.memory_space<hbm>>) dst(%arg10 : memref<16x1024xf32, #tpu.memory_space<vmem>>)
    %dma_start3A_27 = arith.constant 1 : i32
    %dma_start3A_28 = arith.constant 0 : i32
    %dma_start3A_29 = tpu.memref_slice %arg6[%dma_start3A_27, %dma_start3A_28] : memref<4x16xi32, #tpu.memory_space<vmem>> -> memref<1x16xi32, #tpu.memory_space<vmem>>
    %dma_start3A_30 = tpu.memref_squeeze %dma_start3A_29 : memref<1x16xi32, #tpu.memory_space<vmem>> -> memref<16xi32, #tpu.memory_space<vmem>>
    %dma_start3A_31 = arith.constant 0 : i32
    %dma_start3A_32 = arith.constant 0 : i32
    %dma_start3A_33 = tpu.memref_slice %arg2[%dma_start3A_31, %dma_start3A_32] : memref<6144x1024xf32, #tpu.memory_space<hbm>> -> memref<6144x1024xf32, #tpu.memory_space<hbm>>
    tpu.enqueue_indirect_dma source(%dma_start3A_33 : memref<6144x1024xf32, #tpu.memory_space<hbm>>) target(%arg9 : memref<16x1024xf32, #tpu.memory_space<vmem>>) offsets(%dma_start3A_30 : memref<16xi32, #tpu.memory_space<vmem>>) semaphore(%arg15 : memref<!tpu.dma_semaphore, #tpu.memory_space<semaphore_mem>>)
    %dma_start3A_34 = arith.constant 1 : i32
    %dma_start3A_35 = arith.constant 0 : i32
    %dma_start3A_36 = tpu.memref_slice %arg7[%dma_start3A_34, %dma_start3A_35] : memref<4x16xi32, #tpu.memory_space<vmem>> -> memref<1x16xi32, #tpu.memory_space<vmem>>
    %dma_start3A_37 = tpu.memref_squeeze %dma_start3A_36 : memref<1x16xi32, #tpu.memory_space<vmem>> -> memref<16xi32, #tpu.memory_space<vmem>>
    %dma_start3A_38 = arith.constant 0 : i32
    %dma_start3A_39 = arith.constant 0 : i32
    %dma_start3A_40 = tpu.memref_slice %arg2[%dma_start3A_38, %dma_start3A_39] : memref<6144x1024xf32, #tpu.memory_space<hbm>> -> memref<6144x1024xf32, #tpu.memory_space<hbm>>
    tpu.enqueue_indirect_dma source(%dma_start3A_40 : memref<6144x1024xf32, #tpu.memory_space<hbm>>) target(%arg11 : memref<16x1024xf32, #tpu.memory_space<vmem>>) offsets(%dma_start3A_37 : memref<16xi32, #tpu.memory_space<vmem>>) semaphore(%arg15 : memref<!tpu.dma_semaphore, #tpu.memory_space<semaphore_mem>>)
    %scan3A = arith.constant 0 : i32
    %scan3A_41 = arith.constant 0 : i32
    %scan3A_42 = arith.constant 16 : i32
    %scan3A_43 = arith.addi %scan3A_41, %scan3A_42 : i32
    %scan3A_44 = arith.constant 1 : i32
    scf.for %scan3A_182 = %scan3A_41 to %scan3A_43 step %scan3A_44  : i32 {
      %get3A = arith.index_cast %scan3A_182 : i32 to index
      %get3A_183 = arith.constant 0 : index
      %get3A_184 = tpu.vector_load %arg8[%get3A, %get3A_183] {strides = array<i32>} : memref<16x1024xf32, #tpu.memory_space<vmem>>, vector<1x16xf32>,
      %get3A_185 = vector.shape_cast %get3A_184 : vector<1x16xf32> to vector<16xf32>
      %get3A_186 = arith.index_cast %scan3A_182 : i32 to index
      %get3A_187 = arith.constant 0 : index
      %get3A_188 = tpu.vector_load %arg10[%get3A_186, %get3A_187] {strides = array<i32>} : memref<16x1024xf32, #tpu.memory_space<vmem>>, vector<1x16xf32>,
      %get3A_189 = vector.shape_cast %get3A_188 : vector<1x16xf32> to vector<16xf32>
      %add3A_190 = arith.addf %get3A_185, %get3A_189 : vector<16xf32>
      %swap3A = arith.index_cast %scan3A_182 : i32 to index
      %swap3A_191 = arith.constant 0 : index
      %swap3A_192 = tpu.vector_load %arg12[%swap3A, %swap3A_191] {strides = array<i32>} : memref<16x1024xf32, #tpu.memory_space<vmem>>, vector<1x16xf32>,
      %swap3A_193 = vector.shape_cast %swap3A_192 : vector<1x16xf32> to vector<16xf32>
      %swap3A_194 = vector.shape_cast %add3A_190 : vector<16xf32> to vector<1x16xf32>
      tpu.vector_store %arg12[%swap3A, %swap3A_191], %swap3A_194 {strides = array<i32>} : memref<16x1024xf32, #tpu.memory_space<vmem>>, vector<1x16xf32>,
      %get3A_195 = arith.index_cast %scan3A_182 : i32 to index
      %get3A_196 = arith.constant 16 : index
      %get3A_197 = tpu.vector_load %arg8[%get3A_195, %get3A_196] {strides = array<i32>} : memref<16x1024xf32, #tpu.memory_space<vmem>>, vector<1x16xf32>,
      %get3A_198 = vector.shape_cast %get3A_197 : vector<1x16xf32> to vector<16xf32>
      %get3A_199 = arith.index_cast %scan3A_182 : i32 to index
      %get3A_200 = arith.constant 16 : index
      %get3A_201 = tpu.vector_load %arg10[%get3A_199, %get3A_200] {strides = array<i32>} : memref<16x1024xf32, #tpu.memory_space<vmem>>, vector<1x16xf32>,
      %get3A_202 = vector.shape_cast %get3A_201 : vector<1x16xf32> to vector<16xf32>
      %add3A_203 = arith.addf %get3A_198, %get3A_202 : vector<16xf32>
      %swap3A_204 = arith.index_cast %scan3A_182 : i32 to index
      %swap3A_205 = arith.constant 16 : index
      %swap3A_206 = tpu.vector_load %arg12[%swap3A_204, %swap3A_205] {strides = array<i32>} : memref<16x1024xf32, #tpu.memory_space<vmem>>, vector<1x16xf32>,
      %swap3A_207 = vector.shape_cast %swap3A_206 : vector<1x16xf32> to vector<16xf32>
      %swap3A_208 = vector.shape_cast %add3A_203 : vector<16xf32> to vector<1x16xf32>
      tpu.vector_store %arg12[%swap3A_204, %swap3A_205], %swap3A_208 {strides = array<i32>} : memref<16x1024xf32, #tpu.memory_space<vmem>>, vector<1x16xf32>,
      %get3A_209 = arith.index_cast %scan3A_182 : i32 to index
      %get3A_210 = arith.constant 32 : index
      %get3A_211 = tpu.vector_load %arg8[%get3A_209, %get3A_210] {strides = array<i32>} : memref<16x1024xf32, #tpu.memory_space<vmem>>, vector<1x16xf32>,
      %get3A_212 = vector.shape_cast %get3A_211 : vector<1x16xf32> to vector<16xf32>
      %get3A_213 = arith.index_cast %scan3A_182 : i32 to index
      %get3A_214 = arith.constant 32 : index
      %get3A_215 = tpu.vector_load %arg10[%get3A_213, %get3A_214] {strides = array<i32>} : memref<16x1024xf32, #tpu.memory_space<vmem>>, vector<1x16xf32>,
      %get3A_216 = vector.shape_cast %get3A_215 : vector<1x16xf32> to vector<16xf32>
      %add3A_217 = arith.addf %get3A_212, %get3A_216 : vector<16xf32>
      %swap3A_218 = arith.index_cast %scan3A_182 : i32 to index
      %swap3A_219 = arith.constant 32 : index
      %swap3A_220 = tpu.vector_load %arg12[%swap3A_218, %swap3A_219] {strides = array<i32>} : memref<16x1024xf32, #tpu.memory_space<vmem>>, vector<1x16xf32>,
      %swap3A_221 = vector.shape_cast %swap3A_220 : vector<1x16xf32> to vector<16xf32>
      %swap3A_222 = vector.shape_cast %add3A_217 : vector<16xf32> to vector<1x16xf32>
      tpu.vector_store %arg12[%swap3A_218, %swap3A_219], %swap3A_222 {strides = array<i32>} : memref<16x1024xf32, #tpu.memory_space<vmem>>, vector<1x16xf32>,
      %get3A_223 = arith.index_cast %scan3A_182 : i32 to index
      %get3A_224 = arith.constant 48 : index
      %get3A_225 = tpu.vector_load %arg8[%get3A_223, %get3A_224] {strides = array<i32>} : memref<16x1024xf32, #tpu.memory_space<vmem>>, vector<1x16xf32>,
      %get3A_226 = vector.shape_cast %get3A_225 : vector<1x16xf32> to vector<16xf32>
      %get3A_227 = arith.index_cast %scan3A_182 : i32 to index
      %get3A_228 = arith.constant 48 : index
      %get3A_229 = tpu.vector_load %arg10[%get3A_227, %get3A_228] {strides = array<i32>} : memref<16x1024xf32, #tpu.memory_space<vmem>>, vector<1x16xf32>,
      %get3A_230 = vector.shape_cast %get3A_229 : vector<1x16xf32> to vector<16xf32>
      %add3A_231 = arith.addf %get3A_226, %get3A_230 : vector<16xf32>
      %swap3A_232 = arith.index_cast %scan3A_182 : i32 to index
      %swap3A_233 = arith.constant 48 : index
      %swap3A_234 = tpu.vector_load %arg12[%swap3A_232, %swap3A_233] {strides = array<i32>} : memref<16x1024xf32, #tpu.memory_space<vmem>>, vector<1x16xf32>,
      %swap3A_235 = vector.shape_cast %swap3A_234 : vector<1x16xf32> to vector<16xf32>
      %swap3A_236 = vector.shape_cast %add3A_231 : vector<16xf32> to vector<1x16xf32>
      tpu.vector_store %arg12[%swap3A_232, %swap3A_233], %swap3A_236 {strides = array<i32>} : memref<16x1024xf32, #tpu.memory_space<vmem>>, vector<1x16xf32>,
      %get3A_237 = arith.index_cast %scan3A_182 : i32 to index
      %get3A_238 = arith.constant 64 : index
      %get3A_239 = tpu.vector_load %arg8[%get3A_237, %get3A_238] {strides = array<i32>} : memref<16x1024xf32, #tpu.memory_space<vmem>>, vector<1x16xf32>,
      %get3A_240 = vector.shape_cast %get3A_239 : vector<1x16xf32> to vector<16xf32>
      %get3A_241 = arith.index_cast %scan3A_182 : i32 to index
      %get3A_242 = arith.constant 64 : index
      %get3A_243 = tpu.vector_load %arg10[%get3A_241, %get3A_242] {strides = array<i32>} : memref<16x1024xf32, #tpu.memory_space<vmem>>, vector<1x16xf32>,
      %get3A_244 = vector.shape_cast %get3A_243 : vector<1x16xf32> to vector<16xf32>
      %add3A_245 = arith.addf %get3A_240, %get3A_244 : vector<16xf32>
      %swap3A_246 = arith.index_cast %scan3A_182 : i32 to index
      %swap3A_247 = arith.constant 64 : index
      %swap3A_248 = tpu.vector_load %arg12[%swap3A_246, %swap3A_247] {strides = array<i32>} : memref<16x1024xf32, #tpu.memory_space<vmem>>, vector<1x16xf32>,
      %swap3A_249 = vector.shape_cast %swap3A_248 : vector<1x16xf32> to vector<16xf32>
      %swap3A_250 = vector.shape_cast %add3A_245 : vector<16xf32> to vector<1x16xf32>
      tpu.vector_store %arg12[%swap3A_246, %swap3A_247], %swap3A_250 {strides = array<i32>} : memref<16x1024xf32, #tpu.memory_space<vmem>>, vector<1x16xf32>,
      %get3A_251 = arith.index_cast %scan3A_182 : i32 to index
      %get3A_252 = arith.constant 80 : index
      %get3A_253 = tpu.vector_load %arg8[%get3A_251, %get3A_252] {strides = array<i32>} : memref<16x1024xf32, #tpu.memory_space<vmem>>, vector<1x16xf32>,
      %get3A_254 = vector.shape_cast %get3A_253 : vector<1x16xf32> to vector<16xf32>
      %get3A_255 = arith.index_cast %scan3A_182 : i32 to index
      %get3A_256 = arith.constant 80 : index
      %get3A_257 = tpu.vector_load %arg10[%get3A_255, %get3A_256] {strides = array<i32>} : memref<16x1024xf32, #tpu.memory_space<vmem>>, vector<1x16xf32>,
      %get3A_258 = vector.shape_cast %get3A_257 : vector<1x16xf32> to vector<16xf32>
      %add3A_259 = arith.addf %get3A_254, %get3A_258 : vector<16xf32>
      %swap3A_260 = arith.index_cast %scan3A_182 : i32 to index
      %swap3A_261 = arith.constant 80 : index
      %swap3A_262 = tpu.vector_load %arg12[%swap3A_260, %swap3A_261] {strides = array<i32>} : memref<16x1024xf32, #tpu.memory_space<vmem>>, vector<1x16xf32>,
      %swap3A_263 = vector.shape_cast %swap3A_262 : vector<1x16xf32> to vector<16xf32>
      %swap3A_264 = vector.shape_cast %add3A_259 : vector<16xf32> to vector<1x16xf32>
      tpu.vector_store %arg12[%swap3A_260, %swap3A_261], %swap3A_264 {strides = array<i32>} : memref<16x1024xf32, #tpu.memory_space<vmem>>, vector<1x16xf32>,
      %get3A_265 = arith.index_cast %scan3A_182 : i32 to index
      %get3A_266 = arith.constant 96 : index
      %get3A_267 = tpu.vector_load %arg8[%get3A_265, %get3A_266] {strides = array<i32>} : memref<16x1024xf32, #tpu.memory_space<vmem>>, vector<1x16xf32>,
      %get3A_268 = vector.shape_cast %get3A_267 : vector<1x16xf32> to vector<16xf32>
      %get3A_269 = arith.index_cast %scan3A_182 : i32 to index
      %get3A_270 = arith.constant 96 : index
      %get3A_271 = tpu.vector_load %arg10[%get3A_269, %get3A_270] {strides = array<i32>} : memref<16x1024xf32, #tpu.memory_space<vmem>>, vector<1x16xf32>,
      %get3A_272 = vector.shape_cast %get3A_271 : vector<1x16xf32> to vector<16xf32>
      %add3A_273 = arith.addf %get3A_268, %get3A_272 : vector<16xf32>
      %swap3A_274 = arith.index_cast %scan3A_182 : i32 to index
      %swap3A_275 = arith.constant 96 : index
      %swap3A_276 = tpu.vector_load %arg12[%swap3A_274, %swap3A_275] {strides = array<i32>} : memref<16x1024xf32, #tpu.memory_space<vmem>>, vector<1x16xf32>,
      %swap3A_277 = vector.shape_cast %swap3A_276 : vector<1x16xf32> to vector<16xf32>
      %swap3A_278 = vector.shape_cast %add3A_273 : vector<16xf32> to vector<1x16xf32>
      tpu.vector_store %arg12[%swap3A_274, %swap3A_275], %swap3A_278 {strides = array<i32>} : memref<16x1024xf32, #tpu.memory_space<vmem>>, vector<1x16xf32>,
      %get3A_279 = arith.index_cast %scan3A_182 : i32 to index
      %get3A_280 = arith.constant 112 : index
      %get3A_281 = tpu.vector_load %arg8[%get3A_279, %get3A_280] {strides = array<i32>} : memref<16x1024xf32, #tpu.memory_space<vmem>>, vector<1x16xf32>,
      %get3A_282 = vector.shape_cast %get3A_281 : vector<1x16xf32> to vector<16xf32>
      %get3A_283 = arith.index_cast %scan3A_182 : i32 to index
      %get3A_284 = arith.constant 112 : index
      %get3A_285 = tpu.vector_load %arg10[%get3A_283, %get3A_284] {strides = array<i32>} : memref<16x1024xf32, #tpu.memory_space<vmem>>, vector<1x16xf32>,
      %get3A_286 = vector.shape_cast %get3A_285 : vector<1x16xf32> to vector<16xf32>
      %add3A_287 = arith.addf %get3A_282, %get3A_286 : vector<16xf32>
      %swap3A_288 = arith.index_cast %scan3A_182 : i32 to index
      %swap3A_289 = arith.constant 112 : index
      %swap3A_290 = tpu.vector_load %arg12[%swap3A_288, %swap3A_289] {strides = array<i32>} : memref<16x1024xf32, #tpu.memory_space<vmem>>, vector<1x16xf32>,
      %swap3A_291 = vector.shape_cast %swap3A_290 : vector<1x16xf32> to vector<16xf32>
      %swap3A_292 = vector.shape_cast %add3A_287 : vector<16xf32> to vector<1x16xf32>
      tpu.vector_store %arg12[%swap3A_288, %swap3A_289], %swap3A_292 {strides = array<i32>} : memref<16x1024xf32, #tpu.memory_space<vmem>>, vector<1x16xf32>,
      %get3A_293 = arith.index_cast %scan3A_182 : i32 to index
      %get3A_294 = arith.constant 128 : index
      %get3A_295 = tpu.vector_load %arg8[%get3A_293, %get3A_294] {strides = array<i32>} : memref<16x1024xf32, #tpu.memory_space<vmem>>, vector<1x16xf32>,
      %get3A_296 = vector.shape_cast %get3A_295 : vector<1x16xf32> to vector<16xf32>
      %get3A_297 = arith.index_cast %scan3A_182 : i32 to index
      %get3A_298 = arith.constant 128 : index
      %get3A_299 = tpu.vector_load %arg10[%get3A_297, %get3A_298] {strides = array<i32>} : memref<16x1024xf32, #tpu.memory_space<vmem>>, vector<1x16xf32>,
      %get3A_300 = vector.shape_cast %get3A_299 : vector<1x16xf32> to vector<16xf32>
      %add3A_301 = arith.addf %get3A_296, %get3A_300 : vector<16xf32>
      %swap3A_302 = arith.index_cast %scan3A_182 : i32 to index
      %swap3A_303 = arith.constant 128 : index
      %swap3A_304 = tpu.vector_load %arg12[%swap3A_302, %swap3A_303] {strides = array<i32>} : memref<16x1024xf32, #tpu.memory_space<vmem>>, vector<1x16xf32>,
      %swap3A_305 = vector.shape_cast %swap3A_304 : vector<1x16xf32> to vector<16xf32>
      %swap3A_306 = vector.shape_cast %add3A_301 : vector<16xf32> to vector<1x16xf32>
      tpu.vector_store %arg12[%swap3A_302, %swap3A_303], %swap3A_306 {strides = array<i32>} : memref<16x1024xf32, #tpu.memory_space<vmem>>, vector<1x16xf32>,
      %get3A_307 = arith.index_cast %scan3A_182 : i32 to index
      %get3A_308 = arith.constant 144 : index
      %get3A_309 = tpu.vector_load %arg8[%get3A_307, %get3A_308] {strides = array<i32>} : memref<16x1024xf32, #tpu.memory_space<vmem>>, vector<1x16xf32>,
      %get3A_310 = vector.shape_cast %get3A_309 : vector<1x16xf32> to vector<16xf32>
      %get3A_311 = arith.index_cast %scan3A_182 : i32 to index
      %get3A_312 = arith.constant 144 : index
      %get3A_313 = tpu.vector_load %arg10[%get3A_311, %get3A_312] {strides = array<i32>} : memref<16x1024xf32, #tpu.memory_space<vmem>>, vector<1x16xf32>,
      %get3A_314 = vector.shape_cast %get3A_313 : vector<1x16xf32> to vector<16xf32>
      %add3A_315 = arith.addf %get3A_310, %get3A_314 : vector<16xf32>
      %swap3A_316 = arith.index_cast %scan3A_182 : i32 to index
      %swap3A_317 = arith.constant 144 : index
      %swap3A_318 = tpu.vector_load %arg12[%swap3A_316, %swap3A_317] {strides = array<i32>} : memref<16x1024xf32, #tpu.memory_space<vmem>>, vector<1x16xf32>,
      %swap3A_319 = vector.shape_cast %swap3A_318 : vector<1x16xf32> to vector<16xf32>
      %swap3A_320 = vector.shape_cast %add3A_315 : vector<16xf32> to vector<1x16xf32>
      tpu.vector_store %arg12[%swap3A_316, %swap3A_317], %swap3A_320 {strides = array<i32>} : memref<16x1024xf32, #tpu.memory_space<vmem>>, vector<1x16xf32>,
      %get3A_321 = arith.index_cast %scan3A_182 : i32 to index
      %get3A_322 = arith.constant 160 : index
      %get3A_323 = tpu.vector_load %arg8[%get3A_321, %get3A_322] {strides = array<i32>} : memref<16x1024xf32, #tpu.memory_space<vmem>>, vector<1x16xf32>,
      %get3A_324 = vector.shape_cast %get3A_323 : vector<1x16xf32> to vector<16xf32>
      %get3A_325 = arith.index_cast %scan3A_182 : i32 to index
      %get3A_326 = arith.constant 160 : index
      %get3A_327 = tpu.vector_load %arg10[%get3A_325, %get3A_326] {strides = array<i32>} : memref<16x1024xf32, #tpu.memory_space<vmem>>, vector<1x16xf32>,
      %get3A_328 = vector.shape_cast %get3A_327 : vector<1x16xf32> to vector<16xf32>
      %add3A_329 = arith.addf %get3A_324, %get3A_328 : vector<16xf32>
      %swap3A_330 = arith.index_cast %scan3A_182 : i32 to index
      %swap3A_331 = arith.constant 160 : index
      %swap3A_332 = tpu.vector_load %arg12[%swap3A_330, %swap3A_331] {strides = array<i32>} : memref<16x1024xf32, #tpu.memory_space<vmem>>, vector<1x16xf32>,
      %swap3A_333 = vector.shape_cast %swap3A_332 : vector<1x16xf32> to vector<16xf32>
      %swap3A_334 = vector.shape_cast %add3A_329 : vector<16xf32> to vector<1x16xf32>
      tpu.vector_store %arg12[%swap3A_330, %swap3A_331], %swap3A_334 {strides = array<i32>} : memref<16x1024xf32, #tpu.memory_space<vmem>>, vector<1x16xf32>,
      %get3A_335 = arith.index_cast %scan3A_182 : i32 to index
      %get3A_336 = arith.constant 176 : index
      %get3A_337 = tpu.vector_load %arg8[%get3A_335, %get3A_336] {strides = array<i32>} : memref<16x1024xf32, #tpu.memory_space<vmem>>, vector<1x16xf32>,
      %get3A_338 = vector.shape_cast %get3A_337 : vector<1x16xf32> to vector<16xf32>
      %get3A_339 = arith.index_cast %scan3A_182 : i32 to index
      %get3A_340 = arith.constant 176 : index
      %get3A_341 = tpu.vector_load %arg10[%get3A_339, %get3A_340] {strides = array<i32>} : memref<16x1024xf32, #tpu.memory_space<vmem>>, vector<1x16xf32>,
      %get3A_342 = vector.shape_cast %get3A_341 : vector<1x16xf32> to vector<16xf32>
      %add3A_343 = arith.addf %get3A_338, %get3A_342 : vector<16xf32>
      %swap3A_344 = arith.index_cast %scan3A_182 : i32 to index
      %swap3A_345 = arith.constant 176 : index
      %swap3A_346 = tpu.vector_load %arg12[%swap3A_344, %swap3A_345] {strides = array<i32>} : memref<16x1024xf32, #tpu.memory_space<vmem>>, vector<1x16xf32>,
      %swap3A_347 = vector.shape_cast %swap3A_346 : vector<1x16xf32> to vector<16xf32>
      %swap3A_348 = vector.shape_cast %add3A_343 : vector<16xf32> to vector<1x16xf32>
      tpu.vector_store %arg12[%swap3A_344, %swap3A_345], %swap3A_348 {strides = array<i32>} : memref<16x1024xf32, #tpu.memory_space<vmem>>, vector<1x16xf32>,
      %get3A_349 = arith.index_cast %scan3A_182 : i32 to index
      %get3A_350 = arith.constant 192 : index
      %get3A_351 = tpu.vector_load %arg8[%get3A_349, %get3A_350] {strides = array<i32>} : memref<16x1024xf32, #tpu.memory_space<vmem>>, vector<1x16xf32>,
      %get3A_352 = vector.shape_cast %get3A_351 : vector<1x16xf32> to vector<16xf32>
      %get3A_353 = arith.index_cast %scan3A_182 : i32 to index
      %get3A_354 = arith.constant 192 : index
      %get3A_355 = tpu.vector_load %arg10[%get3A_353, %get3A_354] {strides = array<i32>} : memref<16x1024xf32, #tpu.memory_space<vmem>>, vector<1x16xf32>,
      %get3A_356 = vector.shape_cast %get3A_355 : vector<1x16xf32> to vector<16xf32>
      %add3A_357 = arith.addf %get3A_352, %get3A_356 : vector<16xf32>
      %swap3A_358 = arith.index_cast %scan3A_182 : i32 to index
      %swap3A_359 = arith.constant 192 : index
      %swap3A_360 = tpu.vector_load %arg12[%swap3A_358, %swap3A_359] {strides = array<i32>} : memref<16x1024xf32, #tpu.memory_space<vmem>>, vector<1x16xf32>,
      %swap3A_361 = vector.shape_cast %swap3A_360 : vector<1x16xf32> to vector<16xf32>
      %swap3A_362 = vector.shape_cast %add3A_357 : vector<16xf32> to vector<1x16xf32>
      tpu.vector_store %arg12[%swap3A_358, %swap3A_359], %swap3A_362 {strides = array<i32>} : memref<16x1024xf32, #tpu.memory_space<vmem>>, vector<1x16xf32>,
      %get3A_363 = arith.index_cast %scan3A_182 : i32 to index
      %get3A_364 = arith.constant 208 : index
      %get3A_365 = tpu.vector_load %arg8[%get3A_363, %get3A_364] {strides = array<i32>} : memref<16x1024xf32, #tpu.memory_space<vmem>>, vector<1x16xf32>,
      %get3A_366 = vector.shape_cast %get3A_365 : vector<1x16xf32> to vector<16xf32>
      %get3A_367 = arith.index_cast %scan3A_182 : i32 to index
      %get3A_368 = arith.constant 208 : index
      %get3A_369 = tpu.vector_load %arg10[%get3A_367, %get3A_368] {strides = array<i32>} : memref<16x1024xf32, #tpu.memory_space<vmem>>, vector<1x16xf32>,
      %get3A_370 = vector.shape_cast %get3A_369 : vector<1x16xf32> to vector<16xf32>
      %add3A_371 = arith.addf %get3A_366, %get3A_370 : vector<16xf32>
      %swap3A_372 = arith.index_cast %scan3A_182 : i32 to index
      %swap3A_373 = arith.constant 208 : index
      %swap3A_374 = tpu.vector_load %arg12[%swap3A_372, %swap3A_373] {strides = array<i32>} : memref<16x1024xf32, #tpu.memory_space<vmem>>, vector<1x16xf32>,
      %swap3A_375 = vector.shape_cast %swap3A_374 : vector<1x16xf32> to vector<16xf32>
      %swap3A_376 = vector.shape_cast %add3A_371 : vector<16xf32> to vector<1x16xf32>
      tpu.vector_store %arg12[%swap3A_372, %swap3A_373], %swap3A_376 {strides = array<i32>} : memref<16x1024xf32, #tpu.memory_space<vmem>>, vector<1x16xf32>,
      %get3A_377 = arith.index_cast %scan3A_182 : i32 to index
      %get3A_378 = arith.constant 224 : index
      %get3A_379 = tpu.vector_load %arg8[%get3A_377, %get3A_378] {strides = array<i32>} : memref<16x1024xf32, #tpu.memory_space<vmem>>, vector<1x16xf32>,
      %get3A_380 = vector.shape_cast %get3A_379 : vector<1x16xf32> to vector<16xf32>
      %get3A_381 = arith.index_cast %scan3A_182 : i32 to index
      %get3A_382 = arith.constant 224 : index
      %get3A_383 = tpu.vector_load %arg10[%get3A_381, %get3A_382] {strides = array<i32>} : memref<16x1024xf32, #tpu.memory_space<vmem>>, vector<1x16xf32>,
      %get3A_384 = vector.shape_cast %get3A_383 : vector<1x16xf32> to vector<16xf32>
      %add3A_385 = arith.addf %get3A_380, %get3A_384 : vector<16xf32>
      %swap3A_386 = arith.index_cast %scan3A_182 : i32 to index
      %swap3A_387 = arith.constant 224 : index
      %swap3A_388 = tpu.vector_load %arg12[%swap3A_386, %swap3A_387] {strides = array<i32>} : memref<16x1024xf32, #tpu.memory_space<vmem>>, vector<1x16xf32>,
      %swap3A_389 = vector.shape_cast %swap3A_388 : vector<1x16xf32> to vector<16xf32>
      %swap3A_390 = vector.shape_cast %add3A_385 : vector<16xf32> to vector<1x16xf32>
      tpu.vector_store %arg12[%swap3A_386, %swap3A_387], %swap3A_390 {strides = array<i32>} : memref<16x1024xf32, #tpu.memory_space<vmem>>, vector<1x16xf32>,
      %get3A_391 = arith.index_cast %scan3A_182 : i32 to index
      %get3A_392 = arith.constant 240 : index
      %get3A_393 = tpu.vector_load %arg8[%get3A_391, %get3A_392] {strides = array<i32>} : memref<16x1024xf32, #tpu.memory_space<vmem>>, vector<1x16xf32>,
      %get3A_394 = vector.shape_cast %get3A_393 : vector<1x16xf32> to vector<16xf32>
      %get3A_395 = arith.index_cast %scan3A_182 : i32 to index
      %get3A_396 = arith.constant 240 : index
      %get3A_397 = tpu.vector_load %arg10[%get3A_395, %get3A_396] {strides = array<i32>} : memref<16x1024xf32, #tpu.memory_space<vmem>>, vector<1x16xf32>,
      %get3A_398 = vector.shape_cast %get3A_397 : vector<1x16xf32> to vector<16xf32>
      %add3A_399 = arith.addf %get3A_394, %get3A_398 : vector<16xf32>
      %swap3A_400 = arith.index_cast %scan3A_182 : i32 to index
      %swap3A_401 = arith.constant 240 : index
      %swap3A_402 = tpu.vector_load %arg12[%swap3A_400, %swap3A_401] {strides = array<i32>} : memref<16x1024xf32, #tpu.memory_space<vmem>>, vector<1x16xf32>,
      %swap3A_403 = vector.shape_cast %swap3A_402 : vector<1x16xf32> to vector<16xf32>
      %swap3A_404 = vector.shape_cast %add3A_399 : vector<16xf32> to vector<1x16xf32>
      tpu.vector_store %arg12[%swap3A_400, %swap3A_401], %swap3A_404 {strides = array<i32>} : memref<16x1024xf32, #tpu.memory_space<vmem>>, vector<1x16xf32>,
      %get3A_405 = arith.index_cast %scan3A_182 : i32 to index
      %get3A_406 = arith.constant 256 : index
      %get3A_407 = tpu.vector_load %arg8[%get3A_405, %get3A_406] {strides = array<i32>} : memref<16x1024xf32, #tpu.memory_space<vmem>>, vector<1x16xf32>,
      %get3A_408 = vector.shape_cast %get3A_407 : vector<1x16xf32> to vector<16xf32>
      %get3A_409 = arith.index_cast %scan3A_182 : i32 to index
      %get3A_410 = arith.constant 256 : index
      %get3A_411 = tpu.vector_load %arg10[%get3A_409, %get3A_410] {strides = array<i32>} : memref<16x1024xf32, #tpu.memory_space<vmem>>, vector<1x16xf32>,
      %get3A_412 = vector.shape_cast %get3A_411 : vector<1x16xf32> to vector<16xf32>
      %add3A_413 = arith.addf %get3A_408, %get3A_412 : vector<16xf32>
      %swap3A_414 = arith.index_cast %scan3A_182 : i32 to index
      %swap3A_415 = arith.constant 256 : index
      %swap3A_416 = tpu.vector_load %arg12[%swap3A_414, %swap3A_415] {strides = array<i32>} : memref<16x1024xf32, #tpu.memory_space<vmem>>, vector<1x16xf32>,
      %swap3A_417 = vector.shape_cast %swap3A_416 : vector<1x16xf32> to vector<16xf32>
      %swap3A_418 = vector.shape_cast %add3A_413 : vector<16xf32> to vector<1x16xf32>
      tpu.vector_store %arg12[%swap3A_414, %swap3A_415], %swap3A_418 {strides = array<i32>} : memref<16x1024xf32, #tpu.memory_space<vmem>>, vector<1x16xf32>,
      %get3A_419 = arith.index_cast %scan3A_182 : i32 to index
      %get3A_420 = arith.constant 272 : index
      %get3A_421 = tpu.vector_load %arg8[%get3A_419, %get3A_420] {strides = array<i32>} : memref<16x1024xf32, #tpu.memory_space<vmem>>, vector<1x16xf32>,
      %get3A_422 = vector.shape_cast %get3A_421 : vector<1x16xf32> to vector<16xf32>
      %get3A_423 = arith.index_cast %scan3A_182 : i32 to index
      %get3A_424 = arith.constant 272 : index
      %get3A_425 = tpu.vector_load %arg10[%get3A_423, %get3A_424] {strides = array<i32>} : memref<16x1024xf32, #tpu.memory_space<vmem>>, vector<1x16xf32>,
      %get3A_426 = vector.shape_cast %get3A_425 : vector<1x16xf32> to vector<16xf32>
      %add3A_427 = arith.addf %get3A_422, %get3A_426 : vector<16xf32>
      %swap3A_428 = arith.index_cast %scan3A_182 : i32 to index
      %swap3A_429 = arith.constant 272 : index
      %swap3A_430 = tpu.vector_load %arg12[%swap3A_428, %swap3A_429] {strides = array<i32>} : memref<16x1024xf32, #tpu.memory_space<vmem>>, vector<1x16xf32>,
      %swap3A_431 = vector.shape_cast %swap3A_430 : vector<1x16xf32> to vector<16xf32>
      %swap3A_432 = vector.shape_cast %add3A_427 : vector<16xf32> to vector<1x16xf32>
      tpu.vector_store %arg12[%swap3A_428, %swap3A_429], %swap3A_432 {strides = array<i32>} : memref<16x1024xf32, #tpu.memory_space<vmem>>, vector<1x16xf32>,
      %get3A_433 = arith.index_cast %scan3A_182 : i32 to index
      %get3A_434 = arith.constant 288 : index
      %get3A_435 = tpu.vector_load %arg8[%get3A_433, %get3A_434] {strides = array<i32>} : memref<16x1024xf32, #tpu.memory_space<vmem>>, vector<1x16xf32>,
      %get3A_436 = vector.shape_cast %get3A_435 : vector<1x16xf32> to vector<16xf32>
      %get3A_437 = arith.index_cast %scan3A_182 : i32 to index
      %get3A_438 = arith.constant 288 : index
      %get3A_439 = tpu.vector_load %arg10[%get3A_437, %get3A_438] {strides = array<i32>} : memref<16x1024xf32, #tpu.memory_space<vmem>>, vector<1x16xf32>,
      %get3A_440 = vector.shape_cast %get3A_439 : vector<1x16xf32> to vector<16xf32>
      %add3A_441 = arith.addf %get3A_436, %get3A_440 : vector<16xf32>
      %swap3A_442 = arith.index_cast %scan3A_182 : i32 to index
      %swap3A_443 = arith.constant 288 : index
      %swap3A_444 = tpu.vector_load %arg12[%swap3A_442, %swap3A_443] {strides = array<i32>} : memref<16x1024xf32, #tpu.memory_space<vmem>>, vector<1x16xf32>,
      %swap3A_445 = vector.shape_cast %swap3A_444 : vector<1x16xf32> to vector<16xf32>
      %swap3A_446 = vector.shape_cast %add3A_441 : vector<16xf32> to vector<1x16xf32>
      tpu.vector_store %arg12[%swap3A_442, %swap3A_443], %swap3A_446 {strides = array<i32>} : memref<16x1024xf32, #tpu.memory_space<vmem>>, vector<1x16xf32>,
      %get3A_447 = arith.index_cast %scan3A_182 : i32 to index
      %get3A_448 = arith.constant 304 : index
      %get3A_449 = tpu.vector_load %arg8[%get3A_447, %get3A_448] {strides = array<i32>} : memref<16x1024xf32, #tpu.memory_space<vmem>>, vector<1x16xf32>,
      %get3A_450 = vector.shape_cast %get3A_449 : vector<1x16xf32> to vector<16xf32>
      %get3A_451 = arith.index_cast %scan3A_182 : i32 to index
      %get3A_452 = arith.constant 304 : index
      %get3A_453 = tpu.vector_load %arg10[%get3A_451, %get3A_452] {strides = array<i32>} : memref<16x1024xf32, #tpu.memory_space<vmem>>, vector<1x16xf32>,
      %get3A_454 = vector.shape_cast %get3A_453 : vector<1x16xf32> to vector<16xf32>
      %add3A_455 = arith.addf %get3A_450, %get3A_454 : vector<16xf32>
      %swap3A_456 = arith.index_cast %scan3A_182 : i32 to index
      %swap3A_457 = arith.constant 304 : index
      %swap3A_458 = tpu.vector_load %arg12[%swap3A_456, %swap3A_457] {strides = array<i32>} : memref<16x1024xf32, #tpu.memory_space<vmem>>, vector<1x16xf32>,
      %swap3A_459 = vector.shape_cast %swap3A_458 : vector<1x16xf32> to vector<16xf32>
      %swap3A_460 = vector.shape_cast %add3A_455 : vector<16xf32> to vector<1x16xf32>
      tpu.vector_store %arg12[%swap3A_456, %swap3A_457], %swap3A_460 {strides = array<i32>} : memref<16x1024xf32, #tpu.memory_space<vmem>>, vector<1x16xf32>,
      %get3A_461 = arith.index_cast %scan3A_182 : i32 to index
      %get3A_462 = arith.constant 320 : index
      %get3A_463 = tpu.vector_load %arg8[%get3A_461, %get3A_462] {strides = array<i32>} : memref<16x1024xf32, #tpu.memory_space<vmem>>, vector<1x16xf32>,
      %get3A_464 = vector.shape_cast %get3A_463 : vector<1x16xf32> to vector<16xf32>
      %get3A_465 = arith.index_cast %scan3A_182 : i32 to index
      %get3A_466 = arith.constant 320 : index
      %get3A_467 = tpu.vector_load %arg10[%get3A_465, %get3A_466] {strides = array<i32>} : memref<16x1024xf32, #tpu.memory_space<vmem>>, vector<1x16xf32>,
      %get3A_468 = vector.shape_cast %get3A_467 : vector<1x16xf32> to vector<16xf32>
      %add3A_469 = arith.addf %get3A_464, %get3A_468 : vector<16xf32>
      %swap3A_470 = arith.index_cast %scan3A_182 : i32 to index
      %swap3A_471 = arith.constant 320 : index
      %swap3A_472 = tpu.vector_load %arg12[%swap3A_470, %swap3A_471] {strides = array<i32>} : memref<16x1024xf32, #tpu.memory_space<vmem>>, vector<1x16xf32>,
      %swap3A_473 = vector.shape_cast %swap3A_472 : vector<1x16xf32> to vector<16xf32>
      %swap3A_474 = vector.shape_cast %add3A_469 : vector<16xf32> to vector<1x16xf32>
      tpu.vector_store %arg12[%swap3A_470, %swap3A_471], %swap3A_474 {strides = array<i32>} : memref<16x1024xf32, #tpu.memory_space<vmem>>, vector<1x16xf32>,
      %get3A_475 = arith.index_cast %scan3A_182 : i32 to index
      %get3A_476 = arith.constant 336 : index
      %get3A_477 = tpu.vector_load %arg8[%get3A_475, %get3A_476] {strides = array<i32>} : memref<16x1024xf32, #tpu.memory_space<vmem>>, vector<1x16xf32>,
      %get3A_478 = vector.shape_cast %get3A_477 : vector<1x16xf32> to vector<16xf32>
      %get3A_479 = arith.index_cast %scan3A_182 : i32 to index
      %get3A_480 = arith.constant 336 : index
      %get3A_481 = tpu.vector_load %arg10[%get3A_479, %get3A_480] {strides = array<i32>} : memref<16x1024xf32, #tpu.memory_space<vmem>>, vector<1x16xf32>,
      %get3A_482 = vector.shape_cast %get3A_481 : vector<1x16xf32> to vector<16xf32>
      %add3A_483 = arith.addf %get3A_478, %get3A_482 : vector<16xf32>
      %swap3A_484 = arith.index_cast %scan3A_182 : i32 to index
      %swap3A_485 = arith.constant 336 : index
      %swap3A_486 = tpu.vector_load %arg12[%swap3A_484, %swap3A_485] {strides = array<i32>} : memref<16x1024xf32, #tpu.memory_space<vmem>>, vector<1x16xf32>,
      %swap3A_487 = vector.shape_cast %swap3A_486 : vector<1x16xf32> to vector<16xf32>
      %swap3A_488 = vector.shape_cast %add3A_483 : vector<16xf32> to vector<1x16xf32>
      tpu.vector_store %arg12[%swap3A_484, %swap3A_485], %swap3A_488 {strides = array<i32>} : memref<16x1024xf32, #tpu.memory_space<vmem>>, vector<1x16xf32>,
      %get3A_489 = arith.index_cast %scan3A_182 : i32 to index
      %get3A_490 = arith.constant 352 : index
      %get3A_491 = tpu.vector_load %arg8[%get3A_489, %get3A_490] {strides = array<i32>} : memref<16x1024xf32, #tpu.memory_space<vmem>>, vector<1x16xf32>,
      %get3A_492 = vector.shape_cast %get3A_491 : vector<1x16xf32> to vector<16xf32>
      %get3A_493 = arith.index_cast %scan3A_182 : i32 to index
      %get3A_494 = arith.constant 352 : index
      %get3A_495 = tpu.vector_load %arg10[%get3A_493, %get3A_494] {strides = array<i32>} : memref<16x1024xf32, #tpu.memory_space<vmem>>, vector<1x16xf32>,
      %get3A_496 = vector.shape_cast %get3A_495 : vector<1x16xf32> to vector<16xf32>
      %add3A_497 = arith.addf %get3A_492, %get3A_496 : vector<16xf32>
      %swap3A_498 = arith.index_cast %scan3A_182 : i32 to index
      %swap3A_499 = arith.constant 352 : index
      %swap3A_500 = tpu.vector_load %arg12[%swap3A_498, %swap3A_499] {strides = array<i32>} : memref<16x1024xf32, #tpu.memory_space<vmem>>, vector<1x16xf32>,
      %swap3A_501 = vector.shape_cast %swap3A_500 : vector<1x16xf32> to vector<16xf32>
      %swap3A_502 = vector.shape_cast %add3A_497 : vector<16xf32> to vector<1x16xf32>
      tpu.vector_store %arg12[%swap3A_498, %swap3A_499], %swap3A_502 {strides = array<i32>} : memref<16x1024xf32, #tpu.memory_space<vmem>>, vector<1x16xf32>,
      %get3A_503 = arith.index_cast %scan3A_182 : i32 to index
      %get3A_504 = arith.constant 368 : index
      %get3A_505 = tpu.vector_load %arg8[%get3A_503, %get3A_504] {strides = array<i32>} : memref<16x1024xf32, #tpu.memory_space<vmem>>, vector<1x16xf32>,
      %get3A_506 = vector.shape_cast %get3A_505 : vector<1x16xf32> to vector<16xf32>
      %get3A_507 = arith.index_cast %scan3A_182 : i32 to index
      %get3A_508 = arith.constant 368 : index
      %get3A_509 = tpu.vector_load %arg10[%get3A_507, %get3A_508] {strides = array<i32>} : memref<16x1024xf32, #tpu.memory_space<vmem>>, vector<1x16xf32>,
      %get3A_510 = vector.shape_cast %get3A_509 : vector<1x16xf32> to vector<16xf32>
      %add3A_511 = arith.addf %get3A_506, %get3A_510 : vector<16xf32>
      %swap3A_512 = arith.index_cast %scan3A_182 : i32 to index
      %swap3A_513 = arith.constant 368 : index
      %swap3A_514 = tpu.vector_load %arg12[%swap3A_512, %swap3A_513] {strides = array<i32>} : memref<16x1024xf32, #tpu.memory_space<vmem>>, vector<1x16xf32>,
      %swap3A_515 = vector.shape_cast %swap3A_514 : vector<1x16xf32> to vector<16xf32>
      %swap3A_516 = vector.shape_cast %add3A_511 : vector<16xf32> to vector<1x16xf32>
      tpu.vector_store %arg12[%swap3A_512, %swap3A_513], %swap3A_516 {strides = array<i32>} : memref<16x1024xf32, #tpu.memory_space<vmem>>, vector<1x16xf32>,
      %get3A_517 = arith.index_cast %scan3A_182 : i32 to index
      %get3A_518 = arith.constant 384 : index
      %get3A_519 = tpu.vector_load %arg8[%get3A_517, %get3A_518] {strides = array<i32>} : memref<16x1024xf32, #tpu.memory_space<vmem>>, vector<1x16xf32>,
      %get3A_520 = vector.shape_cast %get3A_519 : vector<1x16xf32> to vector<16xf32>
      %get3A_521 = arith.index_cast %scan3A_182 : i32 to index
      %get3A_522 = arith.constant 384 : index
      %get3A_523 = tpu.vector_load %arg10[%get3A_521, %get3A_522] {strides = array<i32>} : memref<16x1024xf32, #tpu.memory_space<vmem>>, vector<1x16xf32>,
      %get3A_524 = vector.shape_cast %get3A_523 : vector<1x16xf32> to vector<16xf32>
      %add3A_525 = arith.addf %get3A_520, %get3A_524 : vector<16xf32>
      %swap3A_526 = arith.index_cast %scan3A_182 : i32 to index
      %swap3A_527 = arith.constant 384 : index
      %swap3A_528 = tpu.vector_load %arg12[%swap3A_526, %swap3A_527] {strides = array<i32>} : memref<16x1024xf32, #tpu.memory_space<vmem>>, vector<1x16xf32>,
      %swap3A_529 = vector.shape_cast %swap3A_528 : vector<1x16xf32> to vector<16xf32>
      %swap3A_530 = vector.shape_cast %add3A_525 : vector<16xf32> to vector<1x16xf32>
      tpu.vector_store %arg12[%swap3A_526, %swap3A_527], %swap3A_530 {strides = array<i32>} : memref<16x1024xf32, #tpu.memory_space<vmem>>, vector<1x16xf32>,
      %get3A_531 = arith.index_cast %scan3A_182 : i32 to index
      %get3A_532 = arith.constant 400 : index
      %get3A_533 = tpu.vector_load %arg8[%get3A_531, %get3A_532] {strides = array<i32>} : memref<16x1024xf32, #tpu.memory_space<vmem>>, vector<1x16xf32>,
      %get3A_534 = vector.shape_cast %get3A_533 : vector<1x16xf32> to vector<16xf32>
      %get3A_535 = arith.index_cast %scan3A_182 : i32 to index
      %get3A_536 = arith.constant 400 : index
      %get3A_537 = tpu.vector_load %arg10[%get3A_535, %get3A_536] {strides = array<i32>} : memref<16x1024xf32, #tpu.memory_space<vmem>>, vector<1x16xf32>,
      %get3A_538 = vector.shape_cast %get3A_537 : vector<1x16xf32> to vector<16xf32>
      %add3A_539 = arith.addf %get3A_534, %get3A_538 : vector<16xf32>
      %swap3A_540 = arith.index_cast %scan3A_182 : i32 to index
      %swap3A_541 = arith.constant 400 : index
      %swap3A_542 = tpu.vector_load %arg12[%swap3A_540, %swap3A_541] {strides = array<i32>} : memref<16x1024xf32, #tpu.memory_space<vmem>>, vector<1x16xf32>,
      %swap3A_543 = vector.shape_cast %swap3A_542 : vector<1x16xf32> to vector<16xf32>
      %swap3A_544 = vector.shape_cast %add3A_539 : vector<16xf32> to vector<1x16xf32>
      tpu.vector_store %arg12[%swap3A_540, %swap3A_541], %swap3A_544 {strides = array<i32>} : memref<16x1024xf32, #tpu.memory_space<vmem>>, vector<1x16xf32>,
      %get3A_545 = arith.index_cast %scan3A_182 : i32 to index
      %get3A_546 = arith.constant 416 : index
      %get3A_547 = tpu.vector_load %arg8[%get3A_545, %get3A_546] {strides = array<i32>} : memref<16x1024xf32, #tpu.memory_space<vmem>>, vector<1x16xf32>,
      %get3A_548 = vector.shape_cast %get3A_547 : vector<1x16xf32> to vector<16xf32>
      %get3A_549 = arith.index_cast %scan3A_182 : i32 to index
      %get3A_550 = arith.constant 416 : index
      %get3A_551 = tpu.vector_load %arg10[%get3A_549, %get3A_550] {strides = array<i32>} : memref<16x1024xf32, #tpu.memory_space<vmem>>, vector<1x16xf32>,
      %get3A_552 = vector.shape_cast %get3A_551 : vector<1x16xf32> to vector<16xf32>
      %add3A_553 = arith.addf %get3A_548, %get3A_552 : vector<16xf32>
      %swap3A_554 = arith.index_cast %scan3A_182 : i32 to index
      %swap3A_555 = arith.constant 416 : index
      %swap3A_556 = tpu.vector_load %arg12[%swap3A_554, %swap3A_555] {strides = array<i32>} : memref<16x1024xf32, #tpu.memory_space<vmem>>, vector<1x16xf32>,
      %swap3A_557 = vector.shape_cast %swap3A_556 : vector<1x16xf32> to vector<16xf32>
      %swap3A_558 = vector.shape_cast %add3A_553 : vector<16xf32> to vector<1x16xf32>
      tpu.vector_store %arg12[%swap3A_554, %swap3A_555], %swap3A_558 {strides = array<i32>} : memref<16x1024xf32, #tpu.memory_space<vmem>>, vector<1x16xf32>,
      %get3A_559 = arith.index_cast %scan3A_182 : i32 to index
      %get3A_560 = arith.constant 432 : index
      %get3A_561 = tpu.vector_load %arg8[%get3A_559, %get3A_560] {strides = array<i32>} : memref<16x1024xf32, #tpu.memory_space<vmem>>, vector<1x16xf32>,
      %get3A_562 = vector.shape_cast %get3A_561 : vector<1x16xf32> to vector<16xf32>
      %get3A_563 = arith.index_cast %scan3A_182 : i32 to index
      %get3A_564 = arith.constant 432 : index
      %get3A_565 = tpu.vector_load %arg10[%get3A_563, %get3A_564] {strides = array<i32>} : memref<16x1024xf32, #tpu.memory_space<vmem>>, vector<1x16xf32>,
      %get3A_566 = vector.shape_cast %get3A_565 : vector<1x16xf32> to vector<16xf32>
      %add3A_567 = arith.addf %get3A_562, %get3A_566 : vector<16xf32>
      %swap3A_568 = arith.index_cast %scan3A_182 : i32 to index
      %swap3A_569 = arith.constant 432 : index
      %swap3A_570 = tpu.vector_load %arg12[%swap3A_568, %swap3A_569] {strides = array<i32>} : memref<16x1024xf32, #tpu.memory_space<vmem>>, vector<1x16xf32>,
      %swap3A_571 = vector.shape_cast %swap3A_570 : vector<1x16xf32> to vector<16xf32>
      %swap3A_572 = vector.shape_cast %add3A_567 : vector<16xf32> to vector<1x16xf32>
      tpu.vector_store %arg12[%swap3A_568, %swap3A_569], %swap3A_572 {strides = array<i32>} : memref<16x1024xf32, #tpu.memory_space<vmem>>, vector<1x16xf32>,
      %get3A_573 = arith.index_cast %scan3A_182 : i32 to index
      %get3A_574 = arith.constant 448 : index
      %get3A_575 = tpu.vector_load %arg8[%get3A_573, %get3A_574] {strides = array<i32>} : memref<16x1024xf32, #tpu.memory_space<vmem>>, vector<1x16xf32>,
      %get3A_576 = vector.shape_cast %get3A_575 : vector<1x16xf32> to vector<16xf32>
      %get3A_577 = arith.index_cast %scan3A_182 : i32 to index
      %get3A_578 = arith.constant 448 : index
      %get3A_579 = tpu.vector_load %arg10[%get3A_577, %get3A_578] {strides = array<i32>} : memref<16x1024xf32, #tpu.memory_space<vmem>>, vector<1x16xf32>,
      %get3A_580 = vector.shape_cast %get3A_579 : vector<1x16xf32> to vector<16xf32>
      %add3A_581 = arith.addf %get3A_576, %get3A_580 : vector<16xf32>
      %swap3A_582 = arith.index_cast %scan3A_182 : i32 to index
      %swap3A_583 = arith.constant 448 : index
      %swap3A_584 = tpu.vector_load %arg12[%swap3A_582, %swap3A_583] {strides = array<i32>} : memref<16x1024xf32, #tpu.memory_space<vmem>>, vector<1x16xf32>,
      %swap3A_585 = vector.shape_cast %swap3A_584 : vector<1x16xf32> to vector<16xf32>
      %swap3A_586 = vector.shape_cast %add3A_581 : vector<16xf32> to vector<1x16xf32>
      tpu.vector_store %arg12[%swap3A_582, %swap3A_583], %swap3A_586 {strides = array<i32>} : memref<16x1024xf32, #tpu.memory_space<vmem>>, vector<1x16xf32>,
      %get3A_587 = arith.index_cast %scan3A_182 : i32 to index
      %get3A_588 = arith.constant 464 : index
      %get3A_589 = tpu.vector_load %arg8[%get3A_587, %get3A_588] {strides = array<i32>} : memref<16x1024xf32, #tpu.memory_space<vmem>>, vector<1x16xf32>,
      %get3A_590 = vector.shape_cast %get3A_589 : vector<1x16xf32> to vector<16xf32>
      %get3A_591 = arith.index_cast %scan3A_182 : i32 to index
      %get3A_592 = arith.constant 464 : index
      %get3A_593 = tpu.vector_load %arg10[%get3A_591, %get3A_592] {strides = array<i32>} : memref<16x1024xf32, #tpu.memory_space<vmem>>, vector<1x16xf32>,
      %get3A_594 = vector.shape_cast %get3A_593 : vector<1x16xf32> to vector<16xf32>
      %add3A_595 = arith.addf %get3A_590, %get3A_594 : vector<16xf32>
      %swap3A_596 = arith.index_cast %scan3A_182 : i32 to index
      %swap3A_597 = arith.constant 464 : index
      %swap3A_598 = tpu.vector_load %arg12[%swap3A_596, %swap3A_597] {strides = array<i32>} : memref<16x1024xf32, #tpu.memory_space<vmem>>, vector<1x16xf32>,
      %swap3A_599 = vector.shape_cast %swap3A_598 : vector<1x16xf32> to vector<16xf32>
      %swap3A_600 = vector.shape_cast %add3A_595 : vector<16xf32> to vector<1x16xf32>
      tpu.vector_store %arg12[%swap3A_596, %swap3A_597], %swap3A_600 {strides = array<i32>} : memref<16x1024xf32, #tpu.memory_space<vmem>>, vector<1x16xf32>,
      %get3A_601 = arith.index_cast %scan3A_182 : i32 to index
      %get3A_602 = arith.constant 480 : index
      %get3A_603 = tpu.vector_load %arg8[%get3A_601, %get3A_602] {strides = array<i32>} : memref<16x1024xf32, #tpu.memory_space<vmem>>, vector<1x16xf32>,
      %get3A_604 = vector.shape_cast %get3A_603 : vector<1x16xf32> to vector<16xf32>
      %get3A_605 = arith.index_cast %scan3A_182 : i32 to index
      %get3A_606 = arith.constant 480 : index
      %get3A_607 = tpu.vector_load %arg10[%get3A_605, %get3A_606] {strides = array<i32>} : memref<16x1024xf32, #tpu.memory_space<vmem>>, vector<1x16xf32>,
      %get3A_608 = vector.shape_cast %get3A_607 : vector<1x16xf32> to vector<16xf32>
      %add3A_609 = arith.addf %get3A_604, %get3A_608 : vector<16xf32>
      %swap3A_610 = arith.index_cast %scan3A_182 : i32 to index
      %swap3A_611 = arith.constant 480 : index
      %swap3A_612 = tpu.vector_load %arg12[%swap3A_610, %swap3A_611] {strides = array<i32>} : memref<16x1024xf32, #tpu.memory_space<vmem>>, vector<1x16xf32>,
      %swap3A_613 = vector.shape_cast %swap3A_612 : vector<1x16xf32> to vector<16xf32>
      %swap3A_614 = vector.shape_cast %add3A_609 : vector<16xf32> to vector<1x16xf32>
      tpu.vector_store %arg12[%swap3A_610, %swap3A_611], %swap3A_614 {strides = array<i32>} : memref<16x1024xf32, #tpu.memory_space<vmem>>, vector<1x16xf32>,
      %get3A_615 = arith.index_cast %scan3A_182 : i32 to index
      %get3A_616 = arith.constant 496 : index
      %get3A_617 = tpu.vector_load %arg8[%get3A_615, %get3A_616] {strides = array<i32>} : memref<16x1024xf32, #tpu.memory_space<vmem>>, vector<1x16xf32>,
      %get3A_618 = vector.shape_cast %get3A_617 : vector<1x16xf32> to vector<16xf32>
      %get3A_619 = arith.index_cast %scan3A_182 : i32 to index
      %get3A_620 = arith.constant 496 : index
      %get3A_621 = tpu.vector_load %arg10[%get3A_619, %get3A_620] {strides = array<i32>} : memref<16x1024xf32, #tpu.memory_space<vmem>>, vector<1x16xf32>,
      %get3A_622 = vector.shape_cast %get3A_621 : vector<1x16xf32> to vector<16xf32>
      %add3A_623 = arith.addf %get3A_618, %get3A_622 : vector<16xf32>
      %swap3A_624 = arith.index_cast %scan3A_182 : i32 to index
      %swap3A_625 = arith.constant 496 : index
      %swap3A_626 = tpu.vector_load %arg12[%swap3A_624, %swap3A_625] {strides = array<i32>} : memref<16x1024xf32, #tpu.memory_space<vmem>>, vector<1x16xf32>,
      %swap3A_627 = vector.shape_cast %swap3A_626 : vector<1x16xf32> to vector<16xf32>
      %swap3A_628 = vector.shape_cast %add3A_623 : vector<16xf32> to vector<1x16xf32>
      tpu.vector_store %arg12[%swap3A_624, %swap3A_625], %swap3A_628 {strides = array<i32>} : memref<16x1024xf32, #tpu.memory_space<vmem>>, vector<1x16xf32>,
      %get3A_629 = arith.index_cast %scan3A_182 : i32 to index
      %get3A_630 = arith.constant 512 : index
      %get3A_631 = tpu.vector_load %arg8[%get3A_629, %get3A_630] {strides = array<i32>} : memref<16x1024xf32, #tpu.memory_space<vmem>>, vector<1x16xf32>,
      %get3A_632 = vector.shape_cast %get3A_631 : vector<1x16xf32> to vector<16xf32>
      %get3A_633 = arith.index_cast %scan3A_182 : i32 to index
      %get3A_634 = arith.constant 512 : index
      %get3A_635 = tpu.vector_load %arg10[%get3A_633, %get3A_634] {strides = array<i32>} : memref<16x1024xf32, #tpu.memory_space<vmem>>, vector<1x16xf32>,
      %get3A_636 = vector.shape_cast %get3A_635 : vector<1x16xf32> to vector<16xf32>
      %add3A_637 = arith.addf %get3A_632, %get3A_636 : vector<16xf32>
      %swap3A_638 = arith.index_cast %scan3A_182 : i32 to index
      %swap3A_639 = arith.constant 512 : index
      %swap3A_640 = tpu.vector_load %arg12[%swap3A_638, %swap3A_639] {strides = array<i32>} : memref<16x1024xf32, #tpu.memory_space<vmem>>, vector<1x16xf32>,
      %swap3A_641 = vector.shape_cast %swap3A_640 : vector<1x16xf32> to vector<16xf32>
      %swap3A_642 = vector.shape_cast %add3A_637 : vector<16xf32> to vector<1x16xf32>
      tpu.vector_store %arg12[%swap3A_638, %swap3A_639], %swap3A_642 {strides = array<i32>} : memref<16x1024xf32, #tpu.memory_space<vmem>>, vector<1x16xf32>,
      %get3A_643 = arith.index_cast %scan3A_182 : i32 to index
      %get3A_644 = arith.constant 528 : index
      %get3A_645 = tpu.vector_load %arg8[%get3A_643, %get3A_644] {strides = array<i32>} : memref<16x1024xf32, #tpu.memory_space<vmem>>, vector<1x16xf32>,
      %get3A_646 = vector.shape_cast %get3A_645 : vector<1x16xf32> to vector<16xf32>
      %get3A_647 = arith.index_cast %scan3A_182 : i32 to index
      %get3A_648 = arith.constant 528 : index
      %get3A_649 = tpu.vector_load %arg10[%get3A_647, %get3A_648] {strides = array<i32>} : memref<16x1024xf32, #tpu.memory_space<vmem>>, vector<1x16xf32>,
      %get3A_650 = vector.shape_cast %get3A_649 : vector<1x16xf32> to vector<16xf32>
      %add3A_651 = arith.addf %get3A_646, %get3A_650 : vector<16xf32>
      %swap3A_652 = arith.index_cast %scan3A_182 : i32 to index
      %swap3A_653 = arith.constant 528 : index
      %swap3A_654 = tpu.vector_load %arg12[%swap3A_652, %swap3A_653] {strides = array<i32>} : memref<16x1024xf32, #tpu.memory_space<vmem>>, vector<1x16xf32>,
      %swap3A_655 = vector.shape_cast %swap3A_654 : vector<1x16xf32> to vector<16xf32>
      %swap3A_656 = vector.shape_cast %add3A_651 : vector<16xf32> to vector<1x16xf32>
      tpu.vector_store %arg12[%swap3A_652, %swap3A_653], %swap3A_656 {strides = array<i32>} : memref<16x1024xf32, #tpu.memory_space<vmem>>, vector<1x16xf32>,
      %get3A_657 = arith.index_cast %scan3A_182 : i32 to index
      %get3A_658 = arith.constant 544 : index
      %get3A_659 = tpu.vector_load %arg8[%get3A_657, %get3A_658] {strides = array<i32>} : memref<16x1024xf32, #tpu.memory_space<vmem>>, vector<1x16xf32>,
      %get3A_660 = vector.shape_cast %get3A_659 : vector<1x16xf32> to vector<16xf32>
      %get3A_661 = arith.index_cast %scan3A_182 : i32 to index
      %get3A_662 = arith.constant 544 : index
      %get3A_663 = tpu.vector_load %arg10[%get3A_661, %get3A_662] {strides = array<i32>} : memref<16x1024xf32, #tpu.memory_space<vmem>>, vector<1x16xf32>,
      %get3A_664 = vector.shape_cast %get3A_663 : vector<1x16xf32> to vector<16xf32>
      %add3A_665 = arith.addf %get3A_660, %get3A_664 : vector<16xf32>
      %swap3A_666 = arith.index_cast %scan3A_182 : i32 to index
      %swap3A_667 = arith.constant 544 : index
      %swap3A_668 = tpu.vector_load %arg12[%swap3A_666, %swap3A_667] {strides = array<i32>} : memref<16x1024xf32, #tpu.memory_space<vmem>>, vector<1x16xf32>,
      %swap3A_669 = vector.shape_cast %swap3A_668 : vector<1x16xf32> to vector<16xf32>
      %swap3A_670 = vector.shape_cast %add3A_665 : vector<16xf32> to vector<1x16xf32>
      tpu.vector_store %arg12[%swap3A_666, %swap3A_667], %swap3A_670 {strides = array<i32>} : memref<16x1024xf32, #tpu.memory_space<vmem>>, vector<1x16xf32>,
      %get3A_671 = arith.index_cast %scan3A_182 : i32 to index
      %get3A_672 = arith.constant 560 : index
      %get3A_673 = tpu.vector_load %arg8[%get3A_671, %get3A_672] {strides = array<i32>} : memref<16x1024xf32, #tpu.memory_space<vmem>>, vector<1x16xf32>,
      %get3A_674 = vector.shape_cast %get3A_673 : vector<1x16xf32> to vector<16xf32>
      %get3A_675 = arith.index_cast %scan3A_182 : i32 to index
      %get3A_676 = arith.constant 560 : index
      %get3A_677 = tpu.vector_load %arg10[%get3A_675, %get3A_676] {strides = array<i32>} : memref<16x1024xf32, #tpu.memory_space<vmem>>, vector<1x16xf32>,
      %get3A_678 = vector.shape_cast %get3A_677 : vector<1x16xf32> to vector<16xf32>
      %add3A_679 = arith.addf %get3A_674, %get3A_678 : vector<16xf32>
      %swap3A_680 = arith.index_cast %scan3A_182 : i32 to index
      %swap3A_681 = arith.constant 560 : index
      %swap3A_682 = tpu.vector_load %arg12[%swap3A_680, %swap3A_681] {strides = array<i32>} : memref<16x1024xf32, #tpu.memory_space<vmem>>, vector<1x16xf32>,
      %swap3A_683 = vector.shape_cast %swap3A_682 : vector<1x16xf32> to vector<16xf32>
      %swap3A_684 = vector.shape_cast %add3A_679 : vector<16xf32> to vector<1x16xf32>
      tpu.vector_store %arg12[%swap3A_680, %swap3A_681], %swap3A_684 {strides = array<i32>} : memref<16x1024xf32, #tpu.memory_space<vmem>>, vector<1x16xf32>,
      %get3A_685 = arith.index_cast %scan3A_182 : i32 to index
      %get3A_686 = arith.constant 576 : index
      %get3A_687 = tpu.vector_load %arg8[%get3A_685, %get3A_686] {strides = array<i32>} : memref<16x1024xf32, #tpu.memory_space<vmem>>, vector<1x16xf32>,
      %get3A_688 = vector.shape_cast %get3A_687 : vector<1x16xf32> to vector<16xf32>
      %get3A_689 = arith.index_cast %scan3A_182 : i32 to index
      %get3A_690 = arith.constant 576 : index
      %get3A_691 = tpu.vector_load %arg10[%get3A_689, %get3A_690] {strides = array<i32>} : memref<16x1024xf32, #tpu.memory_space<vmem>>, vector<1x16xf32>,
      %get3A_692 = vector.shape_cast %get3A_691 : vector<1x16xf32> to vector<16xf32>
      %add3A_693 = arith.addf %get3A_688, %get3A_692 : vector<16xf32>
      %swap3A_694 = arith.index_cast %scan3A_182 : i32 to index
      %swap3A_695 = arith.constant 576 : index
      %swap3A_696 = tpu.vector_load %arg12[%swap3A_694, %swap3A_695] {strides = array<i32>} : memref<16x1024xf32, #tpu.memory_space<vmem>>, vector<1x16xf32>,
      %swap3A_697 = vector.shape_cast %swap3A_696 : vector<1x16xf32> to vector<16xf32>
      %swap3A_698 = vector.shape_cast %add3A_693 : vector<16xf32> to vector<1x16xf32>
      tpu.vector_store %arg12[%swap3A_694, %swap3A_695], %swap3A_698 {strides = array<i32>} : memref<16x1024xf32, #tpu.memory_space<vmem>>, vector<1x16xf32>,
      %get3A_699 = arith.index_cast %scan3A_182 : i32 to index
      %get3A_700 = arith.constant 592 : index
      %get3A_701 = tpu.vector_load %arg8[%get3A_699, %get3A_700] {strides = array<i32>} : memref<16x1024xf32, #tpu.memory_space<vmem>>, vector<1x16xf32>,
      %get3A_702 = vector.shape_cast %get3A_701 : vector<1x16xf32> to vector<16xf32>
      %get3A_703 = arith.index_cast %scan3A_182 : i32 to index
      %get3A_704 = arith.constant 592 : index
      %get3A_705 = tpu.vector_load %arg10[%get3A_703, %get3A_704] {strides = array<i32>} : memref<16x1024xf32, #tpu.memory_space<vmem>>, vector<1x16xf32>,
      %get3A_706 = vector.shape_cast %get3A_705 : vector<1x16xf32> to vector<16xf32>
      %add3A_707 = arith.addf %get3A_702, %get3A_706 : vector<16xf32>
      %swap3A_708 = arith.index_cast %scan3A_182 : i32 to index
      %swap3A_709 = arith.constant 592 : index
      %swap3A_710 = tpu.vector_load %arg12[%swap3A_708, %swap3A_709] {strides = array<i32>} : memref<16x1024xf32, #tpu.memory_space<vmem>>, vector<1x16xf32>,
      %swap3A_711 = vector.shape_cast %swap3A_710 : vector<1x16xf32> to vector<16xf32>
      %swap3A_712 = vector.shape_cast %add3A_707 : vector<16xf32> to vector<1x16xf32>
      tpu.vector_store %arg12[%swap3A_708, %swap3A_709], %swap3A_712 {strides = array<i32>} : memref<16x1024xf32, #tpu.memory_space<vmem>>, vector<1x16xf32>,
      %get3A_713 = arith.index_cast %scan3A_182 : i32 to index
      %get3A_714 = arith.constant 608 : index
      %get3A_715 = tpu.vector_load %arg8[%get3A_713, %get3A_714] {strides = array<i32>} : memref<16x1024xf32, #tpu.memory_space<vmem>>, vector<1x16xf32>,
      %get3A_716 = vector.shape_cast %get3A_715 : vector<1x16xf32> to vector<16xf32>
      %get3A_717 = arith.index_cast %scan3A_182 : i32 to index
      %get3A_718 = arith.constant 608 : index
      %get3A_719 = tpu.vector_load %arg10[%get3A_717, %get3A_718] {strides = array<i32>} : memref<16x1024xf32, #tpu.memory_space<vmem>>, vector<1x16xf32>,
      %get3A_720 = vector.shape_cast %get3A_719 : vector<1x16xf32> to vector<16xf32>
      %add3A_721 = arith.addf %get3A_716, %get3A_720 : vector<16xf32>
      %swap3A_722 = arith.index_cast %scan3A_182 : i32 to index
      %swap3A_723 = arith.constant 608 : index
      %swap3A_724 = tpu.vector_load %arg12[%swap3A_722, %swap3A_723] {strides = array<i32>} : memref<16x1024xf32, #tpu.memory_space<vmem>>, vector<1x16xf32>,
      %swap3A_725 = vector.shape_cast %swap3A_724 : vector<1x16xf32> to vector<16xf32>
      %swap3A_726 = vector.shape_cast %add3A_721 : vector<16xf32> to vector<1x16xf32>
      tpu.vector_store %arg12[%swap3A_722, %swap3A_723], %swap3A_726 {strides = array<i32>} : memref<16x1024xf32, #tpu.memory_space<vmem>>, vector<1x16xf32>,
      %get3A_727 = arith.index_cast %scan3A_182 : i32 to index
      %get3A_728 = arith.constant 624 : index
      %get3A_729 = tpu.vector_load %arg8[%get3A_727, %get3A_728] {strides = array<i32>} : memref<16x1024xf32, #tpu.memory_space<vmem>>, vector<1x16xf32>,
      %get3A_730 = vector.shape_cast %get3A_729 : vector<1x16xf32> to vector<16xf32>
      %get3A_731 = arith.index_cast %scan3A_182 : i32 to index
      %get3A_732 = arith.constant 624 : index
      %get3A_733 = tpu.vector_load %arg10[%get3A_731, %get3A_732] {strides = array<i32>} : memref<16x1024xf32, #tpu.memory_space<vmem>>, vector<1x16xf32>,
      %get3A_734 = vector.shape_cast %get3A_733 : vector<1x16xf32> to vector<16xf32>
      %add3A_735 = arith.addf %get3A_730, %get3A_734 : vector<16xf32>
      %swap3A_736 = arith.index_cast %scan3A_182 : i32 to index
      %swap3A_737 = arith.constant 624 : index
      %swap3A_738 = tpu.vector_load %arg12[%swap3A_736, %swap3A_737] {strides = array<i32>} : memref<16x1024xf32, #tpu.memory_space<vmem>>, vector<1x16xf32>,
      %swap3A_739 = vector.shape_cast %swap3A_738 : vector<1x16xf32> to vector<16xf32>
      %swap3A_740 = vector.shape_cast %add3A_735 : vector<16xf32> to vector<1x16xf32>
      tpu.vector_store %arg12[%swap3A_736, %swap3A_737], %swap3A_740 {strides = array<i32>} : memref<16x1024xf32, #tpu.memory_space<vmem>>, vector<1x16xf32>,
      %get3A_741 = arith.index_cast %scan3A_182 : i32 to index
      %get3A_742 = arith.constant 640 : index
      %get3A_743 = tpu.vector_load %arg8[%get3A_741, %get3A_742] {strides = array<i32>} : memref<16x1024xf32, #tpu.memory_space<vmem>>, vector<1x16xf32>,
      %get3A_744 = vector.shape_cast %get3A_743 : vector<1x16xf32> to vector<16xf32>
      %get3A_745 = arith.index_cast %scan3A_182 : i32 to index
      %get3A_746 = arith.constant 640 : index
      %get3A_747 = tpu.vector_load %arg10[%get3A_745, %get3A_746] {strides = array<i32>} : memref<16x1024xf32, #tpu.memory_space<vmem>>, vector<1x16xf32>,
      %get3A_748 = vector.shape_cast %get3A_747 : vector<1x16xf32> to vector<16xf32>
      %add3A_749 = arith.addf %get3A_744, %get3A_748 : vector<16xf32>
      %swap3A_750 = arith.index_cast %scan3A_182 : i32 to index
      %swap3A_751 = arith.constant 640 : index
      %swap3A_752 = tpu.vector_load %arg12[%swap3A_750, %swap3A_751] {strides = array<i32>} : memref<16x1024xf32, #tpu.memory_space<vmem>>, vector<1x16xf32>,
      %swap3A_753 = vector.shape_cast %swap3A_752 : vector<1x16xf32> to vector<16xf32>
      %swap3A_754 = vector.shape_cast %add3A_749 : vector<16xf32> to vector<1x16xf32>
      tpu.vector_store %arg12[%swap3A_750, %swap3A_751], %swap3A_754 {strides = array<i32>} : memref<16x1024xf32, #tpu.memory_space<vmem>>, vector<1x16xf32>,
      %get3A_755 = arith.index_cast %scan3A_182 : i32 to index
      %get3A_756 = arith.constant 656 : index
      %get3A_757 = tpu.vector_load %arg8[%get3A_755, %get3A_756] {strides = array<i32>} : memref<16x1024xf32, #tpu.memory_space<vmem>>, vector<1x16xf32>,
      %get3A_758 = vector.shape_cast %get3A_757 : vector<1x16xf32> to vector<16xf32>
      %get3A_759 = arith.index_cast %scan3A_182 : i32 to index
      %get3A_760 = arith.constant 656 : index
      %get3A_761 = tpu.vector_load %arg10[%get3A_759, %get3A_760] {strides = array<i32>} : memref<16x1024xf32, #tpu.memory_space<vmem>>, vector<1x16xf32>,
      %get3A_762 = vector.shape_cast %get3A_761 : vector<1x16xf32> to vector<16xf32>
      %add3A_763 = arith.addf %get3A_758, %get3A_762 : vector<16xf32>
      %swap3A_764 = arith.index_cast %scan3A_182 : i32 to index
      %swap3A_765 = arith.constant 656 : index
      %swap3A_766 = tpu.vector_load %arg12[%swap3A_764, %swap3A_765] {strides = array<i32>} : memref<16x1024xf32, #tpu.memory_space<vmem>>, vector<1x16xf32>,
      %swap3A_767 = vector.shape_cast %swap3A_766 : vector<1x16xf32> to vector<16xf32>
      %swap3A_768 = vector.shape_cast %add3A_763 : vector<16xf32> to vector<1x16xf32>
      tpu.vector_store %arg12[%swap3A_764, %swap3A_765], %swap3A_768 {strides = array<i32>} : memref<16x1024xf32, #tpu.memory_space<vmem>>, vector<1x16xf32>,
      %get3A_769 = arith.index_cast %scan3A_182 : i32 to index
      %get3A_770 = arith.constant 672 : index
      %get3A_771 = tpu.vector_load %arg8[%get3A_769, %get3A_770] {strides = array<i32>} : memref<16x1024xf32, #tpu.memory_space<vmem>>, vector<1x16xf32>,
      %get3A_772 = vector.shape_cast %get3A_771 : vector<1x16xf32> to vector<16xf32>
      %get3A_773 = arith.index_cast %scan3A_182 : i32 to index
      %get3A_774 = arith.constant 672 : index
      %get3A_775 = tpu.vector_load %arg10[%get3A_773, %get3A_774] {strides = array<i32>} : memref<16x1024xf32, #tpu.memory_space<vmem>>, vector<1x16xf32>,
      %get3A_776 = vector.shape_cast %get3A_775 : vector<1x16xf32> to vector<16xf32>
      %add3A_777 = arith.addf %get3A_772, %get3A_776 : vector<16xf32>
      %swap3A_778 = arith.index_cast %scan3A_182 : i32 to index
      %swap3A_779 = arith.constant 672 : index
      %swap3A_780 = tpu.vector_load %arg12[%swap3A_778, %swap3A_779] {strides = array<i32>} : memref<16x1024xf32, #tpu.memory_space<vmem>>, vector<1x16xf32>,
      %swap3A_781 = vector.shape_cast %swap3A_780 : vector<1x16xf32> to vector<16xf32>
      %swap3A_782 = vector.shape_cast %add3A_777 : vector<16xf32> to vector<1x16xf32>
      tpu.vector_store %arg12[%swap3A_778, %swap3A_779], %swap3A_782 {strides = array<i32>} : memref<16x1024xf32, #tpu.memory_space<vmem>>, vector<1x16xf32>,
      %get3A_783 = arith.index_cast %scan3A_182 : i32 to index
      %get3A_784 = arith.constant 688 : index
      %get3A_785 = tpu.vector_load %arg8[%get3A_783, %get3A_784] {strides = array<i32>} : memref<16x1024xf32, #tpu.memory_space<vmem>>, vector<1x16xf32>,
      %get3A_786 = vector.shape_cast %get3A_785 : vector<1x16xf32> to vector<16xf32>
      %get3A_787 = arith.index_cast %scan3A_182 : i32 to index
      %get3A_788 = arith.constant 688 : index
      %get3A_789 = tpu.vector_load %arg10[%get3A_787, %get3A_788] {strides = array<i32>} : memref<16x1024xf32, #tpu.memory_space<vmem>>, vector<1x16xf32>,
      %get3A_790 = vector.shape_cast %get3A_789 : vector<1x16xf32> to vector<16xf32>
      %add3A_791 = arith.addf %get3A_786, %get3A_790 : vector<16xf32>
      %swap3A_792 = arith.index_cast %scan3A_182 : i32 to index
      %swap3A_793 = arith.constant 688 : index
      %swap3A_794 = tpu.vector_load %arg12[%swap3A_792, %swap3A_793] {strides = array<i32>} : memref<16x1024xf32, #tpu.memory_space<vmem>>, vector<1x16xf32>,
      %swap3A_795 = vector.shape_cast %swap3A_794 : vector<1x16xf32> to vector<16xf32>
      %swap3A_796 = vector.shape_cast %add3A_791 : vector<16xf32> to vector<1x16xf32>
      tpu.vector_store %arg12[%swap3A_792, %swap3A_793], %swap3A_796 {strides = array<i32>} : memref<16x1024xf32, #tpu.memory_space<vmem>>, vector<1x16xf32>,
      %get3A_797 = arith.index_cast %scan3A_182 : i32 to index
      %get3A_798 = arith.constant 704 : index
      %get3A_799 = tpu.vector_load %arg8[%get3A_797, %get3A_798] {strides = array<i32>} : memref<16x1024xf32, #tpu.memory_space<vmem>>, vector<1x16xf32>,
      %get3A_800 = vector.shape_cast %get3A_799 : vector<1x16xf32> to vector<16xf32>
      %get3A_801 = arith.index_cast %scan3A_182 : i32 to index
      %get3A_802 = arith.constant 704 : index
      %get3A_803 = tpu.vector_load %arg10[%get3A_801, %get3A_802] {strides = array<i32>} : memref<16x1024xf32, #tpu.memory_space<vmem>>, vector<1x16xf32>,
      %get3A_804 = vector.shape_cast %get3A_803 : vector<1x16xf32> to vector<16xf32>
      %add3A_805 = arith.addf %get3A_800, %get3A_804 : vector<16xf32>
      %swap3A_806 = arith.index_cast %scan3A_182 : i32 to index
      %swap3A_807 = arith.constant 704 : index
      %swap3A_808 = tpu.vector_load %arg12[%swap3A_806, %swap3A_807] {strides = array<i32>} : memref<16x1024xf32, #tpu.memory_space<vmem>>, vector<1x16xf32>,
      %swap3A_809 = vector.shape_cast %swap3A_808 : vector<1x16xf32> to vector<16xf32>
      %swap3A_810 = vector.shape_cast %add3A_805 : vector<16xf32> to vector<1x16xf32>
      tpu.vector_store %arg12[%swap3A_806, %swap3A_807], %swap3A_810 {strides = array<i32>} : memref<16x1024xf32, #tpu.memory_space<vmem>>, vector<1x16xf32>,
      %get3A_811 = arith.index_cast %scan3A_182 : i32 to index
      %get3A_812 = arith.constant 720 : index
      %get3A_813 = tpu.vector_load %arg8[%get3A_811, %get3A_812] {strides = array<i32>} : memref<16x1024xf32, #tpu.memory_space<vmem>>, vector<1x16xf32>,
      %get3A_814 = vector.shape_cast %get3A_813 : vector<1x16xf32> to vector<16xf32>
      %get3A_815 = arith.index_cast %scan3A_182 : i32 to index
      %get3A_816 = arith.constant 720 : index
      %get3A_817 = tpu.vector_load %arg10[%get3A_815, %get3A_816] {strides = array<i32>} : memref<16x1024xf32, #tpu.memory_space<vmem>>, vector<1x16xf32>,
      %get3A_818 = vector.shape_cast %get3A_817 : vector<1x16xf32> to vector<16xf32>
      %add3A_819 = arith.addf %get3A_814, %get3A_818 : vector<16xf32>
      %swap3A_820 = arith.index_cast %scan3A_182 : i32 to index
      %swap3A_821 = arith.constant 720 : index
      %swap3A_822 = tpu.vector_load %arg12[%swap3A_820, %swap3A_821] {strides = array<i32>} : memref<16x1024xf32, #tpu.memory_space<vmem>>, vector<1x16xf32>,
      %swap3A_823 = vector.shape_cast %swap3A_822 : vector<1x16xf32> to vector<16xf32>
      %swap3A_824 = vector.shape_cast %add3A_819 : vector<16xf32> to vector<1x16xf32>
      tpu.vector_store %arg12[%swap3A_820, %swap3A_821], %swap3A_824 {strides = array<i32>} : memref<16x1024xf32, #tpu.memory_space<vmem>>, vector<1x16xf32>,
      %get3A_825 = arith.index_cast %scan3A_182 : i32 to index
      %get3A_826 = arith.constant 736 : index
      %get3A_827 = tpu.vector_load %arg8[%get3A_825, %get3A_826] {strides = array<i32>} : memref<16x1024xf32, #tpu.memory_space<vmem>>, vector<1x16xf32>,
      %get3A_828 = vector.shape_cast %get3A_827 : vector<1x16xf32> to vector<16xf32>
      %get3A_829 = arith.index_cast %scan3A_182 : i32 to index
      %get3A_830 = arith.constant 736 : index
      %get3A_831 = tpu.vector_load %arg10[%get3A_829, %get3A_830] {strides = array<i32>} : memref<16x1024xf32, #tpu.memory_space<vmem>>, vector<1x16xf32>,
      %get3A_832 = vector.shape_cast %get3A_831 : vector<1x16xf32> to vector<16xf32>
      %add3A_833 = arith.addf %get3A_828, %get3A_832 : vector<16xf32>
      %swap3A_834 = arith.index_cast %scan3A_182 : i32 to index
      %swap3A_835 = arith.constant 736 : index
      %swap3A_836 = tpu.vector_load %arg12[%swap3A_834, %swap3A_835] {strides = array<i32>} : memref<16x1024xf32, #tpu.memory_space<vmem>>, vector<1x16xf32>,
      %swap3A_837 = vector.shape_cast %swap3A_836 : vector<1x16xf32> to vector<16xf32>
      %swap3A_838 = vector.shape_cast %add3A_833 : vector<16xf32> to vector<1x16xf32>
      tpu.vector_store %arg12[%swap3A_834, %swap3A_835], %swap3A_838 {strides = array<i32>} : memref<16x1024xf32, #tpu.memory_space<vmem>>, vector<1x16xf32>,
      %get3A_839 = arith.index_cast %scan3A_182 : i32 to index
      %get3A_840 = arith.constant 752 : index
      %get3A_841 = tpu.vector_load %arg8[%get3A_839, %get3A_840] {strides = array<i32>} : memref<16x1024xf32, #tpu.memory_space<vmem>>, vector<1x16xf32>,
      %get3A_842 = vector.shape_cast %get3A_841 : vector<1x16xf32> to vector<16xf32>
      %get3A_843 = arith.index_cast %scan3A_182 : i32 to index
      %get3A_844 = arith.constant 752 : index
      %get3A_845 = tpu.vector_load %arg10[%get3A_843, %get3A_844] {strides = array<i32>} : memref<16x1024xf32, #tpu.memory_space<vmem>>, vector<1x16xf32>,
      %get3A_846 = vector.shape_cast %get3A_845 : vector<1x16xf32> to vector<16xf32>
      %add3A_847 = arith.addf %get3A_842, %get3A_846 : vector<16xf32>
      %swap3A_848 = arith.index_cast %scan3A_182 : i32 to index
      %swap3A_849 = arith.constant 752 : index
      %swap3A_850 = tpu.vector_load %arg12[%swap3A_848, %swap3A_849] {strides = array<i32>} : memref<16x1024xf32, #tpu.memory_space<vmem>>, vector<1x16xf32>,
      %swap3A_851 = vector.shape_cast %swap3A_850 : vector<1x16xf32> to vector<16xf32>
      %swap3A_852 = vector.shape_cast %add3A_847 : vector<16xf32> to vector<1x16xf32>
      tpu.vector_store %arg12[%swap3A_848, %swap3A_849], %swap3A_852 {strides = array<i32>} : memref<16x1024xf32, #tpu.memory_space<vmem>>, vector<1x16xf32>,
      %get3A_853 = arith.index_cast %scan3A_182 : i32 to index
      %get3A_854 = arith.constant 768 : index
      %get3A_855 = tpu.vector_load %arg8[%get3A_853, %get3A_854] {strides = array<i32>} : memref<16x1024xf32, #tpu.memory_space<vmem>>, vector<1x16xf32>,
      %get3A_856 = vector.shape_cast %get3A_855 : vector<1x16xf32> to vector<16xf32>
      %get3A_857 = arith.index_cast %scan3A_182 : i32 to index
      %get3A_858 = arith.constant 768 : index
      %get3A_859 = tpu.vector_load %arg10[%get3A_857, %get3A_858] {strides = array<i32>} : memref<16x1024xf32, #tpu.memory_space<vmem>>, vector<1x16xf32>,
      %get3A_860 = vector.shape_cast %get3A_859 : vector<1x16xf32> to vector<16xf32>
      %add3A_861 = arith.addf %get3A_856, %get3A_860 : vector<16xf32>
      %swap3A_862 = arith.index_cast %scan3A_182 : i32 to index
      %swap3A_863 = arith.constant 768 : index
      %swap3A_864 = tpu.vector_load %arg12[%swap3A_862, %swap3A_863] {strides = array<i32>} : memref<16x1024xf32, #tpu.memory_space<vmem>>, vector<1x16xf32>,
      %swap3A_865 = vector.shape_cast %swap3A_864 : vector<1x16xf32> to vector<16xf32>
      %swap3A_866 = vector.shape_cast %add3A_861 : vector<16xf32> to vector<1x16xf32>
      tpu.vector_store %arg12[%swap3A_862, %swap3A_863], %swap3A_866 {strides = array<i32>} : memref<16x1024xf32, #tpu.memory_space<vmem>>, vector<1x16xf32>,
      %get3A_867 = arith.index_cast %scan3A_182 : i32 to index
      %get3A_868 = arith.constant 784 : index
      %get3A_869 = tpu.vector_load %arg8[%get3A_867, %get3A_868] {strides = array<i32>} : memref<16x1024xf32, #tpu.memory_space<vmem>>, vector<1x16xf32>,
      %get3A_870 = vector.shape_cast %get3A_869 : vector<1x16xf32> to vector<16xf32>
      %get3A_871 = arith.index_cast %scan3A_182 : i32 to index
      %get3A_872 = arith.constant 784 : index
      %get3A_873 = tpu.vector_load %arg10[%get3A_871, %get3A_872] {strides = array<i32>} : memref<16x1024xf32, #tpu.memory_space<vmem>>, vector<1x16xf32>,
      %get3A_874 = vector.shape_cast %get3A_873 : vector<1x16xf32> to vector<16xf32>
      %add3A_875 = arith.addf %get3A_870, %get3A_874 : vector<16xf32>
      %swap3A_876 = arith.index_cast %scan3A_182 : i32 to index
      %swap3A_877 = arith.constant 784 : index
      %swap3A_878 = tpu.vector_load %arg12[%swap3A_876, %swap3A_877] {strides = array<i32>} : memref<16x1024xf32, #tpu.memory_space<vmem>>, vector<1x16xf32>,
      %swap3A_879 = vector.shape_cast %swap3A_878 : vector<1x16xf32> to vector<16xf32>
      %swap3A_880 = vector.shape_cast %add3A_875 : vector<16xf32> to vector<1x16xf32>
      tpu.vector_store %arg12[%swap3A_876, %swap3A_877], %swap3A_880 {strides = array<i32>} : memref<16x1024xf32, #tpu.memory_space<vmem>>, vector<1x16xf32>,
      %get3A_881 = arith.index_cast %scan3A_182 : i32 to index
      %get3A_882 = arith.constant 800 : index
      %get3A_883 = tpu.vector_load %arg8[%get3A_881, %get3A_882] {strides = array<i32>} : memref<16x1024xf32, #tpu.memory_space<vmem>>, vector<1x16xf32>,
      %get3A_884 = vector.shape_cast %get3A_883 : vector<1x16xf32> to vector<16xf32>
      %get3A_885 = arith.index_cast %scan3A_182 : i32 to index
      %get3A_886 = arith.constant 800 : index
      %get3A_887 = tpu.vector_load %arg10[%get3A_885, %get3A_886] {strides = array<i32>} : memref<16x1024xf32, #tpu.memory_space<vmem>>, vector<1x16xf32>,
      %get3A_888 = vector.shape_cast %get3A_887 : vector<1x16xf32> to vector<16xf32>
      %add3A_889 = arith.addf %get3A_884, %get3A_888 : vector<16xf32>
      %swap3A_890 = arith.index_cast %scan3A_182 : i32 to index
      %swap3A_891 = arith.constant 800 : index
      %swap3A_892 = tpu.vector_load %arg12[%swap3A_890, %swap3A_891] {strides = array<i32>} : memref<16x1024xf32, #tpu.memory_space<vmem>>, vector<1x16xf32>,
      %swap3A_893 = vector.shape_cast %swap3A_892 : vector<1x16xf32> to vector<16xf32>
      %swap3A_894 = vector.shape_cast %add3A_889 : vector<16xf32> to vector<1x16xf32>
      tpu.vector_store %arg12[%swap3A_890, %swap3A_891], %swap3A_894 {strides = array<i32>} : memref<16x1024xf32, #tpu.memory_space<vmem>>, vector<1x16xf32>,
      %get3A_895 = arith.index_cast %scan3A_182 : i32 to index
      %get3A_896 = arith.constant 816 : index
      %get3A_897 = tpu.vector_load %arg8[%get3A_895, %get3A_896] {strides = array<i32>} : memref<16x1024xf32, #tpu.memory_space<vmem>>, vector<1x16xf32>,
      %get3A_898 = vector.shape_cast %get3A_897 : vector<1x16xf32> to vector<16xf32>
      %get3A_899 = arith.index_cast %scan3A_182 : i32 to index
      %get3A_900 = arith.constant 816 : index
      %get3A_901 = tpu.vector_load %arg10[%get3A_899, %get3A_900] {strides = array<i32>} : memref<16x1024xf32, #tpu.memory_space<vmem>>, vector<1x16xf32>,
      %get3A_902 = vector.shape_cast %get3A_901 : vector<1x16xf32> to vector<16xf32>
      %add3A_903 = arith.addf %get3A_898, %get3A_902 : vector<16xf32>
      %swap3A_904 = arith.index_cast %scan3A_182 : i32 to index
      %swap3A_905 = arith.constant 816 : index
      %swap3A_906 = tpu.vector_load %arg12[%swap3A_904, %swap3A_905] {strides = array<i32>} : memref<16x1024xf32, #tpu.memory_space<vmem>>, vector<1x16xf32>,
      %swap3A_907 = vector.shape_cast %swap3A_906 : vector<1x16xf32> to vector<16xf32>
      %swap3A_908 = vector.shape_cast %add3A_903 : vector<16xf32> to vector<1x16xf32>
      tpu.vector_store %arg12[%swap3A_904, %swap3A_905], %swap3A_908 {strides = array<i32>} : memref<16x1024xf32, #tpu.memory_space<vmem>>, vector<1x16xf32>,
      %get3A_909 = arith.index_cast %scan3A_182 : i32 to index
      %get3A_910 = arith.constant 832 : index
      %get3A_911 = tpu.vector_load %arg8[%get3A_909, %get3A_910] {strides = array<i32>} : memref<16x1024xf32, #tpu.memory_space<vmem>>, vector<1x16xf32>,
      %get3A_912 = vector.shape_cast %get3A_911 : vector<1x16xf32> to vector<16xf32>
      %get3A_913 = arith.index_cast %scan3A_182 : i32 to index
      %get3A_914 = arith.constant 832 : index
      %get3A_915 = tpu.vector_load %arg10[%get3A_913, %get3A_914] {strides = array<i32>} : memref<16x1024xf32, #tpu.memory_space<vmem>>, vector<1x16xf32>,
      %get3A_916 = vector.shape_cast %get3A_915 : vector<1x16xf32> to vector<16xf32>
      %add3A_917 = arith.addf %get3A_912, %get3A_916 : vector<16xf32>
      %swap3A_918 = arith.index_cast %scan3A_182 : i32 to index
      %swap3A_919 = arith.constant 832 : index
      %swap3A_920 = tpu.vector_load %arg12[%swap3A_918, %swap3A_919] {strides = array<i32>} : memref<16x1024xf32, #tpu.memory_space<vmem>>, vector<1x16xf32>,
      %swap3A_921 = vector.shape_cast %swap3A_920 : vector<1x16xf32> to vector<16xf32>
      %swap3A_922 = vector.shape_cast %add3A_917 : vector<16xf32> to vector<1x16xf32>
      tpu.vector_store %arg12[%swap3A_918, %swap3A_919], %swap3A_922 {strides = array<i32>} : memref<16x1024xf32, #tpu.memory_space<vmem>>, vector<1x16xf32>,
      %get3A_923 = arith.index_cast %scan3A_182 : i32 to index
      %get3A_924 = arith.constant 848 : index
      %get3A_925 = tpu.vector_load %arg8[%get3A_923, %get3A_924] {strides = array<i32>} : memref<16x1024xf32, #tpu.memory_space<vmem>>, vector<1x16xf32>,
      %get3A_926 = vector.shape_cast %get3A_925 : vector<1x16xf32> to vector<16xf32>
      %get3A_927 = arith.index_cast %scan3A_182 : i32 to index
      %get3A_928 = arith.constant 848 : index
      %get3A_929 = tpu.vector_load %arg10[%get3A_927, %get3A_928] {strides = array<i32>} : memref<16x1024xf32, #tpu.memory_space<vmem>>, vector<1x16xf32>,
      %get3A_930 = vector.shape_cast %get3A_929 : vector<1x16xf32> to vector<16xf32>
      %add3A_931 = arith.addf %get3A_926, %get3A_930 : vector<16xf32>
      %swap3A_932 = arith.index_cast %scan3A_182 : i32 to index
      %swap3A_933 = arith.constant 848 : index
      %swap3A_934 = tpu.vector_load %arg12[%swap3A_932, %swap3A_933] {strides = array<i32>} : memref<16x1024xf32, #tpu.memory_space<vmem>>, vector<1x16xf32>,
      %swap3A_935 = vector.shape_cast %swap3A_934 : vector<1x16xf32> to vector<16xf32>
      %swap3A_936 = vector.shape_cast %add3A_931 : vector<16xf32> to vector<1x16xf32>
      tpu.vector_store %arg12[%swap3A_932, %swap3A_933], %swap3A_936 {strides = array<i32>} : memref<16x1024xf32, #tpu.memory_space<vmem>>, vector<1x16xf32>,
      %get3A_937 = arith.index_cast %scan3A_182 : i32 to index
      %get3A_938 = arith.constant 864 : index
      %get3A_939 = tpu.vector_load %arg8[%get3A_937, %get3A_938] {strides = array<i32>} : memref<16x1024xf32, #tpu.memory_space<vmem>>, vector<1x16xf32>,
      %get3A_940 = vector.shape_cast %get3A_939 : vector<1x16xf32> to vector<16xf32>
      %get3A_941 = arith.index_cast %scan3A_182 : i32 to index
      %get3A_942 = arith.constant 864 : index
      %get3A_943 = tpu.vector_load %arg10[%get3A_941, %get3A_942] {strides = array<i32>} : memref<16x1024xf32, #tpu.memory_space<vmem>>, vector<1x16xf32>,
      %get3A_944 = vector.shape_cast %get3A_943 : vector<1x16xf32> to vector<16xf32>
      %add3A_945 = arith.addf %get3A_940, %get3A_944 : vector<16xf32>
      %swap3A_946 = arith.index_cast %scan3A_182 : i32 to index
      %swap3A_947 = arith.constant 864 : index
      %swap3A_948 = tpu.vector_load %arg12[%swap3A_946, %swap3A_947] {strides = array<i32>} : memref<16x1024xf32, #tpu.memory_space<vmem>>, vector<1x16xf32>,
      %swap3A_949 = vector.shape_cast %swap3A_948 : vector<1x16xf32> to vector<16xf32>
      %swap3A_950 = vector.shape_cast %add3A_945 : vector<16xf32> to vector<1x16xf32>
      tpu.vector_store %arg12[%swap3A_946, %swap3A_947], %swap3A_950 {strides = array<i32>} : memref<16x1024xf32, #tpu.memory_space<vmem>>, vector<1x16xf32>,
      %get3A_951 = arith.index_cast %scan3A_182 : i32 to index
      %get3A_952 = arith.constant 880 : index
      %get3A_953 = tpu.vector_load %arg8[%get3A_951, %get3A_952] {strides = array<i32>} : memref<16x1024xf32, #tpu.memory_space<vmem>>, vector<1x16xf32>,
      %get3A_954 = vector.shape_cast %get3A_953 : vector<1x16xf32> to vector<16xf32>
      %get3A_955 = arith.index_cast %scan3A_182 : i32 to index
      %get3A_956 = arith.constant 880 : index
      %get3A_957 = tpu.vector_load %arg10[%get3A_955, %get3A_956] {strides = array<i32>} : memref<16x1024xf32, #tpu.memory_space<vmem>>, vector<1x16xf32>,
      %get3A_958 = vector.shape_cast %get3A_957 : vector<1x16xf32> to vector<16xf32>
      %add3A_959 = arith.addf %get3A_954, %get3A_958 : vector<16xf32>
      %swap3A_960 = arith.index_cast %scan3A_182 : i32 to index
      %swap3A_961 = arith.constant 880 : index
      %swap3A_962 = tpu.vector_load %arg12[%swap3A_960, %swap3A_961] {strides = array<i32>} : memref<16x1024xf32, #tpu.memory_space<vmem>>, vector<1x16xf32>,
      %swap3A_963 = vector.shape_cast %swap3A_962 : vector<1x16xf32> to vector<16xf32>
      %swap3A_964 = vector.shape_cast %add3A_959 : vector<16xf32> to vector<1x16xf32>
      tpu.vector_store %arg12[%swap3A_960, %swap3A_961], %swap3A_964 {strides = array<i32>} : memref<16x1024xf32, #tpu.memory_space<vmem>>, vector<1x16xf32>,
      %get3A_965 = arith.index_cast %scan3A_182 : i32 to index
      %get3A_966 = arith.constant 896 : index
      %get3A_967 = tpu.vector_load %arg8[%get3A_965, %get3A_966] {strides = array<i32>} : memref<16x1024xf32, #tpu.memory_space<vmem>>, vector<1x16xf32>,
      %get3A_968 = vector.shape_cast %get3A_967 : vector<1x16xf32> to vector<16xf32>
      %get3A_969 = arith.index_cast %scan3A_182 : i32 to index
      %get3A_970 = arith.constant 896 : index
      %get3A_971 = tpu.vector_load %arg10[%get3A_969, %get3A_970] {strides = array<i32>} : memref<16x1024xf32, #tpu.memory_space<vmem>>, vector<1x16xf32>,
      %get3A_972 = vector.shape_cast %get3A_971 : vector<1x16xf32> to vector<16xf32>
      %add3A_973 = arith.addf %get3A_968, %get3A_972 : vector<16xf32>
      %swap3A_974 = arith.index_cast %scan3A_182 : i32 to index
      %swap3A_975 = arith.constant 896 : index
      %swap3A_976 = tpu.vector_load %arg12[%swap3A_974, %swap3A_975] {strides = array<i32>} : memref<16x1024xf32, #tpu.memory_space<vmem>>, vector<1x16xf32>,
      %swap3A_977 = vector.shape_cast %swap3A_976 : vector<1x16xf32> to vector<16xf32>
      %swap3A_978 = vector.shape_cast %add3A_973 : vector<16xf32> to vector<1x16xf32>
      tpu.vector_store %arg12[%swap3A_974, %swap3A_975], %swap3A_978 {strides = array<i32>} : memref<16x1024xf32, #tpu.memory_space<vmem>>, vector<1x16xf32>,
      %get3A_979 = arith.index_cast %scan3A_182 : i32 to index
      %get3A_980 = arith.constant 912 : index
      %get3A_981 = tpu.vector_load %arg8[%get3A_979, %get3A_980] {strides = array<i32>} : memref<16x1024xf32, #tpu.memory_space<vmem>>, vector<1x16xf32>,
      %get3A_982 = vector.shape_cast %get3A_981 : vector<1x16xf32> to vector<16xf32>
      %get3A_983 = arith.index_cast %scan3A_182 : i32 to index
      %get3A_984 = arith.constant 912 : index
      %get3A_985 = tpu.vector_load %arg10[%get3A_983, %get3A_984] {strides = array<i32>} : memref<16x1024xf32, #tpu.memory_space<vmem>>, vector<1x16xf32>,
      %get3A_986 = vector.shape_cast %get3A_985 : vector<1x16xf32> to vector<16xf32>
      %add3A_987 = arith.addf %get3A_982, %get3A_986 : vector<16xf32>
      %swap3A_988 = arith.index_cast %scan3A_182 : i32 to index
      %swap3A_989 = arith.constant 912 : index
      %swap3A_990 = tpu.vector_load %arg12[%swap3A_988, %swap3A_989] {strides = array<i32>} : memref<16x1024xf32, #tpu.memory_space<vmem>>, vector<1x16xf32>,
      %swap3A_991 = vector.shape_cast %swap3A_990 : vector<1x16xf32> to vector<16xf32>
      %swap3A_992 = vector.shape_cast %add3A_987 : vector<16xf32> to vector<1x16xf32>
      tpu.vector_store %arg12[%swap3A_988, %swap3A_989], %swap3A_992 {strides = array<i32>} : memref<16x1024xf32, #tpu.memory_space<vmem>>, vector<1x16xf32>,
      %get3A_993 = arith.index_cast %scan3A_182 : i32 to index
      %get3A_994 = arith.constant 928 : index
      %get3A_995 = tpu.vector_load %arg8[%get3A_993, %get3A_994] {strides = array<i32>} : memref<16x1024xf32, #tpu.memory_space<vmem>>, vector<1x16xf32>,
      %get3A_996 = vector.shape_cast %get3A_995 : vector<1x16xf32> to vector<16xf32>
      %get3A_997 = arith.index_cast %scan3A_182 : i32 to index
      %get3A_998 = arith.constant 928 : index
      %get3A_999 = tpu.vector_load %arg10[%get3A_997, %get3A_998] {strides = array<i32>} : memref<16x1024xf32, #tpu.memory_space<vmem>>, vector<1x16xf32>,
      %get3A_1000 = vector.shape_cast %get3A_999 : vector<1x16xf32> to vector<16xf32>
      %add3A_1001 = arith.addf %get3A_996, %get3A_1000 : vector<16xf32>
      %swap3A_1002 = arith.index_cast %scan3A_182 : i32 to index
      %swap3A_1003 = arith.constant 928 : index
      %swap3A_1004 = tpu.vector_load %arg12[%swap3A_1002, %swap3A_1003] {strides = array<i32>} : memref<16x1024xf32, #tpu.memory_space<vmem>>, vector<1x16xf32>,
      %swap3A_1005 = vector.shape_cast %swap3A_1004 : vector<1x16xf32> to vector<16xf32>
      %swap3A_1006 = vector.shape_cast %add3A_1001 : vector<16xf32> to vector<1x16xf32>
      tpu.vector_store %arg12[%swap3A_1002, %swap3A_1003], %swap3A_1006 {strides = array<i32>} : memref<16x1024xf32, #tpu.memory_space<vmem>>, vector<1x16xf32>,
      %get3A_1007 = arith.index_cast %scan3A_182 : i32 to index
      %get3A_1008 = arith.constant 944 : index
      %get3A_1009 = tpu.vector_load %arg8[%get3A_1007, %get3A_1008] {strides = array<i32>} : memref<16x1024xf32, #tpu.memory_space<vmem>>, vector<1x16xf32>,
      %get3A_1010 = vector.shape_cast %get3A_1009 : vector<1x16xf32> to vector<16xf32>
      %get3A_1011 = arith.index_cast %scan3A_182 : i32 to index
      %get3A_1012 = arith.constant 944 : index
      %get3A_1013 = tpu.vector_load %arg10[%get3A_1011, %get3A_1012] {strides = array<i32>} : memref<16x1024xf32, #tpu.memory_space<vmem>>, vector<1x16xf32>,
      %get3A_1014 = vector.shape_cast %get3A_1013 : vector<1x16xf32> to vector<16xf32>
      %add3A_1015 = arith.addf %get3A_1010, %get3A_1014 : vector<16xf32>
      %swap3A_1016 = arith.index_cast %scan3A_182 : i32 to index
      %swap3A_1017 = arith.constant 944 : index
      %swap3A_1018 = tpu.vector_load %arg12[%swap3A_1016, %swap3A_1017] {strides = array<i32>} : memref<16x1024xf32, #tpu.memory_space<vmem>>, vector<1x16xf32>,
      %swap3A_1019 = vector.shape_cast %swap3A_1018 : vector<1x16xf32> to vector<16xf32>
      %swap3A_1020 = vector.shape_cast %add3A_1015 : vector<16xf32> to vector<1x16xf32>
      tpu.vector_store %arg12[%swap3A_1016, %swap3A_1017], %swap3A_1020 {strides = array<i32>} : memref<16x1024xf32, #tpu.memory_space<vmem>>, vector<1x16xf32>,
      %get3A_1021 = arith.index_cast %scan3A_182 : i32 to index
      %get3A_1022 = arith.constant 960 : index
      %get3A_1023 = tpu.vector_load %arg8[%get3A_1021, %get3A_1022] {strides = array<i32>} : memref<16x1024xf32, #tpu.memory_space<vmem>>, vector<1x16xf32>,
      %get3A_1024 = vector.shape_cast %get3A_1023 : vector<1x16xf32> to vector<16xf32>
      %get3A_1025 = arith.index_cast %scan3A_182 : i32 to index
      %get3A_1026 = arith.constant 960 : index
      %get3A_1027 = tpu.vector_load %arg10[%get3A_1025, %get3A_1026] {strides = array<i32>} : memref<16x1024xf32, #tpu.memory_space<vmem>>, vector<1x16xf32>,
      %get3A_1028 = vector.shape_cast %get3A_1027 : vector<1x16xf32> to vector<16xf32>
      %add3A_1029 = arith.addf %get3A_1024, %get3A_1028 : vector<16xf32>
      %swap3A_1030 = arith.index_cast %scan3A_182 : i32 to index
      %swap3A_1031 = arith.constant 960 : index
      %swap3A_1032 = tpu.vector_load %arg12[%swap3A_1030, %swap3A_1031] {strides = array<i32>} : memref<16x1024xf32, #tpu.memory_space<vmem>>, vector<1x16xf32>,
      %swap3A_1033 = vector.shape_cast %swap3A_1032 : vector<1x16xf32> to vector<16xf32>
      %swap3A_1034 = vector.shape_cast %add3A_1029 : vector<16xf32> to vector<1x16xf32>
      tpu.vector_store %arg12[%swap3A_1030, %swap3A_1031], %swap3A_1034 {strides = array<i32>} : memref<16x1024xf32, #tpu.memory_space<vmem>>, vector<1x16xf32>,
      %get3A_1035 = arith.index_cast %scan3A_182 : i32 to index
      %get3A_1036 = arith.constant 976 : index
      %get3A_1037 = tpu.vector_load %arg8[%get3A_1035, %get3A_1036] {strides = array<i32>} : memref<16x1024xf32, #tpu.memory_space<vmem>>, vector<1x16xf32>,
      %get3A_1038 = vector.shape_cast %get3A_1037 : vector<1x16xf32> to vector<16xf32>
      %get3A_1039 = arith.index_cast %scan3A_182 : i32 to index
      %get3A_1040 = arith.constant 976 : index
      %get3A_1041 = tpu.vector_load %arg10[%get3A_1039, %get3A_1040] {strides = array<i32>} : memref<16x1024xf32, #tpu.memory_space<vmem>>, vector<1x16xf32>,
      %get3A_1042 = vector.shape_cast %get3A_1041 : vector<1x16xf32> to vector<16xf32>
      %add3A_1043 = arith.addf %get3A_1038, %get3A_1042 : vector<16xf32>
      %swap3A_1044 = arith.index_cast %scan3A_182 : i32 to index
      %swap3A_1045 = arith.constant 976 : index
      %swap3A_1046 = tpu.vector_load %arg12[%swap3A_1044, %swap3A_1045] {strides = array<i32>} : memref<16x1024xf32, #tpu.memory_space<vmem>>, vector<1x16xf32>,
      %swap3A_1047 = vector.shape_cast %swap3A_1046 : vector<1x16xf32> to vector<16xf32>
      %swap3A_1048 = vector.shape_cast %add3A_1043 : vector<16xf32> to vector<1x16xf32>
      tpu.vector_store %arg12[%swap3A_1044, %swap3A_1045], %swap3A_1048 {strides = array<i32>} : memref<16x1024xf32, #tpu.memory_space<vmem>>, vector<1x16xf32>,
      %get3A_1049 = arith.index_cast %scan3A_182 : i32 to index
      %get3A_1050 = arith.constant 992 : index
      %get3A_1051 = tpu.vector_load %arg8[%get3A_1049, %get3A_1050] {strides = array<i32>} : memref<16x1024xf32, #tpu.memory_space<vmem>>, vector<1x16xf32>,
      %get3A_1052 = vector.shape_cast %get3A_1051 : vector<1x16xf32> to vector<16xf32>
      %get3A_1053 = arith.index_cast %scan3A_182 : i32 to index
      %get3A_1054 = arith.constant 992 : index
      %get3A_1055 = tpu.vector_load %arg10[%get3A_1053, %get3A_1054] {strides = array<i32>} : memref<16x1024xf32, #tpu.memory_space<vmem>>, vector<1x16xf32>,
      %get3A_1056 = vector.shape_cast %get3A_1055 : vector<1x16xf32> to vector<16xf32>
      %add3A_1057 = arith.addf %get3A_1052, %get3A_1056 : vector<16xf32>
      %swap3A_1058 = arith.index_cast %scan3A_182 : i32 to index
      %swap3A_1059 = arith.constant 992 : index
      %swap3A_1060 = tpu.vector_load %arg12[%swap3A_1058, %swap3A_1059] {strides = array<i32>} : memref<16x1024xf32, #tpu.memory_space<vmem>>, vector<1x16xf32>,
      %swap3A_1061 = vector.shape_cast %swap3A_1060 : vector<1x16xf32> to vector<16xf32>
      %swap3A_1062 = vector.shape_cast %add3A_1057 : vector<16xf32> to vector<1x16xf32>
      tpu.vector_store %arg12[%swap3A_1058, %swap3A_1059], %swap3A_1062 {strides = array<i32>} : memref<16x1024xf32, #tpu.memory_space<vmem>>, vector<1x16xf32>,
      %get3A_1063 = arith.index_cast %scan3A_182 : i32 to index
      %get3A_1064 = arith.constant 1008 : index
      %get3A_1065 = tpu.vector_load %arg8[%get3A_1063, %get3A_1064] {strides = array<i32>} : memref<16x1024xf32, #tpu.memory_space<vmem>>, vector<1x16xf32>,
      %get3A_1066 = vector.shape_cast %get3A_1065 : vector<1x16xf32> to vector<16xf32>
      %get3A_1067 = arith.index_cast %scan3A_182 : i32 to index
      %get3A_1068 = arith.constant 1008 : index
      %get3A_1069 = tpu.vector_load %arg10[%get3A_1067, %get3A_1068] {strides = array<i32>} : memref<16x1024xf32, #tpu.memory_space<vmem>>, vector<1x16xf32>,
      %get3A_1070 = vector.shape_cast %get3A_1069 : vector<1x16xf32> to vector<16xf32>
      %add3A_1071 = arith.addf %get3A_1066, %get3A_1070 : vector<16xf32>
      %swap3A_1072 = arith.index_cast %scan3A_182 : i32 to index
      %swap3A_1073 = arith.constant 1008 : index
      %swap3A_1074 = tpu.vector_load %arg12[%swap3A_1072, %swap3A_1073] {strides = array<i32>} : memref<16x1024xf32, #tpu.memory_space<vmem>>, vector<1x16xf32>,
      %swap3A_1075 = vector.shape_cast %swap3A_1074 : vector<1x16xf32> to vector<16xf32>
      %swap3A_1076 = vector.shape_cast %add3A_1071 : vector<16xf32> to vector<1x16xf32>
      tpu.vector_store %arg12[%swap3A_1072, %swap3A_1073], %swap3A_1076 {strides = array<i32>} : memref<16x1024xf32, #tpu.memory_space<vmem>>, vector<1x16xf32>,
    }
    %scan3A_45 = arith.constant 16 : i32
    %mul3A_46 = arith.constant 64 : i32
    %mul3A_47 = arith.muli %add3A, %mul3A_46 : i32
    %add3A_48 = arith.constant 0 : i32
    %add3A_49 = arith.addi %mul3A_47, %add3A_48 : i32
    %dma_start3A_50 = arith.constant 0 : i32
    %dma_start3A_51 = tpu.memref_slice %arg5[%add3A_49, %dma_start3A_50] : memref<2048x1024xf32, #tpu.memory_space<hbm>> -> memref<16x1024xf32, #tpu.memory_space<hbm>>
    %dma_start3A_52 = arith.constant 0 : i32
    %dma_start3A_53 = tpu.memref_slice %arg5[%add3A_49, %dma_start3A_52] : memref<2048x1024xf32, #tpu.memory_space<hbm>> -> memref<16x1024xf32, #tpu.memory_space<hbm>>
    tpu.enqueue_dma source(%arg12 : memref<16x1024xf32, #tpu.memory_space<vmem>>) target(%dma_start3A_53 : memref<16x1024xf32, #tpu.memory_space<hbm>>) target_semaphore(%arg16 : memref<!tpu.dma_semaphore, #tpu.memory_space<semaphore_mem>>)
    %dma_wait3A_54 = arith.constant 1 : i32
    %dma_wait3A_55 = arith.constant 0 : i32
    %dma_wait3A_56 = tpu.memref_slice %arg6[%dma_wait3A_54, %dma_wait3A_55] : memref<4x16xi32, #tpu.memory_space<vmem>> -> memref<1x16xi32, #tpu.memory_space<vmem>>
    %dma_wait3A_57 = tpu.memref_squeeze %dma_wait3A_56 : memref<1x16xi32, #tpu.memory_space<vmem>> -> memref<16xi32, #tpu.memory_space<vmem>>
    %dma_wait3A_58 = arith.constant 0 : i32
    %dma_wait3A_59 = arith.constant 0 : i32
    %dma_wait3A_60 = tpu.memref_slice %arg2[%dma_wait3A_58, %dma_wait3A_59] : memref<6144x1024xf32, #tpu.memory_space<hbm>> -> memref<6144x1024xf32, #tpu.memory_space<hbm>>
    tpu.wait_indirect_dma semaphore(%arg15 : memref<!tpu.dma_semaphore, #tpu.memory_space<semaphore_mem>>) src(%dma_wait3A_60 : memref<6144x1024xf32, #tpu.memory_space<hbm>>) dst(%arg9 : memref<16x1024xf32, #tpu.memory_space<vmem>>)
    %dma_wait3A_61 = arith.constant 1 : i32
    %dma_wait3A_62 = arith.constant 0 : i32
    %dma_wait3A_63 = tpu.memref_slice %arg7[%dma_wait3A_61, %dma_wait3A_62] : memref<4x16xi32, #tpu.memory_space<vmem>> -> memref<1x16xi32, #tpu.memory_space<vmem>>
    %dma_wait3A_64 = tpu.memref_squeeze %dma_wait3A_63 : memref<1x16xi32, #tpu.memory_space<vmem>> -> memref<16xi32, #tpu.memory_space<vmem>>
    %dma_wait3A_65 = arith.constant 0 : i32
    %dma_wait3A_66 = arith.constant 0 : i32
    %dma_wait3A_67 = tpu.memref_slice %arg2[%dma_wait3A_65, %dma_wait3A_66] : memref<6144x1024xf32, #tpu.memory_space<hbm>> -> memref<6144x1024xf32, #tpu.memory_space<hbm>>
    tpu.wait_indirect_dma semaphore(%arg15 : memref<!tpu.dma_semaphore, #tpu.memory_space<semaphore_mem>>) src(%dma_wait3A_67 : memref<6144x1024xf32, #tpu.memory_space<hbm>>) dst(%arg11 : memref<16x1024xf32, #tpu.memory_space<vmem>>)
    %dma_start3A_68 = arith.constant 2 : i32
    %dma_start3A_69 = arith.constant 0 : i32
    %dma_start3A_70 = tpu.memref_slice %arg6[%dma_start3A_68, %dma_start3A_69] : memref<4x16xi32, #tpu.memory_space<vmem>> -> memref<1x16xi32, #tpu.memory_space<vmem>>
    %dma_start3A_71 = tpu.memref_squeeze %dma_start3A_70 : memref<1x16xi32, #tpu.memory_space<vmem>> -> memref<16xi32, #tpu.memory_space<vmem>>
    %dma_start3A_72 = arith.constant 0 : i32
    %dma_start3A_73 = arith.constant 0 : i32
    %dma_start3A_74 = tpu.memref_slice %arg2[%dma_start3A_72, %dma_start3A_73] : memref<6144x1024xf32, #tpu.memory_space<hbm>> -> memref<6144x1024xf32, #tpu.memory_space<hbm>>
    tpu.enqueue_indirect_dma source(%dma_start3A_74 : memref<6144x1024xf32, #tpu.memory_space<hbm>>) target(%arg8 : memref<16x1024xf32, #tpu.memory_space<vmem>>) offsets(%dma_start3A_71 : memref<16xi32, #tpu.memory_space<vmem>>) semaphore(%arg14 : memref<!tpu.dma_semaphore, #tpu.memory_space<semaphore_mem>>)
    %dma_start3A_75 = arith.constant 2 : i32
    %dma_start3A_76 = arith.constant 0 : i32
    %dma_start3A_77 = tpu.memref_slice %arg7[%dma_start3A_75, %dma_start3A_76] : memref<4x16xi32, #tpu.memory_space<vmem>> -> memref<1x16xi32, #tpu.memory_space<vmem>>
    %dma_start3A_78 = tpu.memref_squeeze %dma_start3A_77 : memref<1x16xi32, #tpu.memory_space<vmem>> -> memref<16xi32, #tpu.memory_space<vmem>>
    %dma_start3A_79 = arith.constant 0 : i32
    %dma_start3A_80 = arith.constant 0 : i32
    %dma_start3A_81 = tpu.memref_slice %arg2[%dma_start3A_79, %dma_start3A_80] : memref<6144x1024xf32, #tpu.memory_space<hbm>> -> memref<6144x1024xf32, #tpu.memory_space<hbm>>
    tpu.enqueue_indirect_dma source(%dma_start3A_81 : memref<6144x1024xf32, #tpu.memory_space<hbm>>) target(%arg10 : memref<16x1024xf32, #tpu.memory_space<vmem>>) offsets(%dma_start3A_78 : memref<16xi32, #tpu.memory_space<vmem>>) semaphore(%arg14 : memref<!tpu.dma_semaphore, #tpu.memory_space<semaphore_mem>>)
    %scan3A_82 = arith.constant 0 : i32
    %scan3A_83 = arith.constant 0 : i32
    %scan3A_84 = arith.constant 16 : i32
    %scan3A_85 = arith.addi %scan3A_83, %scan3A_84 : i32
    %scan3A_86 = arith.constant 1 : i32
    scf.for %scan3A_182 = %scan3A_83 to %scan3A_85 step %scan3A_86  : i32 {
      %get3A = arith.index_cast %scan3A_182 : i32 to index
      %get3A_183 = arith.constant 0 : index
      %get3A_184 = tpu.vector_load %arg9[%get3A, %get3A_183] {strides = array<i32>} : memref<16x1024xf32, #tpu.memory_space<vmem>>, vector<1x16xf32>,
      %get3A_185 = vector.shape_cast %get3A_184 : vector<1x16xf32> to vector<16xf32>
      %get3A_186 = arith.index_cast %scan3A_182 : i32 to index
      %get3A_187 = arith.constant 0 : index
      %get3A_188 = tpu.vector_load %arg11[%get3A_186, %get3A_187] {strides = array<i32>} : memref<16x1024xf32, #tpu.memory_space<vmem>>, vector<1x16xf32>,
      %get3A_189 = vector.shape_cast %get3A_188 : vector<1x16xf32> to vector<16xf32>
      %add3A_190 = arith.addf %get3A_185, %get3A_189 : vector<16xf32>
      %swap3A = arith.index_cast %scan3A_182 : i32 to index
      %swap3A_191 = arith.constant 0 : index
      %swap3A_192 = tpu.vector_load %arg13[%swap3A, %swap3A_191] {strides = array<i32>} : memref<16x1024xf32, #tpu.memory_space<vmem>>, vector<1x16xf32>,
      %swap3A_193 = vector.shape_cast %swap3A_192 : vector<1x16xf32> to vector<16xf32>
      %swap3A_194 = vector.shape_cast %add3A_190 : vector<16xf32> to vector<1x16xf32>
      tpu.vector_store %arg13[%swap3A, %swap3A_191], %swap3A_194 {strides = array<i32>} : memref<16x1024xf32, #tpu.memory_space<vmem>>, vector<1x16xf32>,
      %get3A_195 = arith.index_cast %scan3A_182 : i32 to index
      %get3A_196 = arith.constant 16 : index
      %get3A_197 = tpu.vector_load %arg9[%get3A_195, %get3A_196] {strides = array<i32>} : memref<16x1024xf32, #tpu.memory_space<vmem>>, vector<1x16xf32>,
      %get3A_198 = vector.shape_cast %get3A_197 : vector<1x16xf32> to vector<16xf32>
      %get3A_199 = arith.index_cast %scan3A_182 : i32 to index
      %get3A_200 = arith.constant 16 : index
      %get3A_201 = tpu.vector_load %arg11[%get3A_199, %get3A_200] {strides = array<i32>} : memref<16x1024xf32, #tpu.memory_space<vmem>>, vector<1x16xf32>,
      %get3A_202 = vector.shape_cast %get3A_201 : vector<1x16xf32> to vector<16xf32>
      %add3A_203 = arith.addf %get3A_198, %get3A_202 : vector<16xf32>
      %swap3A_204 = arith.index_cast %scan3A_182 : i32 to index
      %swap3A_205 = arith.constant 16 : index
      %swap3A_206 = tpu.vector_load %arg13[%swap3A_204, %swap3A_205] {strides = array<i32>} : memref<16x1024xf32, #tpu.memory_space<vmem>>, vector<1x16xf32>,
      %swap3A_207 = vector.shape_cast %swap3A_206 : vector<1x16xf32> to vector<16xf32>
      %swap3A_208 = vector.shape_cast %add3A_203 : vector<16xf32> to vector<1x16xf32>
      tpu.vector_store %arg13[%swap3A_204, %swap3A_205], %swap3A_208 {strides = array<i32>} : memref<16x1024xf32, #tpu.memory_space<vmem>>, vector<1x16xf32>,
      %get3A_209 = arith.index_cast %scan3A_182 : i32 to index
      %get3A_210 = arith.constant 32 : index
      %get3A_211 = tpu.vector_load %arg9[%get3A_209, %get3A_210] {strides = array<i32>} : memref<16x1024xf32, #tpu.memory_space<vmem>>, vector<1x16xf32>,
      %get3A_212 = vector.shape_cast %get3A_211 : vector<1x16xf32> to vector<16xf32>
      %get3A_213 = arith.index_cast %scan3A_182 : i32 to index
      %get3A_214 = arith.constant 32 : index
      %get3A_215 = tpu.vector_load %arg11[%get3A_213, %get3A_214] {strides = array<i32>} : memref<16x1024xf32, #tpu.memory_space<vmem>>, vector<1x16xf32>,
      %get3A_216 = vector.shape_cast %get3A_215 : vector<1x16xf32> to vector<16xf32>
      %add3A_217 = arith.addf %get3A_212, %get3A_216 : vector<16xf32>
      %swap3A_218 = arith.index_cast %scan3A_182 : i32 to index
      %swap3A_219 = arith.constant 32 : index
      %swap3A_220 = tpu.vector_load %arg13[%swap3A_218, %swap3A_219] {strides = array<i32>} : memref<16x1024xf32, #tpu.memory_space<vmem>>, vector<1x16xf32>,
      %swap3A_221 = vector.shape_cast %swap3A_220 : vector<1x16xf32> to vector<16xf32>
      %swap3A_222 = vector.shape_cast %add3A_217 : vector<16xf32> to vector<1x16xf32>
      tpu.vector_store %arg13[%swap3A_218, %swap3A_219], %swap3A_222 {strides = array<i32>} : memref<16x1024xf32, #tpu.memory_space<vmem>>, vector<1x16xf32>,
      %get3A_223 = arith.index_cast %scan3A_182 : i32 to index
      %get3A_224 = arith.constant 48 : index
      %get3A_225 = tpu.vector_load %arg9[%get3A_223, %get3A_224] {strides = array<i32>} : memref<16x1024xf32, #tpu.memory_space<vmem>>, vector<1x16xf32>,
      %get3A_226 = vector.shape_cast %get3A_225 : vector<1x16xf32> to vector<16xf32>
      %get3A_227 = arith.index_cast %scan3A_182 : i32 to index
      %get3A_228 = arith.constant 48 : index
      %get3A_229 = tpu.vector_load %arg11[%get3A_227, %get3A_228] {strides = array<i32>} : memref<16x1024xf32, #tpu.memory_space<vmem>>, vector<1x16xf32>,
      %get3A_230 = vector.shape_cast %get3A_229 : vector<1x16xf32> to vector<16xf32>
      %add3A_231 = arith.addf %get3A_226, %get3A_230 : vector<16xf32>
      %swap3A_232 = arith.index_cast %scan3A_182 : i32 to index
      %swap3A_233 = arith.constant 48 : index
      %swap3A_234 = tpu.vector_load %arg13[%swap3A_232, %swap3A_233] {strides = array<i32>} : memref<16x1024xf32, #tpu.memory_space<vmem>>, vector<1x16xf32>,
      %swap3A_235 = vector.shape_cast %swap3A_234 : vector<1x16xf32> to vector<16xf32>
      %swap3A_236 = vector.shape_cast %add3A_231 : vector<16xf32> to vector<1x16xf32>
      tpu.vector_store %arg13[%swap3A_232, %swap3A_233], %swap3A_236 {strides = array<i32>} : memref<16x1024xf32, #tpu.memory_space<vmem>>, vector<1x16xf32>,
      %get3A_237 = arith.index_cast %scan3A_182 : i32 to index
      %get3A_238 = arith.constant 64 : index
      %get3A_239 = tpu.vector_load %arg9[%get3A_237, %get3A_238] {strides = array<i32>} : memref<16x1024xf32, #tpu.memory_space<vmem>>, vector<1x16xf32>,
      %get3A_240 = vector.shape_cast %get3A_239 : vector<1x16xf32> to vector<16xf32>
      %get3A_241 = arith.index_cast %scan3A_182 : i32 to index
      %get3A_242 = arith.constant 64 : index
      %get3A_243 = tpu.vector_load %arg11[%get3A_241, %get3A_242] {strides = array<i32>} : memref<16x1024xf32, #tpu.memory_space<vmem>>, vector<1x16xf32>,
      %get3A_244 = vector.shape_cast %get3A_243 : vector<1x16xf32> to vector<16xf32>
      %add3A_245 = arith.addf %get3A_240, %get3A_244 : vector<16xf32>
      %swap3A_246 = arith.index_cast %scan3A_182 : i32 to index
      %swap3A_247 = arith.constant 64 : index
      %swap3A_248 = tpu.vector_load %arg13[%swap3A_246, %swap3A_247] {strides = array<i32>} : memref<16x1024xf32, #tpu.memory_space<vmem>>, vector<1x16xf32>,
      %swap3A_249 = vector.shape_cast %swap3A_248 : vector<1x16xf32> to vector<16xf32>
      %swap3A_250 = vector.shape_cast %add3A_245 : vector<16xf32> to vector<1x16xf32>
      tpu.vector_store %arg13[%swap3A_246, %swap3A_247], %swap3A_250 {strides = array<i32>} : memref<16x1024xf32, #tpu.memory_space<vmem>>, vector<1x16xf32>,
      %get3A_251 = arith.index_cast %scan3A_182 : i32 to index
      %get3A_252 = arith.constant 80 : index
      %get3A_253 = tpu.vector_load %arg9[%get3A_251, %get3A_252] {strides = array<i32>} : memref<16x1024xf32, #tpu.memory_space<vmem>>, vector<1x16xf32>,
      %get3A_254 = vector.shape_cast %get3A_253 : vector<1x16xf32> to vector<16xf32>
      %get3A_255 = arith.index_cast %scan3A_182 : i32 to index
      %get3A_256 = arith.constant 80 : index
      %get3A_257 = tpu.vector_load %arg11[%get3A_255, %get3A_256] {strides = array<i32>} : memref<16x1024xf32, #tpu.memory_space<vmem>>, vector<1x16xf32>,
      %get3A_258 = vector.shape_cast %get3A_257 : vector<1x16xf32> to vector<16xf32>
      %add3A_259 = arith.addf %get3A_254, %get3A_258 : vector<16xf32>
      %swap3A_260 = arith.index_cast %scan3A_182 : i32 to index
      %swap3A_261 = arith.constant 80 : index
      %swap3A_262 = tpu.vector_load %arg13[%swap3A_260, %swap3A_261] {strides = array<i32>} : memref<16x1024xf32, #tpu.memory_space<vmem>>, vector<1x16xf32>,
      %swap3A_263 = vector.shape_cast %swap3A_262 : vector<1x16xf32> to vector<16xf32>
      %swap3A_264 = vector.shape_cast %add3A_259 : vector<16xf32> to vector<1x16xf32>
      tpu.vector_store %arg13[%swap3A_260, %swap3A_261], %swap3A_264 {strides = array<i32>} : memref<16x1024xf32, #tpu.memory_space<vmem>>, vector<1x16xf32>,
      %get3A_265 = arith.index_cast %scan3A_182 : i32 to index
      %get3A_266 = arith.constant 96 : index
      %get3A_267 = tpu.vector_load %arg9[%get3A_265, %get3A_266] {strides = array<i32>} : memref<16x1024xf32, #tpu.memory_space<vmem>>, vector<1x16xf32>,
      %get3A_268 = vector.shape_cast %get3A_267 : vector<1x16xf32> to vector<16xf32>
      %get3A_269 = arith.index_cast %scan3A_182 : i32 to index
      %get3A_270 = arith.constant 96 : index
      %get3A_271 = tpu.vector_load %arg11[%get3A_269, %get3A_270] {strides = array<i32>} : memref<16x1024xf32, #tpu.memory_space<vmem>>, vector<1x16xf32>,
      %get3A_272 = vector.shape_cast %get3A_271 : vector<1x16xf32> to vector<16xf32>
      %add3A_273 = arith.addf %get3A_268, %get3A_272 : vector<16xf32>
      %swap3A_274 = arith.index_cast %scan3A_182 : i32 to index
      %swap3A_275 = arith.constant 96 : index
      %swap3A_276 = tpu.vector_load %arg13[%swap3A_274, %swap3A_275] {strides = array<i32>} : memref<16x1024xf32, #tpu.memory_space<vmem>>, vector<1x16xf32>,
      %swap3A_277 = vector.shape_cast %swap3A_276 : vector<1x16xf32> to vector<16xf32>
      %swap3A_278 = vector.shape_cast %add3A_273 : vector<16xf32> to vector<1x16xf32>
      tpu.vector_store %arg13[%swap3A_274, %swap3A_275], %swap3A_278 {strides = array<i32>} : memref<16x1024xf32, #tpu.memory_space<vmem>>, vector<1x16xf32>,
      %get3A_279 = arith.index_cast %scan3A_182 : i32 to index
      %get3A_280 = arith.constant 112 : index
      %get3A_281 = tpu.vector_load %arg9[%get3A_279, %get3A_280] {strides = array<i32>} : memref<16x1024xf32, #tpu.memory_space<vmem>>, vector<1x16xf32>,
      %get3A_282 = vector.shape_cast %get3A_281 : vector<1x16xf32> to vector<16xf32>
      %get3A_283 = arith.index_cast %scan3A_182 : i32 to index
      %get3A_284 = arith.constant 112 : index
      %get3A_285 = tpu.vector_load %arg11[%get3A_283, %get3A_284] {strides = array<i32>} : memref<16x1024xf32, #tpu.memory_space<vmem>>, vector<1x16xf32>,
      %get3A_286 = vector.shape_cast %get3A_285 : vector<1x16xf32> to vector<16xf32>
      %add3A_287 = arith.addf %get3A_282, %get3A_286 : vector<16xf32>
      %swap3A_288 = arith.index_cast %scan3A_182 : i32 to index
      %swap3A_289 = arith.constant 112 : index
      %swap3A_290 = tpu.vector_load %arg13[%swap3A_288, %swap3A_289] {strides = array<i32>} : memref<16x1024xf32, #tpu.memory_space<vmem>>, vector<1x16xf32>,
      %swap3A_291 = vector.shape_cast %swap3A_290 : vector<1x16xf32> to vector<16xf32>
      %swap3A_292 = vector.shape_cast %add3A_287 : vector<16xf32> to vector<1x16xf32>
      tpu.vector_store %arg13[%swap3A_288, %swap3A_289], %swap3A_292 {strides = array<i32>} : memref<16x1024xf32, #tpu.memory_space<vmem>>, vector<1x16xf32>,
      %get3A_293 = arith.index_cast %scan3A_182 : i32 to index
      %get3A_294 = arith.constant 128 : index
      %get3A_295 = tpu.vector_load %arg9[%get3A_293, %get3A_294] {strides = array<i32>} : memref<16x1024xf32, #tpu.memory_space<vmem>>, vector<1x16xf32>,
      %get3A_296 = vector.shape_cast %get3A_295 : vector<1x16xf32> to vector<16xf32>
      %get3A_297 = arith.index_cast %scan3A_182 : i32 to index
      %get3A_298 = arith.constant 128 : index
      %get3A_299 = tpu.vector_load %arg11[%get3A_297, %get3A_298] {strides = array<i32>} : memref<16x1024xf32, #tpu.memory_space<vmem>>, vector<1x16xf32>,
      %get3A_300 = vector.shape_cast %get3A_299 : vector<1x16xf32> to vector<16xf32>
      %add3A_301 = arith.addf %get3A_296, %get3A_300 : vector<16xf32>
      %swap3A_302 = arith.index_cast %scan3A_182 : i32 to index
      %swap3A_303 = arith.constant 128 : index
      %swap3A_304 = tpu.vector_load %arg13[%swap3A_302, %swap3A_303] {strides = array<i32>} : memref<16x1024xf32, #tpu.memory_space<vmem>>, vector<1x16xf32>,
      %swap3A_305 = vector.shape_cast %swap3A_304 : vector<1x16xf32> to vector<16xf32>
      %swap3A_306 = vector.shape_cast %add3A_301 : vector<16xf32> to vector<1x16xf32>
      tpu.vector_store %arg13[%swap3A_302, %swap3A_303], %swap3A_306 {strides = array<i32>} : memref<16x1024xf32, #tpu.memory_space<vmem>>, vector<1x16xf32>,
      %get3A_307 = arith.index_cast %scan3A_182 : i32 to index
      %get3A_308 = arith.constant 144 : index
      %get3A_309 = tpu.vector_load %arg9[%get3A_307, %get3A_308] {strides = array<i32>} : memref<16x1024xf32, #tpu.memory_space<vmem>>, vector<1x16xf32>,
      %get3A_310 = vector.shape_cast %get3A_309 : vector<1x16xf32> to vector<16xf32>
      %get3A_311 = arith.index_cast %scan3A_182 : i32 to index
      %get3A_312 = arith.constant 144 : index
      %get3A_313 = tpu.vector_load %arg11[%get3A_311, %get3A_312] {strides = array<i32>} : memref<16x1024xf32, #tpu.memory_space<vmem>>, vector<1x16xf32>,
      %get3A_314 = vector.shape_cast %get3A_313 : vector<1x16xf32> to vector<16xf32>
      %add3A_315 = arith.addf %get3A_310, %get3A_314 : vector<16xf32>
      %swap3A_316 = arith.index_cast %scan3A_182 : i32 to index
      %swap3A_317 = arith.constant 144 : index
      %swap3A_318 = tpu.vector_load %arg13[%swap3A_316, %swap3A_317] {strides = array<i32>} : memref<16x1024xf32, #tpu.memory_space<vmem>>, vector<1x16xf32>,
      %swap3A_319 = vector.shape_cast %swap3A_318 : vector<1x16xf32> to vector<16xf32>
      %swap3A_320 = vector.shape_cast %add3A_315 : vector<16xf32> to vector<1x16xf32>
      tpu.vector_store %arg13[%swap3A_316, %swap3A_317], %swap3A_320 {strides = array<i32>} : memref<16x1024xf32, #tpu.memory_space<vmem>>, vector<1x16xf32>,
      %get3A_321 = arith.index_cast %scan3A_182 : i32 to index
      %get3A_322 = arith.constant 160 : index
      %get3A_323 = tpu.vector_load %arg9[%get3A_321, %get3A_322] {strides = array<i32>} : memref<16x1024xf32, #tpu.memory_space<vmem>>, vector<1x16xf32>,
      %get3A_324 = vector.shape_cast %get3A_323 : vector<1x16xf32> to vector<16xf32>
      %get3A_325 = arith.index_cast %scan3A_182 : i32 to index
      %get3A_326 = arith.constant 160 : index
      %get3A_327 = tpu.vector_load %arg11[%get3A_325, %get3A_326] {strides = array<i32>} : memref<16x1024xf32, #tpu.memory_space<vmem>>, vector<1x16xf32>,
      %get3A_328 = vector.shape_cast %get3A_327 : vector<1x16xf32> to vector<16xf32>
      %add3A_329 = arith.addf %get3A_324, %get3A_328 : vector<16xf32>
      %swap3A_330 = arith.index_cast %scan3A_182 : i32 to index
      %swap3A_331 = arith.constant 160 : index
      %swap3A_332 = tpu.vector_load %arg13[%swap3A_330, %swap3A_331] {strides = array<i32>} : memref<16x1024xf32, #tpu.memory_space<vmem>>, vector<1x16xf32>,
      %swap3A_333 = vector.shape_cast %swap3A_332 : vector<1x16xf32> to vector<16xf32>
      %swap3A_334 = vector.shape_cast %add3A_329 : vector<16xf32> to vector<1x16xf32>
      tpu.vector_store %arg13[%swap3A_330, %swap3A_331], %swap3A_334 {strides = array<i32>} : memref<16x1024xf32, #tpu.memory_space<vmem>>, vector<1x16xf32>,
      %get3A_335 = arith.index_cast %scan3A_182 : i32 to index
      %get3A_336 = arith.constant 176 : index
      %get3A_337 = tpu.vector_load %arg9[%get3A_335, %get3A_336] {strides = array<i32>} : memref<16x1024xf32, #tpu.memory_space<vmem>>, vector<1x16xf32>,
      %get3A_338 = vector.shape_cast %get3A_337 : vector<1x16xf32> to vector<16xf32>
      %get3A_339 = arith.index_cast %scan3A_182 : i32 to index
      %get3A_340 = arith.constant 176 : index
      %get3A_341 = tpu.vector_load %arg11[%get3A_339, %get3A_340] {strides = array<i32>} : memref<16x1024xf32, #tpu.memory_space<vmem>>, vector<1x16xf32>,
      %get3A_342 = vector.shape_cast %get3A_341 : vector<1x16xf32> to vector<16xf32>
      %add3A_343 = arith.addf %get3A_338, %get3A_342 : vector<16xf32>
      %swap3A_344 = arith.index_cast %scan3A_182 : i32 to index
      %swap3A_345 = arith.constant 176 : index
      %swap3A_346 = tpu.vector_load %arg13[%swap3A_344, %swap3A_345] {strides = array<i32>} : memref<16x1024xf32, #tpu.memory_space<vmem>>, vector<1x16xf32>,
      %swap3A_347 = vector.shape_cast %swap3A_346 : vector<1x16xf32> to vector<16xf32>
      %swap3A_348 = vector.shape_cast %add3A_343 : vector<16xf32> to vector<1x16xf32>
      tpu.vector_store %arg13[%swap3A_344, %swap3A_345], %swap3A_348 {strides = array<i32>} : memref<16x1024xf32, #tpu.memory_space<vmem>>, vector<1x16xf32>,
      %get3A_349 = arith.index_cast %scan3A_182 : i32 to index
      %get3A_350 = arith.constant 192 : index
      %get3A_351 = tpu.vector_load %arg9[%get3A_349, %get3A_350] {strides = array<i32>} : memref<16x1024xf32, #tpu.memory_space<vmem>>, vector<1x16xf32>,
      %get3A_352 = vector.shape_cast %get3A_351 : vector<1x16xf32> to vector<16xf32>
      %get3A_353 = arith.index_cast %scan3A_182 : i32 to index
      %get3A_354 = arith.constant 192 : index
      %get3A_355 = tpu.vector_load %arg11[%get3A_353, %get3A_354] {strides = array<i32>} : memref<16x1024xf32, #tpu.memory_space<vmem>>, vector<1x16xf32>,
      %get3A_356 = vector.shape_cast %get3A_355 : vector<1x16xf32> to vector<16xf32>
      %add3A_357 = arith.addf %get3A_352, %get3A_356 : vector<16xf32>
      %swap3A_358 = arith.index_cast %scan3A_182 : i32 to index
      %swap3A_359 = arith.constant 192 : index
      %swap3A_360 = tpu.vector_load %arg13[%swap3A_358, %swap3A_359] {strides = array<i32>} : memref<16x1024xf32, #tpu.memory_space<vmem>>, vector<1x16xf32>,
      %swap3A_361 = vector.shape_cast %swap3A_360 : vector<1x16xf32> to vector<16xf32>
      %swap3A_362 = vector.shape_cast %add3A_357 : vector<16xf32> to vector<1x16xf32>
      tpu.vector_store %arg13[%swap3A_358, %swap3A_359], %swap3A_362 {strides = array<i32>} : memref<16x1024xf32, #tpu.memory_space<vmem>>, vector<1x16xf32>,
      %get3A_363 = arith.index_cast %scan3A_182 : i32 to index
      %get3A_364 = arith.constant 208 : index
      %get3A_365 = tpu.vector_load %arg9[%get3A_363, %get3A_364] {strides = array<i32>} : memref<16x1024xf32, #tpu.memory_space<vmem>>, vector<1x16xf32>,
      %get3A_366 = vector.shape_cast %get3A_365 : vector<1x16xf32> to vector<16xf32>
      %get3A_367 = arith.index_cast %scan3A_182 : i32 to index
      %get3A_368 = arith.constant 208 : index
      %get3A_369 = tpu.vector_load %arg11[%get3A_367, %get3A_368] {strides = array<i32>} : memref<16x1024xf32, #tpu.memory_space<vmem>>, vector<1x16xf32>,
      %get3A_370 = vector.shape_cast %get3A_369 : vector<1x16xf32> to vector<16xf32>
      %add3A_371 = arith.addf %get3A_366, %get3A_370 : vector<16xf32>
      %swap3A_372 = arith.index_cast %scan3A_182 : i32 to index
      %swap3A_373 = arith.constant 208 : index
      %swap3A_374 = tpu.vector_load %arg13[%swap3A_372, %swap3A_373] {strides = array<i32>} : memref<16x1024xf32, #tpu.memory_space<vmem>>, vector<1x16xf32>,
      %swap3A_375 = vector.shape_cast %swap3A_374 : vector<1x16xf32> to vector<16xf32>
      %swap3A_376 = vector.shape_cast %add3A_371 : vector<16xf32> to vector<1x16xf32>
      tpu.vector_store %arg13[%swap3A_372, %swap3A_373], %swap3A_376 {strides = array<i32>} : memref<16x1024xf32, #tpu.memory_space<vmem>>, vector<1x16xf32>,
      %get3A_377 = arith.index_cast %scan3A_182 : i32 to index
      %get3A_378 = arith.constant 224 : index
      %get3A_379 = tpu.vector_load %arg9[%get3A_377, %get3A_378] {strides = array<i32>} : memref<16x1024xf32, #tpu.memory_space<vmem>>, vector<1x16xf32>,
      %get3A_380 = vector.shape_cast %get3A_379 : vector<1x16xf32> to vector<16xf32>
      %get3A_381 = arith.index_cast %scan3A_182 : i32 to index
      %get3A_382 = arith.constant 224 : index
      %get3A_383 = tpu.vector_load %arg11[%get3A_381, %get3A_382] {strides = array<i32>} : memref<16x1024xf32, #tpu.memory_space<vmem>>, vector<1x16xf32>,
      %get3A_384 = vector.shape_cast %get3A_383 : vector<1x16xf32> to vector<16xf32>
      %add3A_385 = arith.addf %get3A_380, %get3A_384 : vector<16xf32>
      %swap3A_386 = arith.index_cast %scan3A_182 : i32 to index
      %swap3A_387 = arith.constant 224 : index
      %swap3A_388 = tpu.vector_load %arg13[%swap3A_386, %swap3A_387] {strides = array<i32>} : memref<16x1024xf32, #tpu.memory_space<vmem>>, vector<1x16xf32>,
      %swap3A_389 = vector.shape_cast %swap3A_388 : vector<1x16xf32> to vector<16xf32>
      %swap3A_390 = vector.shape_cast %add3A_385 : vector<16xf32> to vector<1x16xf32>
      tpu.vector_store %arg13[%swap3A_386, %swap3A_387], %swap3A_390 {strides = array<i32>} : memref<16x1024xf32, #tpu.memory_space<vmem>>, vector<1x16xf32>,
      %get3A_391 = arith.index_cast %scan3A_182 : i32 to index
      %get3A_392 = arith.constant 240 : index
      %get3A_393 = tpu.vector_load %arg9[%get3A_391, %get3A_392] {strides = array<i32>} : memref<16x1024xf32, #tpu.memory_space<vmem>>, vector<1x16xf32>,
      %get3A_394 = vector.shape_cast %get3A_393 : vector<1x16xf32> to vector<16xf32>
      %get3A_395 = arith.index_cast %scan3A_182 : i32 to index
      %get3A_396 = arith.constant 240 : index
      %get3A_397 = tpu.vector_load %arg11[%get3A_395, %get3A_396] {strides = array<i32>} : memref<16x1024xf32, #tpu.memory_space<vmem>>, vector<1x16xf32>,
      %get3A_398 = vector.shape_cast %get3A_397 : vector<1x16xf32> to vector<16xf32>
      %add3A_399 = arith.addf %get3A_394, %get3A_398 : vector<16xf32>
      %swap3A_400 = arith.index_cast %scan3A_182 : i32 to index
      %swap3A_401 = arith.constant 240 : index
      %swap3A_402 = tpu.vector_load %arg13[%swap3A_400, %swap3A_401] {strides = array<i32>} : memref<16x1024xf32, #tpu.memory_space<vmem>>, vector<1x16xf32>,
      %swap3A_403 = vector.shape_cast %swap3A_402 : vector<1x16xf32> to vector<16xf32>
      %swap3A_404 = vector.shape_cast %add3A_399 : vector<16xf32> to vector<1x16xf32>
      tpu.vector_store %arg13[%swap3A_400, %swap3A_401], %swap3A_404 {strides = array<i32>} : memref<16x1024xf32, #tpu.memory_space<vmem>>, vector<1x16xf32>,
      %get3A_405 = arith.index_cast %scan3A_182 : i32 to index
      %get3A_406 = arith.constant 256 : index
      %get3A_407 = tpu.vector_load %arg9[%get3A_405, %get3A_406] {strides = array<i32>} : memref<16x1024xf32, #tpu.memory_space<vmem>>, vector<1x16xf32>,
      %get3A_408 = vector.shape_cast %get3A_407 : vector<1x16xf32> to vector<16xf32>
      %get3A_409 = arith.index_cast %scan3A_182 : i32 to index
      %get3A_410 = arith.constant 256 : index
      %get3A_411 = tpu.vector_load %arg11[%get3A_409, %get3A_410] {strides = array<i32>} : memref<16x1024xf32, #tpu.memory_space<vmem>>, vector<1x16xf32>,
      %get3A_412 = vector.shape_cast %get3A_411 : vector<1x16xf32> to vector<16xf32>
      %add3A_413 = arith.addf %get3A_408, %get3A_412 : vector<16xf32>
      %swap3A_414 = arith.index_cast %scan3A_182 : i32 to index
      %swap3A_415 = arith.constant 256 : index
      %swap3A_416 = tpu.vector_load %arg13[%swap3A_414, %swap3A_415] {strides = array<i32>} : memref<16x1024xf32, #tpu.memory_space<vmem>>, vector<1x16xf32>,
      %swap3A_417 = vector.shape_cast %swap3A_416 : vector<1x16xf32> to vector<16xf32>
      %swap3A_418 = vector.shape_cast %add3A_413 : vector<16xf32> to vector<1x16xf32>
      tpu.vector_store %arg13[%swap3A_414, %swap3A_415], %swap3A_418 {strides = array<i32>} : memref<16x1024xf32, #tpu.memory_space<vmem>>, vector<1x16xf32>,
      %get3A_419 = arith.index_cast %scan3A_182 : i32 to index
      %get3A_420 = arith.constant 272 : index
      %get3A_421 = tpu.vector_load %arg9[%get3A_419, %get3A_420] {strides = array<i32>} : memref<16x1024xf32, #tpu.memory_space<vmem>>, vector<1x16xf32>,
      %get3A_422 = vector.shape_cast %get3A_421 : vector<1x16xf32> to vector<16xf32>
      %get3A_423 = arith.index_cast %scan3A_182 : i32 to index
      %get3A_424 = arith.constant 272 : index
      %get3A_425 = tpu.vector_load %arg11[%get3A_423, %get3A_424] {strides = array<i32>} : memref<16x1024xf32, #tpu.memory_space<vmem>>, vector<1x16xf32>,
      %get3A_426 = vector.shape_cast %get3A_425 : vector<1x16xf32> to vector<16xf32>
      %add3A_427 = arith.addf %get3A_422, %get3A_426 : vector<16xf32>
      %swap3A_428 = arith.index_cast %scan3A_182 : i32 to index
      %swap3A_429 = arith.constant 272 : index
      %swap3A_430 = tpu.vector_load %arg13[%swap3A_428, %swap3A_429] {strides = array<i32>} : memref<16x1024xf32, #tpu.memory_space<vmem>>, vector<1x16xf32>,
      %swap3A_431 = vector.shape_cast %swap3A_430 : vector<1x16xf32> to vector<16xf32>
      %swap3A_432 = vector.shape_cast %add3A_427 : vector<16xf32> to vector<1x16xf32>
      tpu.vector_store %arg13[%swap3A_428, %swap3A_429], %swap3A_432 {strides = array<i32>} : memref<16x1024xf32, #tpu.memory_space<vmem>>, vector<1x16xf32>,
      %get3A_433 = arith.index_cast %scan3A_182 : i32 to index
      %get3A_434 = arith.constant 288 : index
      %get3A_435 = tpu.vector_load %arg9[%get3A_433, %get3A_434] {strides = array<i32>} : memref<16x1024xf32, #tpu.memory_space<vmem>>, vector<1x16xf32>,
      %get3A_436 = vector.shape_cast %get3A_435 : vector<1x16xf32> to vector<16xf32>
      %get3A_437 = arith.index_cast %scan3A_182 : i32 to index
      %get3A_438 = arith.constant 288 : index
      %get3A_439 = tpu.vector_load %arg11[%get3A_437, %get3A_438] {strides = array<i32>} : memref<16x1024xf32, #tpu.memory_space<vmem>>, vector<1x16xf32>,
      %get3A_440 = vector.shape_cast %get3A_439 : vector<1x16xf32> to vector<16xf32>
      %add3A_441 = arith.addf %get3A_436, %get3A_440 : vector<16xf32>
      %swap3A_442 = arith.index_cast %scan3A_182 : i32 to index
      %swap3A_443 = arith.constant 288 : index
      %swap3A_444 = tpu.vector_load %arg13[%swap3A_442, %swap3A_443] {strides = array<i32>} : memref<16x1024xf32, #tpu.memory_space<vmem>>, vector<1x16xf32>,
      %swap3A_445 = vector.shape_cast %swap3A_444 : vector<1x16xf32> to vector<16xf32>
      %swap3A_446 = vector.shape_cast %add3A_441 : vector<16xf32> to vector<1x16xf32>
      tpu.vector_store %arg13[%swap3A_442, %swap3A_443], %swap3A_446 {strides = array<i32>} : memref<16x1024xf32, #tpu.memory_space<vmem>>, vector<1x16xf32>,
      %get3A_447 = arith.index_cast %scan3A_182 : i32 to index
      %get3A_448 = arith.constant 304 : index
      %get3A_449 = tpu.vector_load %arg9[%get3A_447, %get3A_448] {strides = array<i32>} : memref<16x1024xf32, #tpu.memory_space<vmem>>, vector<1x16xf32>,
      %get3A_450 = vector.shape_cast %get3A_449 : vector<1x16xf32> to vector<16xf32>
      %get3A_451 = arith.index_cast %scan3A_182 : i32 to index
      %get3A_452 = arith.constant 304 : index
      %get3A_453 = tpu.vector_load %arg11[%get3A_451, %get3A_452] {strides = array<i32>} : memref<16x1024xf32, #tpu.memory_space<vmem>>, vector<1x16xf32>,
      %get3A_454 = vector.shape_cast %get3A_453 : vector<1x16xf32> to vector<16xf32>
      %add3A_455 = arith.addf %get3A_450, %get3A_454 : vector<16xf32>
      %swap3A_456 = arith.index_cast %scan3A_182 : i32 to index
      %swap3A_457 = arith.constant 304 : index
      %swap3A_458 = tpu.vector_load %arg13[%swap3A_456, %swap3A_457] {strides = array<i32>} : memref<16x1024xf32, #tpu.memory_space<vmem>>, vector<1x16xf32>,
      %swap3A_459 = vector.shape_cast %swap3A_458 : vector<1x16xf32> to vector<16xf32>
      %swap3A_460 = vector.shape_cast %add3A_455 : vector<16xf32> to vector<1x16xf32>
      tpu.vector_store %arg13[%swap3A_456, %swap3A_457], %swap3A_460 {strides = array<i32>} : memref<16x1024xf32, #tpu.memory_space<vmem>>, vector<1x16xf32>,
      %get3A_461 = arith.index_cast %scan3A_182 : i32 to index
      %get3A_462 = arith.constant 320 : index
      %get3A_463 = tpu.vector_load %arg9[%get3A_461, %get3A_462] {strides = array<i32>} : memref<16x1024xf32, #tpu.memory_space<vmem>>, vector<1x16xf32>,
      %get3A_464 = vector.shape_cast %get3A_463 : vector<1x16xf32> to vector<16xf32>
      %get3A_465 = arith.index_cast %scan3A_182 : i32 to index
      %get3A_466 = arith.constant 320 : index
      %get3A_467 = tpu.vector_load %arg11[%get3A_465, %get3A_466] {strides = array<i32>} : memref<16x1024xf32, #tpu.memory_space<vmem>>, vector<1x16xf32>,
      %get3A_468 = vector.shape_cast %get3A_467 : vector<1x16xf32> to vector<16xf32>
      %add3A_469 = arith.addf %get3A_464, %get3A_468 : vector<16xf32>
      %swap3A_470 = arith.index_cast %scan3A_182 : i32 to index
      %swap3A_471 = arith.constant 320 : index
      %swap3A_472 = tpu.vector_load %arg13[%swap3A_470, %swap3A_471] {strides = array<i32>} : memref<16x1024xf32, #tpu.memory_space<vmem>>, vector<1x16xf32>,
      %swap3A_473 = vector.shape_cast %swap3A_472 : vector<1x16xf32> to vector<16xf32>
      %swap3A_474 = vector.shape_cast %add3A_469 : vector<16xf32> to vector<1x16xf32>
      tpu.vector_store %arg13[%swap3A_470, %swap3A_471], %swap3A_474 {strides = array<i32>} : memref<16x1024xf32, #tpu.memory_space<vmem>>, vector<1x16xf32>,
      %get3A_475 = arith.index_cast %scan3A_182 : i32 to index
      %get3A_476 = arith.constant 336 : index
      %get3A_477 = tpu.vector_load %arg9[%get3A_475, %get3A_476] {strides = array<i32>} : memref<16x1024xf32, #tpu.memory_space<vmem>>, vector<1x16xf32>,
      %get3A_478 = vector.shape_cast %get3A_477 : vector<1x16xf32> to vector<16xf32>
      %get3A_479 = arith.index_cast %scan3A_182 : i32 to index
      %get3A_480 = arith.constant 336 : index
      %get3A_481 = tpu.vector_load %arg11[%get3A_479, %get3A_480] {strides = array<i32>} : memref<16x1024xf32, #tpu.memory_space<vmem>>, vector<1x16xf32>,
      %get3A_482 = vector.shape_cast %get3A_481 : vector<1x16xf32> to vector<16xf32>
      %add3A_483 = arith.addf %get3A_478, %get3A_482 : vector<16xf32>
      %swap3A_484 = arith.index_cast %scan3A_182 : i32 to index
      %swap3A_485 = arith.constant 336 : index
      %swap3A_486 = tpu.vector_load %arg13[%swap3A_484, %swap3A_485] {strides = array<i32>} : memref<16x1024xf32, #tpu.memory_space<vmem>>, vector<1x16xf32>,
      %swap3A_487 = vector.shape_cast %swap3A_486 : vector<1x16xf32> to vector<16xf32>
      %swap3A_488 = vector.shape_cast %add3A_483 : vector<16xf32> to vector<1x16xf32>
      tpu.vector_store %arg13[%swap3A_484, %swap3A_485], %swap3A_488 {strides = array<i32>} : memref<16x1024xf32, #tpu.memory_space<vmem>>, vector<1x16xf32>,
      %get3A_489 = arith.index_cast %scan3A_182 : i32 to index
      %get3A_490 = arith.constant 352 : index
      %get3A_491 = tpu.vector_load %arg9[%get3A_489, %get3A_490] {strides = array<i32>} : memref<16x1024xf32, #tpu.memory_space<vmem>>, vector<1x16xf32>,
      %get3A_492 = vector.shape_cast %get3A_491 : vector<1x16xf32> to vector<16xf32>
      %get3A_493 = arith.index_cast %scan3A_182 : i32 to index
      %get3A_494 = arith.constant 352 : index
      %get3A_495 = tpu.vector_load %arg11[%get3A_493, %get3A_494] {strides = array<i32>} : memref<16x1024xf32, #tpu.memory_space<vmem>>, vector<1x16xf32>,
      %get3A_496 = vector.shape_cast %get3A_495 : vector<1x16xf32> to vector<16xf32>
      %add3A_497 = arith.addf %get3A_492, %get3A_496 : vector<16xf32>
      %swap3A_498 = arith.index_cast %scan3A_182 : i32 to index
      %swap3A_499 = arith.constant 352 : index
      %swap3A_500 = tpu.vector_load %arg13[%swap3A_498, %swap3A_499] {strides = array<i32>} : memref<16x1024xf32, #tpu.memory_space<vmem>>, vector<1x16xf32>,
      %swap3A_501 = vector.shape_cast %swap3A_500 : vector<1x16xf32> to vector<16xf32>
      %swap3A_502 = vector.shape_cast %add3A_497 : vector<16xf32> to vector<1x16xf32>
      tpu.vector_store %arg13[%swap3A_498, %swap3A_499], %swap3A_502 {strides = array<i32>} : memref<16x1024xf32, #tpu.memory_space<vmem>>, vector<1x16xf32>,
      %get3A_503 = arith.index_cast %scan3A_182 : i32 to index
      %get3A_504 = arith.constant 368 : index
      %get3A_505 = tpu.vector_load %arg9[%get3A_503, %get3A_504] {strides = array<i32>} : memref<16x1024xf32, #tpu.memory_space<vmem>>, vector<1x16xf32>,
      %get3A_506 = vector.shape_cast %get3A_505 : vector<1x16xf32> to vector<16xf32>
      %get3A_507 = arith.index_cast %scan3A_182 : i32 to index
      %get3A_508 = arith.constant 368 : index
      %get3A_509 = tpu.vector_load %arg11[%get3A_507, %get3A_508] {strides = array<i32>} : memref<16x1024xf32, #tpu.memory_space<vmem>>, vector<1x16xf32>,
      %get3A_510 = vector.shape_cast %get3A_509 : vector<1x16xf32> to vector<16xf32>
      %add3A_511 = arith.addf %get3A_506, %get3A_510 : vector<16xf32>
      %swap3A_512 = arith.index_cast %scan3A_182 : i32 to index
      %swap3A_513 = arith.constant 368 : index
      %swap3A_514 = tpu.vector_load %arg13[%swap3A_512, %swap3A_513] {strides = array<i32>} : memref<16x1024xf32, #tpu.memory_space<vmem>>, vector<1x16xf32>,
      %swap3A_515 = vector.shape_cast %swap3A_514 : vector<1x16xf32> to vector<16xf32>
      %swap3A_516 = vector.shape_cast %add3A_511 : vector<16xf32> to vector<1x16xf32>
      tpu.vector_store %arg13[%swap3A_512, %swap3A_513], %swap3A_516 {strides = array<i32>} : memref<16x1024xf32, #tpu.memory_space<vmem>>, vector<1x16xf32>,
      %get3A_517 = arith.index_cast %scan3A_182 : i32 to index
      %get3A_518 = arith.constant 384 : index
      %get3A_519 = tpu.vector_load %arg9[%get3A_517, %get3A_518] {strides = array<i32>} : memref<16x1024xf32, #tpu.memory_space<vmem>>, vector<1x16xf32>,
      %get3A_520 = vector.shape_cast %get3A_519 : vector<1x16xf32> to vector<16xf32>
      %get3A_521 = arith.index_cast %scan3A_182 : i32 to index
      %get3A_522 = arith.constant 384 : index
      %get3A_523 = tpu.vector_load %arg11[%get3A_521, %get3A_522] {strides = array<i32>} : memref<16x1024xf32, #tpu.memory_space<vmem>>, vector<1x16xf32>,
      %get3A_524 = vector.shape_cast %get3A_523 : vector<1x16xf32> to vector<16xf32>
      %add3A_525 = arith.addf %get3A_520, %get3A_524 : vector<16xf32>
      %swap3A_526 = arith.index_cast %scan3A_182 : i32 to index
      %swap3A_527 = arith.constant 384 : index
      %swap3A_528 = tpu.vector_load %arg13[%swap3A_526, %swap3A_527] {strides = array<i32>} : memref<16x1024xf32, #tpu.memory_space<vmem>>, vector<1x16xf32>,
      %swap3A_529 = vector.shape_cast %swap3A_528 : vector<1x16xf32> to vector<16xf32>
      %swap3A_530 = vector.shape_cast %add3A_525 : vector<16xf32> to vector<1x16xf32>
      tpu.vector_store %arg13[%swap3A_526, %swap3A_527], %swap3A_530 {strides = array<i32>} : memref<16x1024xf32, #tpu.memory_space<vmem>>, vector<1x16xf32>,
      %get3A_531 = arith.index_cast %scan3A_182 : i32 to index
      %get3A_532 = arith.constant 400 : index
      %get3A_533 = tpu.vector_load %arg9[%get3A_531, %get3A_532] {strides = array<i32>} : memref<16x1024xf32, #tpu.memory_space<vmem>>, vector<1x16xf32>,
      %get3A_534 = vector.shape_cast %get3A_533 : vector<1x16xf32> to vector<16xf32>
      %get3A_535 = arith.index_cast %scan3A_182 : i32 to index
      %get3A_536 = arith.constant 400 : index
      %get3A_537 = tpu.vector_load %arg11[%get3A_535, %get3A_536] {strides = array<i32>} : memref<16x1024xf32, #tpu.memory_space<vmem>>, vector<1x16xf32>,
      %get3A_538 = vector.shape_cast %get3A_537 : vector<1x16xf32> to vector<16xf32>
      %add3A_539 = arith.addf %get3A_534, %get3A_538 : vector<16xf32>
      %swap3A_540 = arith.index_cast %scan3A_182 : i32 to index
      %swap3A_541 = arith.constant 400 : index
      %swap3A_542 = tpu.vector_load %arg13[%swap3A_540, %swap3A_541] {strides = array<i32>} : memref<16x1024xf32, #tpu.memory_space<vmem>>, vector<1x16xf32>,
      %swap3A_543 = vector.shape_cast %swap3A_542 : vector<1x16xf32> to vector<16xf32>
      %swap3A_544 = vector.shape_cast %add3A_539 : vector<16xf32> to vector<1x16xf32>
      tpu.vector_store %arg13[%swap3A_540, %swap3A_541], %swap3A_544 {strides = array<i32>} : memref<16x1024xf32, #tpu.memory_space<vmem>>, vector<1x16xf32>,
      %get3A_545 = arith.index_cast %scan3A_182 : i32 to index
      %get3A_546 = arith.constant 416 : index
      %get3A_547 = tpu.vector_load %arg9[%get3A_545, %get3A_546] {strides = array<i32>} : memref<16x1024xf32, #tpu.memory_space<vmem>>, vector<1x16xf32>,
      %get3A_548 = vector.shape_cast %get3A_547 : vector<1x16xf32> to vector<16xf32>
      %get3A_549 = arith.index_cast %scan3A_182 : i32 to index
      %get3A_550 = arith.constant 416 : index
      %get3A_551 = tpu.vector_load %arg11[%get3A_549, %get3A_550] {strides = array<i32>} : memref<16x1024xf32, #tpu.memory_space<vmem>>, vector<1x16xf32>,
      %get3A_552 = vector.shape_cast %get3A_551 : vector<1x16xf32> to vector<16xf32>
      %add3A_553 = arith.addf %get3A_548, %get3A_552 : vector<16xf32>
      %swap3A_554 = arith.index_cast %scan3A_182 : i32 to index
      %swap3A_555 = arith.constant 416 : index
      %swap3A_556 = tpu.vector_load %arg13[%swap3A_554, %swap3A_555] {strides = array<i32>} : memref<16x1024xf32, #tpu.memory_space<vmem>>, vector<1x16xf32>,
      %swap3A_557 = vector.shape_cast %swap3A_556 : vector<1x16xf32> to vector<16xf32>
      %swap3A_558 = vector.shape_cast %add3A_553 : vector<16xf32> to vector<1x16xf32>
      tpu.vector_store %arg13[%swap3A_554, %swap3A_555], %swap3A_558 {strides = array<i32>} : memref<16x1024xf32, #tpu.memory_space<vmem>>, vector<1x16xf32>,
      %get3A_559 = arith.index_cast %scan3A_182 : i32 to index
      %get3A_560 = arith.constant 432 : index
      %get3A_561 = tpu.vector_load %arg9[%get3A_559, %get3A_560] {strides = array<i32>} : memref<16x1024xf32, #tpu.memory_space<vmem>>, vector<1x16xf32>,
      %get3A_562 = vector.shape_cast %get3A_561 : vector<1x16xf32> to vector<16xf32>
      %get3A_563 = arith.index_cast %scan3A_182 : i32 to index
      %get3A_564 = arith.constant 432 : index
      %get3A_565 = tpu.vector_load %arg11[%get3A_563, %get3A_564] {strides = array<i32>} : memref<16x1024xf32, #tpu.memory_space<vmem>>, vector<1x16xf32>,
      %get3A_566 = vector.shape_cast %get3A_565 : vector<1x16xf32> to vector<16xf32>
      %add3A_567 = arith.addf %get3A_562, %get3A_566 : vector<16xf32>
      %swap3A_568 = arith.index_cast %scan3A_182 : i32 to index
      %swap3A_569 = arith.constant 432 : index
      %swap3A_570 = tpu.vector_load %arg13[%swap3A_568, %swap3A_569] {strides = array<i32>} : memref<16x1024xf32, #tpu.memory_space<vmem>>, vector<1x16xf32>,
      %swap3A_571 = vector.shape_cast %swap3A_570 : vector<1x16xf32> to vector<16xf32>
      %swap3A_572 = vector.shape_cast %add3A_567 : vector<16xf32> to vector<1x16xf32>
      tpu.vector_store %arg13[%swap3A_568, %swap3A_569], %swap3A_572 {strides = array<i32>} : memref<16x1024xf32, #tpu.memory_space<vmem>>, vector<1x16xf32>,
      %get3A_573 = arith.index_cast %scan3A_182 : i32 to index
      %get3A_574 = arith.constant 448 : index
      %get3A_575 = tpu.vector_load %arg9[%get3A_573, %get3A_574] {strides = array<i32>} : memref<16x1024xf32, #tpu.memory_space<vmem>>, vector<1x16xf32>,
      %get3A_576 = vector.shape_cast %get3A_575 : vector<1x16xf32> to vector<16xf32>
      %get3A_577 = arith.index_cast %scan3A_182 : i32 to index
      %get3A_578 = arith.constant 448 : index
      %get3A_579 = tpu.vector_load %arg11[%get3A_577, %get3A_578] {strides = array<i32>} : memref<16x1024xf32, #tpu.memory_space<vmem>>, vector<1x16xf32>,
      %get3A_580 = vector.shape_cast %get3A_579 : vector<1x16xf32> to vector<16xf32>
      %add3A_581 = arith.addf %get3A_576, %get3A_580 : vector<16xf32>
      %swap3A_582 = arith.index_cast %scan3A_182 : i32 to index
      %swap3A_583 = arith.constant 448 : index
      %swap3A_584 = tpu.vector_load %arg13[%swap3A_582, %swap3A_583] {strides = array<i32>} : memref<16x1024xf32, #tpu.memory_space<vmem>>, vector<1x16xf32>,
      %swap3A_585 = vector.shape_cast %swap3A_584 : vector<1x16xf32> to vector<16xf32>
      %swap3A_586 = vector.shape_cast %add3A_581 : vector<16xf32> to vector<1x16xf32>
      tpu.vector_store %arg13[%swap3A_582, %swap3A_583], %swap3A_586 {strides = array<i32>} : memref<16x1024xf32, #tpu.memory_space<vmem>>, vector<1x16xf32>,
      %get3A_587 = arith.index_cast %scan3A_182 : i32 to index
      %get3A_588 = arith.constant 464 : index
      %get3A_589 = tpu.vector_load %arg9[%get3A_587, %get3A_588] {strides = array<i32>} : memref<16x1024xf32, #tpu.memory_space<vmem>>, vector<1x16xf32>,
      %get3A_590 = vector.shape_cast %get3A_589 : vector<1x16xf32> to vector<16xf32>
      %get3A_591 = arith.index_cast %scan3A_182 : i32 to index
      %get3A_592 = arith.constant 464 : index
      %get3A_593 = tpu.vector_load %arg11[%get3A_591, %get3A_592] {strides = array<i32>} : memref<16x1024xf32, #tpu.memory_space<vmem>>, vector<1x16xf32>,
      %get3A_594 = vector.shape_cast %get3A_593 : vector<1x16xf32> to vector<16xf32>
      %add3A_595 = arith.addf %get3A_590, %get3A_594 : vector<16xf32>
      %swap3A_596 = arith.index_cast %scan3A_182 : i32 to index
      %swap3A_597 = arith.constant 464 : index
      %swap3A_598 = tpu.vector_load %arg13[%swap3A_596, %swap3A_597] {strides = array<i32>} : memref<16x1024xf32, #tpu.memory_space<vmem>>, vector<1x16xf32>,
      %swap3A_599 = vector.shape_cast %swap3A_598 : vector<1x16xf32> to vector<16xf32>
      %swap3A_600 = vector.shape_cast %add3A_595 : vector<16xf32> to vector<1x16xf32>
      tpu.vector_store %arg13[%swap3A_596, %swap3A_597], %swap3A_600 {strides = array<i32>} : memref<16x1024xf32, #tpu.memory_space<vmem>>, vector<1x16xf32>,
      %get3A_601 = arith.index_cast %scan3A_182 : i32 to index
      %get3A_602 = arith.constant 480 : index
      %get3A_603 = tpu.vector_load %arg9[%get3A_601, %get3A_602] {strides = array<i32>} : memref<16x1024xf32, #tpu.memory_space<vmem>>, vector<1x16xf32>,
      %get3A_604 = vector.shape_cast %get3A_603 : vector<1x16xf32> to vector<16xf32>
      %get3A_605 = arith.index_cast %scan3A_182 : i32 to index
      %get3A_606 = arith.constant 480 : index
      %get3A_607 = tpu.vector_load %arg11[%get3A_605, %get3A_606] {strides = array<i32>} : memref<16x1024xf32, #tpu.memory_space<vmem>>, vector<1x16xf32>,
      %get3A_608 = vector.shape_cast %get3A_607 : vector<1x16xf32> to vector<16xf32>
      %add3A_609 = arith.addf %get3A_604, %get3A_608 : vector<16xf32>
      %swap3A_610 = arith.index_cast %scan3A_182 : i32 to index
      %swap3A_611 = arith.constant 480 : index
      %swap3A_612 = tpu.vector_load %arg13[%swap3A_610, %swap3A_611] {strides = array<i32>} : memref<16x1024xf32, #tpu.memory_space<vmem>>, vector<1x16xf32>,
      %swap3A_613 = vector.shape_cast %swap3A_612 : vector<1x16xf32> to vector<16xf32>
      %swap3A_614 = vector.shape_cast %add3A_609 : vector<16xf32> to vector<1x16xf32>
      tpu.vector_store %arg13[%swap3A_610, %swap3A_611], %swap3A_614 {strides = array<i32>} : memref<16x1024xf32, #tpu.memory_space<vmem>>, vector<1x16xf32>,
      %get3A_615 = arith.index_cast %scan3A_182 : i32 to index
      %get3A_616 = arith.constant 496 : index
      %get3A_617 = tpu.vector_load %arg9[%get3A_615, %get3A_616] {strides = array<i32>} : memref<16x1024xf32, #tpu.memory_space<vmem>>, vector<1x16xf32>,
      %get3A_618 = vector.shape_cast %get3A_617 : vector<1x16xf32> to vector<16xf32>
      %get3A_619 = arith.index_cast %scan3A_182 : i32 to index
      %get3A_620 = arith.constant 496 : index
      %get3A_621 = tpu.vector_load %arg11[%get3A_619, %get3A_620] {strides = array<i32>} : memref<16x1024xf32, #tpu.memory_space<vmem>>, vector<1x16xf32>,
      %get3A_622 = vector.shape_cast %get3A_621 : vector<1x16xf32> to vector<16xf32>
      %add3A_623 = arith.addf %get3A_618, %get3A_622 : vector<16xf32>
      %swap3A_624 = arith.index_cast %scan3A_182 : i32 to index
      %swap3A_625 = arith.constant 496 : index
      %swap3A_626 = tpu.vector_load %arg13[%swap3A_624, %swap3A_625] {strides = array<i32>} : memref<16x1024xf32, #tpu.memory_space<vmem>>, vector<1x16xf32>,
      %swap3A_627 = vector.shape_cast %swap3A_626 : vector<1x16xf32> to vector<16xf32>
      %swap3A_628 = vector.shape_cast %add3A_623 : vector<16xf32> to vector<1x16xf32>
      tpu.vector_store %arg13[%swap3A_624, %swap3A_625], %swap3A_628 {strides = array<i32>} : memref<16x1024xf32, #tpu.memory_space<vmem>>, vector<1x16xf32>,
      %get3A_629 = arith.index_cast %scan3A_182 : i32 to index
      %get3A_630 = arith.constant 512 : index
      %get3A_631 = tpu.vector_load %arg9[%get3A_629, %get3A_630] {strides = array<i32>} : memref<16x1024xf32, #tpu.memory_space<vmem>>, vector<1x16xf32>,
      %get3A_632 = vector.shape_cast %get3A_631 : vector<1x16xf32> to vector<16xf32>
      %get3A_633 = arith.index_cast %scan3A_182 : i32 to index
      %get3A_634 = arith.constant 512 : index
      %get3A_635 = tpu.vector_load %arg11[%get3A_633, %get3A_634] {strides = array<i32>} : memref<16x1024xf32, #tpu.memory_space<vmem>>, vector<1x16xf32>,
      %get3A_636 = vector.shape_cast %get3A_635 : vector<1x16xf32> to vector<16xf32>
      %add3A_637 = arith.addf %get3A_632, %get3A_636 : vector<16xf32>
      %swap3A_638 = arith.index_cast %scan3A_182 : i32 to index
      %swap3A_639 = arith.constant 512 : index
      %swap3A_640 = tpu.vector_load %arg13[%swap3A_638, %swap3A_639] {strides = array<i32>} : memref<16x1024xf32, #tpu.memory_space<vmem>>, vector<1x16xf32>,
      %swap3A_641 = vector.shape_cast %swap3A_640 : vector<1x16xf32> to vector<16xf32>
      %swap3A_642 = vector.shape_cast %add3A_637 : vector<16xf32> to vector<1x16xf32>
      tpu.vector_store %arg13[%swap3A_638, %swap3A_639], %swap3A_642 {strides = array<i32>} : memref<16x1024xf32, #tpu.memory_space<vmem>>, vector<1x16xf32>,
      %get3A_643 = arith.index_cast %scan3A_182 : i32 to index
      %get3A_644 = arith.constant 528 : index
      %get3A_645 = tpu.vector_load %arg9[%get3A_643, %get3A_644] {strides = array<i32>} : memref<16x1024xf32, #tpu.memory_space<vmem>>, vector<1x16xf32>,
      %get3A_646 = vector.shape_cast %get3A_645 : vector<1x16xf32> to vector<16xf32>
      %get3A_647 = arith.index_cast %scan3A_182 : i32 to index
      %get3A_648 = arith.constant 528 : index
      %get3A_649 = tpu.vector_load %arg11[%get3A_647, %get3A_648] {strides = array<i32>} : memref<16x1024xf32, #tpu.memory_space<vmem>>, vector<1x16xf32>,
      %get3A_650 = vector.shape_cast %get3A_649 : vector<1x16xf32> to vector<16xf32>
      %add3A_651 = arith.addf %get3A_646, %get3A_650 : vector<16xf32>
      %swap3A_652 = arith.index_cast %scan3A_182 : i32 to index
      %swap3A_653 = arith.constant 528 : index
      %swap3A_654 = tpu.vector_load %arg13[%swap3A_652, %swap3A_653] {strides = array<i32>} : memref<16x1024xf32, #tpu.memory_space<vmem>>, vector<1x16xf32>,
      %swap3A_655 = vector.shape_cast %swap3A_654 : vector<1x16xf32> to vector<16xf32>
      %swap3A_656 = vector.shape_cast %add3A_651 : vector<16xf32> to vector<1x16xf32>
      tpu.vector_store %arg13[%swap3A_652, %swap3A_653], %swap3A_656 {strides = array<i32>} : memref<16x1024xf32, #tpu.memory_space<vmem>>, vector<1x16xf32>,
      %get3A_657 = arith.index_cast %scan3A_182 : i32 to index
      %get3A_658 = arith.constant 544 : index
      %get3A_659 = tpu.vector_load %arg9[%get3A_657, %get3A_658] {strides = array<i32>} : memref<16x1024xf32, #tpu.memory_space<vmem>>, vector<1x16xf32>,
      %get3A_660 = vector.shape_cast %get3A_659 : vector<1x16xf32> to vector<16xf32>
      %get3A_661 = arith.index_cast %scan3A_182 : i32 to index
      %get3A_662 = arith.constant 544 : index
      %get3A_663 = tpu.vector_load %arg11[%get3A_661, %get3A_662] {strides = array<i32>} : memref<16x1024xf32, #tpu.memory_space<vmem>>, vector<1x16xf32>,
      %get3A_664 = vector.shape_cast %get3A_663 : vector<1x16xf32> to vector<16xf32>
      %add3A_665 = arith.addf %get3A_660, %get3A_664 : vector<16xf32>
      %swap3A_666 = arith.index_cast %scan3A_182 : i32 to index
      %swap3A_667 = arith.constant 544 : index
      %swap3A_668 = tpu.vector_load %arg13[%swap3A_666, %swap3A_667] {strides = array<i32>} : memref<16x1024xf32, #tpu.memory_space<vmem>>, vector<1x16xf32>,
      %swap3A_669 = vector.shape_cast %swap3A_668 : vector<1x16xf32> to vector<16xf32>
      %swap3A_670 = vector.shape_cast %add3A_665 : vector<16xf32> to vector<1x16xf32>
      tpu.vector_store %arg13[%swap3A_666, %swap3A_667], %swap3A_670 {strides = array<i32>} : memref<16x1024xf32, #tpu.memory_space<vmem>>, vector<1x16xf32>,
      %get3A_671 = arith.index_cast %scan3A_182 : i32 to index
      %get3A_672 = arith.constant 560 : index
      %get3A_673 = tpu.vector_load %arg9[%get3A_671, %get3A_672] {strides = array<i32>} : memref<16x1024xf32, #tpu.memory_space<vmem>>, vector<1x16xf32>,
      %get3A_674 = vector.shape_cast %get3A_673 : vector<1x16xf32> to vector<16xf32>
      %get3A_675 = arith.index_cast %scan3A_182 : i32 to index
      %get3A_676 = arith.constant 560 : index
      %get3A_677 = tpu.vector_load %arg11[%get3A_675, %get3A_676] {strides = array<i32>} : memref<16x1024xf32, #tpu.memory_space<vmem>>, vector<1x16xf32>,
      %get3A_678 = vector.shape_cast %get3A_677 : vector<1x16xf32> to vector<16xf32>
      %add3A_679 = arith.addf %get3A_674, %get3A_678 : vector<16xf32>
      %swap3A_680 = arith.index_cast %scan3A_182 : i32 to index
      %swap3A_681 = arith.constant 560 : index
      %swap3A_682 = tpu.vector_load %arg13[%swap3A_680, %swap3A_681] {strides = array<i32>} : memref<16x1024xf32, #tpu.memory_space<vmem>>, vector<1x16xf32>,
      %swap3A_683 = vector.shape_cast %swap3A_682 : vector<1x16xf32> to vector<16xf32>
      %swap3A_684 = vector.shape_cast %add3A_679 : vector<16xf32> to vector<1x16xf32>
      tpu.vector_store %arg13[%swap3A_680, %swap3A_681], %swap3A_684 {strides = array<i32>} : memref<16x1024xf32, #tpu.memory_space<vmem>>, vector<1x16xf32>,
      %get3A_685 = arith.index_cast %scan3A_182 : i32 to index
      %get3A_686 = arith.constant 576 : index
      %get3A_687 = tpu.vector_load %arg9[%get3A_685, %get3A_686] {strides = array<i32>} : memref<16x1024xf32, #tpu.memory_space<vmem>>, vector<1x16xf32>,
      %get3A_688 = vector.shape_cast %get3A_687 : vector<1x16xf32> to vector<16xf32>
      %get3A_689 = arith.index_cast %scan3A_182 : i32 to index
      %get3A_690 = arith.constant 576 : index
      %get3A_691 = tpu.vector_load %arg11[%get3A_689, %get3A_690] {strides = array<i32>} : memref<16x1024xf32, #tpu.memory_space<vmem>>, vector<1x16xf32>,
      %get3A_692 = vector.shape_cast %get3A_691 : vector<1x16xf32> to vector<16xf32>
      %add3A_693 = arith.addf %get3A_688, %get3A_692 : vector<16xf32>
      %swap3A_694 = arith.index_cast %scan3A_182 : i32 to index
      %swap3A_695 = arith.constant 576 : index
      %swap3A_696 = tpu.vector_load %arg13[%swap3A_694, %swap3A_695] {strides = array<i32>} : memref<16x1024xf32, #tpu.memory_space<vmem>>, vector<1x16xf32>,
      %swap3A_697 = vector.shape_cast %swap3A_696 : vector<1x16xf32> to vector<16xf32>
      %swap3A_698 = vector.shape_cast %add3A_693 : vector<16xf32> to vector<1x16xf32>
      tpu.vector_store %arg13[%swap3A_694, %swap3A_695], %swap3A_698 {strides = array<i32>} : memref<16x1024xf32, #tpu.memory_space<vmem>>, vector<1x16xf32>,
      %get3A_699 = arith.index_cast %scan3A_182 : i32 to index
      %get3A_700 = arith.constant 592 : index
      %get3A_701 = tpu.vector_load %arg9[%get3A_699, %get3A_700] {strides = array<i32>} : memref<16x1024xf32, #tpu.memory_space<vmem>>, vector<1x16xf32>,
      %get3A_702 = vector.shape_cast %get3A_701 : vector<1x16xf32> to vector<16xf32>
      %get3A_703 = arith.index_cast %scan3A_182 : i32 to index
      %get3A_704 = arith.constant 592 : index
      %get3A_705 = tpu.vector_load %arg11[%get3A_703, %get3A_704] {strides = array<i32>} : memref<16x1024xf32, #tpu.memory_space<vmem>>, vector<1x16xf32>,
      %get3A_706 = vector.shape_cast %get3A_705 : vector<1x16xf32> to vector<16xf32>
      %add3A_707 = arith.addf %get3A_702, %get3A_706 : vector<16xf32>
      %swap3A_708 = arith.index_cast %scan3A_182 : i32 to index
      %swap3A_709 = arith.constant 592 : index
      %swap3A_710 = tpu.vector_load %arg13[%swap3A_708, %swap3A_709] {strides = array<i32>} : memref<16x1024xf32, #tpu.memory_space<vmem>>, vector<1x16xf32>,
      %swap3A_711 = vector.shape_cast %swap3A_710 : vector<1x16xf32> to vector<16xf32>
      %swap3A_712 = vector.shape_cast %add3A_707 : vector<16xf32> to vector<1x16xf32>
      tpu.vector_store %arg13[%swap3A_708, %swap3A_709], %swap3A_712 {strides = array<i32>} : memref<16x1024xf32, #tpu.memory_space<vmem>>, vector<1x16xf32>,
      %get3A_713 = arith.index_cast %scan3A_182 : i32 to index
      %get3A_714 = arith.constant 608 : index
      %get3A_715 = tpu.vector_load %arg9[%get3A_713, %get3A_714] {strides = array<i32>} : memref<16x1024xf32, #tpu.memory_space<vmem>>, vector<1x16xf32>,
      %get3A_716 = vector.shape_cast %get3A_715 : vector<1x16xf32> to vector<16xf32>
      %get3A_717 = arith.index_cast %scan3A_182 : i32 to index
      %get3A_718 = arith.constant 608 : index
      %get3A_719 = tpu.vector_load %arg11[%get3A_717, %get3A_718] {strides = array<i32>} : memref<16x1024xf32, #tpu.memory_space<vmem>>, vector<1x16xf32>,
      %get3A_720 = vector.shape_cast %get3A_719 : vector<1x16xf32> to vector<16xf32>
      %add3A_721 = arith.addf %get3A_716, %get3A_720 : vector<16xf32>
      %swap3A_722 = arith.index_cast %scan3A_182 : i32 to index
      %swap3A_723 = arith.constant 608 : index
      %swap3A_724 = tpu.vector_load %arg13[%swap3A_722, %swap3A_723] {strides = array<i32>} : memref<16x1024xf32, #tpu.memory_space<vmem>>, vector<1x16xf32>,
      %swap3A_725 = vector.shape_cast %swap3A_724 : vector<1x16xf32> to vector<16xf32>
      %swap3A_726 = vector.shape_cast %add3A_721 : vector<16xf32> to vector<1x16xf32>
      tpu.vector_store %arg13[%swap3A_722, %swap3A_723], %swap3A_726 {strides = array<i32>} : memref<16x1024xf32, #tpu.memory_space<vmem>>, vector<1x16xf32>,
      %get3A_727 = arith.index_cast %scan3A_182 : i32 to index
      %get3A_728 = arith.constant 624 : index
      %get3A_729 = tpu.vector_load %arg9[%get3A_727, %get3A_728] {strides = array<i32>} : memref<16x1024xf32, #tpu.memory_space<vmem>>, vector<1x16xf32>,
      %get3A_730 = vector.shape_cast %get3A_729 : vector<1x16xf32> to vector<16xf32>
      %get3A_731 = arith.index_cast %scan3A_182 : i32 to index
      %get3A_732 = arith.constant 624 : index
      %get3A_733 = tpu.vector_load %arg11[%get3A_731, %get3A_732] {strides = array<i32>} : memref<16x1024xf32, #tpu.memory_space<vmem>>, vector<1x16xf32>,
      %get3A_734 = vector.shape_cast %get3A_733 : vector<1x16xf32> to vector<16xf32>
      %add3A_735 = arith.addf %get3A_730, %get3A_734 : vector<16xf32>
      %swap3A_736 = arith.index_cast %scan3A_182 : i32 to index
      %swap3A_737 = arith.constant 624 : index
      %swap3A_738 = tpu.vector_load %arg13[%swap3A_736, %swap3A_737] {strides = array<i32>} : memref<16x1024xf32, #tpu.memory_space<vmem>>, vector<1x16xf32>,
      %swap3A_739 = vector.shape_cast %swap3A_738 : vector<1x16xf32> to vector<16xf32>
      %swap3A_740 = vector.shape_cast %add3A_735 : vector<16xf32> to vector<1x16xf32>
      tpu.vector_store %arg13[%swap3A_736, %swap3A_737], %swap3A_740 {strides = array<i32>} : memref<16x1024xf32, #tpu.memory_space<vmem>>, vector<1x16xf32>,
      %get3A_741 = arith.index_cast %scan3A_182 : i32 to index
      %get3A_742 = arith.constant 640 : index
      %get3A_743 = tpu.vector_load %arg9[%get3A_741, %get3A_742] {strides = array<i32>} : memref<16x1024xf32, #tpu.memory_space<vmem>>, vector<1x16xf32>,
      %get3A_744 = vector.shape_cast %get3A_743 : vector<1x16xf32> to vector<16xf32>
      %get3A_745 = arith.index_cast %scan3A_182 : i32 to index
      %get3A_746 = arith.constant 640 : index
      %get3A_747 = tpu.vector_load %arg11[%get3A_745, %get3A_746] {strides = array<i32>} : memref<16x1024xf32, #tpu.memory_space<vmem>>, vector<1x16xf32>,
      %get3A_748 = vector.shape_cast %get3A_747 : vector<1x16xf32> to vector<16xf32>
      %add3A_749 = arith.addf %get3A_744, %get3A_748 : vector<16xf32>
      %swap3A_750 = arith.index_cast %scan3A_182 : i32 to index
      %swap3A_751 = arith.constant 640 : index
      %swap3A_752 = tpu.vector_load %arg13[%swap3A_750, %swap3A_751] {strides = array<i32>} : memref<16x1024xf32, #tpu.memory_space<vmem>>, vector<1x16xf32>,
      %swap3A_753 = vector.shape_cast %swap3A_752 : vector<1x16xf32> to vector<16xf32>
      %swap3A_754 = vector.shape_cast %add3A_749 : vector<16xf32> to vector<1x16xf32>
      tpu.vector_store %arg13[%swap3A_750, %swap3A_751], %swap3A_754 {strides = array<i32>} : memref<16x1024xf32, #tpu.memory_space<vmem>>, vector<1x16xf32>,
      %get3A_755 = arith.index_cast %scan3A_182 : i32 to index
      %get3A_756 = arith.constant 656 : index
      %get3A_757 = tpu.vector_load %arg9[%get3A_755, %get3A_756] {strides = array<i32>} : memref<16x1024xf32, #tpu.memory_space<vmem>>, vector<1x16xf32>,
      %get3A_758 = vector.shape_cast %get3A_757 : vector<1x16xf32> to vector<16xf32>
      %get3A_759 = arith.index_cast %scan3A_182 : i32 to index
      %get3A_760 = arith.constant 656 : index
      %get3A_761 = tpu.vector_load %arg11[%get3A_759, %get3A_760] {strides = array<i32>} : memref<16x1024xf32, #tpu.memory_space<vmem>>, vector<1x16xf32>,
      %get3A_762 = vector.shape_cast %get3A_761 : vector<1x16xf32> to vector<16xf32>
      %add3A_763 = arith.addf %get3A_758, %get3A_762 : vector<16xf32>
      %swap3A_764 = arith.index_cast %scan3A_182 : i32 to index
      %swap3A_765 = arith.constant 656 : index
      %swap3A_766 = tpu.vector_load %arg13[%swap3A_764, %swap3A_765] {strides = array<i32>} : memref<16x1024xf32, #tpu.memory_space<vmem>>, vector<1x16xf32>,
      %swap3A_767 = vector.shape_cast %swap3A_766 : vector<1x16xf32> to vector<16xf32>
      %swap3A_768 = vector.shape_cast %add3A_763 : vector<16xf32> to vector<1x16xf32>
      tpu.vector_store %arg13[%swap3A_764, %swap3A_765], %swap3A_768 {strides = array<i32>} : memref<16x1024xf32, #tpu.memory_space<vmem>>, vector<1x16xf32>,
      %get3A_769 = arith.index_cast %scan3A_182 : i32 to index
      %get3A_770 = arith.constant 672 : index
      %get3A_771 = tpu.vector_load %arg9[%get3A_769, %get3A_770] {strides = array<i32>} : memref<16x1024xf32, #tpu.memory_space<vmem>>, vector<1x16xf32>,
      %get3A_772 = vector.shape_cast %get3A_771 : vector<1x16xf32> to vector<16xf32>
      %get3A_773 = arith.index_cast %scan3A_182 : i32 to index
      %get3A_774 = arith.constant 672 : index
      %get3A_775 = tpu.vector_load %arg11[%get3A_773, %get3A_774] {strides = array<i32>} : memref<16x1024xf32, #tpu.memory_space<vmem>>, vector<1x16xf32>,
      %get3A_776 = vector.shape_cast %get3A_775 : vector<1x16xf32> to vector<16xf32>
      %add3A_777 = arith.addf %get3A_772, %get3A_776 : vector<16xf32>
      %swap3A_778 = arith.index_cast %scan3A_182 : i32 to index
      %swap3A_779 = arith.constant 672 : index
      %swap3A_780 = tpu.vector_load %arg13[%swap3A_778, %swap3A_779] {strides = array<i32>} : memref<16x1024xf32, #tpu.memory_space<vmem>>, vector<1x16xf32>,
      %swap3A_781 = vector.shape_cast %swap3A_780 : vector<1x16xf32> to vector<16xf32>
      %swap3A_782 = vector.shape_cast %add3A_777 : vector<16xf32> to vector<1x16xf32>
      tpu.vector_store %arg13[%swap3A_778, %swap3A_779], %swap3A_782 {strides = array<i32>} : memref<16x1024xf32, #tpu.memory_space<vmem>>, vector<1x16xf32>,
      %get3A_783 = arith.index_cast %scan3A_182 : i32 to index
      %get3A_784 = arith.constant 688 : index
      %get3A_785 = tpu.vector_load %arg9[%get3A_783, %get3A_784] {strides = array<i32>} : memref<16x1024xf32, #tpu.memory_space<vmem>>, vector<1x16xf32>,
      %get3A_786 = vector.shape_cast %get3A_785 : vector<1x16xf32> to vector<16xf32>
      %get3A_787 = arith.index_cast %scan3A_182 : i32 to index
      %get3A_788 = arith.constant 688 : index
      %get3A_789 = tpu.vector_load %arg11[%get3A_787, %get3A_788] {strides = array<i32>} : memref<16x1024xf32, #tpu.memory_space<vmem>>, vector<1x16xf32>,
      %get3A_790 = vector.shape_cast %get3A_789 : vector<1x16xf32> to vector<16xf32>
      %add3A_791 = arith.addf %get3A_786, %get3A_790 : vector<16xf32>
      %swap3A_792 = arith.index_cast %scan3A_182 : i32 to index
      %swap3A_793 = arith.constant 688 : index
      %swap3A_794 = tpu.vector_load %arg13[%swap3A_792, %swap3A_793] {strides = array<i32>} : memref<16x1024xf32, #tpu.memory_space<vmem>>, vector<1x16xf32>,
      %swap3A_795 = vector.shape_cast %swap3A_794 : vector<1x16xf32> to vector<16xf32>
      %swap3A_796 = vector.shape_cast %add3A_791 : vector<16xf32> to vector<1x16xf32>
      tpu.vector_store %arg13[%swap3A_792, %swap3A_793], %swap3A_796 {strides = array<i32>} : memref<16x1024xf32, #tpu.memory_space<vmem>>, vector<1x16xf32>,
      %get3A_797 = arith.index_cast %scan3A_182 : i32 to index
      %get3A_798 = arith.constant 704 : index
      %get3A_799 = tpu.vector_load %arg9[%get3A_797, %get3A_798] {strides = array<i32>} : memref<16x1024xf32, #tpu.memory_space<vmem>>, vector<1x16xf32>,
      %get3A_800 = vector.shape_cast %get3A_799 : vector<1x16xf32> to vector<16xf32>
      %get3A_801 = arith.index_cast %scan3A_182 : i32 to index
      %get3A_802 = arith.constant 704 : index
      %get3A_803 = tpu.vector_load %arg11[%get3A_801, %get3A_802] {strides = array<i32>} : memref<16x1024xf32, #tpu.memory_space<vmem>>, vector<1x16xf32>,
      %get3A_804 = vector.shape_cast %get3A_803 : vector<1x16xf32> to vector<16xf32>
      %add3A_805 = arith.addf %get3A_800, %get3A_804 : vector<16xf32>
      %swap3A_806 = arith.index_cast %scan3A_182 : i32 to index
      %swap3A_807 = arith.constant 704 : index
      %swap3A_808 = tpu.vector_load %arg13[%swap3A_806, %swap3A_807] {strides = array<i32>} : memref<16x1024xf32, #tpu.memory_space<vmem>>, vector<1x16xf32>,
      %swap3A_809 = vector.shape_cast %swap3A_808 : vector<1x16xf32> to vector<16xf32>
      %swap3A_810 = vector.shape_cast %add3A_805 : vector<16xf32> to vector<1x16xf32>
      tpu.vector_store %arg13[%swap3A_806, %swap3A_807], %swap3A_810 {strides = array<i32>} : memref<16x1024xf32, #tpu.memory_space<vmem>>, vector<1x16xf32>,
      %get3A_811 = arith.index_cast %scan3A_182 : i32 to index
      %get3A_812 = arith.constant 720 : index
      %get3A_813 = tpu.vector_load %arg9[%get3A_811, %get3A_812] {strides = array<i32>} : memref<16x1024xf32, #tpu.memory_space<vmem>>, vector<1x16xf32>,
      %get3A_814 = vector.shape_cast %get3A_813 : vector<1x16xf32> to vector<16xf32>
      %get3A_815 = arith.index_cast %scan3A_182 : i32 to index
      %get3A_816 = arith.constant 720 : index
      %get3A_817 = tpu.vector_load %arg11[%get3A_815, %get3A_816] {strides = array<i32>} : memref<16x1024xf32, #tpu.memory_space<vmem>>, vector<1x16xf32>,
      %get3A_818 = vector.shape_cast %get3A_817 : vector<1x16xf32> to vector<16xf32>
      %add3A_819 = arith.addf %get3A_814, %get3A_818 : vector<16xf32>
      %swap3A_820 = arith.index_cast %scan3A_182 : i32 to index
      %swap3A_821 = arith.constant 720 : index
      %swap3A_822 = tpu.vector_load %arg13[%swap3A_820, %swap3A_821] {strides = array<i32>} : memref<16x1024xf32, #tpu.memory_space<vmem>>, vector<1x16xf32>,
      %swap3A_823 = vector.shape_cast %swap3A_822 : vector<1x16xf32> to vector<16xf32>
      %swap3A_824 = vector.shape_cast %add3A_819 : vector<16xf32> to vector<1x16xf32>
      tpu.vector_store %arg13[%swap3A_820, %swap3A_821], %swap3A_824 {strides = array<i32>} : memref<16x1024xf32, #tpu.memory_space<vmem>>, vector<1x16xf32>,
      %get3A_825 = arith.index_cast %scan3A_182 : i32 to index
      %get3A_826 = arith.constant 736 : index
      %get3A_827 = tpu.vector_load %arg9[%get3A_825, %get3A_826] {strides = array<i32>} : memref<16x1024xf32, #tpu.memory_space<vmem>>, vector<1x16xf32>,
      %get3A_828 = vector.shape_cast %get3A_827 : vector<1x16xf32> to vector<16xf32>
      %get3A_829 = arith.index_cast %scan3A_182 : i32 to index
      %get3A_830 = arith.constant 736 : index
      %get3A_831 = tpu.vector_load %arg11[%get3A_829, %get3A_830] {strides = array<i32>} : memref<16x1024xf32, #tpu.memory_space<vmem>>, vector<1x16xf32>,
      %get3A_832 = vector.shape_cast %get3A_831 : vector<1x16xf32> to vector<16xf32>
      %add3A_833 = arith.addf %get3A_828, %get3A_832 : vector<16xf32>
      %swap3A_834 = arith.index_cast %scan3A_182 : i32 to index
      %swap3A_835 = arith.constant 736 : index
      %swap3A_836 = tpu.vector_load %arg13[%swap3A_834, %swap3A_835] {strides = array<i32>} : memref<16x1024xf32, #tpu.memory_space<vmem>>, vector<1x16xf32>,
      %swap3A_837 = vector.shape_cast %swap3A_836 : vector<1x16xf32> to vector<16xf32>
      %swap3A_838 = vector.shape_cast %add3A_833 : vector<16xf32> to vector<1x16xf32>
      tpu.vector_store %arg13[%swap3A_834, %swap3A_835], %swap3A_838 {strides = array<i32>} : memref<16x1024xf32, #tpu.memory_space<vmem>>, vector<1x16xf32>,
      %get3A_839 = arith.index_cast %scan3A_182 : i32 to index
      %get3A_840 = arith.constant 752 : index
      %get3A_841 = tpu.vector_load %arg9[%get3A_839, %get3A_840] {strides = array<i32>} : memref<16x1024xf32, #tpu.memory_space<vmem>>, vector<1x16xf32>,
      %get3A_842 = vector.shape_cast %get3A_841 : vector<1x16xf32> to vector<16xf32>
      %get3A_843 = arith.index_cast %scan3A_182 : i32 to index
      %get3A_844 = arith.constant 752 : index
      %get3A_845 = tpu.vector_load %arg11[%get3A_843, %get3A_844] {strides = array<i32>} : memref<16x1024xf32, #tpu.memory_space<vmem>>, vector<1x16xf32>,
      %get3A_846 = vector.shape_cast %get3A_845 : vector<1x16xf32> to vector<16xf32>
      %add3A_847 = arith.addf %get3A_842, %get3A_846 : vector<16xf32>
      %swap3A_848 = arith.index_cast %scan3A_182 : i32 to index
      %swap3A_849 = arith.constant 752 : index
      %swap3A_850 = tpu.vector_load %arg13[%swap3A_848, %swap3A_849] {strides = array<i32>} : memref<16x1024xf32, #tpu.memory_space<vmem>>, vector<1x16xf32>,
      %swap3A_851 = vector.shape_cast %swap3A_850 : vector<1x16xf32> to vector<16xf32>
      %swap3A_852 = vector.shape_cast %add3A_847 : vector<16xf32> to vector<1x16xf32>
      tpu.vector_store %arg13[%swap3A_848, %swap3A_849], %swap3A_852 {strides = array<i32>} : memref<16x1024xf32, #tpu.memory_space<vmem>>, vector<1x16xf32>,
      %get3A_853 = arith.index_cast %scan3A_182 : i32 to index
      %get3A_854 = arith.constant 768 : index
      %get3A_855 = tpu.vector_load %arg9[%get3A_853, %get3A_854] {strides = array<i32>} : memref<16x1024xf32, #tpu.memory_space<vmem>>, vector<1x16xf32>,
      %get3A_856 = vector.shape_cast %get3A_855 : vector<1x16xf32> to vector<16xf32>
      %get3A_857 = arith.index_cast %scan3A_182 : i32 to index
      %get3A_858 = arith.constant 768 : index
      %get3A_859 = tpu.vector_load %arg11[%get3A_857, %get3A_858] {strides = array<i32>} : memref<16x1024xf32, #tpu.memory_space<vmem>>, vector<1x16xf32>,
      %get3A_860 = vector.shape_cast %get3A_859 : vector<1x16xf32> to vector<16xf32>
      %add3A_861 = arith.addf %get3A_856, %get3A_860 : vector<16xf32>
      %swap3A_862 = arith.index_cast %scan3A_182 : i32 to index
      %swap3A_863 = arith.constant 768 : index
      %swap3A_864 = tpu.vector_load %arg13[%swap3A_862, %swap3A_863] {strides = array<i32>} : memref<16x1024xf32, #tpu.memory_space<vmem>>, vector<1x16xf32>,
      %swap3A_865 = vector.shape_cast %swap3A_864 : vector<1x16xf32> to vector<16xf32>
      %swap3A_866 = vector.shape_cast %add3A_861 : vector<16xf32> to vector<1x16xf32>
      tpu.vector_store %arg13[%swap3A_862, %swap3A_863], %swap3A_866 {strides = array<i32>} : memref<16x1024xf32, #tpu.memory_space<vmem>>, vector<1x16xf32>,
      %get3A_867 = arith.index_cast %scan3A_182 : i32 to index
      %get3A_868 = arith.constant 784 : index
      %get3A_869 = tpu.vector_load %arg9[%get3A_867, %get3A_868] {strides = array<i32>} : memref<16x1024xf32, #tpu.memory_space<vmem>>, vector<1x16xf32>,
      %get3A_870 = vector.shape_cast %get3A_869 : vector<1x16xf32> to vector<16xf32>
      %get3A_871 = arith.index_cast %scan3A_182 : i32 to index
      %get3A_872 = arith.constant 784 : index
      %get3A_873 = tpu.vector_load %arg11[%get3A_871, %get3A_872] {strides = array<i32>} : memref<16x1024xf32, #tpu.memory_space<vmem>>, vector<1x16xf32>,
      %get3A_874 = vector.shape_cast %get3A_873 : vector<1x16xf32> to vector<16xf32>
      %add3A_875 = arith.addf %get3A_870, %get3A_874 : vector<16xf32>
      %swap3A_876 = arith.index_cast %scan3A_182 : i32 to index
      %swap3A_877 = arith.constant 784 : index
      %swap3A_878 = tpu.vector_load %arg13[%swap3A_876, %swap3A_877] {strides = array<i32>} : memref<16x1024xf32, #tpu.memory_space<vmem>>, vector<1x16xf32>,
      %swap3A_879 = vector.shape_cast %swap3A_878 : vector<1x16xf32> to vector<16xf32>
      %swap3A_880 = vector.shape_cast %add3A_875 : vector<16xf32> to vector<1x16xf32>
      tpu.vector_store %arg13[%swap3A_876, %swap3A_877], %swap3A_880 {strides = array<i32>} : memref<16x1024xf32, #tpu.memory_space<vmem>>, vector<1x16xf32>,
      %get3A_881 = arith.index_cast %scan3A_182 : i32 to index
      %get3A_882 = arith.constant 800 : index
      %get3A_883 = tpu.vector_load %arg9[%get3A_881, %get3A_882] {strides = array<i32>} : memref<16x1024xf32, #tpu.memory_space<vmem>>, vector<1x16xf32>,
      %get3A_884 = vector.shape_cast %get3A_883 : vector<1x16xf32> to vector<16xf32>
      %get3A_885 = arith.index_cast %scan3A_182 : i32 to index
      %get3A_886 = arith.constant 800 : index
      %get3A_887 = tpu.vector_load %arg11[%get3A_885, %get3A_886] {strides = array<i32>} : memref<16x1024xf32, #tpu.memory_space<vmem>>, vector<1x16xf32>,
      %get3A_888 = vector.shape_cast %get3A_887 : vector<1x16xf32> to vector<16xf32>
      %add3A_889 = arith.addf %get3A_884, %get3A_888 : vector<16xf32>
      %swap3A_890 = arith.index_cast %scan3A_182 : i32 to index
      %swap3A_891 = arith.constant 800 : index
      %swap3A_892 = tpu.vector_load %arg13[%swap3A_890, %swap3A_891] {strides = array<i32>} : memref<16x1024xf32, #tpu.memory_space<vmem>>, vector<1x16xf32>,
      %swap3A_893 = vector.shape_cast %swap3A_892 : vector<1x16xf32> to vector<16xf32>
      %swap3A_894 = vector.shape_cast %add3A_889 : vector<16xf32> to vector<1x16xf32>
      tpu.vector_store %arg13[%swap3A_890, %swap3A_891], %swap3A_894 {strides = array<i32>} : memref<16x1024xf32, #tpu.memory_space<vmem>>, vector<1x16xf32>,
      %get3A_895 = arith.index_cast %scan3A_182 : i32 to index
      %get3A_896 = arith.constant 816 : index
      %get3A_897 = tpu.vector_load %arg9[%get3A_895, %get3A_896] {strides = array<i32>} : memref<16x1024xf32, #tpu.memory_space<vmem>>, vector<1x16xf32>,
      %get3A_898 = vector.shape_cast %get3A_897 : vector<1x16xf32> to vector<16xf32>
      %get3A_899 = arith.index_cast %scan3A_182 : i32 to index
      %get3A_900 = arith.constant 816 : index
      %get3A_901 = tpu.vector_load %arg11[%get3A_899, %get3A_900] {strides = array<i32>} : memref<16x1024xf32, #tpu.memory_space<vmem>>, vector<1x16xf32>,
      %get3A_902 = vector.shape_cast %get3A_901 : vector<1x16xf32> to vector<16xf32>
      %add3A_903 = arith.addf %get3A_898, %get3A_902 : vector<16xf32>
      %swap3A_904 = arith.index_cast %scan3A_182 : i32 to index
      %swap3A_905 = arith.constant 816 : index
      %swap3A_906 = tpu.vector_load %arg13[%swap3A_904, %swap3A_905] {strides = array<i32>} : memref<16x1024xf32, #tpu.memory_space<vmem>>, vector<1x16xf32>,
      %swap3A_907 = vector.shape_cast %swap3A_906 : vector<1x16xf32> to vector<16xf32>
      %swap3A_908 = vector.shape_cast %add3A_903 : vector<16xf32> to vector<1x16xf32>
      tpu.vector_store %arg13[%swap3A_904, %swap3A_905], %swap3A_908 {strides = array<i32>} : memref<16x1024xf32, #tpu.memory_space<vmem>>, vector<1x16xf32>,
      %get3A_909 = arith.index_cast %scan3A_182 : i32 to index
      %get3A_910 = arith.constant 832 : index
      %get3A_911 = tpu.vector_load %arg9[%get3A_909, %get3A_910] {strides = array<i32>} : memref<16x1024xf32, #tpu.memory_space<vmem>>, vector<1x16xf32>,
      %get3A_912 = vector.shape_cast %get3A_911 : vector<1x16xf32> to vector<16xf32>
      %get3A_913 = arith.index_cast %scan3A_182 : i32 to index
      %get3A_914 = arith.constant 832 : index
      %get3A_915 = tpu.vector_load %arg11[%get3A_913, %get3A_914] {strides = array<i32>} : memref<16x1024xf32, #tpu.memory_space<vmem>>, vector<1x16xf32>,
      %get3A_916 = vector.shape_cast %get3A_915 : vector<1x16xf32> to vector<16xf32>
      %add3A_917 = arith.addf %get3A_912, %get3A_916 : vector<16xf32>
      %swap3A_918 = arith.index_cast %scan3A_182 : i32 to index
      %swap3A_919 = arith.constant 832 : index
      %swap3A_920 = tpu.vector_load %arg13[%swap3A_918, %swap3A_919] {strides = array<i32>} : memref<16x1024xf32, #tpu.memory_space<vmem>>, vector<1x16xf32>,
      %swap3A_921 = vector.shape_cast %swap3A_920 : vector<1x16xf32> to vector<16xf32>
      %swap3A_922 = vector.shape_cast %add3A_917 : vector<16xf32> to vector<1x16xf32>
      tpu.vector_store %arg13[%swap3A_918, %swap3A_919], %swap3A_922 {strides = array<i32>} : memref<16x1024xf32, #tpu.memory_space<vmem>>, vector<1x16xf32>,
      %get3A_923 = arith.index_cast %scan3A_182 : i32 to index
      %get3A_924 = arith.constant 848 : index
      %get3A_925 = tpu.vector_load %arg9[%get3A_923, %get3A_924] {strides = array<i32>} : memref<16x1024xf32, #tpu.memory_space<vmem>>, vector<1x16xf32>,
      %get3A_926 = vector.shape_cast %get3A_925 : vector<1x16xf32> to vector<16xf32>
      %get3A_927 = arith.index_cast %scan3A_182 : i32 to index
      %get3A_928 = arith.constant 848 : index
      %get3A_929 = tpu.vector_load %arg11[%get3A_927, %get3A_928] {strides = array<i32>} : memref<16x1024xf32, #tpu.memory_space<vmem>>, vector<1x16xf32>,
      %get3A_930 = vector.shape_cast %get3A_929 : vector<1x16xf32> to vector<16xf32>
      %add3A_931 = arith.addf %get3A_926, %get3A_930 : vector<16xf32>
      %swap3A_932 = arith.index_cast %scan3A_182 : i32 to index
      %swap3A_933 = arith.constant 848 : index
      %swap3A_934 = tpu.vector_load %arg13[%swap3A_932, %swap3A_933] {strides = array<i32>} : memref<16x1024xf32, #tpu.memory_space<vmem>>, vector<1x16xf32>,
      %swap3A_935 = vector.shape_cast %swap3A_934 : vector<1x16xf32> to vector<16xf32>
      %swap3A_936 = vector.shape_cast %add3A_931 : vector<16xf32> to vector<1x16xf32>
      tpu.vector_store %arg13[%swap3A_932, %swap3A_933], %swap3A_936 {strides = array<i32>} : memref<16x1024xf32, #tpu.memory_space<vmem>>, vector<1x16xf32>,
      %get3A_937 = arith.index_cast %scan3A_182 : i32 to index
      %get3A_938 = arith.constant 864 : index
      %get3A_939 = tpu.vector_load %arg9[%get3A_937, %get3A_938] {strides = array<i32>} : memref<16x1024xf32, #tpu.memory_space<vmem>>, vector<1x16xf32>,
      %get3A_940 = vector.shape_cast %get3A_939 : vector<1x16xf32> to vector<16xf32>
      %get3A_941 = arith.index_cast %scan3A_182 : i32 to index
      %get3A_942 = arith.constant 864 : index
      %get3A_943 = tpu.vector_load %arg11[%get3A_941, %get3A_942] {strides = array<i32>} : memref<16x1024xf32, #tpu.memory_space<vmem>>, vector<1x16xf32>,
      %get3A_944 = vector.shape_cast %get3A_943 : vector<1x16xf32> to vector<16xf32>
      %add3A_945 = arith.addf %get3A_940, %get3A_944 : vector<16xf32>
      %swap3A_946 = arith.index_cast %scan3A_182 : i32 to index
      %swap3A_947 = arith.constant 864 : index
      %swap3A_948 = tpu.vector_load %arg13[%swap3A_946, %swap3A_947] {strides = array<i32>} : memref<16x1024xf32, #tpu.memory_space<vmem>>, vector<1x16xf32>,
      %swap3A_949 = vector.shape_cast %swap3A_948 : vector<1x16xf32> to vector<16xf32>
      %swap3A_950 = vector.shape_cast %add3A_945 : vector<16xf32> to vector<1x16xf32>
      tpu.vector_store %arg13[%swap3A_946, %swap3A_947], %swap3A_950 {strides = array<i32>} : memref<16x1024xf32, #tpu.memory_space<vmem>>, vector<1x16xf32>,
      %get3A_951 = arith.index_cast %scan3A_182 : i32 to index
      %get3A_952 = arith.constant 880 : index
      %get3A_953 = tpu.vector_load %arg9[%get3A_951, %get3A_952] {strides = array<i32>} : memref<16x1024xf32, #tpu.memory_space<vmem>>, vector<1x16xf32>,
      %get3A_954 = vector.shape_cast %get3A_953 : vector<1x16xf32> to vector<16xf32>
      %get3A_955 = arith.index_cast %scan3A_182 : i32 to index
      %get3A_956 = arith.constant 880 : index
      %get3A_957 = tpu.vector_load %arg11[%get3A_955, %get3A_956] {strides = array<i32>} : memref<16x1024xf32, #tpu.memory_space<vmem>>, vector<1x16xf32>,
      %get3A_958 = vector.shape_cast %get3A_957 : vector<1x16xf32> to vector<16xf32>
      %add3A_959 = arith.addf %get3A_954, %get3A_958 : vector<16xf32>
      %swap3A_960 = arith.index_cast %scan3A_182 : i32 to index
      %swap3A_961 = arith.constant 880 : index
      %swap3A_962 = tpu.vector_load %arg13[%swap3A_960, %swap3A_961] {strides = array<i32>} : memref<16x1024xf32, #tpu.memory_space<vmem>>, vector<1x16xf32>,
      %swap3A_963 = vector.shape_cast %swap3A_962 : vector<1x16xf32> to vector<16xf32>
      %swap3A_964 = vector.shape_cast %add3A_959 : vector<16xf32> to vector<1x16xf32>
      tpu.vector_store %arg13[%swap3A_960, %swap3A_961], %swap3A_964 {strides = array<i32>} : memref<16x1024xf32, #tpu.memory_space<vmem>>, vector<1x16xf32>,
      %get3A_965 = arith.index_cast %scan3A_182 : i32 to index
      %get3A_966 = arith.constant 896 : index
      %get3A_967 = tpu.vector_load %arg9[%get3A_965, %get3A_966] {strides = array<i32>} : memref<16x1024xf32, #tpu.memory_space<vmem>>, vector<1x16xf32>,
      %get3A_968 = vector.shape_cast %get3A_967 : vector<1x16xf32> to vector<16xf32>
      %get3A_969 = arith.index_cast %scan3A_182 : i32 to index
      %get3A_970 = arith.constant 896 : index
      %get3A_971 = tpu.vector_load %arg11[%get3A_969, %get3A_970] {strides = array<i32>} : memref<16x1024xf32, #tpu.memory_space<vmem>>, vector<1x16xf32>,
      %get3A_972 = vector.shape_cast %get3A_971 : vector<1x16xf32> to vector<16xf32>
      %add3A_973 = arith.addf %get3A_968, %get3A_972 : vector<16xf32>
      %swap3A_974 = arith.index_cast %scan3A_182 : i32 to index
      %swap3A_975 = arith.constant 896 : index
      %swap3A_976 = tpu.vector_load %arg13[%swap3A_974, %swap3A_975] {strides = array<i32>} : memref<16x1024xf32, #tpu.memory_space<vmem>>, vector<1x16xf32>,
      %swap3A_977 = vector.shape_cast %swap3A_976 : vector<1x16xf32> to vector<16xf32>
      %swap3A_978 = vector.shape_cast %add3A_973 : vector<16xf32> to vector<1x16xf32>
      tpu.vector_store %arg13[%swap3A_974, %swap3A_975], %swap3A_978 {strides = array<i32>} : memref<16x1024xf32, #tpu.memory_space<vmem>>, vector<1x16xf32>,
      %get3A_979 = arith.index_cast %scan3A_182 : i32 to index
      %get3A_980 = arith.constant 912 : index
      %get3A_981 = tpu.vector_load %arg9[%get3A_979, %get3A_980] {strides = array<i32>} : memref<16x1024xf32, #tpu.memory_space<vmem>>, vector<1x16xf32>,
      %get3A_982 = vector.shape_cast %get3A_981 : vector<1x16xf32> to vector<16xf32>
      %get3A_983 = arith.index_cast %scan3A_182 : i32 to index
      %get3A_984 = arith.constant 912 : index
      %get3A_985 = tpu.vector_load %arg11[%get3A_983, %get3A_984] {strides = array<i32>} : memref<16x1024xf32, #tpu.memory_space<vmem>>, vector<1x16xf32>,
      %get3A_986 = vector.shape_cast %get3A_985 : vector<1x16xf32> to vector<16xf32>
      %add3A_987 = arith.addf %get3A_982, %get3A_986 : vector<16xf32>
      %swap3A_988 = arith.index_cast %scan3A_182 : i32 to index
      %swap3A_989 = arith.constant 912 : index
      %swap3A_990 = tpu.vector_load %arg13[%swap3A_988, %swap3A_989] {strides = array<i32>} : memref<16x1024xf32, #tpu.memory_space<vmem>>, vector<1x16xf32>,
      %swap3A_991 = vector.shape_cast %swap3A_990 : vector<1x16xf32> to vector<16xf32>
      %swap3A_992 = vector.shape_cast %add3A_987 : vector<16xf32> to vector<1x16xf32>
      tpu.vector_store %arg13[%swap3A_988, %swap3A_989], %swap3A_992 {strides = array<i32>} : memref<16x1024xf32, #tpu.memory_space<vmem>>, vector<1x16xf32>,
      %get3A_993 = arith.index_cast %scan3A_182 : i32 to index
      %get3A_994 = arith.constant 928 : index
      %get3A_995 = tpu.vector_load %arg9[%get3A_993, %get3A_994] {strides = array<i32>} : memref<16x1024xf32, #tpu.memory_space<vmem>>, vector<1x16xf32>,
      %get3A_996 = vector.shape_cast %get3A_995 : vector<1x16xf32> to vector<16xf32>
      %get3A_997 = arith.index_cast %scan3A_182 : i32 to index
      %get3A_998 = arith.constant 928 : index
      %get3A_999 = tpu.vector_load %arg11[%get3A_997, %get3A_998] {strides = array<i32>} : memref<16x1024xf32, #tpu.memory_space<vmem>>, vector<1x16xf32>,
      %get3A_1000 = vector.shape_cast %get3A_999 : vector<1x16xf32> to vector<16xf32>
      %add3A_1001 = arith.addf %get3A_996, %get3A_1000 : vector<16xf32>
      %swap3A_1002 = arith.index_cast %scan3A_182 : i32 to index
      %swap3A_1003 = arith.constant 928 : index
      %swap3A_1004 = tpu.vector_load %arg13[%swap3A_1002, %swap3A_1003] {strides = array<i32>} : memref<16x1024xf32, #tpu.memory_space<vmem>>, vector<1x16xf32>,
      %swap3A_1005 = vector.shape_cast %swap3A_1004 : vector<1x16xf32> to vector<16xf32>
      %swap3A_1006 = vector.shape_cast %add3A_1001 : vector<16xf32> to vector<1x16xf32>
      tpu.vector_store %arg13[%swap3A_1002, %swap3A_1003], %swap3A_1006 {strides = array<i32>} : memref<16x1024xf32, #tpu.memory_space<vmem>>, vector<1x16xf32>,
      %get3A_1007 = arith.index_cast %scan3A_182 : i32 to index
      %get3A_1008 = arith.constant 944 : index
      %get3A_1009 = tpu.vector_load %arg9[%get3A_1007, %get3A_1008] {strides = array<i32>} : memref<16x1024xf32, #tpu.memory_space<vmem>>, vector<1x16xf32>,
      %get3A_1010 = vector.shape_cast %get3A_1009 : vector<1x16xf32> to vector<16xf32>
      %get3A_1011 = arith.index_cast %scan3A_182 : i32 to index
      %get3A_1012 = arith.constant 944 : index
      %get3A_1013 = tpu.vector_load %arg11[%get3A_1011, %get3A_1012] {strides = array<i32>} : memref<16x1024xf32, #tpu.memory_space<vmem>>, vector<1x16xf32>,
      %get3A_1014 = vector.shape_cast %get3A_1013 : vector<1x16xf32> to vector<16xf32>
      %add3A_1015 = arith.addf %get3A_1010, %get3A_1014 : vector<16xf32>
      %swap3A_1016 = arith.index_cast %scan3A_182 : i32 to index
      %swap3A_1017 = arith.constant 944 : index
      %swap3A_1018 = tpu.vector_load %arg13[%swap3A_1016, %swap3A_1017] {strides = array<i32>} : memref<16x1024xf32, #tpu.memory_space<vmem>>, vector<1x16xf32>,
      %swap3A_1019 = vector.shape_cast %swap3A_1018 : vector<1x16xf32> to vector<16xf32>
      %swap3A_1020 = vector.shape_cast %add3A_1015 : vector<16xf32> to vector<1x16xf32>
      tpu.vector_store %arg13[%swap3A_1016, %swap3A_1017], %swap3A_1020 {strides = array<i32>} : memref<16x1024xf32, #tpu.memory_space<vmem>>, vector<1x16xf32>,
      %get3A_1021 = arith.index_cast %scan3A_182 : i32 to index
      %get3A_1022 = arith.constant 960 : index
      %get3A_1023 = tpu.vector_load %arg9[%get3A_1021, %get3A_1022] {strides = array<i32>} : memref<16x1024xf32, #tpu.memory_space<vmem>>, vector<1x16xf32>,
      %get3A_1024 = vector.shape_cast %get3A_1023 : vector<1x16xf32> to vector<16xf32>
      %get3A_1025 = arith.index_cast %scan3A_182 : i32 to index
      %get3A_1026 = arith.constant 960 : index
      %get3A_1027 = tpu.vector_load %arg11[%get3A_1025, %get3A_1026] {strides = array<i32>} : memref<16x1024xf32, #tpu.memory_space<vmem>>, vector<1x16xf32>,
      %get3A_1028 = vector.shape_cast %get3A_1027 : vector<1x16xf32> to vector<16xf32>
      %add3A_1029 = arith.addf %get3A_1024, %get3A_1028 : vector<16xf32>
      %swap3A_1030 = arith.index_cast %scan3A_182 : i32 to index
      %swap3A_1031 = arith.constant 960 : index
      %swap3A_1032 = tpu.vector_load %arg13[%swap3A_1030, %swap3A_1031] {strides = array<i32>} : memref<16x1024xf32, #tpu.memory_space<vmem>>, vector<1x16xf32>,
      %swap3A_1033 = vector.shape_cast %swap3A_1032 : vector<1x16xf32> to vector<16xf32>
      %swap3A_1034 = vector.shape_cast %add3A_1029 : vector<16xf32> to vector<1x16xf32>
      tpu.vector_store %arg13[%swap3A_1030, %swap3A_1031], %swap3A_1034 {strides = array<i32>} : memref<16x1024xf32, #tpu.memory_space<vmem>>, vector<1x16xf32>,
      %get3A_1035 = arith.index_cast %scan3A_182 : i32 to index
      %get3A_1036 = arith.constant 976 : index
      %get3A_1037 = tpu.vector_load %arg9[%get3A_1035, %get3A_1036] {strides = array<i32>} : memref<16x1024xf32, #tpu.memory_space<vmem>>, vector<1x16xf32>,
      %get3A_1038 = vector.shape_cast %get3A_1037 : vector<1x16xf32> to vector<16xf32>
      %get3A_1039 = arith.index_cast %scan3A_182 : i32 to index
      %get3A_1040 = arith.constant 976 : index
      %get3A_1041 = tpu.vector_load %arg11[%get3A_1039, %get3A_1040] {strides = array<i32>} : memref<16x1024xf32, #tpu.memory_space<vmem>>, vector<1x16xf32>,
      %get3A_1042 = vector.shape_cast %get3A_1041 : vector<1x16xf32> to vector<16xf32>
      %add3A_1043 = arith.addf %get3A_1038, %get3A_1042 : vector<16xf32>
      %swap3A_1044 = arith.index_cast %scan3A_182 : i32 to index
      %swap3A_1045 = arith.constant 976 : index
      %swap3A_1046 = tpu.vector_load %arg13[%swap3A_1044, %swap3A_1045] {strides = array<i32>} : memref<16x1024xf32, #tpu.memory_space<vmem>>, vector<1x16xf32>,
      %swap3A_1047 = vector.shape_cast %swap3A_1046 : vector<1x16xf32> to vector<16xf32>
      %swap3A_1048 = vector.shape_cast %add3A_1043 : vector<16xf32> to vector<1x16xf32>
      tpu.vector_store %arg13[%swap3A_1044, %swap3A_1045], %swap3A_1048 {strides = array<i32>} : memref<16x1024xf32, #tpu.memory_space<vmem>>, vector<1x16xf32>,
      %get3A_1049 = arith.index_cast %scan3A_182 : i32 to index
      %get3A_1050 = arith.constant 992 : index
      %get3A_1051 = tpu.vector_load %arg9[%get3A_1049, %get3A_1050] {strides = array<i32>} : memref<16x1024xf32, #tpu.memory_space<vmem>>, vector<1x16xf32>,
      %get3A_1052 = vector.shape_cast %get3A_1051 : vector<1x16xf32> to vector<16xf32>
      %get3A_1053 = arith.index_cast %scan3A_182 : i32 to index
      %get3A_1054 = arith.constant 992 : index
      %get3A_1055 = tpu.vector_load %arg11[%get3A_1053, %get3A_1054] {strides = array<i32>} : memref<16x1024xf32, #tpu.memory_space<vmem>>, vector<1x16xf32>,
      %get3A_1056 = vector.shape_cast %get3A_1055 : vector<1x16xf32> to vector<16xf32>
      %add3A_1057 = arith.addf %get3A_1052, %get3A_1056 : vector<16xf32>
      %swap3A_1058 = arith.index_cast %scan3A_182 : i32 to index
      %swap3A_1059 = arith.constant 992 : index
      %swap3A_1060 = tpu.vector_load %arg13[%swap3A_1058, %swap3A_1059] {strides = array<i32>} : memref<16x1024xf32, #tpu.memory_space<vmem>>, vector<1x16xf32>,
      %swap3A_1061 = vector.shape_cast %swap3A_1060 : vector<1x16xf32> to vector<16xf32>
      %swap3A_1062 = vector.shape_cast %add3A_1057 : vector<16xf32> to vector<1x16xf32>
      tpu.vector_store %arg13[%swap3A_1058, %swap3A_1059], %swap3A_1062 {strides = array<i32>} : memref<16x1024xf32, #tpu.memory_space<vmem>>, vector<1x16xf32>,
      %get3A_1063 = arith.index_cast %scan3A_182 : i32 to index
      %get3A_1064 = arith.constant 1008 : index
      %get3A_1065 = tpu.vector_load %arg9[%get3A_1063, %get3A_1064] {strides = array<i32>} : memref<16x1024xf32, #tpu.memory_space<vmem>>, vector<1x16xf32>,
      %get3A_1066 = vector.shape_cast %get3A_1065 : vector<1x16xf32> to vector<16xf32>
      %get3A_1067 = arith.index_cast %scan3A_182 : i32 to index
      %get3A_1068 = arith.constant 1008 : index
      %get3A_1069 = tpu.vector_load %arg11[%get3A_1067, %get3A_1068] {strides = array<i32>} : memref<16x1024xf32, #tpu.memory_space<vmem>>, vector<1x16xf32>,
      %get3A_1070 = vector.shape_cast %get3A_1069 : vector<1x16xf32> to vector<16xf32>
      %add3A_1071 = arith.addf %get3A_1066, %get3A_1070 : vector<16xf32>
      %swap3A_1072 = arith.index_cast %scan3A_182 : i32 to index
      %swap3A_1073 = arith.constant 1008 : index
      %swap3A_1074 = tpu.vector_load %arg13[%swap3A_1072, %swap3A_1073] {strides = array<i32>} : memref<16x1024xf32, #tpu.memory_space<vmem>>, vector<1x16xf32>,
      %swap3A_1075 = vector.shape_cast %swap3A_1074 : vector<1x16xf32> to vector<16xf32>
      %swap3A_1076 = vector.shape_cast %add3A_1071 : vector<16xf32> to vector<1x16xf32>
      tpu.vector_store %arg13[%swap3A_1072, %swap3A_1073], %swap3A_1076 {strides = array<i32>} : memref<16x1024xf32, #tpu.memory_space<vmem>>, vector<1x16xf32>,
    }
    %scan3A_87 = arith.constant 16 : i32
    %mul3A_88 = arith.constant 64 : i32
    %mul3A_89 = arith.muli %add3A, %mul3A_88 : i32
    %add3A_90 = arith.constant 16 : i32
    %add3A_91 = arith.addi %mul3A_89, %add3A_90 : i32
    %dma_start3A_92 = arith.constant 0 : i32
    %dma_start3A_93 = tpu.memref_slice %arg5[%add3A_91, %dma_start3A_92] : memref<2048x1024xf32, #tpu.memory_space<hbm>> -> memref<16x1024xf32, #tpu.memory_space<hbm>>
    %dma_start3A_94 = arith.constant 0 : i32
    %dma_start3A_95 = tpu.memref_slice %arg5[%add3A_91, %dma_start3A_94] : memref<2048x1024xf32, #tpu.memory_space<hbm>> -> memref<16x1024xf32, #tpu.memory_space<hbm>>
    tpu.enqueue_dma source(%arg13 : memref<16x1024xf32, #tpu.memory_space<vmem>>) target(%dma_start3A_95 : memref<16x1024xf32, #tpu.memory_space<hbm>>) target_semaphore(%arg17 : memref<!tpu.dma_semaphore, #tpu.memory_space<semaphore_mem>>)
    %dma_wait3A_96 = arith.constant 2 : i32
    %dma_wait3A_97 = arith.constant 0 : i32
    %dma_wait3A_98 = tpu.memref_slice %arg6[%dma_wait3A_96, %dma_wait3A_97] : memref<4x16xi32, #tpu.memory_space<vmem>> -> memref<1x16xi32, #tpu.memory_space<vmem>>
    %dma_wait3A_99 = tpu.memref_squeeze %dma_wait3A_98 : memref<1x16xi32, #tpu.memory_space<vmem>> -> memref<16xi32, #tpu.memory_space<vmem>>
    %dma_wait3A_100 = arith.constant 0 : i32
    %dma_wait3A_101 = arith.constant 0 : i32
    %dma_wait3A_102 = tpu.memref_slice %arg2[%dma_wait3A_100, %dma_wait3A_101] : memref<6144x1024xf32, #tpu.memory_space<hbm>> -> memref<6144x1024xf32, #tpu.memory_space<hbm>>
    tpu.wait_indirect_dma semaphore(%arg14 : memref<!tpu.dma_semaphore, #tpu.memory_space<semaphore_mem>>) src(%dma_wait3A_102 : memref<6144x1024xf32, #tpu.memory_space<hbm>>) dst(%arg8 : memref<16x1024xf32, #tpu.memory_space<vmem>>)
    %dma_wait3A_103 = arith.constant 2 : i32
    %dma_wait3A_104 = arith.constant 0 : i32
    %dma_wait3A_105 = tpu.memref_slice %arg7[%dma_wait3A_103, %dma_wait3A_104] : memref<4x16xi32, #tpu.memory_space<vmem>> -> memref<1x16xi32, #tpu.memory_space<vmem>>
    %dma_wait3A_106 = tpu.memref_squeeze %dma_wait3A_105 : memref<1x16xi32, #tpu.memory_space<vmem>> -> memref<16xi32, #tpu.memory_space<vmem>>
    %dma_wait3A_107 = arith.constant 0 : i32
    %dma_wait3A_108 = arith.constant 0 : i32
    %dma_wait3A_109 = tpu.memref_slice %arg2[%dma_wait3A_107, %dma_wait3A_108] : memref<6144x1024xf32, #tpu.memory_space<hbm>> -> memref<6144x1024xf32, #tpu.memory_space<hbm>>
    tpu.wait_indirect_dma semaphore(%arg14 : memref<!tpu.dma_semaphore, #tpu.memory_space<semaphore_mem>>) src(%dma_wait3A_109 : memref<6144x1024xf32, #tpu.memory_space<hbm>>) dst(%arg10 : memref<16x1024xf32, #tpu.memory_space<vmem>>)
    %dma_start3A_110 = arith.constant 3 : i32
    %dma_start3A_111 = arith.constant 0 : i32
    %dma_start3A_112 = tpu.memref_slice %arg6[%dma_start3A_110, %dma_start3A_111] : memref<4x16xi32, #tpu.memory_space<vmem>> -> memref<1x16xi32, #tpu.memory_space<vmem>>
    %dma_start3A_113 = tpu.memref_squeeze %dma_start3A_112 : memref<1x16xi32, #tpu.memory_space<vmem>> -> memref<16xi32, #tpu.memory_space<vmem>>
    %dma_start3A_114 = arith.constant 0 : i32
    %dma_start3A_115 = arith.constant 0 : i32
    %dma_start3A_116 = tpu.memref_slice %arg2[%dma_start3A_114, %dma_start3A_115] : memref<6144x1024xf32, #tpu.memory_space<hbm>> -> memref<6144x1024xf32, #tpu.memory_space<hbm>>
    tpu.enqueue_indirect_dma source(%dma_start3A_116 : memref<6144x1024xf32, #tpu.memory_space<hbm>>) target(%arg9 : memref<16x1024xf32, #tpu.memory_space<vmem>>) offsets(%dma_start3A_113 : memref<16xi32, #tpu.memory_space<vmem>>) semaphore(%arg15 : memref<!tpu.dma_semaphore, #tpu.memory_space<semaphore_mem>>)
    %dma_start3A_117 = arith.constant 3 : i32
    %dma_start3A_118 = arith.constant 0 : i32
    %dma_start3A_119 = tpu.memref_slice %arg7[%dma_start3A_117, %dma_start3A_118] : memref<4x16xi32, #tpu.memory_space<vmem>> -> memref<1x16xi32, #tpu.memory_space<vmem>>
    %dma_start3A_120 = tpu.memref_squeeze %dma_start3A_119 : memref<1x16xi32, #tpu.memory_space<vmem>> -> memref<16xi32, #tpu.memory_space<vmem>>
    %dma_start3A_121 = arith.constant 0 : i32
    %dma_start3A_122 = arith.constant 0 : i32
    %dma_start3A_123 = tpu.memref_slice %arg2[%dma_start3A_121, %dma_start3A_122] : memref<6144x1024xf32, #tpu.memory_space<hbm>> -> memref<6144x1024xf32, #tpu.memory_space<hbm>>
    tpu.enqueue_indirect_dma source(%dma_start3A_123 : memref<6144x1024xf32, #tpu.memory_space<hbm>>) target(%arg11 : memref<16x1024xf32, #tpu.memory_space<vmem>>) offsets(%dma_start3A_120 : memref<16xi32, #tpu.memory_space<vmem>>) semaphore(%arg15 : memref<!tpu.dma_semaphore, #tpu.memory_space<semaphore_mem>>)
    %dma_wait3A_124 = arith.constant 0 : i32
    %dma_wait3A_125 = tpu.memref_slice %arg5[%add3A_49, %dma_wait3A_124] : memref<2048x1024xf32, #tpu.memory_space<hbm>> -> memref<16x1024xf32, #tpu.memory_space<hbm>>
    %dma_wait3A_126 = arith.constant 0 : i32
    %dma_wait3A_127 = tpu.memref_slice %arg5[%add3A_49, %dma_wait3A_126] : memref<2048x1024xf32, #tpu.memory_space<hbm>> -> memref<16x1024xf32, #tpu.memory_space<hbm>>
    tpu.wait_dma2 semaphore(%arg16 : memref<!tpu.dma_semaphore, #tpu.memory_space<semaphore_mem>>) src(%arg12 : memref<16x1024xf32, #tpu.memory_space<vmem>>) dst(%dma_wait3A_127 : memref<16x1024xf32, #tpu.memory_space<hbm>>)
    %scan3A_128 = arith.constant 0 : i32
    %scan3A_129 = arith.constant 0 : i32
    %scan3A_130 = arith.constant 16 : i32
    %scan3A_131 = arith.addi %scan3A_129, %scan3A_130 : i32
    %scan3A_132 = arith.constant 1 : i32
    scf.for %scan3A_182 = %scan3A_129 to %scan3A_131 step %scan3A_132  : i32 {
      %get3A = arith.index_cast %scan3A_182 : i32 to index
      %get3A_183 = arith.constant 0 : index
      %get3A_184 = tpu.vector_load %arg8[%get3A, %get3A_183] {strides = array<i32>} : memref<16x1024xf32, #tpu.memory_space<vmem>>, vector<1x16xf32>,
      %get3A_185 = vector.shape_cast %get3A_184 : vector<1x16xf32> to vector<16xf32>
      %get3A_186 = arith.index_cast %scan3A_182 : i32 to index
      %get3A_187 = arith.constant 0 : index
      %get3A_188 = tpu.vector_load %arg10[%get3A_186, %get3A_187] {strides = array<i32>} : memref<16x1024xf32, #tpu.memory_space<vmem>>, vector<1x16xf32>,
      %get3A_189 = vector.shape_cast %get3A_188 : vector<1x16xf32> to vector<16xf32>
      %add3A_190 = arith.addf %get3A_185, %get3A_189 : vector<16xf32>
      %swap3A = arith.index_cast %scan3A_182 : i32 to index
      %swap3A_191 = arith.constant 0 : index
      %swap3A_192 = tpu.vector_load %arg12[%swap3A, %swap3A_191] {strides = array<i32>} : memref<16x1024xf32, #tpu.memory_space<vmem>>, vector<1x16xf32>,
      %swap3A_193 = vector.shape_cast %swap3A_192 : vector<1x16xf32> to vector<16xf32>
      %swap3A_194 = vector.shape_cast %add3A_190 : vector<16xf32> to vector<1x16xf32>
      tpu.vector_store %arg12[%swap3A, %swap3A_191], %swap3A_194 {strides = array<i32>} : memref<16x1024xf32, #tpu.memory_space<vmem>>, vector<1x16xf32>,
      %get3A_195 = arith.index_cast %scan3A_182 : i32 to index
      %get3A_196 = arith.constant 16 : index
      %get3A_197 = tpu.vector_load %arg8[%get3A_195, %get3A_196] {strides = array<i32>} : memref<16x1024xf32, #tpu.memory_space<vmem>>, vector<1x16xf32>,
      %get3A_198 = vector.shape_cast %get3A_197 : vector<1x16xf32> to vector<16xf32>
      %get3A_199 = arith.index_cast %scan3A_182 : i32 to index
      %get3A_200 = arith.constant 16 : index
      %get3A_201 = tpu.vector_load %arg10[%get3A_199, %get3A_200] {strides = array<i32>} : memref<16x1024xf32, #tpu.memory_space<vmem>>, vector<1x16xf32>,
      %get3A_202 = vector.shape_cast %get3A_201 : vector<1x16xf32> to vector<16xf32>
      %add3A_203 = arith.addf %get3A_198, %get3A_202 : vector<16xf32>
      %swap3A_204 = arith.index_cast %scan3A_182 : i32 to index
      %swap3A_205 = arith.constant 16 : index
      %swap3A_206 = tpu.vector_load %arg12[%swap3A_204, %swap3A_205] {strides = array<i32>} : memref<16x1024xf32, #tpu.memory_space<vmem>>, vector<1x16xf32>,
      %swap3A_207 = vector.shape_cast %swap3A_206 : vector<1x16xf32> to vector<16xf32>
      %swap3A_208 = vector.shape_cast %add3A_203 : vector<16xf32> to vector<1x16xf32>
      tpu.vector_store %arg12[%swap3A_204, %swap3A_205], %swap3A_208 {strides = array<i32>} : memref<16x1024xf32, #tpu.memory_space<vmem>>, vector<1x16xf32>,
      %get3A_209 = arith.index_cast %scan3A_182 : i32 to index
      %get3A_210 = arith.constant 32 : index
      %get3A_211 = tpu.vector_load %arg8[%get3A_209, %get3A_210] {strides = array<i32>} : memref<16x1024xf32, #tpu.memory_space<vmem>>, vector<1x16xf32>,
      %get3A_212 = vector.shape_cast %get3A_211 : vector<1x16xf32> to vector<16xf32>
      %get3A_213 = arith.index_cast %scan3A_182 : i32 to index
      %get3A_214 = arith.constant 32 : index
      %get3A_215 = tpu.vector_load %arg10[%get3A_213, %get3A_214] {strides = array<i32>} : memref<16x1024xf32, #tpu.memory_space<vmem>>, vector<1x16xf32>,
      %get3A_216 = vector.shape_cast %get3A_215 : vector<1x16xf32> to vector<16xf32>
      %add3A_217 = arith.addf %get3A_212, %get3A_216 : vector<16xf32>
      %swap3A_218 = arith.index_cast %scan3A_182 : i32 to index
      %swap3A_219 = arith.constant 32 : index
      %swap3A_220 = tpu.vector_load %arg12[%swap3A_218, %swap3A_219] {strides = array<i32>} : memref<16x1024xf32, #tpu.memory_space<vmem>>, vector<1x16xf32>,
      %swap3A_221 = vector.shape_cast %swap3A_220 : vector<1x16xf32> to vector<16xf32>
      %swap3A_222 = vector.shape_cast %add3A_217 : vector<16xf32> to vector<1x16xf32>
      tpu.vector_store %arg12[%swap3A_218, %swap3A_219], %swap3A_222 {strides = array<i32>} : memref<16x1024xf32, #tpu.memory_space<vmem>>, vector<1x16xf32>,
      %get3A_223 = arith.index_cast %scan3A_182 : i32 to index
      %get3A_224 = arith.constant 48 : index
      %get3A_225 = tpu.vector_load %arg8[%get3A_223, %get3A_224] {strides = array<i32>} : memref<16x1024xf32, #tpu.memory_space<vmem>>, vector<1x16xf32>,
      %get3A_226 = vector.shape_cast %get3A_225 : vector<1x16xf32> to vector<16xf32>
      %get3A_227 = arith.index_cast %scan3A_182 : i32 to index
      %get3A_228 = arith.constant 48 : index
      %get3A_229 = tpu.vector_load %arg10[%get3A_227, %get3A_228] {strides = array<i32>} : memref<16x1024xf32, #tpu.memory_space<vmem>>, vector<1x16xf32>,
      %get3A_230 = vector.shape_cast %get3A_229 : vector<1x16xf32> to vector<16xf32>
      %add3A_231 = arith.addf %get3A_226, %get3A_230 : vector<16xf32>
      %swap3A_232 = arith.index_cast %scan3A_182 : i32 to index
      %swap3A_233 = arith.constant 48 : index
      %swap3A_234 = tpu.vector_load %arg12[%swap3A_232, %swap3A_233] {strides = array<i32>} : memref<16x1024xf32, #tpu.memory_space<vmem>>, vector<1x16xf32>,
      %swap3A_235 = vector.shape_cast %swap3A_234 : vector<1x16xf32> to vector<16xf32>
      %swap3A_236 = vector.shape_cast %add3A_231 : vector<16xf32> to vector<1x16xf32>
      tpu.vector_store %arg12[%swap3A_232, %swap3A_233], %swap3A_236 {strides = array<i32>} : memref<16x1024xf32, #tpu.memory_space<vmem>>, vector<1x16xf32>,
      %get3A_237 = arith.index_cast %scan3A_182 : i32 to index
      %get3A_238 = arith.constant 64 : index
      %get3A_239 = tpu.vector_load %arg8[%get3A_237, %get3A_238] {strides = array<i32>} : memref<16x1024xf32, #tpu.memory_space<vmem>>, vector<1x16xf32>,
      %get3A_240 = vector.shape_cast %get3A_239 : vector<1x16xf32> to vector<16xf32>
      %get3A_241 = arith.index_cast %scan3A_182 : i32 to index
      %get3A_242 = arith.constant 64 : index
      %get3A_243 = tpu.vector_load %arg10[%get3A_241, %get3A_242] {strides = array<i32>} : memref<16x1024xf32, #tpu.memory_space<vmem>>, vector<1x16xf32>,
      %get3A_244 = vector.shape_cast %get3A_243 : vector<1x16xf32> to vector<16xf32>
      %add3A_245 = arith.addf %get3A_240, %get3A_244 : vector<16xf32>
      %swap3A_246 = arith.index_cast %scan3A_182 : i32 to index
      %swap3A_247 = arith.constant 64 : index
      %swap3A_248 = tpu.vector_load %arg12[%swap3A_246, %swap3A_247] {strides = array<i32>} : memref<16x1024xf32, #tpu.memory_space<vmem>>, vector<1x16xf32>,
      %swap3A_249 = vector.shape_cast %swap3A_248 : vector<1x16xf32> to vector<16xf32>
      %swap3A_250 = vector.shape_cast %add3A_245 : vector<16xf32> to vector<1x16xf32>
      tpu.vector_store %arg12[%swap3A_246, %swap3A_247], %swap3A_250 {strides = array<i32>} : memref<16x1024xf32, #tpu.memory_space<vmem>>, vector<1x16xf32>,
      %get3A_251 = arith.index_cast %scan3A_182 : i32 to index
      %get3A_252 = arith.constant 80 : index
      %get3A_253 = tpu.vector_load %arg8[%get3A_251, %get3A_252] {strides = array<i32>} : memref<16x1024xf32, #tpu.memory_space<vmem>>, vector<1x16xf32>,
      %get3A_254 = vector.shape_cast %get3A_253 : vector<1x16xf32> to vector<16xf32>
      %get3A_255 = arith.index_cast %scan3A_182 : i32 to index
      %get3A_256 = arith.constant 80 : index
      %get3A_257 = tpu.vector_load %arg10[%get3A_255, %get3A_256] {strides = array<i32>} : memref<16x1024xf32, #tpu.memory_space<vmem>>, vector<1x16xf32>,
      %get3A_258 = vector.shape_cast %get3A_257 : vector<1x16xf32> to vector<16xf32>
      %add3A_259 = arith.addf %get3A_254, %get3A_258 : vector<16xf32>
      %swap3A_260 = arith.index_cast %scan3A_182 : i32 to index
      %swap3A_261 = arith.constant 80 : index
      %swap3A_262 = tpu.vector_load %arg12[%swap3A_260, %swap3A_261] {strides = array<i32>} : memref<16x1024xf32, #tpu.memory_space<vmem>>, vector<1x16xf32>,
      %swap3A_263 = vector.shape_cast %swap3A_262 : vector<1x16xf32> to vector<16xf32>
      %swap3A_264 = vector.shape_cast %add3A_259 : vector<16xf32> to vector<1x16xf32>
      tpu.vector_store %arg12[%swap3A_260, %swap3A_261], %swap3A_264 {strides = array<i32>} : memref<16x1024xf32, #tpu.memory_space<vmem>>, vector<1x16xf32>,
      %get3A_265 = arith.index_cast %scan3A_182 : i32 to index
      %get3A_266 = arith.constant 96 : index
      %get3A_267 = tpu.vector_load %arg8[%get3A_265, %get3A_266] {strides = array<i32>} : memref<16x1024xf32, #tpu.memory_space<vmem>>, vector<1x16xf32>,
      %get3A_268 = vector.shape_cast %get3A_267 : vector<1x16xf32> to vector<16xf32>
      %get3A_269 = arith.index_cast %scan3A_182 : i32 to index
      %get3A_270 = arith.constant 96 : index
      %get3A_271 = tpu.vector_load %arg10[%get3A_269, %get3A_270] {strides = array<i32>} : memref<16x1024xf32, #tpu.memory_space<vmem>>, vector<1x16xf32>,
      %get3A_272 = vector.shape_cast %get3A_271 : vector<1x16xf32> to vector<16xf32>
      %add3A_273 = arith.addf %get3A_268, %get3A_272 : vector<16xf32>
      %swap3A_274 = arith.index_cast %scan3A_182 : i32 to index
      %swap3A_275 = arith.constant 96 : index
      %swap3A_276 = tpu.vector_load %arg12[%swap3A_274, %swap3A_275] {strides = array<i32>} : memref<16x1024xf32, #tpu.memory_space<vmem>>, vector<1x16xf32>,
      %swap3A_277 = vector.shape_cast %swap3A_276 : vector<1x16xf32> to vector<16xf32>
      %swap3A_278 = vector.shape_cast %add3A_273 : vector<16xf32> to vector<1x16xf32>
      tpu.vector_store %arg12[%swap3A_274, %swap3A_275], %swap3A_278 {strides = array<i32>} : memref<16x1024xf32, #tpu.memory_space<vmem>>, vector<1x16xf32>,
      %get3A_279 = arith.index_cast %scan3A_182 : i32 to index
      %get3A_280 = arith.constant 112 : index
      %get3A_281 = tpu.vector_load %arg8[%get3A_279, %get3A_280] {strides = array<i32>} : memref<16x1024xf32, #tpu.memory_space<vmem>>, vector<1x16xf32>,
      %get3A_282 = vector.shape_cast %get3A_281 : vector<1x16xf32> to vector<16xf32>
      %get3A_283 = arith.index_cast %scan3A_182 : i32 to index
      %get3A_284 = arith.constant 112 : index
      %get3A_285 = tpu.vector_load %arg10[%get3A_283, %get3A_284] {strides = array<i32>} : memref<16x1024xf32, #tpu.memory_space<vmem>>, vector<1x16xf32>,
      %get3A_286 = vector.shape_cast %get3A_285 : vector<1x16xf32> to vector<16xf32>
      %add3A_287 = arith.addf %get3A_282, %get3A_286 : vector<16xf32>
      %swap3A_288 = arith.index_cast %scan3A_182 : i32 to index
      %swap3A_289 = arith.constant 112 : index
      %swap3A_290 = tpu.vector_load %arg12[%swap3A_288, %swap3A_289] {strides = array<i32>} : memref<16x1024xf32, #tpu.memory_space<vmem>>, vector<1x16xf32>,
      %swap3A_291 = vector.shape_cast %swap3A_290 : vector<1x16xf32> to vector<16xf32>
      %swap3A_292 = vector.shape_cast %add3A_287 : vector<16xf32> to vector<1x16xf32>
      tpu.vector_store %arg12[%swap3A_288, %swap3A_289], %swap3A_292 {strides = array<i32>} : memref<16x1024xf32, #tpu.memory_space<vmem>>, vector<1x16xf32>,
      %get3A_293 = arith.index_cast %scan3A_182 : i32 to index
      %get3A_294 = arith.constant 128 : index
      %get3A_295 = tpu.vector_load %arg8[%get3A_293, %get3A_294] {strides = array<i32>} : memref<16x1024xf32, #tpu.memory_space<vmem>>, vector<1x16xf32>,
      %get3A_296 = vector.shape_cast %get3A_295 : vector<1x16xf32> to vector<16xf32>
      %get3A_297 = arith.index_cast %scan3A_182 : i32 to index
      %get3A_298 = arith.constant 128 : index
      %get3A_299 = tpu.vector_load %arg10[%get3A_297, %get3A_298] {strides = array<i32>} : memref<16x1024xf32, #tpu.memory_space<vmem>>, vector<1x16xf32>,
      %get3A_300 = vector.shape_cast %get3A_299 : vector<1x16xf32> to vector<16xf32>
      %add3A_301 = arith.addf %get3A_296, %get3A_300 : vector<16xf32>
      %swap3A_302 = arith.index_cast %scan3A_182 : i32 to index
      %swap3A_303 = arith.constant 128 : index
      %swap3A_304 = tpu.vector_load %arg12[%swap3A_302, %swap3A_303] {strides = array<i32>} : memref<16x1024xf32, #tpu.memory_space<vmem>>, vector<1x16xf32>,
      %swap3A_305 = vector.shape_cast %swap3A_304 : vector<1x16xf32> to vector<16xf32>
      %swap3A_306 = vector.shape_cast %add3A_301 : vector<16xf32> to vector<1x16xf32>
      tpu.vector_store %arg12[%swap3A_302, %swap3A_303], %swap3A_306 {strides = array<i32>} : memref<16x1024xf32, #tpu.memory_space<vmem>>, vector<1x16xf32>,
      %get3A_307 = arith.index_cast %scan3A_182 : i32 to index
      %get3A_308 = arith.constant 144 : index
      %get3A_309 = tpu.vector_load %arg8[%get3A_307, %get3A_308] {strides = array<i32>} : memref<16x1024xf32, #tpu.memory_space<vmem>>, vector<1x16xf32>,
      %get3A_310 = vector.shape_cast %get3A_309 : vector<1x16xf32> to vector<16xf32>
      %get3A_311 = arith.index_cast %scan3A_182 : i32 to index
      %get3A_312 = arith.constant 144 : index
      %get3A_313 = tpu.vector_load %arg10[%get3A_311, %get3A_312] {strides = array<i32>} : memref<16x1024xf32, #tpu.memory_space<vmem>>, vector<1x16xf32>,
      %get3A_314 = vector.shape_cast %get3A_313 : vector<1x16xf32> to vector<16xf32>
      %add3A_315 = arith.addf %get3A_310, %get3A_314 : vector<16xf32>
      %swap3A_316 = arith.index_cast %scan3A_182 : i32 to index
      %swap3A_317 = arith.constant 144 : index
      %swap3A_318 = tpu.vector_load %arg12[%swap3A_316, %swap3A_317] {strides = array<i32>} : memref<16x1024xf32, #tpu.memory_space<vmem>>, vector<1x16xf32>,
      %swap3A_319 = vector.shape_cast %swap3A_318 : vector<1x16xf32> to vector<16xf32>
      %swap3A_320 = vector.shape_cast %add3A_315 : vector<16xf32> to vector<1x16xf32>
      tpu.vector_store %arg12[%swap3A_316, %swap3A_317], %swap3A_320 {strides = array<i32>} : memref<16x1024xf32, #tpu.memory_space<vmem>>, vector<1x16xf32>,
      %get3A_321 = arith.index_cast %scan3A_182 : i32 to index
      %get3A_322 = arith.constant 160 : index
      %get3A_323 = tpu.vector_load %arg8[%get3A_321, %get3A_322] {strides = array<i32>} : memref<16x1024xf32, #tpu.memory_space<vmem>>, vector<1x16xf32>,
      %get3A_324 = vector.shape_cast %get3A_323 : vector<1x16xf32> to vector<16xf32>
      %get3A_325 = arith.index_cast %scan3A_182 : i32 to index
      %get3A_326 = arith.constant 160 : index
      %get3A_327 = tpu.vector_load %arg10[%get3A_325, %get3A_326] {strides = array<i32>} : memref<16x1024xf32, #tpu.memory_space<vmem>>, vector<1x16xf32>,
      %get3A_328 = vector.shape_cast %get3A_327 : vector<1x16xf32> to vector<16xf32>
      %add3A_329 = arith.addf %get3A_324, %get3A_328 : vector<16xf32>
      %swap3A_330 = arith.index_cast %scan3A_182 : i32 to index
      %swap3A_331 = arith.constant 160 : index
      %swap3A_332 = tpu.vector_load %arg12[%swap3A_330, %swap3A_331] {strides = array<i32>} : memref<16x1024xf32, #tpu.memory_space<vmem>>, vector<1x16xf32>,
      %swap3A_333 = vector.shape_cast %swap3A_332 : vector<1x16xf32> to vector<16xf32>
      %swap3A_334 = vector.shape_cast %add3A_329 : vector<16xf32> to vector<1x16xf32>
      tpu.vector_store %arg12[%swap3A_330, %swap3A_331], %swap3A_334 {strides = array<i32>} : memref<16x1024xf32, #tpu.memory_space<vmem>>, vector<1x16xf32>,
      %get3A_335 = arith.index_cast %scan3A_182 : i32 to index
      %get3A_336 = arith.constant 176 : index
      %get3A_337 = tpu.vector_load %arg8[%get3A_335, %get3A_336] {strides = array<i32>} : memref<16x1024xf32, #tpu.memory_space<vmem>>, vector<1x16xf32>,
      %get3A_338 = vector.shape_cast %get3A_337 : vector<1x16xf32> to vector<16xf32>
      %get3A_339 = arith.index_cast %scan3A_182 : i32 to index
      %get3A_340 = arith.constant 176 : index
      %get3A_341 = tpu.vector_load %arg10[%get3A_339, %get3A_340] {strides = array<i32>} : memref<16x1024xf32, #tpu.memory_space<vmem>>, vector<1x16xf32>,
      %get3A_342 = vector.shape_cast %get3A_341 : vector<1x16xf32> to vector<16xf32>
      %add3A_343 = arith.addf %get3A_338, %get3A_342 : vector<16xf32>
      %swap3A_344 = arith.index_cast %scan3A_182 : i32 to index
      %swap3A_345 = arith.constant 176 : index
      %swap3A_346 = tpu.vector_load %arg12[%swap3A_344, %swap3A_345] {strides = array<i32>} : memref<16x1024xf32, #tpu.memory_space<vmem>>, vector<1x16xf32>,
      %swap3A_347 = vector.shape_cast %swap3A_346 : vector<1x16xf32> to vector<16xf32>
      %swap3A_348 = vector.shape_cast %add3A_343 : vector<16xf32> to vector<1x16xf32>
      tpu.vector_store %arg12[%swap3A_344, %swap3A_345], %swap3A_348 {strides = array<i32>} : memref<16x1024xf32, #tpu.memory_space<vmem>>, vector<1x16xf32>,
      %get3A_349 = arith.index_cast %scan3A_182 : i32 to index
      %get3A_350 = arith.constant 192 : index
      %get3A_351 = tpu.vector_load %arg8[%get3A_349, %get3A_350] {strides = array<i32>} : memref<16x1024xf32, #tpu.memory_space<vmem>>, vector<1x16xf32>,
      %get3A_352 = vector.shape_cast %get3A_351 : vector<1x16xf32> to vector<16xf32>
      %get3A_353 = arith.index_cast %scan3A_182 : i32 to index
      %get3A_354 = arith.constant 192 : index
      %get3A_355 = tpu.vector_load %arg10[%get3A_353, %get3A_354] {strides = array<i32>} : memref<16x1024xf32, #tpu.memory_space<vmem>>, vector<1x16xf32>,
      %get3A_356 = vector.shape_cast %get3A_355 : vector<1x16xf32> to vector<16xf32>
      %add3A_357 = arith.addf %get3A_352, %get3A_356 : vector<16xf32>
      %swap3A_358 = arith.index_cast %scan3A_182 : i32 to index
      %swap3A_359 = arith.constant 192 : index
      %swap3A_360 = tpu.vector_load %arg12[%swap3A_358, %swap3A_359] {strides = array<i32>} : memref<16x1024xf32, #tpu.memory_space<vmem>>, vector<1x16xf32>,
      %swap3A_361 = vector.shape_cast %swap3A_360 : vector<1x16xf32> to vector<16xf32>
      %swap3A_362 = vector.shape_cast %add3A_357 : vector<16xf32> to vector<1x16xf32>
      tpu.vector_store %arg12[%swap3A_358, %swap3A_359], %swap3A_362 {strides = array<i32>} : memref<16x1024xf32, #tpu.memory_space<vmem>>, vector<1x16xf32>,
      %get3A_363 = arith.index_cast %scan3A_182 : i32 to index
      %get3A_364 = arith.constant 208 : index
      %get3A_365 = tpu.vector_load %arg8[%get3A_363, %get3A_364] {strides = array<i32>} : memref<16x1024xf32, #tpu.memory_space<vmem>>, vector<1x16xf32>,
      %get3A_366 = vector.shape_cast %get3A_365 : vector<1x16xf32> to vector<16xf32>
      %get3A_367 = arith.index_cast %scan3A_182 : i32 to index
      %get3A_368 = arith.constant 208 : index
      %get3A_369 = tpu.vector_load %arg10[%get3A_367, %get3A_368] {strides = array<i32>} : memref<16x1024xf32, #tpu.memory_space<vmem>>, vector<1x16xf32>,
      %get3A_370 = vector.shape_cast %get3A_369 : vector<1x16xf32> to vector<16xf32>
      %add3A_371 = arith.addf %get3A_366, %get3A_370 : vector<16xf32>
      %swap3A_372 = arith.index_cast %scan3A_182 : i32 to index
      %swap3A_373 = arith.constant 208 : index
      %swap3A_374 = tpu.vector_load %arg12[%swap3A_372, %swap3A_373] {strides = array<i32>} : memref<16x1024xf32, #tpu.memory_space<vmem>>, vector<1x16xf32>,
      %swap3A_375 = vector.shape_cast %swap3A_374 : vector<1x16xf32> to vector<16xf32>
      %swap3A_376 = vector.shape_cast %add3A_371 : vector<16xf32> to vector<1x16xf32>
      tpu.vector_store %arg12[%swap3A_372, %swap3A_373], %swap3A_376 {strides = array<i32>} : memref<16x1024xf32, #tpu.memory_space<vmem>>, vector<1x16xf32>,
      %get3A_377 = arith.index_cast %scan3A_182 : i32 to index
      %get3A_378 = arith.constant 224 : index
      %get3A_379 = tpu.vector_load %arg8[%get3A_377, %get3A_378] {strides = array<i32>} : memref<16x1024xf32, #tpu.memory_space<vmem>>, vector<1x16xf32>,
      %get3A_380 = vector.shape_cast %get3A_379 : vector<1x16xf32> to vector<16xf32>
      %get3A_381 = arith.index_cast %scan3A_182 : i32 to index
      %get3A_382 = arith.constant 224 : index
      %get3A_383 = tpu.vector_load %arg10[%get3A_381, %get3A_382] {strides = array<i32>} : memref<16x1024xf32, #tpu.memory_space<vmem>>, vector<1x16xf32>,
      %get3A_384 = vector.shape_cast %get3A_383 : vector<1x16xf32> to vector<16xf32>
      %add3A_385 = arith.addf %get3A_380, %get3A_384 : vector<16xf32>
      %swap3A_386 = arith.index_cast %scan3A_182 : i32 to index
      %swap3A_387 = arith.constant 224 : index
      %swap3A_388 = tpu.vector_load %arg12[%swap3A_386, %swap3A_387] {strides = array<i32>} : memref<16x1024xf32, #tpu.memory_space<vmem>>, vector<1x16xf32>,
      %swap3A_389 = vector.shape_cast %swap3A_388 : vector<1x16xf32> to vector<16xf32>
      %swap3A_390 = vector.shape_cast %add3A_385 : vector<16xf32> to vector<1x16xf32>
      tpu.vector_store %arg12[%swap3A_386, %swap3A_387], %swap3A_390 {strides = array<i32>} : memref<16x1024xf32, #tpu.memory_space<vmem>>, vector<1x16xf32>,
      %get3A_391 = arith.index_cast %scan3A_182 : i32 to index
      %get3A_392 = arith.constant 240 : index
      %get3A_393 = tpu.vector_load %arg8[%get3A_391, %get3A_392] {strides = array<i32>} : memref<16x1024xf32, #tpu.memory_space<vmem>>, vector<1x16xf32>,
      %get3A_394 = vector.shape_cast %get3A_393 : vector<1x16xf32> to vector<16xf32>
      %get3A_395 = arith.index_cast %scan3A_182 : i32 to index
      %get3A_396 = arith.constant 240 : index
      %get3A_397 = tpu.vector_load %arg10[%get3A_395, %get3A_396] {strides = array<i32>} : memref<16x1024xf32, #tpu.memory_space<vmem>>, vector<1x16xf32>,
      %get3A_398 = vector.shape_cast %get3A_397 : vector<1x16xf32> to vector<16xf32>
      %add3A_399 = arith.addf %get3A_394, %get3A_398 : vector<16xf32>
      %swap3A_400 = arith.index_cast %scan3A_182 : i32 to index
      %swap3A_401 = arith.constant 240 : index
      %swap3A_402 = tpu.vector_load %arg12[%swap3A_400, %swap3A_401] {strides = array<i32>} : memref<16x1024xf32, #tpu.memory_space<vmem>>, vector<1x16xf32>,
      %swap3A_403 = vector.shape_cast %swap3A_402 : vector<1x16xf32> to vector<16xf32>
      %swap3A_404 = vector.shape_cast %add3A_399 : vector<16xf32> to vector<1x16xf32>
      tpu.vector_store %arg12[%swap3A_400, %swap3A_401], %swap3A_404 {strides = array<i32>} : memref<16x1024xf32, #tpu.memory_space<vmem>>, vector<1x16xf32>,
      %get3A_405 = arith.index_cast %scan3A_182 : i32 to index
      %get3A_406 = arith.constant 256 : index
      %get3A_407 = tpu.vector_load %arg8[%get3A_405, %get3A_406] {strides = array<i32>} : memref<16x1024xf32, #tpu.memory_space<vmem>>, vector<1x16xf32>,
      %get3A_408 = vector.shape_cast %get3A_407 : vector<1x16xf32> to vector<16xf32>
      %get3A_409 = arith.index_cast %scan3A_182 : i32 to index
      %get3A_410 = arith.constant 256 : index
      %get3A_411 = tpu.vector_load %arg10[%get3A_409, %get3A_410] {strides = array<i32>} : memref<16x1024xf32, #tpu.memory_space<vmem>>, vector<1x16xf32>,
      %get3A_412 = vector.shape_cast %get3A_411 : vector<1x16xf32> to vector<16xf32>
      %add3A_413 = arith.addf %get3A_408, %get3A_412 : vector<16xf32>
      %swap3A_414 = arith.index_cast %scan3A_182 : i32 to index
      %swap3A_415 = arith.constant 256 : index
      %swap3A_416 = tpu.vector_load %arg12[%swap3A_414, %swap3A_415] {strides = array<i32>} : memref<16x1024xf32, #tpu.memory_space<vmem>>, vector<1x16xf32>,
      %swap3A_417 = vector.shape_cast %swap3A_416 : vector<1x16xf32> to vector<16xf32>
      %swap3A_418 = vector.shape_cast %add3A_413 : vector<16xf32> to vector<1x16xf32>
      tpu.vector_store %arg12[%swap3A_414, %swap3A_415], %swap3A_418 {strides = array<i32>} : memref<16x1024xf32, #tpu.memory_space<vmem>>, vector<1x16xf32>,
      %get3A_419 = arith.index_cast %scan3A_182 : i32 to index
      %get3A_420 = arith.constant 272 : index
      %get3A_421 = tpu.vector_load %arg8[%get3A_419, %get3A_420] {strides = array<i32>} : memref<16x1024xf32, #tpu.memory_space<vmem>>, vector<1x16xf32>,
      %get3A_422 = vector.shape_cast %get3A_421 : vector<1x16xf32> to vector<16xf32>
      %get3A_423 = arith.index_cast %scan3A_182 : i32 to index
      %get3A_424 = arith.constant 272 : index
      %get3A_425 = tpu.vector_load %arg10[%get3A_423, %get3A_424] {strides = array<i32>} : memref<16x1024xf32, #tpu.memory_space<vmem>>, vector<1x16xf32>,
      %get3A_426 = vector.shape_cast %get3A_425 : vector<1x16xf32> to vector<16xf32>
      %add3A_427 = arith.addf %get3A_422, %get3A_426 : vector<16xf32>
      %swap3A_428 = arith.index_cast %scan3A_182 : i32 to index
      %swap3A_429 = arith.constant 272 : index
      %swap3A_430 = tpu.vector_load %arg12[%swap3A_428, %swap3A_429] {strides = array<i32>} : memref<16x1024xf32, #tpu.memory_space<vmem>>, vector<1x16xf32>,
      %swap3A_431 = vector.shape_cast %swap3A_430 : vector<1x16xf32> to vector<16xf32>
      %swap3A_432 = vector.shape_cast %add3A_427 : vector<16xf32> to vector<1x16xf32>
      tpu.vector_store %arg12[%swap3A_428, %swap3A_429], %swap3A_432 {strides = array<i32>} : memref<16x1024xf32, #tpu.memory_space<vmem>>, vector<1x16xf32>,
      %get3A_433 = arith.index_cast %scan3A_182 : i32 to index
      %get3A_434 = arith.constant 288 : index
      %get3A_435 = tpu.vector_load %arg8[%get3A_433, %get3A_434] {strides = array<i32>} : memref<16x1024xf32, #tpu.memory_space<vmem>>, vector<1x16xf32>,
      %get3A_436 = vector.shape_cast %get3A_435 : vector<1x16xf32> to vector<16xf32>
      %get3A_437 = arith.index_cast %scan3A_182 : i32 to index
      %get3A_438 = arith.constant 288 : index
      %get3A_439 = tpu.vector_load %arg10[%get3A_437, %get3A_438] {strides = array<i32>} : memref<16x1024xf32, #tpu.memory_space<vmem>>, vector<1x16xf32>,
      %get3A_440 = vector.shape_cast %get3A_439 : vector<1x16xf32> to vector<16xf32>
      %add3A_441 = arith.addf %get3A_436, %get3A_440 : vector<16xf32>
      %swap3A_442 = arith.index_cast %scan3A_182 : i32 to index
      %swap3A_443 = arith.constant 288 : index
      %swap3A_444 = tpu.vector_load %arg12[%swap3A_442, %swap3A_443] {strides = array<i32>} : memref<16x1024xf32, #tpu.memory_space<vmem>>, vector<1x16xf32>,
      %swap3A_445 = vector.shape_cast %swap3A_444 : vector<1x16xf32> to vector<16xf32>
      %swap3A_446 = vector.shape_cast %add3A_441 : vector<16xf32> to vector<1x16xf32>
      tpu.vector_store %arg12[%swap3A_442, %swap3A_443], %swap3A_446 {strides = array<i32>} : memref<16x1024xf32, #tpu.memory_space<vmem>>, vector<1x16xf32>,
      %get3A_447 = arith.index_cast %scan3A_182 : i32 to index
      %get3A_448 = arith.constant 304 : index
      %get3A_449 = tpu.vector_load %arg8[%get3A_447, %get3A_448] {strides = array<i32>} : memref<16x1024xf32, #tpu.memory_space<vmem>>, vector<1x16xf32>,
      %get3A_450 = vector.shape_cast %get3A_449 : vector<1x16xf32> to vector<16xf32>
      %get3A_451 = arith.index_cast %scan3A_182 : i32 to index
      %get3A_452 = arith.constant 304 : index
      %get3A_453 = tpu.vector_load %arg10[%get3A_451, %get3A_452] {strides = array<i32>} : memref<16x1024xf32, #tpu.memory_space<vmem>>, vector<1x16xf32>,
      %get3A_454 = vector.shape_cast %get3A_453 : vector<1x16xf32> to vector<16xf32>
      %add3A_455 = arith.addf %get3A_450, %get3A_454 : vector<16xf32>
      %swap3A_456 = arith.index_cast %scan3A_182 : i32 to index
      %swap3A_457 = arith.constant 304 : index
      %swap3A_458 = tpu.vector_load %arg12[%swap3A_456, %swap3A_457] {strides = array<i32>} : memref<16x1024xf32, #tpu.memory_space<vmem>>, vector<1x16xf32>,
      %swap3A_459 = vector.shape_cast %swap3A_458 : vector<1x16xf32> to vector<16xf32>
      %swap3A_460 = vector.shape_cast %add3A_455 : vector<16xf32> to vector<1x16xf32>
      tpu.vector_store %arg12[%swap3A_456, %swap3A_457], %swap3A_460 {strides = array<i32>} : memref<16x1024xf32, #tpu.memory_space<vmem>>, vector<1x16xf32>,
      %get3A_461 = arith.index_cast %scan3A_182 : i32 to index
      %get3A_462 = arith.constant 320 : index
      %get3A_463 = tpu.vector_load %arg8[%get3A_461, %get3A_462] {strides = array<i32>} : memref<16x1024xf32, #tpu.memory_space<vmem>>, vector<1x16xf32>,
      %get3A_464 = vector.shape_cast %get3A_463 : vector<1x16xf32> to vector<16xf32>
      %get3A_465 = arith.index_cast %scan3A_182 : i32 to index
      %get3A_466 = arith.constant 320 : index
      %get3A_467 = tpu.vector_load %arg10[%get3A_465, %get3A_466] {strides = array<i32>} : memref<16x1024xf32, #tpu.memory_space<vmem>>, vector<1x16xf32>,
      %get3A_468 = vector.shape_cast %get3A_467 : vector<1x16xf32> to vector<16xf32>
      %add3A_469 = arith.addf %get3A_464, %get3A_468 : vector<16xf32>
      %swap3A_470 = arith.index_cast %scan3A_182 : i32 to index
      %swap3A_471 = arith.constant 320 : index
      %swap3A_472 = tpu.vector_load %arg12[%swap3A_470, %swap3A_471] {strides = array<i32>} : memref<16x1024xf32, #tpu.memory_space<vmem>>, vector<1x16xf32>,
      %swap3A_473 = vector.shape_cast %swap3A_472 : vector<1x16xf32> to vector<16xf32>
      %swap3A_474 = vector.shape_cast %add3A_469 : vector<16xf32> to vector<1x16xf32>
      tpu.vector_store %arg12[%swap3A_470, %swap3A_471], %swap3A_474 {strides = array<i32>} : memref<16x1024xf32, #tpu.memory_space<vmem>>, vector<1x16xf32>,
      %get3A_475 = arith.index_cast %scan3A_182 : i32 to index
      %get3A_476 = arith.constant 336 : index
      %get3A_477 = tpu.vector_load %arg8[%get3A_475, %get3A_476] {strides = array<i32>} : memref<16x1024xf32, #tpu.memory_space<vmem>>, vector<1x16xf32>,
      %get3A_478 = vector.shape_cast %get3A_477 : vector<1x16xf32> to vector<16xf32>
      %get3A_479 = arith.index_cast %scan3A_182 : i32 to index
      %get3A_480 = arith.constant 336 : index
      %get3A_481 = tpu.vector_load %arg10[%get3A_479, %get3A_480] {strides = array<i32>} : memref<16x1024xf32, #tpu.memory_space<vmem>>, vector<1x16xf32>,
      %get3A_482 = vector.shape_cast %get3A_481 : vector<1x16xf32> to vector<16xf32>
      %add3A_483 = arith.addf %get3A_478, %get3A_482 : vector<16xf32>
      %swap3A_484 = arith.index_cast %scan3A_182 : i32 to index
      %swap3A_485 = arith.constant 336 : index
      %swap3A_486 = tpu.vector_load %arg12[%swap3A_484, %swap3A_485] {strides = array<i32>} : memref<16x1024xf32, #tpu.memory_space<vmem>>, vector<1x16xf32>,
      %swap3A_487 = vector.shape_cast %swap3A_486 : vector<1x16xf32> to vector<16xf32>
      %swap3A_488 = vector.shape_cast %add3A_483 : vector<16xf32> to vector<1x16xf32>
      tpu.vector_store %arg12[%swap3A_484, %swap3A_485], %swap3A_488 {strides = array<i32>} : memref<16x1024xf32, #tpu.memory_space<vmem>>, vector<1x16xf32>,
      %get3A_489 = arith.index_cast %scan3A_182 : i32 to index
      %get3A_490 = arith.constant 352 : index
      %get3A_491 = tpu.vector_load %arg8[%get3A_489, %get3A_490] {strides = array<i32>} : memref<16x1024xf32, #tpu.memory_space<vmem>>, vector<1x16xf32>,
      %get3A_492 = vector.shape_cast %get3A_491 : vector<1x16xf32> to vector<16xf32>
      %get3A_493 = arith.index_cast %scan3A_182 : i32 to index
      %get3A_494 = arith.constant 352 : index
      %get3A_495 = tpu.vector_load %arg10[%get3A_493, %get3A_494] {strides = array<i32>} : memref<16x1024xf32, #tpu.memory_space<vmem>>, vector<1x16xf32>,
      %get3A_496 = vector.shape_cast %get3A_495 : vector<1x16xf32> to vector<16xf32>
      %add3A_497 = arith.addf %get3A_492, %get3A_496 : vector<16xf32>
      %swap3A_498 = arith.index_cast %scan3A_182 : i32 to index
      %swap3A_499 = arith.constant 352 : index
      %swap3A_500 = tpu.vector_load %arg12[%swap3A_498, %swap3A_499] {strides = array<i32>} : memref<16x1024xf32, #tpu.memory_space<vmem>>, vector<1x16xf32>,
      %swap3A_501 = vector.shape_cast %swap3A_500 : vector<1x16xf32> to vector<16xf32>
      %swap3A_502 = vector.shape_cast %add3A_497 : vector<16xf32> to vector<1x16xf32>
      tpu.vector_store %arg12[%swap3A_498, %swap3A_499], %swap3A_502 {strides = array<i32>} : memref<16x1024xf32, #tpu.memory_space<vmem>>, vector<1x16xf32>,
      %get3A_503 = arith.index_cast %scan3A_182 : i32 to index
      %get3A_504 = arith.constant 368 : index
      %get3A_505 = tpu.vector_load %arg8[%get3A_503, %get3A_504] {strides = array<i32>} : memref<16x1024xf32, #tpu.memory_space<vmem>>, vector<1x16xf32>,
      %get3A_506 = vector.shape_cast %get3A_505 : vector<1x16xf32> to vector<16xf32>
      %get3A_507 = arith.index_cast %scan3A_182 : i32 to index
      %get3A_508 = arith.constant 368 : index
      %get3A_509 = tpu.vector_load %arg10[%get3A_507, %get3A_508] {strides = array<i32>} : memref<16x1024xf32, #tpu.memory_space<vmem>>, vector<1x16xf32>,
      %get3A_510 = vector.shape_cast %get3A_509 : vector<1x16xf32> to vector<16xf32>
      %add3A_511 = arith.addf %get3A_506, %get3A_510 : vector<16xf32>
      %swap3A_512 = arith.index_cast %scan3A_182 : i32 to index
      %swap3A_513 = arith.constant 368 : index
      %swap3A_514 = tpu.vector_load %arg12[%swap3A_512, %swap3A_513] {strides = array<i32>} : memref<16x1024xf32, #tpu.memory_space<vmem>>, vector<1x16xf32>,
      %swap3A_515 = vector.shape_cast %swap3A_514 : vector<1x16xf32> to vector<16xf32>
      %swap3A_516 = vector.shape_cast %add3A_511 : vector<16xf32> to vector<1x16xf32>
      tpu.vector_store %arg12[%swap3A_512, %swap3A_513], %swap3A_516 {strides = array<i32>} : memref<16x1024xf32, #tpu.memory_space<vmem>>, vector<1x16xf32>,
      %get3A_517 = arith.index_cast %scan3A_182 : i32 to index
      %get3A_518 = arith.constant 384 : index
      %get3A_519 = tpu.vector_load %arg8[%get3A_517, %get3A_518] {strides = array<i32>} : memref<16x1024xf32, #tpu.memory_space<vmem>>, vector<1x16xf32>,
      %get3A_520 = vector.shape_cast %get3A_519 : vector<1x16xf32> to vector<16xf32>
      %get3A_521 = arith.index_cast %scan3A_182 : i32 to index
      %get3A_522 = arith.constant 384 : index
      %get3A_523 = tpu.vector_load %arg10[%get3A_521, %get3A_522] {strides = array<i32>} : memref<16x1024xf32, #tpu.memory_space<vmem>>, vector<1x16xf32>,
      %get3A_524 = vector.shape_cast %get3A_523 : vector<1x16xf32> to vector<16xf32>
      %add3A_525 = arith.addf %get3A_520, %get3A_524 : vector<16xf32>
      %swap3A_526 = arith.index_cast %scan3A_182 : i32 to index
      %swap3A_527 = arith.constant 384 : index
      %swap3A_528 = tpu.vector_load %arg12[%swap3A_526, %swap3A_527] {strides = array<i32>} : memref<16x1024xf32, #tpu.memory_space<vmem>>, vector<1x16xf32>,
      %swap3A_529 = vector.shape_cast %swap3A_528 : vector<1x16xf32> to vector<16xf32>
      %swap3A_530 = vector.shape_cast %add3A_525 : vector<16xf32> to vector<1x16xf32>
      tpu.vector_store %arg12[%swap3A_526, %swap3A_527], %swap3A_530 {strides = array<i32>} : memref<16x1024xf32, #tpu.memory_space<vmem>>, vector<1x16xf32>,
      %get3A_531 = arith.index_cast %scan3A_182 : i32 to index
      %get3A_532 = arith.constant 400 : index
      %get3A_533 = tpu.vector_load %arg8[%get3A_531, %get3A_532] {strides = array<i32>} : memref<16x1024xf32, #tpu.memory_space<vmem>>, vector<1x16xf32>,
      %get3A_534 = vector.shape_cast %get3A_533 : vector<1x16xf32> to vector<16xf32>
      %get3A_535 = arith.index_cast %scan3A_182 : i32 to index
      %get3A_536 = arith.constant 400 : index
      %get3A_537 = tpu.vector_load %arg10[%get3A_535, %get3A_536] {strides = array<i32>} : memref<16x1024xf32, #tpu.memory_space<vmem>>, vector<1x16xf32>,
      %get3A_538 = vector.shape_cast %get3A_537 : vector<1x16xf32> to vector<16xf32>
      %add3A_539 = arith.addf %get3A_534, %get3A_538 : vector<16xf32>
      %swap3A_540 = arith.index_cast %scan3A_182 : i32 to index
      %swap3A_541 = arith.constant 400 : index
      %swap3A_542 = tpu.vector_load %arg12[%swap3A_540, %swap3A_541] {strides = array<i32>} : memref<16x1024xf32, #tpu.memory_space<vmem>>, vector<1x16xf32>,
      %swap3A_543 = vector.shape_cast %swap3A_542 : vector<1x16xf32> to vector<16xf32>
      %swap3A_544 = vector.shape_cast %add3A_539 : vector<16xf32> to vector<1x16xf32>
      tpu.vector_store %arg12[%swap3A_540, %swap3A_541], %swap3A_544 {strides = array<i32>} : memref<16x1024xf32, #tpu.memory_space<vmem>>, vector<1x16xf32>,
      %get3A_545 = arith.index_cast %scan3A_182 : i32 to index
      %get3A_546 = arith.constant 416 : index
      %get3A_547 = tpu.vector_load %arg8[%get3A_545, %get3A_546] {strides = array<i32>} : memref<16x1024xf32, #tpu.memory_space<vmem>>, vector<1x16xf32>,
      %get3A_548 = vector.shape_cast %get3A_547 : vector<1x16xf32> to vector<16xf32>
      %get3A_549 = arith.index_cast %scan3A_182 : i32 to index
      %get3A_550 = arith.constant 416 : index
      %get3A_551 = tpu.vector_load %arg10[%get3A_549, %get3A_550] {strides = array<i32>} : memref<16x1024xf32, #tpu.memory_space<vmem>>, vector<1x16xf32>,
      %get3A_552 = vector.shape_cast %get3A_551 : vector<1x16xf32> to vector<16xf32>
      %add3A_553 = arith.addf %get3A_548, %get3A_552 : vector<16xf32>
      %swap3A_554 = arith.index_cast %scan3A_182 : i32 to index
      %swap3A_555 = arith.constant 416 : index
      %swap3A_556 = tpu.vector_load %arg12[%swap3A_554, %swap3A_555] {strides = array<i32>} : memref<16x1024xf32, #tpu.memory_space<vmem>>, vector<1x16xf32>,
      %swap3A_557 = vector.shape_cast %swap3A_556 : vector<1x16xf32> to vector<16xf32>
      %swap3A_558 = vector.shape_cast %add3A_553 : vector<16xf32> to vector<1x16xf32>
      tpu.vector_store %arg12[%swap3A_554, %swap3A_555], %swap3A_558 {strides = array<i32>} : memref<16x1024xf32, #tpu.memory_space<vmem>>, vector<1x16xf32>,
      %get3A_559 = arith.index_cast %scan3A_182 : i32 to index
      %get3A_560 = arith.constant 432 : index
      %get3A_561 = tpu.vector_load %arg8[%get3A_559, %get3A_560] {strides = array<i32>} : memref<16x1024xf32, #tpu.memory_space<vmem>>, vector<1x16xf32>,
      %get3A_562 = vector.shape_cast %get3A_561 : vector<1x16xf32> to vector<16xf32>
      %get3A_563 = arith.index_cast %scan3A_182 : i32 to index
      %get3A_564 = arith.constant 432 : index
      %get3A_565 = tpu.vector_load %arg10[%get3A_563, %get3A_564] {strides = array<i32>} : memref<16x1024xf32, #tpu.memory_space<vmem>>, vector<1x16xf32>,
      %get3A_566 = vector.shape_cast %get3A_565 : vector<1x16xf32> to vector<16xf32>
      %add3A_567 = arith.addf %get3A_562, %get3A_566 : vector<16xf32>
      %swap3A_568 = arith.index_cast %scan3A_182 : i32 to index
      %swap3A_569 = arith.constant 432 : index
      %swap3A_570 = tpu.vector_load %arg12[%swap3A_568, %swap3A_569] {strides = array<i32>} : memref<16x1024xf32, #tpu.memory_space<vmem>>, vector<1x16xf32>,
      %swap3A_571 = vector.shape_cast %swap3A_570 : vector<1x16xf32> to vector<16xf32>
      %swap3A_572 = vector.shape_cast %add3A_567 : vector<16xf32> to vector<1x16xf32>
      tpu.vector_store %arg12[%swap3A_568, %swap3A_569], %swap3A_572 {strides = array<i32>} : memref<16x1024xf32, #tpu.memory_space<vmem>>, vector<1x16xf32>,
      %get3A_573 = arith.index_cast %scan3A_182 : i32 to index
      %get3A_574 = arith.constant 448 : index
      %get3A_575 = tpu.vector_load %arg8[%get3A_573, %get3A_574] {strides = array<i32>} : memref<16x1024xf32, #tpu.memory_space<vmem>>, vector<1x16xf32>,
      %get3A_576 = vector.shape_cast %get3A_575 : vector<1x16xf32> to vector<16xf32>
      %get3A_577 = arith.index_cast %scan3A_182 : i32 to index
      %get3A_578 = arith.constant 448 : index
      %get3A_579 = tpu.vector_load %arg10[%get3A_577, %get3A_578] {strides = array<i32>} : memref<16x1024xf32, #tpu.memory_space<vmem>>, vector<1x16xf32>,
      %get3A_580 = vector.shape_cast %get3A_579 : vector<1x16xf32> to vector<16xf32>
      %add3A_581 = arith.addf %get3A_576, %get3A_580 : vector<16xf32>
      %swap3A_582 = arith.index_cast %scan3A_182 : i32 to index
      %swap3A_583 = arith.constant 448 : index
      %swap3A_584 = tpu.vector_load %arg12[%swap3A_582, %swap3A_583] {strides = array<i32>} : memref<16x1024xf32, #tpu.memory_space<vmem>>, vector<1x16xf32>,
      %swap3A_585 = vector.shape_cast %swap3A_584 : vector<1x16xf32> to vector<16xf32>
      %swap3A_586 = vector.shape_cast %add3A_581 : vector<16xf32> to vector<1x16xf32>
      tpu.vector_store %arg12[%swap3A_582, %swap3A_583], %swap3A_586 {strides = array<i32>} : memref<16x1024xf32, #tpu.memory_space<vmem>>, vector<1x16xf32>,
      %get3A_587 = arith.index_cast %scan3A_182 : i32 to index
      %get3A_588 = arith.constant 464 : index
      %get3A_589 = tpu.vector_load %arg8[%get3A_587, %get3A_588] {strides = array<i32>} : memref<16x1024xf32, #tpu.memory_space<vmem>>, vector<1x16xf32>,
      %get3A_590 = vector.shape_cast %get3A_589 : vector<1x16xf32> to vector<16xf32>
      %get3A_591 = arith.index_cast %scan3A_182 : i32 to index
      %get3A_592 = arith.constant 464 : index
      %get3A_593 = tpu.vector_load %arg10[%get3A_591, %get3A_592] {strides = array<i32>} : memref<16x1024xf32, #tpu.memory_space<vmem>>, vector<1x16xf32>,
      %get3A_594 = vector.shape_cast %get3A_593 : vector<1x16xf32> to vector<16xf32>
      %add3A_595 = arith.addf %get3A_590, %get3A_594 : vector<16xf32>
      %swap3A_596 = arith.index_cast %scan3A_182 : i32 to index
      %swap3A_597 = arith.constant 464 : index
      %swap3A_598 = tpu.vector_load %arg12[%swap3A_596, %swap3A_597] {strides = array<i32>} : memref<16x1024xf32, #tpu.memory_space<vmem>>, vector<1x16xf32>,
      %swap3A_599 = vector.shape_cast %swap3A_598 : vector<1x16xf32> to vector<16xf32>
      %swap3A_600 = vector.shape_cast %add3A_595 : vector<16xf32> to vector<1x16xf32>
      tpu.vector_store %arg12[%swap3A_596, %swap3A_597], %swap3A_600 {strides = array<i32>} : memref<16x1024xf32, #tpu.memory_space<vmem>>, vector<1x16xf32>,
      %get3A_601 = arith.index_cast %scan3A_182 : i32 to index
      %get3A_602 = arith.constant 480 : index
      %get3A_603 = tpu.vector_load %arg8[%get3A_601, %get3A_602] {strides = array<i32>} : memref<16x1024xf32, #tpu.memory_space<vmem>>, vector<1x16xf32>,
      %get3A_604 = vector.shape_cast %get3A_603 : vector<1x16xf32> to vector<16xf32>
      %get3A_605 = arith.index_cast %scan3A_182 : i32 to index
      %get3A_606 = arith.constant 480 : index
      %get3A_607 = tpu.vector_load %arg10[%get3A_605, %get3A_606] {strides = array<i32>} : memref<16x1024xf32, #tpu.memory_space<vmem>>, vector<1x16xf32>,
      %get3A_608 = vector.shape_cast %get3A_607 : vector<1x16xf32> to vector<16xf32>
      %add3A_609 = arith.addf %get3A_604, %get3A_608 : vector<16xf32>
      %swap3A_610 = arith.index_cast %scan3A_182 : i32 to index
      %swap3A_611 = arith.constant 480 : index
      %swap3A_612 = tpu.vector_load %arg12[%swap3A_610, %swap3A_611] {strides = array<i32>} : memref<16x1024xf32, #tpu.memory_space<vmem>>, vector<1x16xf32>,
      %swap3A_613 = vector.shape_cast %swap3A_612 : vector<1x16xf32> to vector<16xf32>
      %swap3A_614 = vector.shape_cast %add3A_609 : vector<16xf32> to vector<1x16xf32>
      tpu.vector_store %arg12[%swap3A_610, %swap3A_611], %swap3A_614 {strides = array<i32>} : memref<16x1024xf32, #tpu.memory_space<vmem>>, vector<1x16xf32>,
      %get3A_615 = arith.index_cast %scan3A_182 : i32 to index
      %get3A_616 = arith.constant 496 : index
      %get3A_617 = tpu.vector_load %arg8[%get3A_615, %get3A_616] {strides = array<i32>} : memref<16x1024xf32, #tpu.memory_space<vmem>>, vector<1x16xf32>,
      %get3A_618 = vector.shape_cast %get3A_617 : vector<1x16xf32> to vector<16xf32>
      %get3A_619 = arith.index_cast %scan3A_182 : i32 to index
      %get3A_620 = arith.constant 496 : index
      %get3A_621 = tpu.vector_load %arg10[%get3A_619, %get3A_620] {strides = array<i32>} : memref<16x1024xf32, #tpu.memory_space<vmem>>, vector<1x16xf32>,
      %get3A_622 = vector.shape_cast %get3A_621 : vector<1x16xf32> to vector<16xf32>
      %add3A_623 = arith.addf %get3A_618, %get3A_622 : vector<16xf32>
      %swap3A_624 = arith.index_cast %scan3A_182 : i32 to index
      %swap3A_625 = arith.constant 496 : index
      %swap3A_626 = tpu.vector_load %arg12[%swap3A_624, %swap3A_625] {strides = array<i32>} : memref<16x1024xf32, #tpu.memory_space<vmem>>, vector<1x16xf32>,
      %swap3A_627 = vector.shape_cast %swap3A_626 : vector<1x16xf32> to vector<16xf32>
      %swap3A_628 = vector.shape_cast %add3A_623 : vector<16xf32> to vector<1x16xf32>
      tpu.vector_store %arg12[%swap3A_624, %swap3A_625], %swap3A_628 {strides = array<i32>} : memref<16x1024xf32, #tpu.memory_space<vmem>>, vector<1x16xf32>,
      %get3A_629 = arith.index_cast %scan3A_182 : i32 to index
      %get3A_630 = arith.constant 512 : index
      %get3A_631 = tpu.vector_load %arg8[%get3A_629, %get3A_630] {strides = array<i32>} : memref<16x1024xf32, #tpu.memory_space<vmem>>, vector<1x16xf32>,
      %get3A_632 = vector.shape_cast %get3A_631 : vector<1x16xf32> to vector<16xf32>
      %get3A_633 = arith.index_cast %scan3A_182 : i32 to index
      %get3A_634 = arith.constant 512 : index
      %get3A_635 = tpu.vector_load %arg10[%get3A_633, %get3A_634] {strides = array<i32>} : memref<16x1024xf32, #tpu.memory_space<vmem>>, vector<1x16xf32>,
      %get3A_636 = vector.shape_cast %get3A_635 : vector<1x16xf32> to vector<16xf32>
      %add3A_637 = arith.addf %get3A_632, %get3A_636 : vector<16xf32>
      %swap3A_638 = arith.index_cast %scan3A_182 : i32 to index
      %swap3A_639 = arith.constant 512 : index
      %swap3A_640 = tpu.vector_load %arg12[%swap3A_638, %swap3A_639] {strides = array<i32>} : memref<16x1024xf32, #tpu.memory_space<vmem>>, vector<1x16xf32>,
      %swap3A_641 = vector.shape_cast %swap3A_640 : vector<1x16xf32> to vector<16xf32>
      %swap3A_642 = vector.shape_cast %add3A_637 : vector<16xf32> to vector<1x16xf32>
      tpu.vector_store %arg12[%swap3A_638, %swap3A_639], %swap3A_642 {strides = array<i32>} : memref<16x1024xf32, #tpu.memory_space<vmem>>, vector<1x16xf32>,
      %get3A_643 = arith.index_cast %scan3A_182 : i32 to index
      %get3A_644 = arith.constant 528 : index
      %get3A_645 = tpu.vector_load %arg8[%get3A_643, %get3A_644] {strides = array<i32>} : memref<16x1024xf32, #tpu.memory_space<vmem>>, vector<1x16xf32>,
      %get3A_646 = vector.shape_cast %get3A_645 : vector<1x16xf32> to vector<16xf32>
      %get3A_647 = arith.index_cast %scan3A_182 : i32 to index
      %get3A_648 = arith.constant 528 : index
      %get3A_649 = tpu.vector_load %arg10[%get3A_647, %get3A_648] {strides = array<i32>} : memref<16x1024xf32, #tpu.memory_space<vmem>>, vector<1x16xf32>,
      %get3A_650 = vector.shape_cast %get3A_649 : vector<1x16xf32> to vector<16xf32>
      %add3A_651 = arith.addf %get3A_646, %get3A_650 : vector<16xf32>
      %swap3A_652 = arith.index_cast %scan3A_182 : i32 to index
      %swap3A_653 = arith.constant 528 : index
      %swap3A_654 = tpu.vector_load %arg12[%swap3A_652, %swap3A_653] {strides = array<i32>} : memref<16x1024xf32, #tpu.memory_space<vmem>>, vector<1x16xf32>,
      %swap3A_655 = vector.shape_cast %swap3A_654 : vector<1x16xf32> to vector<16xf32>
      %swap3A_656 = vector.shape_cast %add3A_651 : vector<16xf32> to vector<1x16xf32>
      tpu.vector_store %arg12[%swap3A_652, %swap3A_653], %swap3A_656 {strides = array<i32>} : memref<16x1024xf32, #tpu.memory_space<vmem>>, vector<1x16xf32>,
      %get3A_657 = arith.index_cast %scan3A_182 : i32 to index
      %get3A_658 = arith.constant 544 : index
      %get3A_659 = tpu.vector_load %arg8[%get3A_657, %get3A_658] {strides = array<i32>} : memref<16x1024xf32, #tpu.memory_space<vmem>>, vector<1x16xf32>,
      %get3A_660 = vector.shape_cast %get3A_659 : vector<1x16xf32> to vector<16xf32>
      %get3A_661 = arith.index_cast %scan3A_182 : i32 to index
      %get3A_662 = arith.constant 544 : index
      %get3A_663 = tpu.vector_load %arg10[%get3A_661, %get3A_662] {strides = array<i32>} : memref<16x1024xf32, #tpu.memory_space<vmem>>, vector<1x16xf32>,
      %get3A_664 = vector.shape_cast %get3A_663 : vector<1x16xf32> to vector<16xf32>
      %add3A_665 = arith.addf %get3A_660, %get3A_664 : vector<16xf32>
      %swap3A_666 = arith.index_cast %scan3A_182 : i32 to index
      %swap3A_667 = arith.constant 544 : index
      %swap3A_668 = tpu.vector_load %arg12[%swap3A_666, %swap3A_667] {strides = array<i32>} : memref<16x1024xf32, #tpu.memory_space<vmem>>, vector<1x16xf32>,
      %swap3A_669 = vector.shape_cast %swap3A_668 : vector<1x16xf32> to vector<16xf32>
      %swap3A_670 = vector.shape_cast %add3A_665 : vector<16xf32> to vector<1x16xf32>
      tpu.vector_store %arg12[%swap3A_666, %swap3A_667], %swap3A_670 {strides = array<i32>} : memref<16x1024xf32, #tpu.memory_space<vmem>>, vector<1x16xf32>,
      %get3A_671 = arith.index_cast %scan3A_182 : i32 to index
      %get3A_672 = arith.constant 560 : index
      %get3A_673 = tpu.vector_load %arg8[%get3A_671, %get3A_672] {strides = array<i32>} : memref<16x1024xf32, #tpu.memory_space<vmem>>, vector<1x16xf32>,
      %get3A_674 = vector.shape_cast %get3A_673 : vector<1x16xf32> to vector<16xf32>
      %get3A_675 = arith.index_cast %scan3A_182 : i32 to index
      %get3A_676 = arith.constant 560 : index
      %get3A_677 = tpu.vector_load %arg10[%get3A_675, %get3A_676] {strides = array<i32>} : memref<16x1024xf32, #tpu.memory_space<vmem>>, vector<1x16xf32>,
      %get3A_678 = vector.shape_cast %get3A_677 : vector<1x16xf32> to vector<16xf32>
      %add3A_679 = arith.addf %get3A_674, %get3A_678 : vector<16xf32>
      %swap3A_680 = arith.index_cast %scan3A_182 : i32 to index
      %swap3A_681 = arith.constant 560 : index
      %swap3A_682 = tpu.vector_load %arg12[%swap3A_680, %swap3A_681] {strides = array<i32>} : memref<16x1024xf32, #tpu.memory_space<vmem>>, vector<1x16xf32>,
      %swap3A_683 = vector.shape_cast %swap3A_682 : vector<1x16xf32> to vector<16xf32>
      %swap3A_684 = vector.shape_cast %add3A_679 : vector<16xf32> to vector<1x16xf32>
      tpu.vector_store %arg12[%swap3A_680, %swap3A_681], %swap3A_684 {strides = array<i32>} : memref<16x1024xf32, #tpu.memory_space<vmem>>, vector<1x16xf32>,
      %get3A_685 = arith.index_cast %scan3A_182 : i32 to index
      %get3A_686 = arith.constant 576 : index
      %get3A_687 = tpu.vector_load %arg8[%get3A_685, %get3A_686] {strides = array<i32>} : memref<16x1024xf32, #tpu.memory_space<vmem>>, vector<1x16xf32>,
      %get3A_688 = vector.shape_cast %get3A_687 : vector<1x16xf32> to vector<16xf32>
      %get3A_689 = arith.index_cast %scan3A_182 : i32 to index
      %get3A_690 = arith.constant 576 : index
      %get3A_691 = tpu.vector_load %arg10[%get3A_689, %get3A_690] {strides = array<i32>} : memref<16x1024xf32, #tpu.memory_space<vmem>>, vector<1x16xf32>,
      %get3A_692 = vector.shape_cast %get3A_691 : vector<1x16xf32> to vector<16xf32>
      %add3A_693 = arith.addf %get3A_688, %get3A_692 : vector<16xf32>
      %swap3A_694 = arith.index_cast %scan3A_182 : i32 to index
      %swap3A_695 = arith.constant 576 : index
      %swap3A_696 = tpu.vector_load %arg12[%swap3A_694, %swap3A_695] {strides = array<i32>} : memref<16x1024xf32, #tpu.memory_space<vmem>>, vector<1x16xf32>,
      %swap3A_697 = vector.shape_cast %swap3A_696 : vector<1x16xf32> to vector<16xf32>
      %swap3A_698 = vector.shape_cast %add3A_693 : vector<16xf32> to vector<1x16xf32>
      tpu.vector_store %arg12[%swap3A_694, %swap3A_695], %swap3A_698 {strides = array<i32>} : memref<16x1024xf32, #tpu.memory_space<vmem>>, vector<1x16xf32>,
      %get3A_699 = arith.index_cast %scan3A_182 : i32 to index
      %get3A_700 = arith.constant 592 : index
      %get3A_701 = tpu.vector_load %arg8[%get3A_699, %get3A_700] {strides = array<i32>} : memref<16x1024xf32, #tpu.memory_space<vmem>>, vector<1x16xf32>,
      %get3A_702 = vector.shape_cast %get3A_701 : vector<1x16xf32> to vector<16xf32>
      %get3A_703 = arith.index_cast %scan3A_182 : i32 to index
      %get3A_704 = arith.constant 592 : index
      %get3A_705 = tpu.vector_load %arg10[%get3A_703, %get3A_704] {strides = array<i32>} : memref<16x1024xf32, #tpu.memory_space<vmem>>, vector<1x16xf32>,
      %get3A_706 = vector.shape_cast %get3A_705 : vector<1x16xf32> to vector<16xf32>
      %add3A_707 = arith.addf %get3A_702, %get3A_706 : vector<16xf32>
      %swap3A_708 = arith.index_cast %scan3A_182 : i32 to index
      %swap3A_709 = arith.constant 592 : index
      %swap3A_710 = tpu.vector_load %arg12[%swap3A_708, %swap3A_709] {strides = array<i32>} : memref<16x1024xf32, #tpu.memory_space<vmem>>, vector<1x16xf32>,
      %swap3A_711 = vector.shape_cast %swap3A_710 : vector<1x16xf32> to vector<16xf32>
      %swap3A_712 = vector.shape_cast %add3A_707 : vector<16xf32> to vector<1x16xf32>
      tpu.vector_store %arg12[%swap3A_708, %swap3A_709], %swap3A_712 {strides = array<i32>} : memref<16x1024xf32, #tpu.memory_space<vmem>>, vector<1x16xf32>,
      %get3A_713 = arith.index_cast %scan3A_182 : i32 to index
      %get3A_714 = arith.constant 608 : index
      %get3A_715 = tpu.vector_load %arg8[%get3A_713, %get3A_714] {strides = array<i32>} : memref<16x1024xf32, #tpu.memory_space<vmem>>, vector<1x16xf32>,
      %get3A_716 = vector.shape_cast %get3A_715 : vector<1x16xf32> to vector<16xf32>
      %get3A_717 = arith.index_cast %scan3A_182 : i32 to index
      %get3A_718 = arith.constant 608 : index
      %get3A_719 = tpu.vector_load %arg10[%get3A_717, %get3A_718] {strides = array<i32>} : memref<16x1024xf32, #tpu.memory_space<vmem>>, vector<1x16xf32>,
      %get3A_720 = vector.shape_cast %get3A_719 : vector<1x16xf32> to vector<16xf32>
      %add3A_721 = arith.addf %get3A_716, %get3A_720 : vector<16xf32>
      %swap3A_722 = arith.index_cast %scan3A_182 : i32 to index
      %swap3A_723 = arith.constant 608 : index
      %swap3A_724 = tpu.vector_load %arg12[%swap3A_722, %swap3A_723] {strides = array<i32>} : memref<16x1024xf32, #tpu.memory_space<vmem>>, vector<1x16xf32>,
      %swap3A_725 = vector.shape_cast %swap3A_724 : vector<1x16xf32> to vector<16xf32>
      %swap3A_726 = vector.shape_cast %add3A_721 : vector<16xf32> to vector<1x16xf32>
      tpu.vector_store %arg12[%swap3A_722, %swap3A_723], %swap3A_726 {strides = array<i32>} : memref<16x1024xf32, #tpu.memory_space<vmem>>, vector<1x16xf32>,
      %get3A_727 = arith.index_cast %scan3A_182 : i32 to index
      %get3A_728 = arith.constant 624 : index
      %get3A_729 = tpu.vector_load %arg8[%get3A_727, %get3A_728] {strides = array<i32>} : memref<16x1024xf32, #tpu.memory_space<vmem>>, vector<1x16xf32>,
      %get3A_730 = vector.shape_cast %get3A_729 : vector<1x16xf32> to vector<16xf32>
      %get3A_731 = arith.index_cast %scan3A_182 : i32 to index
      %get3A_732 = arith.constant 624 : index
      %get3A_733 = tpu.vector_load %arg10[%get3A_731, %get3A_732] {strides = array<i32>} : memref<16x1024xf32, #tpu.memory_space<vmem>>, vector<1x16xf32>,
      %get3A_734 = vector.shape_cast %get3A_733 : vector<1x16xf32> to vector<16xf32>
      %add3A_735 = arith.addf %get3A_730, %get3A_734 : vector<16xf32>
      %swap3A_736 = arith.index_cast %scan3A_182 : i32 to index
      %swap3A_737 = arith.constant 624 : index
      %swap3A_738 = tpu.vector_load %arg12[%swap3A_736, %swap3A_737] {strides = array<i32>} : memref<16x1024xf32, #tpu.memory_space<vmem>>, vector<1x16xf32>,
      %swap3A_739 = vector.shape_cast %swap3A_738 : vector<1x16xf32> to vector<16xf32>
      %swap3A_740 = vector.shape_cast %add3A_735 : vector<16xf32> to vector<1x16xf32>
      tpu.vector_store %arg12[%swap3A_736, %swap3A_737], %swap3A_740 {strides = array<i32>} : memref<16x1024xf32, #tpu.memory_space<vmem>>, vector<1x16xf32>,
      %get3A_741 = arith.index_cast %scan3A_182 : i32 to index
      %get3A_742 = arith.constant 640 : index
      %get3A_743 = tpu.vector_load %arg8[%get3A_741, %get3A_742] {strides = array<i32>} : memref<16x1024xf32, #tpu.memory_space<vmem>>, vector<1x16xf32>,
      %get3A_744 = vector.shape_cast %get3A_743 : vector<1x16xf32> to vector<16xf32>
      %get3A_745 = arith.index_cast %scan3A_182 : i32 to index
      %get3A_746 = arith.constant 640 : index
      %get3A_747 = tpu.vector_load %arg10[%get3A_745, %get3A_746] {strides = array<i32>} : memref<16x1024xf32, #tpu.memory_space<vmem>>, vector<1x16xf32>,
      %get3A_748 = vector.shape_cast %get3A_747 : vector<1x16xf32> to vector<16xf32>
      %add3A_749 = arith.addf %get3A_744, %get3A_748 : vector<16xf32>
      %swap3A_750 = arith.index_cast %scan3A_182 : i32 to index
      %swap3A_751 = arith.constant 640 : index
      %swap3A_752 = tpu.vector_load %arg12[%swap3A_750, %swap3A_751] {strides = array<i32>} : memref<16x1024xf32, #tpu.memory_space<vmem>>, vector<1x16xf32>,
      %swap3A_753 = vector.shape_cast %swap3A_752 : vector<1x16xf32> to vector<16xf32>
      %swap3A_754 = vector.shape_cast %add3A_749 : vector<16xf32> to vector<1x16xf32>
      tpu.vector_store %arg12[%swap3A_750, %swap3A_751], %swap3A_754 {strides = array<i32>} : memref<16x1024xf32, #tpu.memory_space<vmem>>, vector<1x16xf32>,
      %get3A_755 = arith.index_cast %scan3A_182 : i32 to index
      %get3A_756 = arith.constant 656 : index
      %get3A_757 = tpu.vector_load %arg8[%get3A_755, %get3A_756] {strides = array<i32>} : memref<16x1024xf32, #tpu.memory_space<vmem>>, vector<1x16xf32>,
      %get3A_758 = vector.shape_cast %get3A_757 : vector<1x16xf32> to vector<16xf32>
      %get3A_759 = arith.index_cast %scan3A_182 : i32 to index
      %get3A_760 = arith.constant 656 : index
      %get3A_761 = tpu.vector_load %arg10[%get3A_759, %get3A_760] {strides = array<i32>} : memref<16x1024xf32, #tpu.memory_space<vmem>>, vector<1x16xf32>,
      %get3A_762 = vector.shape_cast %get3A_761 : vector<1x16xf32> to vector<16xf32>
      %add3A_763 = arith.addf %get3A_758, %get3A_762 : vector<16xf32>
      %swap3A_764 = arith.index_cast %scan3A_182 : i32 to index
      %swap3A_765 = arith.constant 656 : index
      %swap3A_766 = tpu.vector_load %arg12[%swap3A_764, %swap3A_765] {strides = array<i32>} : memref<16x1024xf32, #tpu.memory_space<vmem>>, vector<1x16xf32>,
      %swap3A_767 = vector.shape_cast %swap3A_766 : vector<1x16xf32> to vector<16xf32>
      %swap3A_768 = vector.shape_cast %add3A_763 : vector<16xf32> to vector<1x16xf32>
      tpu.vector_store %arg12[%swap3A_764, %swap3A_765], %swap3A_768 {strides = array<i32>} : memref<16x1024xf32, #tpu.memory_space<vmem>>, vector<1x16xf32>,
      %get3A_769 = arith.index_cast %scan3A_182 : i32 to index
      %get3A_770 = arith.constant 672 : index
      %get3A_771 = tpu.vector_load %arg8[%get3A_769, %get3A_770] {strides = array<i32>} : memref<16x1024xf32, #tpu.memory_space<vmem>>, vector<1x16xf32>,
      %get3A_772 = vector.shape_cast %get3A_771 : vector<1x16xf32> to vector<16xf32>
      %get3A_773 = arith.index_cast %scan3A_182 : i32 to index
      %get3A_774 = arith.constant 672 : index
      %get3A_775 = tpu.vector_load %arg10[%get3A_773, %get3A_774] {strides = array<i32>} : memref<16x1024xf32, #tpu.memory_space<vmem>>, vector<1x16xf32>,
      %get3A_776 = vector.shape_cast %get3A_775 : vector<1x16xf32> to vector<16xf32>
      %add3A_777 = arith.addf %get3A_772, %get3A_776 : vector<16xf32>
      %swap3A_778 = arith.index_cast %scan3A_182 : i32 to index
      %swap3A_779 = arith.constant 672 : index
      %swap3A_780 = tpu.vector_load %arg12[%swap3A_778, %swap3A_779] {strides = array<i32>} : memref<16x1024xf32, #tpu.memory_space<vmem>>, vector<1x16xf32>,
      %swap3A_781 = vector.shape_cast %swap3A_780 : vector<1x16xf32> to vector<16xf32>
      %swap3A_782 = vector.shape_cast %add3A_777 : vector<16xf32> to vector<1x16xf32>
      tpu.vector_store %arg12[%swap3A_778, %swap3A_779], %swap3A_782 {strides = array<i32>} : memref<16x1024xf32, #tpu.memory_space<vmem>>, vector<1x16xf32>,
      %get3A_783 = arith.index_cast %scan3A_182 : i32 to index
      %get3A_784 = arith.constant 688 : index
      %get3A_785 = tpu.vector_load %arg8[%get3A_783, %get3A_784] {strides = array<i32>} : memref<16x1024xf32, #tpu.memory_space<vmem>>, vector<1x16xf32>,
      %get3A_786 = vector.shape_cast %get3A_785 : vector<1x16xf32> to vector<16xf32>
      %get3A_787 = arith.index_cast %scan3A_182 : i32 to index
      %get3A_788 = arith.constant 688 : index
      %get3A_789 = tpu.vector_load %arg10[%get3A_787, %get3A_788] {strides = array<i32>} : memref<16x1024xf32, #tpu.memory_space<vmem>>, vector<1x16xf32>,
      %get3A_790 = vector.shape_cast %get3A_789 : vector<1x16xf32> to vector<16xf32>
      %add3A_791 = arith.addf %get3A_786, %get3A_790 : vector<16xf32>
      %swap3A_792 = arith.index_cast %scan3A_182 : i32 to index
      %swap3A_793 = arith.constant 688 : index
      %swap3A_794 = tpu.vector_load %arg12[%swap3A_792, %swap3A_793] {strides = array<i32>} : memref<16x1024xf32, #tpu.memory_space<vmem>>, vector<1x16xf32>,
      %swap3A_795 = vector.shape_cast %swap3A_794 : vector<1x16xf32> to vector<16xf32>
      %swap3A_796 = vector.shape_cast %add3A_791 : vector<16xf32> to vector<1x16xf32>
      tpu.vector_store %arg12[%swap3A_792, %swap3A_793], %swap3A_796 {strides = array<i32>} : memref<16x1024xf32, #tpu.memory_space<vmem>>, vector<1x16xf32>,
      %get3A_797 = arith.index_cast %scan3A_182 : i32 to index
      %get3A_798 = arith.constant 704 : index
      %get3A_799 = tpu.vector_load %arg8[%get3A_797, %get3A_798] {strides = array<i32>} : memref<16x1024xf32, #tpu.memory_space<vmem>>, vector<1x16xf32>,
      %get3A_800 = vector.shape_cast %get3A_799 : vector<1x16xf32> to vector<16xf32>
      %get3A_801 = arith.index_cast %scan3A_182 : i32 to index
      %get3A_802 = arith.constant 704 : index
      %get3A_803 = tpu.vector_load %arg10[%get3A_801, %get3A_802] {strides = array<i32>} : memref<16x1024xf32, #tpu.memory_space<vmem>>, vector<1x16xf32>,
      %get3A_804 = vector.shape_cast %get3A_803 : vector<1x16xf32> to vector<16xf32>
      %add3A_805 = arith.addf %get3A_800, %get3A_804 : vector<16xf32>
      %swap3A_806 = arith.index_cast %scan3A_182 : i32 to index
      %swap3A_807 = arith.constant 704 : index
      %swap3A_808 = tpu.vector_load %arg12[%swap3A_806, %swap3A_807] {strides = array<i32>} : memref<16x1024xf32, #tpu.memory_space<vmem>>, vector<1x16xf32>,
      %swap3A_809 = vector.shape_cast %swap3A_808 : vector<1x16xf32> to vector<16xf32>
      %swap3A_810 = vector.shape_cast %add3A_805 : vector<16xf32> to vector<1x16xf32>
      tpu.vector_store %arg12[%swap3A_806, %swap3A_807], %swap3A_810 {strides = array<i32>} : memref<16x1024xf32, #tpu.memory_space<vmem>>, vector<1x16xf32>,
      %get3A_811 = arith.index_cast %scan3A_182 : i32 to index
      %get3A_812 = arith.constant 720 : index
      %get3A_813 = tpu.vector_load %arg8[%get3A_811, %get3A_812] {strides = array<i32>} : memref<16x1024xf32, #tpu.memory_space<vmem>>, vector<1x16xf32>,
      %get3A_814 = vector.shape_cast %get3A_813 : vector<1x16xf32> to vector<16xf32>
      %get3A_815 = arith.index_cast %scan3A_182 : i32 to index
      %get3A_816 = arith.constant 720 : index
      %get3A_817 = tpu.vector_load %arg10[%get3A_815, %get3A_816] {strides = array<i32>} : memref<16x1024xf32, #tpu.memory_space<vmem>>, vector<1x16xf32>,
      %get3A_818 = vector.shape_cast %get3A_817 : vector<1x16xf32> to vector<16xf32>
      %add3A_819 = arith.addf %get3A_814, %get3A_818 : vector<16xf32>
      %swap3A_820 = arith.index_cast %scan3A_182 : i32 to index
      %swap3A_821 = arith.constant 720 : index
      %swap3A_822 = tpu.vector_load %arg12[%swap3A_820, %swap3A_821] {strides = array<i32>} : memref<16x1024xf32, #tpu.memory_space<vmem>>, vector<1x16xf32>,
      %swap3A_823 = vector.shape_cast %swap3A_822 : vector<1x16xf32> to vector<16xf32>
      %swap3A_824 = vector.shape_cast %add3A_819 : vector<16xf32> to vector<1x16xf32>
      tpu.vector_store %arg12[%swap3A_820, %swap3A_821], %swap3A_824 {strides = array<i32>} : memref<16x1024xf32, #tpu.memory_space<vmem>>, vector<1x16xf32>,
      %get3A_825 = arith.index_cast %scan3A_182 : i32 to index
      %get3A_826 = arith.constant 736 : index
      %get3A_827 = tpu.vector_load %arg8[%get3A_825, %get3A_826] {strides = array<i32>} : memref<16x1024xf32, #tpu.memory_space<vmem>>, vector<1x16xf32>,
      %get3A_828 = vector.shape_cast %get3A_827 : vector<1x16xf32> to vector<16xf32>
      %get3A_829 = arith.index_cast %scan3A_182 : i32 to index
      %get3A_830 = arith.constant 736 : index
      %get3A_831 = tpu.vector_load %arg10[%get3A_829, %get3A_830] {strides = array<i32>} : memref<16x1024xf32, #tpu.memory_space<vmem>>, vector<1x16xf32>,
      %get3A_832 = vector.shape_cast %get3A_831 : vector<1x16xf32> to vector<16xf32>
      %add3A_833 = arith.addf %get3A_828, %get3A_832 : vector<16xf32>
      %swap3A_834 = arith.index_cast %scan3A_182 : i32 to index
      %swap3A_835 = arith.constant 736 : index
      %swap3A_836 = tpu.vector_load %arg12[%swap3A_834, %swap3A_835] {strides = array<i32>} : memref<16x1024xf32, #tpu.memory_space<vmem>>, vector<1x16xf32>,
      %swap3A_837 = vector.shape_cast %swap3A_836 : vector<1x16xf32> to vector<16xf32>
      %swap3A_838 = vector.shape_cast %add3A_833 : vector<16xf32> to vector<1x16xf32>
      tpu.vector_store %arg12[%swap3A_834, %swap3A_835], %swap3A_838 {strides = array<i32>} : memref<16x1024xf32, #tpu.memory_space<vmem>>, vector<1x16xf32>,
      %get3A_839 = arith.index_cast %scan3A_182 : i32 to index
      %get3A_840 = arith.constant 752 : index
      %get3A_841 = tpu.vector_load %arg8[%get3A_839, %get3A_840] {strides = array<i32>} : memref<16x1024xf32, #tpu.memory_space<vmem>>, vector<1x16xf32>,
      %get3A_842 = vector.shape_cast %get3A_841 : vector<1x16xf32> to vector<16xf32>
      %get3A_843 = arith.index_cast %scan3A_182 : i32 to index
      %get3A_844 = arith.constant 752 : index
      %get3A_845 = tpu.vector_load %arg10[%get3A_843, %get3A_844] {strides = array<i32>} : memref<16x1024xf32, #tpu.memory_space<vmem>>, vector<1x16xf32>,
      %get3A_846 = vector.shape_cast %get3A_845 : vector<1x16xf32> to vector<16xf32>
      %add3A_847 = arith.addf %get3A_842, %get3A_846 : vector<16xf32>
      %swap3A_848 = arith.index_cast %scan3A_182 : i32 to index
      %swap3A_849 = arith.constant 752 : index
      %swap3A_850 = tpu.vector_load %arg12[%swap3A_848, %swap3A_849] {strides = array<i32>} : memref<16x1024xf32, #tpu.memory_space<vmem>>, vector<1x16xf32>,
      %swap3A_851 = vector.shape_cast %swap3A_850 : vector<1x16xf32> to vector<16xf32>
      %swap3A_852 = vector.shape_cast %add3A_847 : vector<16xf32> to vector<1x16xf32>
      tpu.vector_store %arg12[%swap3A_848, %swap3A_849], %swap3A_852 {strides = array<i32>} : memref<16x1024xf32, #tpu.memory_space<vmem>>, vector<1x16xf32>,
      %get3A_853 = arith.index_cast %scan3A_182 : i32 to index
      %get3A_854 = arith.constant 768 : index
      %get3A_855 = tpu.vector_load %arg8[%get3A_853, %get3A_854] {strides = array<i32>} : memref<16x1024xf32, #tpu.memory_space<vmem>>, vector<1x16xf32>,
      %get3A_856 = vector.shape_cast %get3A_855 : vector<1x16xf32> to vector<16xf32>
      %get3A_857 = arith.index_cast %scan3A_182 : i32 to index
      %get3A_858 = arith.constant 768 : index
      %get3A_859 = tpu.vector_load %arg10[%get3A_857, %get3A_858] {strides = array<i32>} : memref<16x1024xf32, #tpu.memory_space<vmem>>, vector<1x16xf32>,
      %get3A_860 = vector.shape_cast %get3A_859 : vector<1x16xf32> to vector<16xf32>
      %add3A_861 = arith.addf %get3A_856, %get3A_860 : vector<16xf32>
      %swap3A_862 = arith.index_cast %scan3A_182 : i32 to index
      %swap3A_863 = arith.constant 768 : index
      %swap3A_864 = tpu.vector_load %arg12[%swap3A_862, %swap3A_863] {strides = array<i32>} : memref<16x1024xf32, #tpu.memory_space<vmem>>, vector<1x16xf32>,
      %swap3A_865 = vector.shape_cast %swap3A_864 : vector<1x16xf32> to vector<16xf32>
      %swap3A_866 = vector.shape_cast %add3A_861 : vector<16xf32> to vector<1x16xf32>
      tpu.vector_store %arg12[%swap3A_862, %swap3A_863], %swap3A_866 {strides = array<i32>} : memref<16x1024xf32, #tpu.memory_space<vmem>>, vector<1x16xf32>,
      %get3A_867 = arith.index_cast %scan3A_182 : i32 to index
      %get3A_868 = arith.constant 784 : index
      %get3A_869 = tpu.vector_load %arg8[%get3A_867, %get3A_868] {strides = array<i32>} : memref<16x1024xf32, #tpu.memory_space<vmem>>, vector<1x16xf32>,
      %get3A_870 = vector.shape_cast %get3A_869 : vector<1x16xf32> to vector<16xf32>
      %get3A_871 = arith.index_cast %scan3A_182 : i32 to index
      %get3A_872 = arith.constant 784 : index
      %get3A_873 = tpu.vector_load %arg10[%get3A_871, %get3A_872] {strides = array<i32>} : memref<16x1024xf32, #tpu.memory_space<vmem>>, vector<1x16xf32>,
      %get3A_874 = vector.shape_cast %get3A_873 : vector<1x16xf32> to vector<16xf32>
      %add3A_875 = arith.addf %get3A_870, %get3A_874 : vector<16xf32>
      %swap3A_876 = arith.index_cast %scan3A_182 : i32 to index
      %swap3A_877 = arith.constant 784 : index
      %swap3A_878 = tpu.vector_load %arg12[%swap3A_876, %swap3A_877] {strides = array<i32>} : memref<16x1024xf32, #tpu.memory_space<vmem>>, vector<1x16xf32>,
      %swap3A_879 = vector.shape_cast %swap3A_878 : vector<1x16xf32> to vector<16xf32>
      %swap3A_880 = vector.shape_cast %add3A_875 : vector<16xf32> to vector<1x16xf32>
      tpu.vector_store %arg12[%swap3A_876, %swap3A_877], %swap3A_880 {strides = array<i32>} : memref<16x1024xf32, #tpu.memory_space<vmem>>, vector<1x16xf32>,
      %get3A_881 = arith.index_cast %scan3A_182 : i32 to index
      %get3A_882 = arith.constant 800 : index
      %get3A_883 = tpu.vector_load %arg8[%get3A_881, %get3A_882] {strides = array<i32>} : memref<16x1024xf32, #tpu.memory_space<vmem>>, vector<1x16xf32>,
      %get3A_884 = vector.shape_cast %get3A_883 : vector<1x16xf32> to vector<16xf32>
      %get3A_885 = arith.index_cast %scan3A_182 : i32 to index
      %get3A_886 = arith.constant 800 : index
      %get3A_887 = tpu.vector_load %arg10[%get3A_885, %get3A_886] {strides = array<i32>} : memref<16x1024xf32, #tpu.memory_space<vmem>>, vector<1x16xf32>,
      %get3A_888 = vector.shape_cast %get3A_887 : vector<1x16xf32> to vector<16xf32>
      %add3A_889 = arith.addf %get3A_884, %get3A_888 : vector<16xf32>
      %swap3A_890 = arith.index_cast %scan3A_182 : i32 to index
      %swap3A_891 = arith.constant 800 : index
      %swap3A_892 = tpu.vector_load %arg12[%swap3A_890, %swap3A_891] {strides = array<i32>} : memref<16x1024xf32, #tpu.memory_space<vmem>>, vector<1x16xf32>,
      %swap3A_893 = vector.shape_cast %swap3A_892 : vector<1x16xf32> to vector<16xf32>
      %swap3A_894 = vector.shape_cast %add3A_889 : vector<16xf32> to vector<1x16xf32>
      tpu.vector_store %arg12[%swap3A_890, %swap3A_891], %swap3A_894 {strides = array<i32>} : memref<16x1024xf32, #tpu.memory_space<vmem>>, vector<1x16xf32>,
      %get3A_895 = arith.index_cast %scan3A_182 : i32 to index
      %get3A_896 = arith.constant 816 : index
      %get3A_897 = tpu.vector_load %arg8[%get3A_895, %get3A_896] {strides = array<i32>} : memref<16x1024xf32, #tpu.memory_space<vmem>>, vector<1x16xf32>,
      %get3A_898 = vector.shape_cast %get3A_897 : vector<1x16xf32> to vector<16xf32>
      %get3A_899 = arith.index_cast %scan3A_182 : i32 to index
      %get3A_900 = arith.constant 816 : index
      %get3A_901 = tpu.vector_load %arg10[%get3A_899, %get3A_900] {strides = array<i32>} : memref<16x1024xf32, #tpu.memory_space<vmem>>, vector<1x16xf32>,
      %get3A_902 = vector.shape_cast %get3A_901 : vector<1x16xf32> to vector<16xf32>
      %add3A_903 = arith.addf %get3A_898, %get3A_902 : vector<16xf32>
      %swap3A_904 = arith.index_cast %scan3A_182 : i32 to index
      %swap3A_905 = arith.constant 816 : index
      %swap3A_906 = tpu.vector_load %arg12[%swap3A_904, %swap3A_905] {strides = array<i32>} : memref<16x1024xf32, #tpu.memory_space<vmem>>, vector<1x16xf32>,
      %swap3A_907 = vector.shape_cast %swap3A_906 : vector<1x16xf32> to vector<16xf32>
      %swap3A_908 = vector.shape_cast %add3A_903 : vector<16xf32> to vector<1x16xf32>
      tpu.vector_store %arg12[%swap3A_904, %swap3A_905], %swap3A_908 {strides = array<i32>} : memref<16x1024xf32, #tpu.memory_space<vmem>>, vector<1x16xf32>,
      %get3A_909 = arith.index_cast %scan3A_182 : i32 to index
      %get3A_910 = arith.constant 832 : index
      %get3A_911 = tpu.vector_load %arg8[%get3A_909, %get3A_910] {strides = array<i32>} : memref<16x1024xf32, #tpu.memory_space<vmem>>, vector<1x16xf32>,
      %get3A_912 = vector.shape_cast %get3A_911 : vector<1x16xf32> to vector<16xf32>
      %get3A_913 = arith.index_cast %scan3A_182 : i32 to index
      %get3A_914 = arith.constant 832 : index
      %get3A_915 = tpu.vector_load %arg10[%get3A_913, %get3A_914] {strides = array<i32>} : memref<16x1024xf32, #tpu.memory_space<vmem>>, vector<1x16xf32>,
      %get3A_916 = vector.shape_cast %get3A_915 : vector<1x16xf32> to vector<16xf32>
      %add3A_917 = arith.addf %get3A_912, %get3A_916 : vector<16xf32>
      %swap3A_918 = arith.index_cast %scan3A_182 : i32 to index
      %swap3A_919 = arith.constant 832 : index
      %swap3A_920 = tpu.vector_load %arg12[%swap3A_918, %swap3A_919] {strides = array<i32>} : memref<16x1024xf32, #tpu.memory_space<vmem>>, vector<1x16xf32>,
      %swap3A_921 = vector.shape_cast %swap3A_920 : vector<1x16xf32> to vector<16xf32>
      %swap3A_922 = vector.shape_cast %add3A_917 : vector<16xf32> to vector<1x16xf32>
      tpu.vector_store %arg12[%swap3A_918, %swap3A_919], %swap3A_922 {strides = array<i32>} : memref<16x1024xf32, #tpu.memory_space<vmem>>, vector<1x16xf32>,
      %get3A_923 = arith.index_cast %scan3A_182 : i32 to index
      %get3A_924 = arith.constant 848 : index
      %get3A_925 = tpu.vector_load %arg8[%get3A_923, %get3A_924] {strides = array<i32>} : memref<16x1024xf32, #tpu.memory_space<vmem>>, vector<1x16xf32>,
      %get3A_926 = vector.shape_cast %get3A_925 : vector<1x16xf32> to vector<16xf32>
      %get3A_927 = arith.index_cast %scan3A_182 : i32 to index
      %get3A_928 = arith.constant 848 : index
      %get3A_929 = tpu.vector_load %arg10[%get3A_927, %get3A_928] {strides = array<i32>} : memref<16x1024xf32, #tpu.memory_space<vmem>>, vector<1x16xf32>,
      %get3A_930 = vector.shape_cast %get3A_929 : vector<1x16xf32> to vector<16xf32>
      %add3A_931 = arith.addf %get3A_926, %get3A_930 : vector<16xf32>
      %swap3A_932 = arith.index_cast %scan3A_182 : i32 to index
      %swap3A_933 = arith.constant 848 : index
      %swap3A_934 = tpu.vector_load %arg12[%swap3A_932, %swap3A_933] {strides = array<i32>} : memref<16x1024xf32, #tpu.memory_space<vmem>>, vector<1x16xf32>,
      %swap3A_935 = vector.shape_cast %swap3A_934 : vector<1x16xf32> to vector<16xf32>
      %swap3A_936 = vector.shape_cast %add3A_931 : vector<16xf32> to vector<1x16xf32>
      tpu.vector_store %arg12[%swap3A_932, %swap3A_933], %swap3A_936 {strides = array<i32>} : memref<16x1024xf32, #tpu.memory_space<vmem>>, vector<1x16xf32>,
      %get3A_937 = arith.index_cast %scan3A_182 : i32 to index
      %get3A_938 = arith.constant 864 : index
      %get3A_939 = tpu.vector_load %arg8[%get3A_937, %get3A_938] {strides = array<i32>} : memref<16x1024xf32, #tpu.memory_space<vmem>>, vector<1x16xf32>,
      %get3A_940 = vector.shape_cast %get3A_939 : vector<1x16xf32> to vector<16xf32>
      %get3A_941 = arith.index_cast %scan3A_182 : i32 to index
      %get3A_942 = arith.constant 864 : index
      %get3A_943 = tpu.vector_load %arg10[%get3A_941, %get3A_942] {strides = array<i32>} : memref<16x1024xf32, #tpu.memory_space<vmem>>, vector<1x16xf32>,
      %get3A_944 = vector.shape_cast %get3A_943 : vector<1x16xf32> to vector<16xf32>
      %add3A_945 = arith.addf %get3A_940, %get3A_944 : vector<16xf32>
      %swap3A_946 = arith.index_cast %scan3A_182 : i32 to index
      %swap3A_947 = arith.constant 864 : index
      %swap3A_948 = tpu.vector_load %arg12[%swap3A_946, %swap3A_947] {strides = array<i32>} : memref<16x1024xf32, #tpu.memory_space<vmem>>, vector<1x16xf32>,
      %swap3A_949 = vector.shape_cast %swap3A_948 : vector<1x16xf32> to vector<16xf32>
      %swap3A_950 = vector.shape_cast %add3A_945 : vector<16xf32> to vector<1x16xf32>
      tpu.vector_store %arg12[%swap3A_946, %swap3A_947], %swap3A_950 {strides = array<i32>} : memref<16x1024xf32, #tpu.memory_space<vmem>>, vector<1x16xf32>,
      %get3A_951 = arith.index_cast %scan3A_182 : i32 to index
      %get3A_952 = arith.constant 880 : index
      %get3A_953 = tpu.vector_load %arg8[%get3A_951, %get3A_952] {strides = array<i32>} : memref<16x1024xf32, #tpu.memory_space<vmem>>, vector<1x16xf32>,
      %get3A_954 = vector.shape_cast %get3A_953 : vector<1x16xf32> to vector<16xf32>
      %get3A_955 = arith.index_cast %scan3A_182 : i32 to index
      %get3A_956 = arith.constant 880 : index
      %get3A_957 = tpu.vector_load %arg10[%get3A_955, %get3A_956] {strides = array<i32>} : memref<16x1024xf32, #tpu.memory_space<vmem>>, vector<1x16xf32>,
      %get3A_958 = vector.shape_cast %get3A_957 : vector<1x16xf32> to vector<16xf32>
      %add3A_959 = arith.addf %get3A_954, %get3A_958 : vector<16xf32>
      %swap3A_960 = arith.index_cast %scan3A_182 : i32 to index
      %swap3A_961 = arith.constant 880 : index
      %swap3A_962 = tpu.vector_load %arg12[%swap3A_960, %swap3A_961] {strides = array<i32>} : memref<16x1024xf32, #tpu.memory_space<vmem>>, vector<1x16xf32>,
      %swap3A_963 = vector.shape_cast %swap3A_962 : vector<1x16xf32> to vector<16xf32>
      %swap3A_964 = vector.shape_cast %add3A_959 : vector<16xf32> to vector<1x16xf32>
      tpu.vector_store %arg12[%swap3A_960, %swap3A_961], %swap3A_964 {strides = array<i32>} : memref<16x1024xf32, #tpu.memory_space<vmem>>, vector<1x16xf32>,
      %get3A_965 = arith.index_cast %scan3A_182 : i32 to index
      %get3A_966 = arith.constant 896 : index
      %get3A_967 = tpu.vector_load %arg8[%get3A_965, %get3A_966] {strides = array<i32>} : memref<16x1024xf32, #tpu.memory_space<vmem>>, vector<1x16xf32>,
      %get3A_968 = vector.shape_cast %get3A_967 : vector<1x16xf32> to vector<16xf32>
      %get3A_969 = arith.index_cast %scan3A_182 : i32 to index
      %get3A_970 = arith.constant 896 : index
      %get3A_971 = tpu.vector_load %arg10[%get3A_969, %get3A_970] {strides = array<i32>} : memref<16x1024xf32, #tpu.memory_space<vmem>>, vector<1x16xf32>,
      %get3A_972 = vector.shape_cast %get3A_971 : vector<1x16xf32> to vector<16xf32>
      %add3A_973 = arith.addf %get3A_968, %get3A_972 : vector<16xf32>
      %swap3A_974 = arith.index_cast %scan3A_182 : i32 to index
      %swap3A_975 = arith.constant 896 : index
      %swap3A_976 = tpu.vector_load %arg12[%swap3A_974, %swap3A_975] {strides = array<i32>} : memref<16x1024xf32, #tpu.memory_space<vmem>>, vector<1x16xf32>,
      %swap3A_977 = vector.shape_cast %swap3A_976 : vector<1x16xf32> to vector<16xf32>
      %swap3A_978 = vector.shape_cast %add3A_973 : vector<16xf32> to vector<1x16xf32>
      tpu.vector_store %arg12[%swap3A_974, %swap3A_975], %swap3A_978 {strides = array<i32>} : memref<16x1024xf32, #tpu.memory_space<vmem>>, vector<1x16xf32>,
      %get3A_979 = arith.index_cast %scan3A_182 : i32 to index
      %get3A_980 = arith.constant 912 : index
      %get3A_981 = tpu.vector_load %arg8[%get3A_979, %get3A_980] {strides = array<i32>} : memref<16x1024xf32, #tpu.memory_space<vmem>>, vector<1x16xf32>,
      %get3A_982 = vector.shape_cast %get3A_981 : vector<1x16xf32> to vector<16xf32>
      %get3A_983 = arith.index_cast %scan3A_182 : i32 to index
      %get3A_984 = arith.constant 912 : index
      %get3A_985 = tpu.vector_load %arg10[%get3A_983, %get3A_984] {strides = array<i32>} : memref<16x1024xf32, #tpu.memory_space<vmem>>, vector<1x16xf32>,
      %get3A_986 = vector.shape_cast %get3A_985 : vector<1x16xf32> to vector<16xf32>
      %add3A_987 = arith.addf %get3A_982, %get3A_986 : vector<16xf32>
      %swap3A_988 = arith.index_cast %scan3A_182 : i32 to index
      %swap3A_989 = arith.constant 912 : index
      %swap3A_990 = tpu.vector_load %arg12[%swap3A_988, %swap3A_989] {strides = array<i32>} : memref<16x1024xf32, #tpu.memory_space<vmem>>, vector<1x16xf32>,
      %swap3A_991 = vector.shape_cast %swap3A_990 : vector<1x16xf32> to vector<16xf32>
      %swap3A_992 = vector.shape_cast %add3A_987 : vector<16xf32> to vector<1x16xf32>
      tpu.vector_store %arg12[%swap3A_988, %swap3A_989], %swap3A_992 {strides = array<i32>} : memref<16x1024xf32, #tpu.memory_space<vmem>>, vector<1x16xf32>,
      %get3A_993 = arith.index_cast %scan3A_182 : i32 to index
      %get3A_994 = arith.constant 928 : index
      %get3A_995 = tpu.vector_load %arg8[%get3A_993, %get3A_994] {strides = array<i32>} : memref<16x1024xf32, #tpu.memory_space<vmem>>, vector<1x16xf32>,
      %get3A_996 = vector.shape_cast %get3A_995 : vector<1x16xf32> to vector<16xf32>
      %get3A_997 = arith.index_cast %scan3A_182 : i32 to index
      %get3A_998 = arith.constant 928 : index
      %get3A_999 = tpu.vector_load %arg10[%get3A_997, %get3A_998] {strides = array<i32>} : memref<16x1024xf32, #tpu.memory_space<vmem>>, vector<1x16xf32>,
      %get3A_1000 = vector.shape_cast %get3A_999 : vector<1x16xf32> to vector<16xf32>
      %add3A_1001 = arith.addf %get3A_996, %get3A_1000 : vector<16xf32>
      %swap3A_1002 = arith.index_cast %scan3A_182 : i32 to index
      %swap3A_1003 = arith.constant 928 : index
      %swap3A_1004 = tpu.vector_load %arg12[%swap3A_1002, %swap3A_1003] {strides = array<i32>} : memref<16x1024xf32, #tpu.memory_space<vmem>>, vector<1x16xf32>,
      %swap3A_1005 = vector.shape_cast %swap3A_1004 : vector<1x16xf32> to vector<16xf32>
      %swap3A_1006 = vector.shape_cast %add3A_1001 : vector<16xf32> to vector<1x16xf32>
      tpu.vector_store %arg12[%swap3A_1002, %swap3A_1003], %swap3A_1006 {strides = array<i32>} : memref<16x1024xf32, #tpu.memory_space<vmem>>, vector<1x16xf32>,
      %get3A_1007 = arith.index_cast %scan3A_182 : i32 to index
      %get3A_1008 = arith.constant 944 : index
      %get3A_1009 = tpu.vector_load %arg8[%get3A_1007, %get3A_1008] {strides = array<i32>} : memref<16x1024xf32, #tpu.memory_space<vmem>>, vector<1x16xf32>,
      %get3A_1010 = vector.shape_cast %get3A_1009 : vector<1x16xf32> to vector<16xf32>
      %get3A_1011 = arith.index_cast %scan3A_182 : i32 to index
      %get3A_1012 = arith.constant 944 : index
      %get3A_1013 = tpu.vector_load %arg10[%get3A_1011, %get3A_1012] {strides = array<i32>} : memref<16x1024xf32, #tpu.memory_space<vmem>>, vector<1x16xf32>,
      %get3A_1014 = vector.shape_cast %get3A_1013 : vector<1x16xf32> to vector<16xf32>
      %add3A_1015 = arith.addf %get3A_1010, %get3A_1014 : vector<16xf32>
      %swap3A_1016 = arith.index_cast %scan3A_182 : i32 to index
      %swap3A_1017 = arith.constant 944 : index
      %swap3A_1018 = tpu.vector_load %arg12[%swap3A_1016, %swap3A_1017] {strides = array<i32>} : memref<16x1024xf32, #tpu.memory_space<vmem>>, vector<1x16xf32>,
      %swap3A_1019 = vector.shape_cast %swap3A_1018 : vector<1x16xf32> to vector<16xf32>
      %swap3A_1020 = vector.shape_cast %add3A_1015 : vector<16xf32> to vector<1x16xf32>
      tpu.vector_store %arg12[%swap3A_1016, %swap3A_1017], %swap3A_1020 {strides = array<i32>} : memref<16x1024xf32, #tpu.memory_space<vmem>>, vector<1x16xf32>,
      %get3A_1021 = arith.index_cast %scan3A_182 : i32 to index
      %get3A_1022 = arith.constant 960 : index
      %get3A_1023 = tpu.vector_load %arg8[%get3A_1021, %get3A_1022] {strides = array<i32>} : memref<16x1024xf32, #tpu.memory_space<vmem>>, vector<1x16xf32>,
      %get3A_1024 = vector.shape_cast %get3A_1023 : vector<1x16xf32> to vector<16xf32>
      %get3A_1025 = arith.index_cast %scan3A_182 : i32 to index
      %get3A_1026 = arith.constant 960 : index
      %get3A_1027 = tpu.vector_load %arg10[%get3A_1025, %get3A_1026] {strides = array<i32>} : memref<16x1024xf32, #tpu.memory_space<vmem>>, vector<1x16xf32>,
      %get3A_1028 = vector.shape_cast %get3A_1027 : vector<1x16xf32> to vector<16xf32>
      %add3A_1029 = arith.addf %get3A_1024, %get3A_1028 : vector<16xf32>
      %swap3A_1030 = arith.index_cast %scan3A_182 : i32 to index
      %swap3A_1031 = arith.constant 960 : index
      %swap3A_1032 = tpu.vector_load %arg12[%swap3A_1030, %swap3A_1031] {strides = array<i32>} : memref<16x1024xf32, #tpu.memory_space<vmem>>, vector<1x16xf32>,
      %swap3A_1033 = vector.shape_cast %swap3A_1032 : vector<1x16xf32> to vector<16xf32>
      %swap3A_1034 = vector.shape_cast %add3A_1029 : vector<16xf32> to vector<1x16xf32>
      tpu.vector_store %arg12[%swap3A_1030, %swap3A_1031], %swap3A_1034 {strides = array<i32>} : memref<16x1024xf32, #tpu.memory_space<vmem>>, vector<1x16xf32>,
      %get3A_1035 = arith.index_cast %scan3A_182 : i32 to index
      %get3A_1036 = arith.constant 976 : index
      %get3A_1037 = tpu.vector_load %arg8[%get3A_1035, %get3A_1036] {strides = array<i32>} : memref<16x1024xf32, #tpu.memory_space<vmem>>, vector<1x16xf32>,
      %get3A_1038 = vector.shape_cast %get3A_1037 : vector<1x16xf32> to vector<16xf32>
      %get3A_1039 = arith.index_cast %scan3A_182 : i32 to index
      %get3A_1040 = arith.constant 976 : index
      %get3A_1041 = tpu.vector_load %arg10[%get3A_1039, %get3A_1040] {strides = array<i32>} : memref<16x1024xf32, #tpu.memory_space<vmem>>, vector<1x16xf32>,
      %get3A_1042 = vector.shape_cast %get3A_1041 : vector<1x16xf32> to vector<16xf32>
      %add3A_1043 = arith.addf %get3A_1038, %get3A_1042 : vector<16xf32>
      %swap3A_1044 = arith.index_cast %scan3A_182 : i32 to index
      %swap3A_1045 = arith.constant 976 : index
      %swap3A_1046 = tpu.vector_load %arg12[%swap3A_1044, %swap3A_1045] {strides = array<i32>} : memref<16x1024xf32, #tpu.memory_space<vmem>>, vector<1x16xf32>,
      %swap3A_1047 = vector.shape_cast %swap3A_1046 : vector<1x16xf32> to vector<16xf32>
      %swap3A_1048 = vector.shape_cast %add3A_1043 : vector<16xf32> to vector<1x16xf32>
      tpu.vector_store %arg12[%swap3A_1044, %swap3A_1045], %swap3A_1048 {strides = array<i32>} : memref<16x1024xf32, #tpu.memory_space<vmem>>, vector<1x16xf32>,
      %get3A_1049 = arith.index_cast %scan3A_182 : i32 to index
      %get3A_1050 = arith.constant 992 : index
      %get3A_1051 = tpu.vector_load %arg8[%get3A_1049, %get3A_1050] {strides = array<i32>} : memref<16x1024xf32, #tpu.memory_space<vmem>>, vector<1x16xf32>,
      %get3A_1052 = vector.shape_cast %get3A_1051 : vector<1x16xf32> to vector<16xf32>
      %get3A_1053 = arith.index_cast %scan3A_182 : i32 to index
      %get3A_1054 = arith.constant 992 : index
      %get3A_1055 = tpu.vector_load %arg10[%get3A_1053, %get3A_1054] {strides = array<i32>} : memref<16x1024xf32, #tpu.memory_space<vmem>>, vector<1x16xf32>,
      %get3A_1056 = vector.shape_cast %get3A_1055 : vector<1x16xf32> to vector<16xf32>
      %add3A_1057 = arith.addf %get3A_1052, %get3A_1056 : vector<16xf32>
      %swap3A_1058 = arith.index_cast %scan3A_182 : i32 to index
      %swap3A_1059 = arith.constant 992 : index
      %swap3A_1060 = tpu.vector_load %arg12[%swap3A_1058, %swap3A_1059] {strides = array<i32>} : memref<16x1024xf32, #tpu.memory_space<vmem>>, vector<1x16xf32>,
      %swap3A_1061 = vector.shape_cast %swap3A_1060 : vector<1x16xf32> to vector<16xf32>
      %swap3A_1062 = vector.shape_cast %add3A_1057 : vector<16xf32> to vector<1x16xf32>
      tpu.vector_store %arg12[%swap3A_1058, %swap3A_1059], %swap3A_1062 {strides = array<i32>} : memref<16x1024xf32, #tpu.memory_space<vmem>>, vector<1x16xf32>,
      %get3A_1063 = arith.index_cast %scan3A_182 : i32 to index
      %get3A_1064 = arith.constant 1008 : index
      %get3A_1065 = tpu.vector_load %arg8[%get3A_1063, %get3A_1064] {strides = array<i32>} : memref<16x1024xf32, #tpu.memory_space<vmem>>, vector<1x16xf32>,
      %get3A_1066 = vector.shape_cast %get3A_1065 : vector<1x16xf32> to vector<16xf32>
      %get3A_1067 = arith.index_cast %scan3A_182 : i32 to index
      %get3A_1068 = arith.constant 1008 : index
      %get3A_1069 = tpu.vector_load %arg10[%get3A_1067, %get3A_1068] {strides = array<i32>} : memref<16x1024xf32, #tpu.memory_space<vmem>>, vector<1x16xf32>,
      %get3A_1070 = vector.shape_cast %get3A_1069 : vector<1x16xf32> to vector<16xf32>
      %add3A_1071 = arith.addf %get3A_1066, %get3A_1070 : vector<16xf32>
      %swap3A_1072 = arith.index_cast %scan3A_182 : i32 to index
      %swap3A_1073 = arith.constant 1008 : index
      %swap3A_1074 = tpu.vector_load %arg12[%swap3A_1072, %swap3A_1073] {strides = array<i32>} : memref<16x1024xf32, #tpu.memory_space<vmem>>, vector<1x16xf32>,
      %swap3A_1075 = vector.shape_cast %swap3A_1074 : vector<1x16xf32> to vector<16xf32>
      %swap3A_1076 = vector.shape_cast %add3A_1071 : vector<16xf32> to vector<1x16xf32>
      tpu.vector_store %arg12[%swap3A_1072, %swap3A_1073], %swap3A_1076 {strides = array<i32>} : memref<16x1024xf32, #tpu.memory_space<vmem>>, vector<1x16xf32>,
    }
    %scan3A_133 = arith.constant 16 : i32
    %mul3A_134 = arith.constant 64 : i32
    %mul3A_135 = arith.muli %add3A, %mul3A_134 : i32
    %add3A_136 = arith.constant 32 : i32
    %add3A_137 = arith.addi %mul3A_135, %add3A_136 : i32
    %dma_start3A_138 = arith.constant 0 : i32
    %dma_start3A_139 = tpu.memref_slice %arg5[%add3A_137, %dma_start3A_138] : memref<2048x1024xf32, #tpu.memory_space<hbm>> -> memref<16x1024xf32, #tpu.memory_space<hbm>>
    %dma_start3A_140 = arith.constant 0 : i32
    %dma_start3A_141 = tpu.memref_slice %arg5[%add3A_137, %dma_start3A_140] : memref<2048x1024xf32, #tpu.memory_space<hbm>> -> memref<16x1024xf32, #tpu.memory_space<hbm>>
    tpu.enqueue_dma source(%arg12 : memref<16x1024xf32, #tpu.memory_space<vmem>>) target(%dma_start3A_141 : memref<16x1024xf32, #tpu.memory_space<hbm>>) target_semaphore(%arg16 : memref<!tpu.dma_semaphore, #tpu.memory_space<semaphore_mem>>)
    %dma_wait3A_142 = arith.constant 3 : i32
    %dma_wait3A_143 = arith.constant 0 : i32
    %dma_wait3A_144 = tpu.memref_slice %arg6[%dma_wait3A_142, %dma_wait3A_143] : memref<4x16xi32, #tpu.memory_space<vmem>> -> memref<1x16xi32, #tpu.memory_space<vmem>>
    %dma_wait3A_145 = tpu.memref_squeeze %dma_wait3A_144 : memref<1x16xi32, #tpu.memory_space<vmem>> -> memref<16xi32, #tpu.memory_space<vmem>>
    %dma_wait3A_146 = arith.constant 0 : i32
    %dma_wait3A_147 = arith.constant 0 : i32
    %dma_wait3A_148 = tpu.memref_slice %arg2[%dma_wait3A_146, %dma_wait3A_147] : memref<6144x1024xf32, #tpu.memory_space<hbm>> -> memref<6144x1024xf32, #tpu.memory_space<hbm>>
    tpu.wait_indirect_dma semaphore(%arg15 : memref<!tpu.dma_semaphore, #tpu.memory_space<semaphore_mem>>) src(%dma_wait3A_148 : memref<6144x1024xf32, #tpu.memory_space<hbm>>) dst(%arg9 : memref<16x1024xf32, #tpu.memory_space<vmem>>)
    %dma_wait3A_149 = arith.constant 3 : i32
    %dma_wait3A_150 = arith.constant 0 : i32
    %dma_wait3A_151 = tpu.memref_slice %arg7[%dma_wait3A_149, %dma_wait3A_150] : memref<4x16xi32, #tpu.memory_space<vmem>> -> memref<1x16xi32, #tpu.memory_space<vmem>>
    %dma_wait3A_152 = tpu.memref_squeeze %dma_wait3A_151 : memref<1x16xi32, #tpu.memory_space<vmem>> -> memref<16xi32, #tpu.memory_space<vmem>>
    %dma_wait3A_153 = arith.constant 0 : i32
    %dma_wait3A_154 = arith.constant 0 : i32
    %dma_wait3A_155 = tpu.memref_slice %arg2[%dma_wait3A_153, %dma_wait3A_154] : memref<6144x1024xf32, #tpu.memory_space<hbm>> -> memref<6144x1024xf32, #tpu.memory_space<hbm>>
    tpu.wait_indirect_dma semaphore(%arg15 : memref<!tpu.dma_semaphore, #tpu.memory_space<semaphore_mem>>) src(%dma_wait3A_155 : memref<6144x1024xf32, #tpu.memory_space<hbm>>) dst(%arg11 : memref<16x1024xf32, #tpu.memory_space<vmem>>)
    %dma_wait3A_156 = arith.constant 0 : i32
    %dma_wait3A_157 = tpu.memref_slice %arg5[%add3A_91, %dma_wait3A_156] : memref<2048x1024xf32, #tpu.memory_space<hbm>> -> memref<16x1024xf32, #tpu.memory_space<hbm>>
    %dma_wait3A_158 = arith.constant 0 : i32
    %dma_wait3A_159 = tpu.memref_slice %arg5[%add3A_91, %dma_wait3A_158] : memref<2048x1024xf32, #tpu.memory_space<hbm>> -> memref<16x1024xf32, #tpu.memory_space<hbm>>
    tpu.wait_dma2 semaphore(%arg17 : memref<!tpu.dma_semaphore, #tpu.memory_space<semaphore_mem>>) src(%arg13 : memref<16x1024xf32, #tpu.memory_space<vmem>>) dst(%dma_wait3A_159 : memref<16x1024xf32, #tpu.memory_space<hbm>>)
    %scan3A_160 = arith.constant 0 : i32
    %scan3A_161 = arith.constant 0 : i32
    %scan3A_162 = arith.constant 16 : i32
    %scan3A_163 = arith.addi %scan3A_161, %scan3A_162 : i32
    %scan3A_164 = arith.constant 1 : i32
    scf.for %scan3A_182 = %scan3A_161 to %scan3A_163 step %scan3A_164  : i32 {
      %get3A = arith.index_cast %scan3A_182 : i32 to index
      %get3A_183 = arith.constant 0 : index
      %get3A_184 = tpu.vector_load %arg9[%get3A, %get3A_183] {strides = array<i32>} : memref<16x1024xf32, #tpu.memory_space<vmem>>, vector<1x16xf32>,
      %get3A_185 = vector.shape_cast %get3A_184 : vector<1x16xf32> to vector<16xf32>
      %get3A_186 = arith.index_cast %scan3A_182 : i32 to index
      %get3A_187 = arith.constant 0 : index
      %get3A_188 = tpu.vector_load %arg11[%get3A_186, %get3A_187] {strides = array<i32>} : memref<16x1024xf32, #tpu.memory_space<vmem>>, vector<1x16xf32>,
      %get3A_189 = vector.shape_cast %get3A_188 : vector<1x16xf32> to vector<16xf32>
      %add3A_190 = arith.addf %get3A_185, %get3A_189 : vector<16xf32>
      %swap3A = arith.index_cast %scan3A_182 : i32 to index
      %swap3A_191 = arith.constant 0 : index
      %swap3A_192 = tpu.vector_load %arg13[%swap3A, %swap3A_191] {strides = array<i32>} : memref<16x1024xf32, #tpu.memory_space<vmem>>, vector<1x16xf32>,
      %swap3A_193 = vector.shape_cast %swap3A_192 : vector<1x16xf32> to vector<16xf32>
      %swap3A_194 = vector.shape_cast %add3A_190 : vector<16xf32> to vector<1x16xf32>
      tpu.vector_store %arg13[%swap3A, %swap3A_191], %swap3A_194 {strides = array<i32>} : memref<16x1024xf32, #tpu.memory_space<vmem>>, vector<1x16xf32>,
      %get3A_195 = arith.index_cast %scan3A_182 : i32 to index
      %get3A_196 = arith.constant 16 : index
      %get3A_197 = tpu.vector_load %arg9[%get3A_195, %get3A_196] {strides = array<i32>} : memref<16x1024xf32, #tpu.memory_space<vmem>>, vector<1x16xf32>,
      %get3A_198 = vector.shape_cast %get3A_197 : vector<1x16xf32> to vector<16xf32>
      %get3A_199 = arith.index_cast %scan3A_182 : i32 to index
      %get3A_200 = arith.constant 16 : index
      %get3A_201 = tpu.vector_load %arg11[%get3A_199, %get3A_200] {strides = array<i32>} : memref<16x1024xf32, #tpu.memory_space<vmem>>, vector<1x16xf32>,
      %get3A_202 = vector.shape_cast %get3A_201 : vector<1x16xf32> to vector<16xf32>
      %add3A_203 = arith.addf %get3A_198, %get3A_202 : vector<16xf32>
      %swap3A_204 = arith.index_cast %scan3A_182 : i32 to index
      %swap3A_205 = arith.constant 16 : index
      %swap3A_206 = tpu.vector_load %arg13[%swap3A_204, %swap3A_205] {strides = array<i32>} : memref<16x1024xf32, #tpu.memory_space<vmem>>, vector<1x16xf32>,
      %swap3A_207 = vector.shape_cast %swap3A_206 : vector<1x16xf32> to vector<16xf32>
      %swap3A_208 = vector.shape_cast %add3A_203 : vector<16xf32> to vector<1x16xf32>
      tpu.vector_store %arg13[%swap3A_204, %swap3A_205], %swap3A_208 {strides = array<i32>} : memref<16x1024xf32, #tpu.memory_space<vmem>>, vector<1x16xf32>,
      %get3A_209 = arith.index_cast %scan3A_182 : i32 to index
      %get3A_210 = arith.constant 32 : index
      %get3A_211 = tpu.vector_load %arg9[%get3A_209, %get3A_210] {strides = array<i32>} : memref<16x1024xf32, #tpu.memory_space<vmem>>, vector<1x16xf32>,
      %get3A_212 = vector.shape_cast %get3A_211 : vector<1x16xf32> to vector<16xf32>
      %get3A_213 = arith.index_cast %scan3A_182 : i32 to index
      %get3A_214 = arith.constant 32 : index
      %get3A_215 = tpu.vector_load %arg11[%get3A_213, %get3A_214] {strides = array<i32>} : memref<16x1024xf32, #tpu.memory_space<vmem>>, vector<1x16xf32>,
      %get3A_216 = vector.shape_cast %get3A_215 : vector<1x16xf32> to vector<16xf32>
      %add3A_217 = arith.addf %get3A_212, %get3A_216 : vector<16xf32>
      %swap3A_218 = arith.index_cast %scan3A_182 : i32 to index
      %swap3A_219 = arith.constant 32 : index
      %swap3A_220 = tpu.vector_load %arg13[%swap3A_218, %swap3A_219] {strides = array<i32>} : memref<16x1024xf32, #tpu.memory_space<vmem>>, vector<1x16xf32>,
      %swap3A_221 = vector.shape_cast %swap3A_220 : vector<1x16xf32> to vector<16xf32>
      %swap3A_222 = vector.shape_cast %add3A_217 : vector<16xf32> to vector<1x16xf32>
      tpu.vector_store %arg13[%swap3A_218, %swap3A_219], %swap3A_222 {strides = array<i32>} : memref<16x1024xf32, #tpu.memory_space<vmem>>, vector<1x16xf32>,
      %get3A_223 = arith.index_cast %scan3A_182 : i32 to index
      %get3A_224 = arith.constant 48 : index
      %get3A_225 = tpu.vector_load %arg9[%get3A_223, %get3A_224] {strides = array<i32>} : memref<16x1024xf32, #tpu.memory_space<vmem>>, vector<1x16xf32>,
      %get3A_226 = vector.shape_cast %get3A_225 : vector<1x16xf32> to vector<16xf32>
      %get3A_227 = arith.index_cast %scan3A_182 : i32 to index
      %get3A_228 = arith.constant 48 : index
      %get3A_229 = tpu.vector_load %arg11[%get3A_227, %get3A_228] {strides = array<i32>} : memref<16x1024xf32, #tpu.memory_space<vmem>>, vector<1x16xf32>,
      %get3A_230 = vector.shape_cast %get3A_229 : vector<1x16xf32> to vector<16xf32>
      %add3A_231 = arith.addf %get3A_226, %get3A_230 : vector<16xf32>
      %swap3A_232 = arith.index_cast %scan3A_182 : i32 to index
      %swap3A_233 = arith.constant 48 : index
      %swap3A_234 = tpu.vector_load %arg13[%swap3A_232, %swap3A_233] {strides = array<i32>} : memref<16x1024xf32, #tpu.memory_space<vmem>>, vector<1x16xf32>,
      %swap3A_235 = vector.shape_cast %swap3A_234 : vector<1x16xf32> to vector<16xf32>
      %swap3A_236 = vector.shape_cast %add3A_231 : vector<16xf32> to vector<1x16xf32>
      tpu.vector_store %arg13[%swap3A_232, %swap3A_233], %swap3A_236 {strides = array<i32>} : memref<16x1024xf32, #tpu.memory_space<vmem>>, vector<1x16xf32>,
      %get3A_237 = arith.index_cast %scan3A_182 : i32 to index
      %get3A_238 = arith.constant 64 : index
      %get3A_239 = tpu.vector_load %arg9[%get3A_237, %get3A_238] {strides = array<i32>} : memref<16x1024xf32, #tpu.memory_space<vmem>>, vector<1x16xf32>,
      %get3A_240 = vector.shape_cast %get3A_239 : vector<1x16xf32> to vector<16xf32>
      %get3A_241 = arith.index_cast %scan3A_182 : i32 to index
      %get3A_242 = arith.constant 64 : index
      %get3A_243 = tpu.vector_load %arg11[%get3A_241, %get3A_242] {strides = array<i32>} : memref<16x1024xf32, #tpu.memory_space<vmem>>, vector<1x16xf32>,
      %get3A_244 = vector.shape_cast %get3A_243 : vector<1x16xf32> to vector<16xf32>
      %add3A_245 = arith.addf %get3A_240, %get3A_244 : vector<16xf32>
      %swap3A_246 = arith.index_cast %scan3A_182 : i32 to index
      %swap3A_247 = arith.constant 64 : index
      %swap3A_248 = tpu.vector_load %arg13[%swap3A_246, %swap3A_247] {strides = array<i32>} : memref<16x1024xf32, #tpu.memory_space<vmem>>, vector<1x16xf32>,
      %swap3A_249 = vector.shape_cast %swap3A_248 : vector<1x16xf32> to vector<16xf32>
      %swap3A_250 = vector.shape_cast %add3A_245 : vector<16xf32> to vector<1x16xf32>
      tpu.vector_store %arg13[%swap3A_246, %swap3A_247], %swap3A_250 {strides = array<i32>} : memref<16x1024xf32, #tpu.memory_space<vmem>>, vector<1x16xf32>,
      %get3A_251 = arith.index_cast %scan3A_182 : i32 to index
      %get3A_252 = arith.constant 80 : index
      %get3A_253 = tpu.vector_load %arg9[%get3A_251, %get3A_252] {strides = array<i32>} : memref<16x1024xf32, #tpu.memory_space<vmem>>, vector<1x16xf32>,
      %get3A_254 = vector.shape_cast %get3A_253 : vector<1x16xf32> to vector<16xf32>
      %get3A_255 = arith.index_cast %scan3A_182 : i32 to index
      %get3A_256 = arith.constant 80 : index
      %get3A_257 = tpu.vector_load %arg11[%get3A_255, %get3A_256] {strides = array<i32>} : memref<16x1024xf32, #tpu.memory_space<vmem>>, vector<1x16xf32>,
      %get3A_258 = vector.shape_cast %get3A_257 : vector<1x16xf32> to vector<16xf32>
      %add3A_259 = arith.addf %get3A_254, %get3A_258 : vector<16xf32>
      %swap3A_260 = arith.index_cast %scan3A_182 : i32 to index
      %swap3A_261 = arith.constant 80 : index
      %swap3A_262 = tpu.vector_load %arg13[%swap3A_260, %swap3A_261] {strides = array<i32>} : memref<16x1024xf32, #tpu.memory_space<vmem>>, vector<1x16xf32>,
      %swap3A_263 = vector.shape_cast %swap3A_262 : vector<1x16xf32> to vector<16xf32>
      %swap3A_264 = vector.shape_cast %add3A_259 : vector<16xf32> to vector<1x16xf32>
      tpu.vector_store %arg13[%swap3A_260, %swap3A_261], %swap3A_264 {strides = array<i32>} : memref<16x1024xf32, #tpu.memory_space<vmem>>, vector<1x16xf32>,
      %get3A_265 = arith.index_cast %scan3A_182 : i32 to index
      %get3A_266 = arith.constant 96 : index
      %get3A_267 = tpu.vector_load %arg9[%get3A_265, %get3A_266] {strides = array<i32>} : memref<16x1024xf32, #tpu.memory_space<vmem>>, vector<1x16xf32>,
      %get3A_268 = vector.shape_cast %get3A_267 : vector<1x16xf32> to vector<16xf32>
      %get3A_269 = arith.index_cast %scan3A_182 : i32 to index
      %get3A_270 = arith.constant 96 : index
      %get3A_271 = tpu.vector_load %arg11[%get3A_269, %get3A_270] {strides = array<i32>} : memref<16x1024xf32, #tpu.memory_space<vmem>>, vector<1x16xf32>,
      %get3A_272 = vector.shape_cast %get3A_271 : vector<1x16xf32> to vector<16xf32>
      %add3A_273 = arith.addf %get3A_268, %get3A_272 : vector<16xf32>
      %swap3A_274 = arith.index_cast %scan3A_182 : i32 to index
      %swap3A_275 = arith.constant 96 : index
      %swap3A_276 = tpu.vector_load %arg13[%swap3A_274, %swap3A_275] {strides = array<i32>} : memref<16x1024xf32, #tpu.memory_space<vmem>>, vector<1x16xf32>,
      %swap3A_277 = vector.shape_cast %swap3A_276 : vector<1x16xf32> to vector<16xf32>
      %swap3A_278 = vector.shape_cast %add3A_273 : vector<16xf32> to vector<1x16xf32>
      tpu.vector_store %arg13[%swap3A_274, %swap3A_275], %swap3A_278 {strides = array<i32>} : memref<16x1024xf32, #tpu.memory_space<vmem>>, vector<1x16xf32>,
      %get3A_279 = arith.index_cast %scan3A_182 : i32 to index
      %get3A_280 = arith.constant 112 : index
      %get3A_281 = tpu.vector_load %arg9[%get3A_279, %get3A_280] {strides = array<i32>} : memref<16x1024xf32, #tpu.memory_space<vmem>>, vector<1x16xf32>,
      %get3A_282 = vector.shape_cast %get3A_281 : vector<1x16xf32> to vector<16xf32>
      %get3A_283 = arith.index_cast %scan3A_182 : i32 to index
      %get3A_284 = arith.constant 112 : index
      %get3A_285 = tpu.vector_load %arg11[%get3A_283, %get3A_284] {strides = array<i32>} : memref<16x1024xf32, #tpu.memory_space<vmem>>, vector<1x16xf32>,
      %get3A_286 = vector.shape_cast %get3A_285 : vector<1x16xf32> to vector<16xf32>
      %add3A_287 = arith.addf %get3A_282, %get3A_286 : vector<16xf32>
      %swap3A_288 = arith.index_cast %scan3A_182 : i32 to index
      %swap3A_289 = arith.constant 112 : index
      %swap3A_290 = tpu.vector_load %arg13[%swap3A_288, %swap3A_289] {strides = array<i32>} : memref<16x1024xf32, #tpu.memory_space<vmem>>, vector<1x16xf32>,
      %swap3A_291 = vector.shape_cast %swap3A_290 : vector<1x16xf32> to vector<16xf32>
      %swap3A_292 = vector.shape_cast %add3A_287 : vector<16xf32> to vector<1x16xf32>
      tpu.vector_store %arg13[%swap3A_288, %swap3A_289], %swap3A_292 {strides = array<i32>} : memref<16x1024xf32, #tpu.memory_space<vmem>>, vector<1x16xf32>,
      %get3A_293 = arith.index_cast %scan3A_182 : i32 to index
      %get3A_294 = arith.constant 128 : index
      %get3A_295 = tpu.vector_load %arg9[%get3A_293, %get3A_294] {strides = array<i32>} : memref<16x1024xf32, #tpu.memory_space<vmem>>, vector<1x16xf32>,
      %get3A_296 = vector.shape_cast %get3A_295 : vector<1x16xf32> to vector<16xf32>
      %get3A_297 = arith.index_cast %scan3A_182 : i32 to index
      %get3A_298 = arith.constant 128 : index
      %get3A_299 = tpu.vector_load %arg11[%get3A_297, %get3A_298] {strides = array<i32>} : memref<16x1024xf32, #tpu.memory_space<vmem>>, vector<1x16xf32>,
      %get3A_300 = vector.shape_cast %get3A_299 : vector<1x16xf32> to vector<16xf32>
      %add3A_301 = arith.addf %get3A_296, %get3A_300 : vector<16xf32>
      %swap3A_302 = arith.index_cast %scan3A_182 : i32 to index
      %swap3A_303 = arith.constant 128 : index
      %swap3A_304 = tpu.vector_load %arg13[%swap3A_302, %swap3A_303] {strides = array<i32>} : memref<16x1024xf32, #tpu.memory_space<vmem>>, vector<1x16xf32>,
      %swap3A_305 = vector.shape_cast %swap3A_304 : vector<1x16xf32> to vector<16xf32>
      %swap3A_306 = vector.shape_cast %add3A_301 : vector<16xf32> to vector<1x16xf32>
      tpu.vector_store %arg13[%swap3A_302, %swap3A_303], %swap3A_306 {strides = array<i32>} : memref<16x1024xf32, #tpu.memory_space<vmem>>, vector<1x16xf32>,
      %get3A_307 = arith.index_cast %scan3A_182 : i32 to index
      %get3A_308 = arith.constant 144 : index
      %get3A_309 = tpu.vector_load %arg9[%get3A_307, %get3A_308] {strides = array<i32>} : memref<16x1024xf32, #tpu.memory_space<vmem>>, vector<1x16xf32>,
      %get3A_310 = vector.shape_cast %get3A_309 : vector<1x16xf32> to vector<16xf32>
      %get3A_311 = arith.index_cast %scan3A_182 : i32 to index
      %get3A_312 = arith.constant 144 : index
      %get3A_313 = tpu.vector_load %arg11[%get3A_311, %get3A_312] {strides = array<i32>} : memref<16x1024xf32, #tpu.memory_space<vmem>>, vector<1x16xf32>,
      %get3A_314 = vector.shape_cast %get3A_313 : vector<1x16xf32> to vector<16xf32>
      %add3A_315 = arith.addf %get3A_310, %get3A_314 : vector<16xf32>
      %swap3A_316 = arith.index_cast %scan3A_182 : i32 to index
      %swap3A_317 = arith.constant 144 : index
      %swap3A_318 = tpu.vector_load %arg13[%swap3A_316, %swap3A_317] {strides = array<i32>} : memref<16x1024xf32, #tpu.memory_space<vmem>>, vector<1x16xf32>,
      %swap3A_319 = vector.shape_cast %swap3A_318 : vector<1x16xf32> to vector<16xf32>
      %swap3A_320 = vector.shape_cast %add3A_315 : vector<16xf32> to vector<1x16xf32>
      tpu.vector_store %arg13[%swap3A_316, %swap3A_317], %swap3A_320 {strides = array<i32>} : memref<16x1024xf32, #tpu.memory_space<vmem>>, vector<1x16xf32>,
      %get3A_321 = arith.index_cast %scan3A_182 : i32 to index
      %get3A_322 = arith.constant 160 : index
      %get3A_323 = tpu.vector_load %arg9[%get3A_321, %get3A_322] {strides = array<i32>} : memref<16x1024xf32, #tpu.memory_space<vmem>>, vector<1x16xf32>,
      %get3A_324 = vector.shape_cast %get3A_323 : vector<1x16xf32> to vector<16xf32>
      %get3A_325 = arith.index_cast %scan3A_182 : i32 to index
      %get3A_326 = arith.constant 160 : index
      %get3A_327 = tpu.vector_load %arg11[%get3A_325, %get3A_326] {strides = array<i32>} : memref<16x1024xf32, #tpu.memory_space<vmem>>, vector<1x16xf32>,
      %get3A_328 = vector.shape_cast %get3A_327 : vector<1x16xf32> to vector<16xf32>
      %add3A_329 = arith.addf %get3A_324, %get3A_328 : vector<16xf32>
      %swap3A_330 = arith.index_cast %scan3A_182 : i32 to index
      %swap3A_331 = arith.constant 160 : index
      %swap3A_332 = tpu.vector_load %arg13[%swap3A_330, %swap3A_331] {strides = array<i32>} : memref<16x1024xf32, #tpu.memory_space<vmem>>, vector<1x16xf32>,
      %swap3A_333 = vector.shape_cast %swap3A_332 : vector<1x16xf32> to vector<16xf32>
      %swap3A_334 = vector.shape_cast %add3A_329 : vector<16xf32> to vector<1x16xf32>
      tpu.vector_store %arg13[%swap3A_330, %swap3A_331], %swap3A_334 {strides = array<i32>} : memref<16x1024xf32, #tpu.memory_space<vmem>>, vector<1x16xf32>,
      %get3A_335 = arith.index_cast %scan3A_182 : i32 to index
      %get3A_336 = arith.constant 176 : index
      %get3A_337 = tpu.vector_load %arg9[%get3A_335, %get3A_336] {strides = array<i32>} : memref<16x1024xf32, #tpu.memory_space<vmem>>, vector<1x16xf32>,
      %get3A_338 = vector.shape_cast %get3A_337 : vector<1x16xf32> to vector<16xf32>
      %get3A_339 = arith.index_cast %scan3A_182 : i32 to index
      %get3A_340 = arith.constant 176 : index
      %get3A_341 = tpu.vector_load %arg11[%get3A_339, %get3A_340] {strides = array<i32>} : memref<16x1024xf32, #tpu.memory_space<vmem>>, vector<1x16xf32>,
      %get3A_342 = vector.shape_cast %get3A_341 : vector<1x16xf32> to vector<16xf32>
      %add3A_343 = arith.addf %get3A_338, %get3A_342 : vector<16xf32>
      %swap3A_344 = arith.index_cast %scan3A_182 : i32 to index
      %swap3A_345 = arith.constant 176 : index
      %swap3A_346 = tpu.vector_load %arg13[%swap3A_344, %swap3A_345] {strides = array<i32>} : memref<16x1024xf32, #tpu.memory_space<vmem>>, vector<1x16xf32>,
      %swap3A_347 = vector.shape_cast %swap3A_346 : vector<1x16xf32> to vector<16xf32>
      %swap3A_348 = vector.shape_cast %add3A_343 : vector<16xf32> to vector<1x16xf32>
      tpu.vector_store %arg13[%swap3A_344, %swap3A_345], %swap3A_348 {strides = array<i32>} : memref<16x1024xf32, #tpu.memory_space<vmem>>, vector<1x16xf32>,
      %get3A_349 = arith.index_cast %scan3A_182 : i32 to index
      %get3A_350 = arith.constant 192 : index
      %get3A_351 = tpu.vector_load %arg9[%get3A_349, %get3A_350] {strides = array<i32>} : memref<16x1024xf32, #tpu.memory_space<vmem>>, vector<1x16xf32>,
      %get3A_352 = vector.shape_cast %get3A_351 : vector<1x16xf32> to vector<16xf32>
      %get3A_353 = arith.index_cast %scan3A_182 : i32 to index
      %get3A_354 = arith.constant 192 : index
      %get3A_355 = tpu.vector_load %arg11[%get3A_353, %get3A_354] {strides = array<i32>} : memref<16x1024xf32, #tpu.memory_space<vmem>>, vector<1x16xf32>,
      %get3A_356 = vector.shape_cast %get3A_355 : vector<1x16xf32> to vector<16xf32>
      %add3A_357 = arith.addf %get3A_352, %get3A_356 : vector<16xf32>
      %swap3A_358 = arith.index_cast %scan3A_182 : i32 to index
      %swap3A_359 = arith.constant 192 : index
      %swap3A_360 = tpu.vector_load %arg13[%swap3A_358, %swap3A_359] {strides = array<i32>} : memref<16x1024xf32, #tpu.memory_space<vmem>>, vector<1x16xf32>,
      %swap3A_361 = vector.shape_cast %swap3A_360 : vector<1x16xf32> to vector<16xf32>
      %swap3A_362 = vector.shape_cast %add3A_357 : vector<16xf32> to vector<1x16xf32>
      tpu.vector_store %arg13[%swap3A_358, %swap3A_359], %swap3A_362 {strides = array<i32>} : memref<16x1024xf32, #tpu.memory_space<vmem>>, vector<1x16xf32>,
      %get3A_363 = arith.index_cast %scan3A_182 : i32 to index
      %get3A_364 = arith.constant 208 : index
      %get3A_365 = tpu.vector_load %arg9[%get3A_363, %get3A_364] {strides = array<i32>} : memref<16x1024xf32, #tpu.memory_space<vmem>>, vector<1x16xf32>,
      %get3A_366 = vector.shape_cast %get3A_365 : vector<1x16xf32> to vector<16xf32>
      %get3A_367 = arith.index_cast %scan3A_182 : i32 to index
      %get3A_368 = arith.constant 208 : index
      %get3A_369 = tpu.vector_load %arg11[%get3A_367, %get3A_368] {strides = array<i32>} : memref<16x1024xf32, #tpu.memory_space<vmem>>, vector<1x16xf32>,
      %get3A_370 = vector.shape_cast %get3A_369 : vector<1x16xf32> to vector<16xf32>
      %add3A_371 = arith.addf %get3A_366, %get3A_370 : vector<16xf32>
      %swap3A_372 = arith.index_cast %scan3A_182 : i32 to index
      %swap3A_373 = arith.constant 208 : index
      %swap3A_374 = tpu.vector_load %arg13[%swap3A_372, %swap3A_373] {strides = array<i32>} : memref<16x1024xf32, #tpu.memory_space<vmem>>, vector<1x16xf32>,
      %swap3A_375 = vector.shape_cast %swap3A_374 : vector<1x16xf32> to vector<16xf32>
      %swap3A_376 = vector.shape_cast %add3A_371 : vector<16xf32> to vector<1x16xf32>
      tpu.vector_store %arg13[%swap3A_372, %swap3A_373], %swap3A_376 {strides = array<i32>} : memref<16x1024xf32, #tpu.memory_space<vmem>>, vector<1x16xf32>,
      %get3A_377 = arith.index_cast %scan3A_182 : i32 to index
      %get3A_378 = arith.constant 224 : index
      %get3A_379 = tpu.vector_load %arg9[%get3A_377, %get3A_378] {strides = array<i32>} : memref<16x1024xf32, #tpu.memory_space<vmem>>, vector<1x16xf32>,
      %get3A_380 = vector.shape_cast %get3A_379 : vector<1x16xf32> to vector<16xf32>
      %get3A_381 = arith.index_cast %scan3A_182 : i32 to index
      %get3A_382 = arith.constant 224 : index
      %get3A_383 = tpu.vector_load %arg11[%get3A_381, %get3A_382] {strides = array<i32>} : memref<16x1024xf32, #tpu.memory_space<vmem>>, vector<1x16xf32>,
      %get3A_384 = vector.shape_cast %get3A_383 : vector<1x16xf32> to vector<16xf32>
      %add3A_385 = arith.addf %get3A_380, %get3A_384 : vector<16xf32>
      %swap3A_386 = arith.index_cast %scan3A_182 : i32 to index
      %swap3A_387 = arith.constant 224 : index
      %swap3A_388 = tpu.vector_load %arg13[%swap3A_386, %swap3A_387] {strides = array<i32>} : memref<16x1024xf32, #tpu.memory_space<vmem>>, vector<1x16xf32>,
      %swap3A_389 = vector.shape_cast %swap3A_388 : vector<1x16xf32> to vector<16xf32>
      %swap3A_390 = vector.shape_cast %add3A_385 : vector<16xf32> to vector<1x16xf32>
      tpu.vector_store %arg13[%swap3A_386, %swap3A_387], %swap3A_390 {strides = array<i32>} : memref<16x1024xf32, #tpu.memory_space<vmem>>, vector<1x16xf32>,
      %get3A_391 = arith.index_cast %scan3A_182 : i32 to index
      %get3A_392 = arith.constant 240 : index
      %get3A_393 = tpu.vector_load %arg9[%get3A_391, %get3A_392] {strides = array<i32>} : memref<16x1024xf32, #tpu.memory_space<vmem>>, vector<1x16xf32>,
      %get3A_394 = vector.shape_cast %get3A_393 : vector<1x16xf32> to vector<16xf32>
      %get3A_395 = arith.index_cast %scan3A_182 : i32 to index
      %get3A_396 = arith.constant 240 : index
      %get3A_397 = tpu.vector_load %arg11[%get3A_395, %get3A_396] {strides = array<i32>} : memref<16x1024xf32, #tpu.memory_space<vmem>>, vector<1x16xf32>,
      %get3A_398 = vector.shape_cast %get3A_397 : vector<1x16xf32> to vector<16xf32>
      %add3A_399 = arith.addf %get3A_394, %get3A_398 : vector<16xf32>
      %swap3A_400 = arith.index_cast %scan3A_182 : i32 to index
      %swap3A_401 = arith.constant 240 : index
      %swap3A_402 = tpu.vector_load %arg13[%swap3A_400, %swap3A_401] {strides = array<i32>} : memref<16x1024xf32, #tpu.memory_space<vmem>>, vector<1x16xf32>,
      %swap3A_403 = vector.shape_cast %swap3A_402 : vector<1x16xf32> to vector<16xf32>
      %swap3A_404 = vector.shape_cast %add3A_399 : vector<16xf32> to vector<1x16xf32>
      tpu.vector_store %arg13[%swap3A_400, %swap3A_401], %swap3A_404 {strides = array<i32>} : memref<16x1024xf32, #tpu.memory_space<vmem>>, vector<1x16xf32>,
      %get3A_405 = arith.index_cast %scan3A_182 : i32 to index
      %get3A_406 = arith.constant 256 : index
      %get3A_407 = tpu.vector_load %arg9[%get3A_405, %get3A_406] {strides = array<i32>} : memref<16x1024xf32, #tpu.memory_space<vmem>>, vector<1x16xf32>,
      %get3A_408 = vector.shape_cast %get3A_407 : vector<1x16xf32> to vector<16xf32>
      %get3A_409 = arith.index_cast %scan3A_182 : i32 to index
      %get3A_410 = arith.constant 256 : index
      %get3A_411 = tpu.vector_load %arg11[%get3A_409, %get3A_410] {strides = array<i32>} : memref<16x1024xf32, #tpu.memory_space<vmem>>, vector<1x16xf32>,
      %get3A_412 = vector.shape_cast %get3A_411 : vector<1x16xf32> to vector<16xf32>
      %add3A_413 = arith.addf %get3A_408, %get3A_412 : vector<16xf32>
      %swap3A_414 = arith.index_cast %scan3A_182 : i32 to index
      %swap3A_415 = arith.constant 256 : index
      %swap3A_416 = tpu.vector_load %arg13[%swap3A_414, %swap3A_415] {strides = array<i32>} : memref<16x1024xf32, #tpu.memory_space<vmem>>, vector<1x16xf32>,
      %swap3A_417 = vector.shape_cast %swap3A_416 : vector<1x16xf32> to vector<16xf32>
      %swap3A_418 = vector.shape_cast %add3A_413 : vector<16xf32> to vector<1x16xf32>
      tpu.vector_store %arg13[%swap3A_414, %swap3A_415], %swap3A_418 {strides = array<i32>} : memref<16x1024xf32, #tpu.memory_space<vmem>>, vector<1x16xf32>,
      %get3A_419 = arith.index_cast %scan3A_182 : i32 to index
      %get3A_420 = arith.constant 272 : index
      %get3A_421 = tpu.vector_load %arg9[%get3A_419, %get3A_420] {strides = array<i32>} : memref<16x1024xf32, #tpu.memory_space<vmem>>, vector<1x16xf32>,
      %get3A_422 = vector.shape_cast %get3A_421 : vector<1x16xf32> to vector<16xf32>
      %get3A_423 = arith.index_cast %scan3A_182 : i32 to index
      %get3A_424 = arith.constant 272 : index
      %get3A_425 = tpu.vector_load %arg11[%get3A_423, %get3A_424] {strides = array<i32>} : memref<16x1024xf32, #tpu.memory_space<vmem>>, vector<1x16xf32>,
      %get3A_426 = vector.shape_cast %get3A_425 : vector<1x16xf32> to vector<16xf32>
      %add3A_427 = arith.addf %get3A_422, %get3A_426 : vector<16xf32>
      %swap3A_428 = arith.index_cast %scan3A_182 : i32 to index
      %swap3A_429 = arith.constant 272 : index
      %swap3A_430 = tpu.vector_load %arg13[%swap3A_428, %swap3A_429] {strides = array<i32>} : memref<16x1024xf32, #tpu.memory_space<vmem>>, vector<1x16xf32>,
      %swap3A_431 = vector.shape_cast %swap3A_430 : vector<1x16xf32> to vector<16xf32>
      %swap3A_432 = vector.shape_cast %add3A_427 : vector<16xf32> to vector<1x16xf32>
      tpu.vector_store %arg13[%swap3A_428, %swap3A_429], %swap3A_432 {strides = array<i32>} : memref<16x1024xf32, #tpu.memory_space<vmem>>, vector<1x16xf32>,
      %get3A_433 = arith.index_cast %scan3A_182 : i32 to index
      %get3A_434 = arith.constant 288 : index
      %get3A_435 = tpu.vector_load %arg9[%get3A_433, %get3A_434] {strides = array<i32>} : memref<16x1024xf32, #tpu.memory_space<vmem>>, vector<1x16xf32>,
      %get3A_436 = vector.shape_cast %get3A_435 : vector<1x16xf32> to vector<16xf32>
      %get3A_437 = arith.index_cast %scan3A_182 : i32 to index
      %get3A_438 = arith.constant 288 : index
      %get3A_439 = tpu.vector_load %arg11[%get3A_437, %get3A_438] {strides = array<i32>} : memref<16x1024xf32, #tpu.memory_space<vmem>>, vector<1x16xf32>,
      %get3A_440 = vector.shape_cast %get3A_439 : vector<1x16xf32> to vector<16xf32>
      %add3A_441 = arith.addf %get3A_436, %get3A_440 : vector<16xf32>
      %swap3A_442 = arith.index_cast %scan3A_182 : i32 to index
      %swap3A_443 = arith.constant 288 : index
      %swap3A_444 = tpu.vector_load %arg13[%swap3A_442, %swap3A_443] {strides = array<i32>} : memref<16x1024xf32, #tpu.memory_space<vmem>>, vector<1x16xf32>,
      %swap3A_445 = vector.shape_cast %swap3A_444 : vector<1x16xf32> to vector<16xf32>
      %swap3A_446 = vector.shape_cast %add3A_441 : vector<16xf32> to vector<1x16xf32>
      tpu.vector_store %arg13[%swap3A_442, %swap3A_443], %swap3A_446 {strides = array<i32>} : memref<16x1024xf32, #tpu.memory_space<vmem>>, vector<1x16xf32>,
      %get3A_447 = arith.index_cast %scan3A_182 : i32 to index
      %get3A_448 = arith.constant 304 : index
      %get3A_449 = tpu.vector_load %arg9[%get3A_447, %get3A_448] {strides = array<i32>} : memref<16x1024xf32, #tpu.memory_space<vmem>>, vector<1x16xf32>,
      %get3A_450 = vector.shape_cast %get3A_449 : vector<1x16xf32> to vector<16xf32>
      %get3A_451 = arith.index_cast %scan3A_182 : i32 to index
      %get3A_452 = arith.constant 304 : index
      %get3A_453 = tpu.vector_load %arg11[%get3A_451, %get3A_452] {strides = array<i32>} : memref<16x1024xf32, #tpu.memory_space<vmem>>, vector<1x16xf32>,
      %get3A_454 = vector.shape_cast %get3A_453 : vector<1x16xf32> to vector<16xf32>
      %add3A_455 = arith.addf %get3A_450, %get3A_454 : vector<16xf32>
      %swap3A_456 = arith.index_cast %scan3A_182 : i32 to index
      %swap3A_457 = arith.constant 304 : index
      %swap3A_458 = tpu.vector_load %arg13[%swap3A_456, %swap3A_457] {strides = array<i32>} : memref<16x1024xf32, #tpu.memory_space<vmem>>, vector<1x16xf32>,
      %swap3A_459 = vector.shape_cast %swap3A_458 : vector<1x16xf32> to vector<16xf32>
      %swap3A_460 = vector.shape_cast %add3A_455 : vector<16xf32> to vector<1x16xf32>
      tpu.vector_store %arg13[%swap3A_456, %swap3A_457], %swap3A_460 {strides = array<i32>} : memref<16x1024xf32, #tpu.memory_space<vmem>>, vector<1x16xf32>,
      %get3A_461 = arith.index_cast %scan3A_182 : i32 to index
      %get3A_462 = arith.constant 320 : index
      %get3A_463 = tpu.vector_load %arg9[%get3A_461, %get3A_462] {strides = array<i32>} : memref<16x1024xf32, #tpu.memory_space<vmem>>, vector<1x16xf32>,
      %get3A_464 = vector.shape_cast %get3A_463 : vector<1x16xf32> to vector<16xf32>
      %get3A_465 = arith.index_cast %scan3A_182 : i32 to index
      %get3A_466 = arith.constant 320 : index
      %get3A_467 = tpu.vector_load %arg11[%get3A_465, %get3A_466] {strides = array<i32>} : memref<16x1024xf32, #tpu.memory_space<vmem>>, vector<1x16xf32>,
      %get3A_468 = vector.shape_cast %get3A_467 : vector<1x16xf32> to vector<16xf32>
      %add3A_469 = arith.addf %get3A_464, %get3A_468 : vector<16xf32>
      %swap3A_470 = arith.index_cast %scan3A_182 : i32 to index
      %swap3A_471 = arith.constant 320 : index
      %swap3A_472 = tpu.vector_load %arg13[%swap3A_470, %swap3A_471] {strides = array<i32>} : memref<16x1024xf32, #tpu.memory_space<vmem>>, vector<1x16xf32>,
      %swap3A_473 = vector.shape_cast %swap3A_472 : vector<1x16xf32> to vector<16xf32>
      %swap3A_474 = vector.shape_cast %add3A_469 : vector<16xf32> to vector<1x16xf32>
      tpu.vector_store %arg13[%swap3A_470, %swap3A_471], %swap3A_474 {strides = array<i32>} : memref<16x1024xf32, #tpu.memory_space<vmem>>, vector<1x16xf32>,
      %get3A_475 = arith.index_cast %scan3A_182 : i32 to index
      %get3A_476 = arith.constant 336 : index
      %get3A_477 = tpu.vector_load %arg9[%get3A_475, %get3A_476] {strides = array<i32>} : memref<16x1024xf32, #tpu.memory_space<vmem>>, vector<1x16xf32>,
      %get3A_478 = vector.shape_cast %get3A_477 : vector<1x16xf32> to vector<16xf32>
      %get3A_479 = arith.index_cast %scan3A_182 : i32 to index
      %get3A_480 = arith.constant 336 : index
      %get3A_481 = tpu.vector_load %arg11[%get3A_479, %get3A_480] {strides = array<i32>} : memref<16x1024xf32, #tpu.memory_space<vmem>>, vector<1x16xf32>,
      %get3A_482 = vector.shape_cast %get3A_481 : vector<1x16xf32> to vector<16xf32>
      %add3A_483 = arith.addf %get3A_478, %get3A_482 : vector<16xf32>
      %swap3A_484 = arith.index_cast %scan3A_182 : i32 to index
      %swap3A_485 = arith.constant 336 : index
      %swap3A_486 = tpu.vector_load %arg13[%swap3A_484, %swap3A_485] {strides = array<i32>} : memref<16x1024xf32, #tpu.memory_space<vmem>>, vector<1x16xf32>,
      %swap3A_487 = vector.shape_cast %swap3A_486 : vector<1x16xf32> to vector<16xf32>
      %swap3A_488 = vector.shape_cast %add3A_483 : vector<16xf32> to vector<1x16xf32>
      tpu.vector_store %arg13[%swap3A_484, %swap3A_485], %swap3A_488 {strides = array<i32>} : memref<16x1024xf32, #tpu.memory_space<vmem>>, vector<1x16xf32>,
      %get3A_489 = arith.index_cast %scan3A_182 : i32 to index
      %get3A_490 = arith.constant 352 : index
      %get3A_491 = tpu.vector_load %arg9[%get3A_489, %get3A_490] {strides = array<i32>} : memref<16x1024xf32, #tpu.memory_space<vmem>>, vector<1x16xf32>,
      %get3A_492 = vector.shape_cast %get3A_491 : vector<1x16xf32> to vector<16xf32>
      %get3A_493 = arith.index_cast %scan3A_182 : i32 to index
      %get3A_494 = arith.constant 352 : index
      %get3A_495 = tpu.vector_load %arg11[%get3A_493, %get3A_494] {strides = array<i32>} : memref<16x1024xf32, #tpu.memory_space<vmem>>, vector<1x16xf32>,
      %get3A_496 = vector.shape_cast %get3A_495 : vector<1x16xf32> to vector<16xf32>
      %add3A_497 = arith.addf %get3A_492, %get3A_496 : vector<16xf32>
      %swap3A_498 = arith.index_cast %scan3A_182 : i32 to index
      %swap3A_499 = arith.constant 352 : index
      %swap3A_500 = tpu.vector_load %arg13[%swap3A_498, %swap3A_499] {strides = array<i32>} : memref<16x1024xf32, #tpu.memory_space<vmem>>, vector<1x16xf32>,
      %swap3A_501 = vector.shape_cast %swap3A_500 : vector<1x16xf32> to vector<16xf32>
      %swap3A_502 = vector.shape_cast %add3A_497 : vector<16xf32> to vector<1x16xf32>
      tpu.vector_store %arg13[%swap3A_498, %swap3A_499], %swap3A_502 {strides = array<i32>} : memref<16x1024xf32, #tpu.memory_space<vmem>>, vector<1x16xf32>,
      %get3A_503 = arith.index_cast %scan3A_182 : i32 to index
      %get3A_504 = arith.constant 368 : index
      %get3A_505 = tpu.vector_load %arg9[%get3A_503, %get3A_504] {strides = array<i32>} : memref<16x1024xf32, #tpu.memory_space<vmem>>, vector<1x16xf32>,
      %get3A_506 = vector.shape_cast %get3A_505 : vector<1x16xf32> to vector<16xf32>
      %get3A_507 = arith.index_cast %scan3A_182 : i32 to index
      %get3A_508 = arith.constant 368 : index
      %get3A_509 = tpu.vector_load %arg11[%get3A_507, %get3A_508] {strides = array<i32>} : memref<16x1024xf32, #tpu.memory_space<vmem>>, vector<1x16xf32>,
      %get3A_510 = vector.shape_cast %get3A_509 : vector<1x16xf32> to vector<16xf32>
      %add3A_511 = arith.addf %get3A_506, %get3A_510 : vector<16xf32>
      %swap3A_512 = arith.index_cast %scan3A_182 : i32 to index
      %swap3A_513 = arith.constant 368 : index
      %swap3A_514 = tpu.vector_load %arg13[%swap3A_512, %swap3A_513] {strides = array<i32>} : memref<16x1024xf32, #tpu.memory_space<vmem>>, vector<1x16xf32>,
      %swap3A_515 = vector.shape_cast %swap3A_514 : vector<1x16xf32> to vector<16xf32>
      %swap3A_516 = vector.shape_cast %add3A_511 : vector<16xf32> to vector<1x16xf32>
      tpu.vector_store %arg13[%swap3A_512, %swap3A_513], %swap3A_516 {strides = array<i32>} : memref<16x1024xf32, #tpu.memory_space<vmem>>, vector<1x16xf32>,
      %get3A_517 = arith.index_cast %scan3A_182 : i32 to index
      %get3A_518 = arith.constant 384 : index
      %get3A_519 = tpu.vector_load %arg9[%get3A_517, %get3A_518] {strides = array<i32>} : memref<16x1024xf32, #tpu.memory_space<vmem>>, vector<1x16xf32>,
      %get3A_520 = vector.shape_cast %get3A_519 : vector<1x16xf32> to vector<16xf32>
      %get3A_521 = arith.index_cast %scan3A_182 : i32 to index
      %get3A_522 = arith.constant 384 : index
      %get3A_523 = tpu.vector_load %arg11[%get3A_521, %get3A_522] {strides = array<i32>} : memref<16x1024xf32, #tpu.memory_space<vmem>>, vector<1x16xf32>,
      %get3A_524 = vector.shape_cast %get3A_523 : vector<1x16xf32> to vector<16xf32>
      %add3A_525 = arith.addf %get3A_520, %get3A_524 : vector<16xf32>
      %swap3A_526 = arith.index_cast %scan3A_182 : i32 to index
      %swap3A_527 = arith.constant 384 : index
      %swap3A_528 = tpu.vector_load %arg13[%swap3A_526, %swap3A_527] {strides = array<i32>} : memref<16x1024xf32, #tpu.memory_space<vmem>>, vector<1x16xf32>,
      %swap3A_529 = vector.shape_cast %swap3A_528 : vector<1x16xf32> to vector<16xf32>
      %swap3A_530 = vector.shape_cast %add3A_525 : vector<16xf32> to vector<1x16xf32>
      tpu.vector_store %arg13[%swap3A_526, %swap3A_527], %swap3A_530 {strides = array<i32>} : memref<16x1024xf32, #tpu.memory_space<vmem>>, vector<1x16xf32>,
      %get3A_531 = arith.index_cast %scan3A_182 : i32 to index
      %get3A_532 = arith.constant 400 : index
      %get3A_533 = tpu.vector_load %arg9[%get3A_531, %get3A_532] {strides = array<i32>} : memref<16x1024xf32, #tpu.memory_space<vmem>>, vector<1x16xf32>,
      %get3A_534 = vector.shape_cast %get3A_533 : vector<1x16xf32> to vector<16xf32>
      %get3A_535 = arith.index_cast %scan3A_182 : i32 to index
      %get3A_536 = arith.constant 400 : index
      %get3A_537 = tpu.vector_load %arg11[%get3A_535, %get3A_536] {strides = array<i32>} : memref<16x1024xf32, #tpu.memory_space<vmem>>, vector<1x16xf32>,
      %get3A_538 = vector.shape_cast %get3A_537 : vector<1x16xf32> to vector<16xf32>
      %add3A_539 = arith.addf %get3A_534, %get3A_538 : vector<16xf32>
      %swap3A_540 = arith.index_cast %scan3A_182 : i32 to index
      %swap3A_541 = arith.constant 400 : index
      %swap3A_542 = tpu.vector_load %arg13[%swap3A_540, %swap3A_541] {strides = array<i32>} : memref<16x1024xf32, #tpu.memory_space<vmem>>, vector<1x16xf32>,
      %swap3A_543 = vector.shape_cast %swap3A_542 : vector<1x16xf32> to vector<16xf32>
      %swap3A_544 = vector.shape_cast %add3A_539 : vector<16xf32> to vector<1x16xf32>
      tpu.vector_store %arg13[%swap3A_540, %swap3A_541], %swap3A_544 {strides = array<i32>} : memref<16x1024xf32, #tpu.memory_space<vmem>>, vector<1x16xf32>,
      %get3A_545 = arith.index_cast %scan3A_182 : i32 to index
      %get3A_546 = arith.constant 416 : index
      %get3A_547 = tpu.vector_load %arg9[%get3A_545, %get3A_546] {strides = array<i32>} : memref<16x1024xf32, #tpu.memory_space<vmem>>, vector<1x16xf32>,
      %get3A_548 = vector.shape_cast %get3A_547 : vector<1x16xf32> to vector<16xf32>
      %get3A_549 = arith.index_cast %scan3A_182 : i32 to index
      %get3A_550 = arith.constant 416 : index
      %get3A_551 = tpu.vector_load %arg11[%get3A_549, %get3A_550] {strides = array<i32>} : memref<16x1024xf32, #tpu.memory_space<vmem>>, vector<1x16xf32>,
      %get3A_552 = vector.shape_cast %get3A_551 : vector<1x16xf32> to vector<16xf32>
      %add3A_553 = arith.addf %get3A_548, %get3A_552 : vector<16xf32>
      %swap3A_554 = arith.index_cast %scan3A_182 : i32 to index
      %swap3A_555 = arith.constant 416 : index
      %swap3A_556 = tpu.vector_load %arg13[%swap3A_554, %swap3A_555] {strides = array<i32>} : memref<16x1024xf32, #tpu.memory_space<vmem>>, vector<1x16xf32>,
      %swap3A_557 = vector.shape_cast %swap3A_556 : vector<1x16xf32> to vector<16xf32>
      %swap3A_558 = vector.shape_cast %add3A_553 : vector<16xf32> to vector<1x16xf32>
      tpu.vector_store %arg13[%swap3A_554, %swap3A_555], %swap3A_558 {strides = array<i32>} : memref<16x1024xf32, #tpu.memory_space<vmem>>, vector<1x16xf32>,
      %get3A_559 = arith.index_cast %scan3A_182 : i32 to index
      %get3A_560 = arith.constant 432 : index
      %get3A_561 = tpu.vector_load %arg9[%get3A_559, %get3A_560] {strides = array<i32>} : memref<16x1024xf32, #tpu.memory_space<vmem>>, vector<1x16xf32>,
      %get3A_562 = vector.shape_cast %get3A_561 : vector<1x16xf32> to vector<16xf32>
      %get3A_563 = arith.index_cast %scan3A_182 : i32 to index
      %get3A_564 = arith.constant 432 : index
      %get3A_565 = tpu.vector_load %arg11[%get3A_563, %get3A_564] {strides = array<i32>} : memref<16x1024xf32, #tpu.memory_space<vmem>>, vector<1x16xf32>,
      %get3A_566 = vector.shape_cast %get3A_565 : vector<1x16xf32> to vector<16xf32>
      %add3A_567 = arith.addf %get3A_562, %get3A_566 : vector<16xf32>
      %swap3A_568 = arith.index_cast %scan3A_182 : i32 to index
      %swap3A_569 = arith.constant 432 : index
      %swap3A_570 = tpu.vector_load %arg13[%swap3A_568, %swap3A_569] {strides = array<i32>} : memref<16x1024xf32, #tpu.memory_space<vmem>>, vector<1x16xf32>,
      %swap3A_571 = vector.shape_cast %swap3A_570 : vector<1x16xf32> to vector<16xf32>
      %swap3A_572 = vector.shape_cast %add3A_567 : vector<16xf32> to vector<1x16xf32>
      tpu.vector_store %arg13[%swap3A_568, %swap3A_569], %swap3A_572 {strides = array<i32>} : memref<16x1024xf32, #tpu.memory_space<vmem>>, vector<1x16xf32>,
      %get3A_573 = arith.index_cast %scan3A_182 : i32 to index
      %get3A_574 = arith.constant 448 : index
      %get3A_575 = tpu.vector_load %arg9[%get3A_573, %get3A_574] {strides = array<i32>} : memref<16x1024xf32, #tpu.memory_space<vmem>>, vector<1x16xf32>,
      %get3A_576 = vector.shape_cast %get3A_575 : vector<1x16xf32> to vector<16xf32>
      %get3A_577 = arith.index_cast %scan3A_182 : i32 to index
      %get3A_578 = arith.constant 448 : index
      %get3A_579 = tpu.vector_load %arg11[%get3A_577, %get3A_578] {strides = array<i32>} : memref<16x1024xf32, #tpu.memory_space<vmem>>, vector<1x16xf32>,
      %get3A_580 = vector.shape_cast %get3A_579 : vector<1x16xf32> to vector<16xf32>
      %add3A_581 = arith.addf %get3A_576, %get3A_580 : vector<16xf32>
      %swap3A_582 = arith.index_cast %scan3A_182 : i32 to index
      %swap3A_583 = arith.constant 448 : index
      %swap3A_584 = tpu.vector_load %arg13[%swap3A_582, %swap3A_583] {strides = array<i32>} : memref<16x1024xf32, #tpu.memory_space<vmem>>, vector<1x16xf32>,
      %swap3A_585 = vector.shape_cast %swap3A_584 : vector<1x16xf32> to vector<16xf32>
      %swap3A_586 = vector.shape_cast %add3A_581 : vector<16xf32> to vector<1x16xf32>
      tpu.vector_store %arg13[%swap3A_582, %swap3A_583], %swap3A_586 {strides = array<i32>} : memref<16x1024xf32, #tpu.memory_space<vmem>>, vector<1x16xf32>,
      %get3A_587 = arith.index_cast %scan3A_182 : i32 to index
      %get3A_588 = arith.constant 464 : index
      %get3A_589 = tpu.vector_load %arg9[%get3A_587, %get3A_588] {strides = array<i32>} : memref<16x1024xf32, #tpu.memory_space<vmem>>, vector<1x16xf32>,
      %get3A_590 = vector.shape_cast %get3A_589 : vector<1x16xf32> to vector<16xf32>
      %get3A_591 = arith.index_cast %scan3A_182 : i32 to index
      %get3A_592 = arith.constant 464 : index
      %get3A_593 = tpu.vector_load %arg11[%get3A_591, %get3A_592] {strides = array<i32>} : memref<16x1024xf32, #tpu.memory_space<vmem>>, vector<1x16xf32>,
      %get3A_594 = vector.shape_cast %get3A_593 : vector<1x16xf32> to vector<16xf32>
      %add3A_595 = arith.addf %get3A_590, %get3A_594 : vector<16xf32>
      %swap3A_596 = arith.index_cast %scan3A_182 : i32 to index
      %swap3A_597 = arith.constant 464 : index
      %swap3A_598 = tpu.vector_load %arg13[%swap3A_596, %swap3A_597] {strides = array<i32>} : memref<16x1024xf32, #tpu.memory_space<vmem>>, vector<1x16xf32>,
      %swap3A_599 = vector.shape_cast %swap3A_598 : vector<1x16xf32> to vector<16xf32>
      %swap3A_600 = vector.shape_cast %add3A_595 : vector<16xf32> to vector<1x16xf32>
      tpu.vector_store %arg13[%swap3A_596, %swap3A_597], %swap3A_600 {strides = array<i32>} : memref<16x1024xf32, #tpu.memory_space<vmem>>, vector<1x16xf32>,
      %get3A_601 = arith.index_cast %scan3A_182 : i32 to index
      %get3A_602 = arith.constant 480 : index
      %get3A_603 = tpu.vector_load %arg9[%get3A_601, %get3A_602] {strides = array<i32>} : memref<16x1024xf32, #tpu.memory_space<vmem>>, vector<1x16xf32>,
      %get3A_604 = vector.shape_cast %get3A_603 : vector<1x16xf32> to vector<16xf32>
      %get3A_605 = arith.index_cast %scan3A_182 : i32 to index
      %get3A_606 = arith.constant 480 : index
      %get3A_607 = tpu.vector_load %arg11[%get3A_605, %get3A_606] {strides = array<i32>} : memref<16x1024xf32, #tpu.memory_space<vmem>>, vector<1x16xf32>,
      %get3A_608 = vector.shape_cast %get3A_607 : vector<1x16xf32> to vector<16xf32>
      %add3A_609 = arith.addf %get3A_604, %get3A_608 : vector<16xf32>
      %swap3A_610 = arith.index_cast %scan3A_182 : i32 to index
      %swap3A_611 = arith.constant 480 : index
      %swap3A_612 = tpu.vector_load %arg13[%swap3A_610, %swap3A_611] {strides = array<i32>} : memref<16x1024xf32, #tpu.memory_space<vmem>>, vector<1x16xf32>,
      %swap3A_613 = vector.shape_cast %swap3A_612 : vector<1x16xf32> to vector<16xf32>
      %swap3A_614 = vector.shape_cast %add3A_609 : vector<16xf32> to vector<1x16xf32>
      tpu.vector_store %arg13[%swap3A_610, %swap3A_611], %swap3A_614 {strides = array<i32>} : memref<16x1024xf32, #tpu.memory_space<vmem>>, vector<1x16xf32>,
      %get3A_615 = arith.index_cast %scan3A_182 : i32 to index
      %get3A_616 = arith.constant 496 : index
      %get3A_617 = tpu.vector_load %arg9[%get3A_615, %get3A_616] {strides = array<i32>} : memref<16x1024xf32, #tpu.memory_space<vmem>>, vector<1x16xf32>,
      %get3A_618 = vector.shape_cast %get3A_617 : vector<1x16xf32> to vector<16xf32>
      %get3A_619 = arith.index_cast %scan3A_182 : i32 to index
      %get3A_620 = arith.constant 496 : index
      %get3A_621 = tpu.vector_load %arg11[%get3A_619, %get3A_620] {strides = array<i32>} : memref<16x1024xf32, #tpu.memory_space<vmem>>, vector<1x16xf32>,
      %get3A_622 = vector.shape_cast %get3A_621 : vector<1x16xf32> to vector<16xf32>
      %add3A_623 = arith.addf %get3A_618, %get3A_622 : vector<16xf32>
      %swap3A_624 = arith.index_cast %scan3A_182 : i32 to index
      %swap3A_625 = arith.constant 496 : index
      %swap3A_626 = tpu.vector_load %arg13[%swap3A_624, %swap3A_625] {strides = array<i32>} : memref<16x1024xf32, #tpu.memory_space<vmem>>, vector<1x16xf32>,
      %swap3A_627 = vector.shape_cast %swap3A_626 : vector<1x16xf32> to vector<16xf32>
      %swap3A_628 = vector.shape_cast %add3A_623 : vector<16xf32> to vector<1x16xf32>
      tpu.vector_store %arg13[%swap3A_624, %swap3A_625], %swap3A_628 {strides = array<i32>} : memref<16x1024xf32, #tpu.memory_space<vmem>>, vector<1x16xf32>,
      %get3A_629 = arith.index_cast %scan3A_182 : i32 to index
      %get3A_630 = arith.constant 512 : index
      %get3A_631 = tpu.vector_load %arg9[%get3A_629, %get3A_630] {strides = array<i32>} : memref<16x1024xf32, #tpu.memory_space<vmem>>, vector<1x16xf32>,
      %get3A_632 = vector.shape_cast %get3A_631 : vector<1x16xf32> to vector<16xf32>
      %get3A_633 = arith.index_cast %scan3A_182 : i32 to index
      %get3A_634 = arith.constant 512 : index
      %get3A_635 = tpu.vector_load %arg11[%get3A_633, %get3A_634] {strides = array<i32>} : memref<16x1024xf32, #tpu.memory_space<vmem>>, vector<1x16xf32>,
      %get3A_636 = vector.shape_cast %get3A_635 : vector<1x16xf32> to vector<16xf32>
      %add3A_637 = arith.addf %get3A_632, %get3A_636 : vector<16xf32>
      %swap3A_638 = arith.index_cast %scan3A_182 : i32 to index
      %swap3A_639 = arith.constant 512 : index
      %swap3A_640 = tpu.vector_load %arg13[%swap3A_638, %swap3A_639] {strides = array<i32>} : memref<16x1024xf32, #tpu.memory_space<vmem>>, vector<1x16xf32>,
      %swap3A_641 = vector.shape_cast %swap3A_640 : vector<1x16xf32> to vector<16xf32>
      %swap3A_642 = vector.shape_cast %add3A_637 : vector<16xf32> to vector<1x16xf32>
      tpu.vector_store %arg13[%swap3A_638, %swap3A_639], %swap3A_642 {strides = array<i32>} : memref<16x1024xf32, #tpu.memory_space<vmem>>, vector<1x16xf32>,
      %get3A_643 = arith.index_cast %scan3A_182 : i32 to index
      %get3A_644 = arith.constant 528 : index
      %get3A_645 = tpu.vector_load %arg9[%get3A_643, %get3A_644] {strides = array<i32>} : memref<16x1024xf32, #tpu.memory_space<vmem>>, vector<1x16xf32>,
      %get3A_646 = vector.shape_cast %get3A_645 : vector<1x16xf32> to vector<16xf32>
      %get3A_647 = arith.index_cast %scan3A_182 : i32 to index
      %get3A_648 = arith.constant 528 : index
      %get3A_649 = tpu.vector_load %arg11[%get3A_647, %get3A_648] {strides = array<i32>} : memref<16x1024xf32, #tpu.memory_space<vmem>>, vector<1x16xf32>,
      %get3A_650 = vector.shape_cast %get3A_649 : vector<1x16xf32> to vector<16xf32>
      %add3A_651 = arith.addf %get3A_646, %get3A_650 : vector<16xf32>
      %swap3A_652 = arith.index_cast %scan3A_182 : i32 to index
      %swap3A_653 = arith.constant 528 : index
      %swap3A_654 = tpu.vector_load %arg13[%swap3A_652, %swap3A_653] {strides = array<i32>} : memref<16x1024xf32, #tpu.memory_space<vmem>>, vector<1x16xf32>,
      %swap3A_655 = vector.shape_cast %swap3A_654 : vector<1x16xf32> to vector<16xf32>
      %swap3A_656 = vector.shape_cast %add3A_651 : vector<16xf32> to vector<1x16xf32>
      tpu.vector_store %arg13[%swap3A_652, %swap3A_653], %swap3A_656 {strides = array<i32>} : memref<16x1024xf32, #tpu.memory_space<vmem>>, vector<1x16xf32>,
      %get3A_657 = arith.index_cast %scan3A_182 : i32 to index
      %get3A_658 = arith.constant 544 : index
      %get3A_659 = tpu.vector_load %arg9[%get3A_657, %get3A_658] {strides = array<i32>} : memref<16x1024xf32, #tpu.memory_space<vmem>>, vector<1x16xf32>,
      %get3A_660 = vector.shape_cast %get3A_659 : vector<1x16xf32> to vector<16xf32>
      %get3A_661 = arith.index_cast %scan3A_182 : i32 to index
      %get3A_662 = arith.constant 544 : index
      %get3A_663 = tpu.vector_load %arg11[%get3A_661, %get3A_662] {strides = array<i32>} : memref<16x1024xf32, #tpu.memory_space<vmem>>, vector<1x16xf32>,
      %get3A_664 = vector.shape_cast %get3A_663 : vector<1x16xf32> to vector<16xf32>
      %add3A_665 = arith.addf %get3A_660, %get3A_664 : vector<16xf32>
      %swap3A_666 = arith.index_cast %scan3A_182 : i32 to index
      %swap3A_667 = arith.constant 544 : index
      %swap3A_668 = tpu.vector_load %arg13[%swap3A_666, %swap3A_667] {strides = array<i32>} : memref<16x1024xf32, #tpu.memory_space<vmem>>, vector<1x16xf32>,
      %swap3A_669 = vector.shape_cast %swap3A_668 : vector<1x16xf32> to vector<16xf32>
      %swap3A_670 = vector.shape_cast %add3A_665 : vector<16xf32> to vector<1x16xf32>
      tpu.vector_store %arg13[%swap3A_666, %swap3A_667], %swap3A_670 {strides = array<i32>} : memref<16x1024xf32, #tpu.memory_space<vmem>>, vector<1x16xf32>,
      %get3A_671 = arith.index_cast %scan3A_182 : i32 to index
      %get3A_672 = arith.constant 560 : index
      %get3A_673 = tpu.vector_load %arg9[%get3A_671, %get3A_672] {strides = array<i32>} : memref<16x1024xf32, #tpu.memory_space<vmem>>, vector<1x16xf32>,
      %get3A_674 = vector.shape_cast %get3A_673 : vector<1x16xf32> to vector<16xf32>
      %get3A_675 = arith.index_cast %scan3A_182 : i32 to index
      %get3A_676 = arith.constant 560 : index
      %get3A_677 = tpu.vector_load %arg11[%get3A_675, %get3A_676] {strides = array<i32>} : memref<16x1024xf32, #tpu.memory_space<vmem>>, vector<1x16xf32>,
      %get3A_678 = vector.shape_cast %get3A_677 : vector<1x16xf32> to vector<16xf32>
      %add3A_679 = arith.addf %get3A_674, %get3A_678 : vector<16xf32>
      %swap3A_680 = arith.index_cast %scan3A_182 : i32 to index
      %swap3A_681 = arith.constant 560 : index
      %swap3A_682 = tpu.vector_load %arg13[%swap3A_680, %swap3A_681] {strides = array<i32>} : memref<16x1024xf32, #tpu.memory_space<vmem>>, vector<1x16xf32>,
      %swap3A_683 = vector.shape_cast %swap3A_682 : vector<1x16xf32> to vector<16xf32>
      %swap3A_684 = vector.shape_cast %add3A_679 : vector<16xf32> to vector<1x16xf32>
      tpu.vector_store %arg13[%swap3A_680, %swap3A_681], %swap3A_684 {strides = array<i32>} : memref<16x1024xf32, #tpu.memory_space<vmem>>, vector<1x16xf32>,
      %get3A_685 = arith.index_cast %scan3A_182 : i32 to index
      %get3A_686 = arith.constant 576 : index
      %get3A_687 = tpu.vector_load %arg9[%get3A_685, %get3A_686] {strides = array<i32>} : memref<16x1024xf32, #tpu.memory_space<vmem>>, vector<1x16xf32>,
      %get3A_688 = vector.shape_cast %get3A_687 : vector<1x16xf32> to vector<16xf32>
      %get3A_689 = arith.index_cast %scan3A_182 : i32 to index
      %get3A_690 = arith.constant 576 : index
      %get3A_691 = tpu.vector_load %arg11[%get3A_689, %get3A_690] {strides = array<i32>} : memref<16x1024xf32, #tpu.memory_space<vmem>>, vector<1x16xf32>,
      %get3A_692 = vector.shape_cast %get3A_691 : vector<1x16xf32> to vector<16xf32>
      %add3A_693 = arith.addf %get3A_688, %get3A_692 : vector<16xf32>
      %swap3A_694 = arith.index_cast %scan3A_182 : i32 to index
      %swap3A_695 = arith.constant 576 : index
      %swap3A_696 = tpu.vector_load %arg13[%swap3A_694, %swap3A_695] {strides = array<i32>} : memref<16x1024xf32, #tpu.memory_space<vmem>>, vector<1x16xf32>,
      %swap3A_697 = vector.shape_cast %swap3A_696 : vector<1x16xf32> to vector<16xf32>
      %swap3A_698 = vector.shape_cast %add3A_693 : vector<16xf32> to vector<1x16xf32>
      tpu.vector_store %arg13[%swap3A_694, %swap3A_695], %swap3A_698 {strides = array<i32>} : memref<16x1024xf32, #tpu.memory_space<vmem>>, vector<1x16xf32>,
      %get3A_699 = arith.index_cast %scan3A_182 : i32 to index
      %get3A_700 = arith.constant 592 : index
      %get3A_701 = tpu.vector_load %arg9[%get3A_699, %get3A_700] {strides = array<i32>} : memref<16x1024xf32, #tpu.memory_space<vmem>>, vector<1x16xf32>,
      %get3A_702 = vector.shape_cast %get3A_701 : vector<1x16xf32> to vector<16xf32>
      %get3A_703 = arith.index_cast %scan3A_182 : i32 to index
      %get3A_704 = arith.constant 592 : index
      %get3A_705 = tpu.vector_load %arg11[%get3A_703, %get3A_704] {strides = array<i32>} : memref<16x1024xf32, #tpu.memory_space<vmem>>, vector<1x16xf32>,
      %get3A_706 = vector.shape_cast %get3A_705 : vector<1x16xf32> to vector<16xf32>
      %add3A_707 = arith.addf %get3A_702, %get3A_706 : vector<16xf32>
      %swap3A_708 = arith.index_cast %scan3A_182 : i32 to index
      %swap3A_709 = arith.constant 592 : index
      %swap3A_710 = tpu.vector_load %arg13[%swap3A_708, %swap3A_709] {strides = array<i32>} : memref<16x1024xf32, #tpu.memory_space<vmem>>, vector<1x16xf32>,
      %swap3A_711 = vector.shape_cast %swap3A_710 : vector<1x16xf32> to vector<16xf32>
      %swap3A_712 = vector.shape_cast %add3A_707 : vector<16xf32> to vector<1x16xf32>
      tpu.vector_store %arg13[%swap3A_708, %swap3A_709], %swap3A_712 {strides = array<i32>} : memref<16x1024xf32, #tpu.memory_space<vmem>>, vector<1x16xf32>,
      %get3A_713 = arith.index_cast %scan3A_182 : i32 to index
      %get3A_714 = arith.constant 608 : index
      %get3A_715 = tpu.vector_load %arg9[%get3A_713, %get3A_714] {strides = array<i32>} : memref<16x1024xf32, #tpu.memory_space<vmem>>, vector<1x16xf32>,
      %get3A_716 = vector.shape_cast %get3A_715 : vector<1x16xf32> to vector<16xf32>
      %get3A_717 = arith.index_cast %scan3A_182 : i32 to index
      %get3A_718 = arith.constant 608 : index
      %get3A_719 = tpu.vector_load %arg11[%get3A_717, %get3A_718] {strides = array<i32>} : memref<16x1024xf32, #tpu.memory_space<vmem>>, vector<1x16xf32>,
      %get3A_720 = vector.shape_cast %get3A_719 : vector<1x16xf32> to vector<16xf32>
      %add3A_721 = arith.addf %get3A_716, %get3A_720 : vector<16xf32>
      %swap3A_722 = arith.index_cast %scan3A_182 : i32 to index
      %swap3A_723 = arith.constant 608 : index
      %swap3A_724 = tpu.vector_load %arg13[%swap3A_722, %swap3A_723] {strides = array<i32>} : memref<16x1024xf32, #tpu.memory_space<vmem>>, vector<1x16xf32>,
      %swap3A_725 = vector.shape_cast %swap3A_724 : vector<1x16xf32> to vector<16xf32>
      %swap3A_726 = vector.shape_cast %add3A_721 : vector<16xf32> to vector<1x16xf32>
      tpu.vector_store %arg13[%swap3A_722, %swap3A_723], %swap3A_726 {strides = array<i32>} : memref<16x1024xf32, #tpu.memory_space<vmem>>, vector<1x16xf32>,
      %get3A_727 = arith.index_cast %scan3A_182 : i32 to index
      %get3A_728 = arith.constant 624 : index
      %get3A_729 = tpu.vector_load %arg9[%get3A_727, %get3A_728] {strides = array<i32>} : memref<16x1024xf32, #tpu.memory_space<vmem>>, vector<1x16xf32>,
      %get3A_730 = vector.shape_cast %get3A_729 : vector<1x16xf32> to vector<16xf32>
      %get3A_731 = arith.index_cast %scan3A_182 : i32 to index
      %get3A_732 = arith.constant 624 : index
      %get3A_733 = tpu.vector_load %arg11[%get3A_731, %get3A_732] {strides = array<i32>} : memref<16x1024xf32, #tpu.memory_space<vmem>>, vector<1x16xf32>,
      %get3A_734 = vector.shape_cast %get3A_733 : vector<1x16xf32> to vector<16xf32>
      %add3A_735 = arith.addf %get3A_730, %get3A_734 : vector<16xf32>
      %swap3A_736 = arith.index_cast %scan3A_182 : i32 to index
      %swap3A_737 = arith.constant 624 : index
      %swap3A_738 = tpu.vector_load %arg13[%swap3A_736, %swap3A_737] {strides = array<i32>} : memref<16x1024xf32, #tpu.memory_space<vmem>>, vector<1x16xf32>,
      %swap3A_739 = vector.shape_cast %swap3A_738 : vector<1x16xf32> to vector<16xf32>
      %swap3A_740 = vector.shape_cast %add3A_735 : vector<16xf32> to vector<1x16xf32>
      tpu.vector_store %arg13[%swap3A_736, %swap3A_737], %swap3A_740 {strides = array<i32>} : memref<16x1024xf32, #tpu.memory_space<vmem>>, vector<1x16xf32>,
      %get3A_741 = arith.index_cast %scan3A_182 : i32 to index
      %get3A_742 = arith.constant 640 : index
      %get3A_743 = tpu.vector_load %arg9[%get3A_741, %get3A_742] {strides = array<i32>} : memref<16x1024xf32, #tpu.memory_space<vmem>>, vector<1x16xf32>,
      %get3A_744 = vector.shape_cast %get3A_743 : vector<1x16xf32> to vector<16xf32>
      %get3A_745 = arith.index_cast %scan3A_182 : i32 to index
      %get3A_746 = arith.constant 640 : index
      %get3A_747 = tpu.vector_load %arg11[%get3A_745, %get3A_746] {strides = array<i32>} : memref<16x1024xf32, #tpu.memory_space<vmem>>, vector<1x16xf32>,
      %get3A_748 = vector.shape_cast %get3A_747 : vector<1x16xf32> to vector<16xf32>
      %add3A_749 = arith.addf %get3A_744, %get3A_748 : vector<16xf32>
      %swap3A_750 = arith.index_cast %scan3A_182 : i32 to index
      %swap3A_751 = arith.constant 640 : index
      %swap3A_752 = tpu.vector_load %arg13[%swap3A_750, %swap3A_751] {strides = array<i32>} : memref<16x1024xf32, #tpu.memory_space<vmem>>, vector<1x16xf32>,
      %swap3A_753 = vector.shape_cast %swap3A_752 : vector<1x16xf32> to vector<16xf32>
      %swap3A_754 = vector.shape_cast %add3A_749 : vector<16xf32> to vector<1x16xf32>
      tpu.vector_store %arg13[%swap3A_750, %swap3A_751], %swap3A_754 {strides = array<i32>} : memref<16x1024xf32, #tpu.memory_space<vmem>>, vector<1x16xf32>,
      %get3A_755 = arith.index_cast %scan3A_182 : i32 to index
      %get3A_756 = arith.constant 656 : index
      %get3A_757 = tpu.vector_load %arg9[%get3A_755, %get3A_756] {strides = array<i32>} : memref<16x1024xf32, #tpu.memory_space<vmem>>, vector<1x16xf32>,
      %get3A_758 = vector.shape_cast %get3A_757 : vector<1x16xf32> to vector<16xf32>
      %get3A_759 = arith.index_cast %scan3A_182 : i32 to index
      %get3A_760 = arith.constant 656 : index
      %get3A_761 = tpu.vector_load %arg11[%get3A_759, %get3A_760] {strides = array<i32>} : memref<16x1024xf32, #tpu.memory_space<vmem>>, vector<1x16xf32>,
      %get3A_762 = vector.shape_cast %get3A_761 : vector<1x16xf32> to vector<16xf32>
      %add3A_763 = arith.addf %get3A_758, %get3A_762 : vector<16xf32>
      %swap3A_764 = arith.index_cast %scan3A_182 : i32 to index
      %swap3A_765 = arith.constant 656 : index
      %swap3A_766 = tpu.vector_load %arg13[%swap3A_764, %swap3A_765] {strides = array<i32>} : memref<16x1024xf32, #tpu.memory_space<vmem>>, vector<1x16xf32>,
      %swap3A_767 = vector.shape_cast %swap3A_766 : vector<1x16xf32> to vector<16xf32>
      %swap3A_768 = vector.shape_cast %add3A_763 : vector<16xf32> to vector<1x16xf32>
      tpu.vector_store %arg13[%swap3A_764, %swap3A_765], %swap3A_768 {strides = array<i32>} : memref<16x1024xf32, #tpu.memory_space<vmem>>, vector<1x16xf32>,
      %get3A_769 = arith.index_cast %scan3A_182 : i32 to index
      %get3A_770 = arith.constant 672 : index
      %get3A_771 = tpu.vector_load %arg9[%get3A_769, %get3A_770] {strides = array<i32>} : memref<16x1024xf32, #tpu.memory_space<vmem>>, vector<1x16xf32>,
      %get3A_772 = vector.shape_cast %get3A_771 : vector<1x16xf32> to vector<16xf32>
      %get3A_773 = arith.index_cast %scan3A_182 : i32 to index
      %get3A_774 = arith.constant 672 : index
      %get3A_775 = tpu.vector_load %arg11[%get3A_773, %get3A_774] {strides = array<i32>} : memref<16x1024xf32, #tpu.memory_space<vmem>>, vector<1x16xf32>,
      %get3A_776 = vector.shape_cast %get3A_775 : vector<1x16xf32> to vector<16xf32>
      %add3A_777 = arith.addf %get3A_772, %get3A_776 : vector<16xf32>
      %swap3A_778 = arith.index_cast %scan3A_182 : i32 to index
      %swap3A_779 = arith.constant 672 : index
      %swap3A_780 = tpu.vector_load %arg13[%swap3A_778, %swap3A_779] {strides = array<i32>} : memref<16x1024xf32, #tpu.memory_space<vmem>>, vector<1x16xf32>,
      %swap3A_781 = vector.shape_cast %swap3A_780 : vector<1x16xf32> to vector<16xf32>
      %swap3A_782 = vector.shape_cast %add3A_777 : vector<16xf32> to vector<1x16xf32>
      tpu.vector_store %arg13[%swap3A_778, %swap3A_779], %swap3A_782 {strides = array<i32>} : memref<16x1024xf32, #tpu.memory_space<vmem>>, vector<1x16xf32>,
      %get3A_783 = arith.index_cast %scan3A_182 : i32 to index
      %get3A_784 = arith.constant 688 : index
      %get3A_785 = tpu.vector_load %arg9[%get3A_783, %get3A_784] {strides = array<i32>} : memref<16x1024xf32, #tpu.memory_space<vmem>>, vector<1x16xf32>,
      %get3A_786 = vector.shape_cast %get3A_785 : vector<1x16xf32> to vector<16xf32>
      %get3A_787 = arith.index_cast %scan3A_182 : i32 to index
      %get3A_788 = arith.constant 688 : index
      %get3A_789 = tpu.vector_load %arg11[%get3A_787, %get3A_788] {strides = array<i32>} : memref<16x1024xf32, #tpu.memory_space<vmem>>, vector<1x16xf32>,
      %get3A_790 = vector.shape_cast %get3A_789 : vector<1x16xf32> to vector<16xf32>
      %add3A_791 = arith.addf %get3A_786, %get3A_790 : vector<16xf32>
      %swap3A_792 = arith.index_cast %scan3A_182 : i32 to index
      %swap3A_793 = arith.constant 688 : index
      %swap3A_794 = tpu.vector_load %arg13[%swap3A_792, %swap3A_793] {strides = array<i32>} : memref<16x1024xf32, #tpu.memory_space<vmem>>, vector<1x16xf32>,
      %swap3A_795 = vector.shape_cast %swap3A_794 : vector<1x16xf32> to vector<16xf32>
      %swap3A_796 = vector.shape_cast %add3A_791 : vector<16xf32> to vector<1x16xf32>
      tpu.vector_store %arg13[%swap3A_792, %swap3A_793], %swap3A_796 {strides = array<i32>} : memref<16x1024xf32, #tpu.memory_space<vmem>>, vector<1x16xf32>,
      %get3A_797 = arith.index_cast %scan3A_182 : i32 to index
      %get3A_798 = arith.constant 704 : index
      %get3A_799 = tpu.vector_load %arg9[%get3A_797, %get3A_798] {strides = array<i32>} : memref<16x1024xf32, #tpu.memory_space<vmem>>, vector<1x16xf32>,
      %get3A_800 = vector.shape_cast %get3A_799 : vector<1x16xf32> to vector<16xf32>
      %get3A_801 = arith.index_cast %scan3A_182 : i32 to index
      %get3A_802 = arith.constant 704 : index
      %get3A_803 = tpu.vector_load %arg11[%get3A_801, %get3A_802] {strides = array<i32>} : memref<16x1024xf32, #tpu.memory_space<vmem>>, vector<1x16xf32>,
      %get3A_804 = vector.shape_cast %get3A_803 : vector<1x16xf32> to vector<16xf32>
      %add3A_805 = arith.addf %get3A_800, %get3A_804 : vector<16xf32>
      %swap3A_806 = arith.index_cast %scan3A_182 : i32 to index
      %swap3A_807 = arith.constant 704 : index
      %swap3A_808 = tpu.vector_load %arg13[%swap3A_806, %swap3A_807] {strides = array<i32>} : memref<16x1024xf32, #tpu.memory_space<vmem>>, vector<1x16xf32>,
      %swap3A_809 = vector.shape_cast %swap3A_808 : vector<1x16xf32> to vector<16xf32>
      %swap3A_810 = vector.shape_cast %add3A_805 : vector<16xf32> to vector<1x16xf32>
      tpu.vector_store %arg13[%swap3A_806, %swap3A_807], %swap3A_810 {strides = array<i32>} : memref<16x1024xf32, #tpu.memory_space<vmem>>, vector<1x16xf32>,
      %get3A_811 = arith.index_cast %scan3A_182 : i32 to index
      %get3A_812 = arith.constant 720 : index
      %get3A_813 = tpu.vector_load %arg9[%get3A_811, %get3A_812] {strides = array<i32>} : memref<16x1024xf32, #tpu.memory_space<vmem>>, vector<1x16xf32>,
      %get3A_814 = vector.shape_cast %get3A_813 : vector<1x16xf32> to vector<16xf32>
      %get3A_815 = arith.index_cast %scan3A_182 : i32 to index
      %get3A_816 = arith.constant 720 : index
      %get3A_817 = tpu.vector_load %arg11[%get3A_815, %get3A_816] {strides = array<i32>} : memref<16x1024xf32, #tpu.memory_space<vmem>>, vector<1x16xf32>,
      %get3A_818 = vector.shape_cast %get3A_817 : vector<1x16xf32> to vector<16xf32>
      %add3A_819 = arith.addf %get3A_814, %get3A_818 : vector<16xf32>
      %swap3A_820 = arith.index_cast %scan3A_182 : i32 to index
      %swap3A_821 = arith.constant 720 : index
      %swap3A_822 = tpu.vector_load %arg13[%swap3A_820, %swap3A_821] {strides = array<i32>} : memref<16x1024xf32, #tpu.memory_space<vmem>>, vector<1x16xf32>,
      %swap3A_823 = vector.shape_cast %swap3A_822 : vector<1x16xf32> to vector<16xf32>
      %swap3A_824 = vector.shape_cast %add3A_819 : vector<16xf32> to vector<1x16xf32>
      tpu.vector_store %arg13[%swap3A_820, %swap3A_821], %swap3A_824 {strides = array<i32>} : memref<16x1024xf32, #tpu.memory_space<vmem>>, vector<1x16xf32>,
      %get3A_825 = arith.index_cast %scan3A_182 : i32 to index
      %get3A_826 = arith.constant 736 : index
      %get3A_827 = tpu.vector_load %arg9[%get3A_825, %get3A_826] {strides = array<i32>} : memref<16x1024xf32, #tpu.memory_space<vmem>>, vector<1x16xf32>,
      %get3A_828 = vector.shape_cast %get3A_827 : vector<1x16xf32> to vector<16xf32>
      %get3A_829 = arith.index_cast %scan3A_182 : i32 to index
      %get3A_830 = arith.constant 736 : index
      %get3A_831 = tpu.vector_load %arg11[%get3A_829, %get3A_830] {strides = array<i32>} : memref<16x1024xf32, #tpu.memory_space<vmem>>, vector<1x16xf32>,
      %get3A_832 = vector.shape_cast %get3A_831 : vector<1x16xf32> to vector<16xf32>
      %add3A_833 = arith.addf %get3A_828, %get3A_832 : vector<16xf32>
      %swap3A_834 = arith.index_cast %scan3A_182 : i32 to index
      %swap3A_835 = arith.constant 736 : index
      %swap3A_836 = tpu.vector_load %arg13[%swap3A_834, %swap3A_835] {strides = array<i32>} : memref<16x1024xf32, #tpu.memory_space<vmem>>, vector<1x16xf32>,
      %swap3A_837 = vector.shape_cast %swap3A_836 : vector<1x16xf32> to vector<16xf32>
      %swap3A_838 = vector.shape_cast %add3A_833 : vector<16xf32> to vector<1x16xf32>
      tpu.vector_store %arg13[%swap3A_834, %swap3A_835], %swap3A_838 {strides = array<i32>} : memref<16x1024xf32, #tpu.memory_space<vmem>>, vector<1x16xf32>,
      %get3A_839 = arith.index_cast %scan3A_182 : i32 to index
      %get3A_840 = arith.constant 752 : index
      %get3A_841 = tpu.vector_load %arg9[%get3A_839, %get3A_840] {strides = array<i32>} : memref<16x1024xf32, #tpu.memory_space<vmem>>, vector<1x16xf32>,
      %get3A_842 = vector.shape_cast %get3A_841 : vector<1x16xf32> to vector<16xf32>
      %get3A_843 = arith.index_cast %scan3A_182 : i32 to index
      %get3A_844 = arith.constant 752 : index
      %get3A_845 = tpu.vector_load %arg11[%get3A_843, %get3A_844] {strides = array<i32>} : memref<16x1024xf32, #tpu.memory_space<vmem>>, vector<1x16xf32>,
      %get3A_846 = vector.shape_cast %get3A_845 : vector<1x16xf32> to vector<16xf32>
      %add3A_847 = arith.addf %get3A_842, %get3A_846 : vector<16xf32>
      %swap3A_848 = arith.index_cast %scan3A_182 : i32 to index
      %swap3A_849 = arith.constant 752 : index
      %swap3A_850 = tpu.vector_load %arg13[%swap3A_848, %swap3A_849] {strides = array<i32>} : memref<16x1024xf32, #tpu.memory_space<vmem>>, vector<1x16xf32>,
      %swap3A_851 = vector.shape_cast %swap3A_850 : vector<1x16xf32> to vector<16xf32>
      %swap3A_852 = vector.shape_cast %add3A_847 : vector<16xf32> to vector<1x16xf32>
      tpu.vector_store %arg13[%swap3A_848, %swap3A_849], %swap3A_852 {strides = array<i32>} : memref<16x1024xf32, #tpu.memory_space<vmem>>, vector<1x16xf32>,
      %get3A_853 = arith.index_cast %scan3A_182 : i32 to index
      %get3A_854 = arith.constant 768 : index
      %get3A_855 = tpu.vector_load %arg9[%get3A_853, %get3A_854] {strides = array<i32>} : memref<16x1024xf32, #tpu.memory_space<vmem>>, vector<1x16xf32>,
      %get3A_856 = vector.shape_cast %get3A_855 : vector<1x16xf32> to vector<16xf32>
      %get3A_857 = arith.index_cast %scan3A_182 : i32 to index
      %get3A_858 = arith.constant 768 : index
      %get3A_859 = tpu.vector_load %arg11[%get3A_857, %get3A_858] {strides = array<i32>} : memref<16x1024xf32, #tpu.memory_space<vmem>>, vector<1x16xf32>,
      %get3A_860 = vector.shape_cast %get3A_859 : vector<1x16xf32> to vector<16xf32>
      %add3A_861 = arith.addf %get3A_856, %get3A_860 : vector<16xf32>
      %swap3A_862 = arith.index_cast %scan3A_182 : i32 to index
      %swap3A_863 = arith.constant 768 : index
      %swap3A_864 = tpu.vector_load %arg13[%swap3A_862, %swap3A_863] {strides = array<i32>} : memref<16x1024xf32, #tpu.memory_space<vmem>>, vector<1x16xf32>,
      %swap3A_865 = vector.shape_cast %swap3A_864 : vector<1x16xf32> to vector<16xf32>
      %swap3A_866 = vector.shape_cast %add3A_861 : vector<16xf32> to vector<1x16xf32>
      tpu.vector_store %arg13[%swap3A_862, %swap3A_863], %swap3A_866 {strides = array<i32>} : memref<16x1024xf32, #tpu.memory_space<vmem>>, vector<1x16xf32>,
      %get3A_867 = arith.index_cast %scan3A_182 : i32 to index
      %get3A_868 = arith.constant 784 : index
      %get3A_869 = tpu.vector_load %arg9[%get3A_867, %get3A_868] {strides = array<i32>} : memref<16x1024xf32, #tpu.memory_space<vmem>>, vector<1x16xf32>,
      %get3A_870 = vector.shape_cast %get3A_869 : vector<1x16xf32> to vector<16xf32>
      %get3A_871 = arith.index_cast %scan3A_182 : i32 to index
      %get3A_872 = arith.constant 784 : index
      %get3A_873 = tpu.vector_load %arg11[%get3A_871, %get3A_872] {strides = array<i32>} : memref<16x1024xf32, #tpu.memory_space<vmem>>, vector<1x16xf32>,
      %get3A_874 = vector.shape_cast %get3A_873 : vector<1x16xf32> to vector<16xf32>
      %add3A_875 = arith.addf %get3A_870, %get3A_874 : vector<16xf32>
      %swap3A_876 = arith.index_cast %scan3A_182 : i32 to index
      %swap3A_877 = arith.constant 784 : index
      %swap3A_878 = tpu.vector_load %arg13[%swap3A_876, %swap3A_877] {strides = array<i32>} : memref<16x1024xf32, #tpu.memory_space<vmem>>, vector<1x16xf32>,
      %swap3A_879 = vector.shape_cast %swap3A_878 : vector<1x16xf32> to vector<16xf32>
      %swap3A_880 = vector.shape_cast %add3A_875 : vector<16xf32> to vector<1x16xf32>
      tpu.vector_store %arg13[%swap3A_876, %swap3A_877], %swap3A_880 {strides = array<i32>} : memref<16x1024xf32, #tpu.memory_space<vmem>>, vector<1x16xf32>,
      %get3A_881 = arith.index_cast %scan3A_182 : i32 to index
      %get3A_882 = arith.constant 800 : index
      %get3A_883 = tpu.vector_load %arg9[%get3A_881, %get3A_882] {strides = array<i32>} : memref<16x1024xf32, #tpu.memory_space<vmem>>, vector<1x16xf32>,
      %get3A_884 = vector.shape_cast %get3A_883 : vector<1x16xf32> to vector<16xf32>
      %get3A_885 = arith.index_cast %scan3A_182 : i32 to index
      %get3A_886 = arith.constant 800 : index
      %get3A_887 = tpu.vector_load %arg11[%get3A_885, %get3A_886] {strides = array<i32>} : memref<16x1024xf32, #tpu.memory_space<vmem>>, vector<1x16xf32>,
      %get3A_888 = vector.shape_cast %get3A_887 : vector<1x16xf32> to vector<16xf32>
      %add3A_889 = arith.addf %get3A_884, %get3A_888 : vector<16xf32>
      %swap3A_890 = arith.index_cast %scan3A_182 : i32 to index
      %swap3A_891 = arith.constant 800 : index
      %swap3A_892 = tpu.vector_load %arg13[%swap3A_890, %swap3A_891] {strides = array<i32>} : memref<16x1024xf32, #tpu.memory_space<vmem>>, vector<1x16xf32>,
      %swap3A_893 = vector.shape_cast %swap3A_892 : vector<1x16xf32> to vector<16xf32>
      %swap3A_894 = vector.shape_cast %add3A_889 : vector<16xf32> to vector<1x16xf32>
      tpu.vector_store %arg13[%swap3A_890, %swap3A_891], %swap3A_894 {strides = array<i32>} : memref<16x1024xf32, #tpu.memory_space<vmem>>, vector<1x16xf32>,
      %get3A_895 = arith.index_cast %scan3A_182 : i32 to index
      %get3A_896 = arith.constant 816 : index
      %get3A_897 = tpu.vector_load %arg9[%get3A_895, %get3A_896] {strides = array<i32>} : memref<16x1024xf32, #tpu.memory_space<vmem>>, vector<1x16xf32>,
      %get3A_898 = vector.shape_cast %get3A_897 : vector<1x16xf32> to vector<16xf32>
      %get3A_899 = arith.index_cast %scan3A_182 : i32 to index
      %get3A_900 = arith.constant 816 : index
      %get3A_901 = tpu.vector_load %arg11[%get3A_899, %get3A_900] {strides = array<i32>} : memref<16x1024xf32, #tpu.memory_space<vmem>>, vector<1x16xf32>,
      %get3A_902 = vector.shape_cast %get3A_901 : vector<1x16xf32> to vector<16xf32>
      %add3A_903 = arith.addf %get3A_898, %get3A_902 : vector<16xf32>
      %swap3A_904 = arith.index_cast %scan3A_182 : i32 to index
      %swap3A_905 = arith.constant 816 : index
      %swap3A_906 = tpu.vector_load %arg13[%swap3A_904, %swap3A_905] {strides = array<i32>} : memref<16x1024xf32, #tpu.memory_space<vmem>>, vector<1x16xf32>,
      %swap3A_907 = vector.shape_cast %swap3A_906 : vector<1x16xf32> to vector<16xf32>
      %swap3A_908 = vector.shape_cast %add3A_903 : vector<16xf32> to vector<1x16xf32>
      tpu.vector_store %arg13[%swap3A_904, %swap3A_905], %swap3A_908 {strides = array<i32>} : memref<16x1024xf32, #tpu.memory_space<vmem>>, vector<1x16xf32>,
      %get3A_909 = arith.index_cast %scan3A_182 : i32 to index
      %get3A_910 = arith.constant 832 : index
      %get3A_911 = tpu.vector_load %arg9[%get3A_909, %get3A_910] {strides = array<i32>} : memref<16x1024xf32, #tpu.memory_space<vmem>>, vector<1x16xf32>,
      %get3A_912 = vector.shape_cast %get3A_911 : vector<1x16xf32> to vector<16xf32>
      %get3A_913 = arith.index_cast %scan3A_182 : i32 to index
      %get3A_914 = arith.constant 832 : index
      %get3A_915 = tpu.vector_load %arg11[%get3A_913, %get3A_914] {strides = array<i32>} : memref<16x1024xf32, #tpu.memory_space<vmem>>, vector<1x16xf32>,
      %get3A_916 = vector.shape_cast %get3A_915 : vector<1x16xf32> to vector<16xf32>
      %add3A_917 = arith.addf %get3A_912, %get3A_916 : vector<16xf32>
      %swap3A_918 = arith.index_cast %scan3A_182 : i32 to index
      %swap3A_919 = arith.constant 832 : index
      %swap3A_920 = tpu.vector_load %arg13[%swap3A_918, %swap3A_919] {strides = array<i32>} : memref<16x1024xf32, #tpu.memory_space<vmem>>, vector<1x16xf32>,
      %swap3A_921 = vector.shape_cast %swap3A_920 : vector<1x16xf32> to vector<16xf32>
      %swap3A_922 = vector.shape_cast %add3A_917 : vector<16xf32> to vector<1x16xf32>
      tpu.vector_store %arg13[%swap3A_918, %swap3A_919], %swap3A_922 {strides = array<i32>} : memref<16x1024xf32, #tpu.memory_space<vmem>>, vector<1x16xf32>,
      %get3A_923 = arith.index_cast %scan3A_182 : i32 to index
      %get3A_924 = arith.constant 848 : index
      %get3A_925 = tpu.vector_load %arg9[%get3A_923, %get3A_924] {strides = array<i32>} : memref<16x1024xf32, #tpu.memory_space<vmem>>, vector<1x16xf32>,
      %get3A_926 = vector.shape_cast %get3A_925 : vector<1x16xf32> to vector<16xf32>
      %get3A_927 = arith.index_cast %scan3A_182 : i32 to index
      %get3A_928 = arith.constant 848 : index
      %get3A_929 = tpu.vector_load %arg11[%get3A_927, %get3A_928] {strides = array<i32>} : memref<16x1024xf32, #tpu.memory_space<vmem>>, vector<1x16xf32>,
      %get3A_930 = vector.shape_cast %get3A_929 : vector<1x16xf32> to vector<16xf32>
      %add3A_931 = arith.addf %get3A_926, %get3A_930 : vector<16xf32>
      %swap3A_932 = arith.index_cast %scan3A_182 : i32 to index
      %swap3A_933 = arith.constant 848 : index
      %swap3A_934 = tpu.vector_load %arg13[%swap3A_932, %swap3A_933] {strides = array<i32>} : memref<16x1024xf32, #tpu.memory_space<vmem>>, vector<1x16xf32>,
      %swap3A_935 = vector.shape_cast %swap3A_934 : vector<1x16xf32> to vector<16xf32>
      %swap3A_936 = vector.shape_cast %add3A_931 : vector<16xf32> to vector<1x16xf32>
      tpu.vector_store %arg13[%swap3A_932, %swap3A_933], %swap3A_936 {strides = array<i32>} : memref<16x1024xf32, #tpu.memory_space<vmem>>, vector<1x16xf32>,
      %get3A_937 = arith.index_cast %scan3A_182 : i32 to index
      %get3A_938 = arith.constant 864 : index
      %get3A_939 = tpu.vector_load %arg9[%get3A_937, %get3A_938] {strides = array<i32>} : memref<16x1024xf32, #tpu.memory_space<vmem>>, vector<1x16xf32>,
      %get3A_940 = vector.shape_cast %get3A_939 : vector<1x16xf32> to vector<16xf32>
      %get3A_941 = arith.index_cast %scan3A_182 : i32 to index
      %get3A_942 = arith.constant 864 : index
      %get3A_943 = tpu.vector_load %arg11[%get3A_941, %get3A_942] {strides = array<i32>} : memref<16x1024xf32, #tpu.memory_space<vmem>>, vector<1x16xf32>,
      %get3A_944 = vector.shape_cast %get3A_943 : vector<1x16xf32> to vector<16xf32>
      %add3A_945 = arith.addf %get3A_940, %get3A_944 : vector<16xf32>
      %swap3A_946 = arith.index_cast %scan3A_182 : i32 to index
      %swap3A_947 = arith.constant 864 : index
      %swap3A_948 = tpu.vector_load %arg13[%swap3A_946, %swap3A_947] {strides = array<i32>} : memref<16x1024xf32, #tpu.memory_space<vmem>>, vector<1x16xf32>,
      %swap3A_949 = vector.shape_cast %swap3A_948 : vector<1x16xf32> to vector<16xf32>
      %swap3A_950 = vector.shape_cast %add3A_945 : vector<16xf32> to vector<1x16xf32>
      tpu.vector_store %arg13[%swap3A_946, %swap3A_947], %swap3A_950 {strides = array<i32>} : memref<16x1024xf32, #tpu.memory_space<vmem>>, vector<1x16xf32>,
      %get3A_951 = arith.index_cast %scan3A_182 : i32 to index
      %get3A_952 = arith.constant 880 : index
      %get3A_953 = tpu.vector_load %arg9[%get3A_951, %get3A_952] {strides = array<i32>} : memref<16x1024xf32, #tpu.memory_space<vmem>>, vector<1x16xf32>,
      %get3A_954 = vector.shape_cast %get3A_953 : vector<1x16xf32> to vector<16xf32>
      %get3A_955 = arith.index_cast %scan3A_182 : i32 to index
      %get3A_956 = arith.constant 880 : index
      %get3A_957 = tpu.vector_load %arg11[%get3A_955, %get3A_956] {strides = array<i32>} : memref<16x1024xf32, #tpu.memory_space<vmem>>, vector<1x16xf32>,
      %get3A_958 = vector.shape_cast %get3A_957 : vector<1x16xf32> to vector<16xf32>
      %add3A_959 = arith.addf %get3A_954, %get3A_958 : vector<16xf32>
      %swap3A_960 = arith.index_cast %scan3A_182 : i32 to index
      %swap3A_961 = arith.constant 880 : index
      %swap3A_962 = tpu.vector_load %arg13[%swap3A_960, %swap3A_961] {strides = array<i32>} : memref<16x1024xf32, #tpu.memory_space<vmem>>, vector<1x16xf32>,
      %swap3A_963 = vector.shape_cast %swap3A_962 : vector<1x16xf32> to vector<16xf32>
      %swap3A_964 = vector.shape_cast %add3A_959 : vector<16xf32> to vector<1x16xf32>
      tpu.vector_store %arg13[%swap3A_960, %swap3A_961], %swap3A_964 {strides = array<i32>} : memref<16x1024xf32, #tpu.memory_space<vmem>>, vector<1x16xf32>,
      %get3A_965 = arith.index_cast %scan3A_182 : i32 to index
      %get3A_966 = arith.constant 896 : index
      %get3A_967 = tpu.vector_load %arg9[%get3A_965, %get3A_966] {strides = array<i32>} : memref<16x1024xf32, #tpu.memory_space<vmem>>, vector<1x16xf32>,
      %get3A_968 = vector.shape_cast %get3A_967 : vector<1x16xf32> to vector<16xf32>
      %get3A_969 = arith.index_cast %scan3A_182 : i32 to index
      %get3A_970 = arith.constant 896 : index
      %get3A_971 = tpu.vector_load %arg11[%get3A_969, %get3A_970] {strides = array<i32>} : memref<16x1024xf32, #tpu.memory_space<vmem>>, vector<1x16xf32>,
      %get3A_972 = vector.shape_cast %get3A_971 : vector<1x16xf32> to vector<16xf32>
      %add3A_973 = arith.addf %get3A_968, %get3A_972 : vector<16xf32>
      %swap3A_974 = arith.index_cast %scan3A_182 : i32 to index
      %swap3A_975 = arith.constant 896 : index
      %swap3A_976 = tpu.vector_load %arg13[%swap3A_974, %swap3A_975] {strides = array<i32>} : memref<16x1024xf32, #tpu.memory_space<vmem>>, vector<1x16xf32>,
      %swap3A_977 = vector.shape_cast %swap3A_976 : vector<1x16xf32> to vector<16xf32>
      %swap3A_978 = vector.shape_cast %add3A_973 : vector<16xf32> to vector<1x16xf32>
      tpu.vector_store %arg13[%swap3A_974, %swap3A_975], %swap3A_978 {strides = array<i32>} : memref<16x1024xf32, #tpu.memory_space<vmem>>, vector<1x16xf32>,
      %get3A_979 = arith.index_cast %scan3A_182 : i32 to index
      %get3A_980 = arith.constant 912 : index
      %get3A_981 = tpu.vector_load %arg9[%get3A_979, %get3A_980] {strides = array<i32>} : memref<16x1024xf32, #tpu.memory_space<vmem>>, vector<1x16xf32>,
      %get3A_982 = vector.shape_cast %get3A_981 : vector<1x16xf32> to vector<16xf32>
      %get3A_983 = arith.index_cast %scan3A_182 : i32 to index
      %get3A_984 = arith.constant 912 : index
      %get3A_985 = tpu.vector_load %arg11[%get3A_983, %get3A_984] {strides = array<i32>} : memref<16x1024xf32, #tpu.memory_space<vmem>>, vector<1x16xf32>,
      %get3A_986 = vector.shape_cast %get3A_985 : vector<1x16xf32> to vector<16xf32>
      %add3A_987 = arith.addf %get3A_982, %get3A_986 : vector<16xf32>
      %swap3A_988 = arith.index_cast %scan3A_182 : i32 to index
      %swap3A_989 = arith.constant 912 : index
      %swap3A_990 = tpu.vector_load %arg13[%swap3A_988, %swap3A_989] {strides = array<i32>} : memref<16x1024xf32, #tpu.memory_space<vmem>>, vector<1x16xf32>,
      %swap3A_991 = vector.shape_cast %swap3A_990 : vector<1x16xf32> to vector<16xf32>
      %swap3A_992 = vector.shape_cast %add3A_987 : vector<16xf32> to vector<1x16xf32>
      tpu.vector_store %arg13[%swap3A_988, %swap3A_989], %swap3A_992 {strides = array<i32>} : memref<16x1024xf32, #tpu.memory_space<vmem>>, vector<1x16xf32>,
      %get3A_993 = arith.index_cast %scan3A_182 : i32 to index
      %get3A_994 = arith.constant 928 : index
      %get3A_995 = tpu.vector_load %arg9[%get3A_993, %get3A_994] {strides = array<i32>} : memref<16x1024xf32, #tpu.memory_space<vmem>>, vector<1x16xf32>,
      %get3A_996 = vector.shape_cast %get3A_995 : vector<1x16xf32> to vector<16xf32>
      %get3A_997 = arith.index_cast %scan3A_182 : i32 to index
      %get3A_998 = arith.constant 928 : index
      %get3A_999 = tpu.vector_load %arg11[%get3A_997, %get3A_998] {strides = array<i32>} : memref<16x1024xf32, #tpu.memory_space<vmem>>, vector<1x16xf32>,
      %get3A_1000 = vector.shape_cast %get3A_999 : vector<1x16xf32> to vector<16xf32>
      %add3A_1001 = arith.addf %get3A_996, %get3A_1000 : vector<16xf32>
      %swap3A_1002 = arith.index_cast %scan3A_182 : i32 to index
      %swap3A_1003 = arith.constant 928 : index
      %swap3A_1004 = tpu.vector_load %arg13[%swap3A_1002, %swap3A_1003] {strides = array<i32>} : memref<16x1024xf32, #tpu.memory_space<vmem>>, vector<1x16xf32>,
      %swap3A_1005 = vector.shape_cast %swap3A_1004 : vector<1x16xf32> to vector<16xf32>
      %swap3A_1006 = vector.shape_cast %add3A_1001 : vector<16xf32> to vector<1x16xf32>
      tpu.vector_store %arg13[%swap3A_1002, %swap3A_1003], %swap3A_1006 {strides = array<i32>} : memref<16x1024xf32, #tpu.memory_space<vmem>>, vector<1x16xf32>,
      %get3A_1007 = arith.index_cast %scan3A_182 : i32 to index
      %get3A_1008 = arith.constant 944 : index
      %get3A_1009 = tpu.vector_load %arg9[%get3A_1007, %get3A_1008] {strides = array<i32>} : memref<16x1024xf32, #tpu.memory_space<vmem>>, vector<1x16xf32>,
      %get3A_1010 = vector.shape_cast %get3A_1009 : vector<1x16xf32> to vector<16xf32>
      %get3A_1011 = arith.index_cast %scan3A_182 : i32 to index
      %get3A_1012 = arith.constant 944 : index
      %get3A_1013 = tpu.vector_load %arg11[%get3A_1011, %get3A_1012] {strides = array<i32>} : memref<16x1024xf32, #tpu.memory_space<vmem>>, vector<1x16xf32>,
      %get3A_1014 = vector.shape_cast %get3A_1013 : vector<1x16xf32> to vector<16xf32>
      %add3A_1015 = arith.addf %get3A_1010, %get3A_1014 : vector<16xf32>
      %swap3A_1016 = arith.index_cast %scan3A_182 : i32 to index
      %swap3A_1017 = arith.constant 944 : index
      %swap3A_1018 = tpu.vector_load %arg13[%swap3A_1016, %swap3A_1017] {strides = array<i32>} : memref<16x1024xf32, #tpu.memory_space<vmem>>, vector<1x16xf32>,
      %swap3A_1019 = vector.shape_cast %swap3A_1018 : vector<1x16xf32> to vector<16xf32>
      %swap3A_1020 = vector.shape_cast %add3A_1015 : vector<16xf32> to vector<1x16xf32>
      tpu.vector_store %arg13[%swap3A_1016, %swap3A_1017], %swap3A_1020 {strides = array<i32>} : memref<16x1024xf32, #tpu.memory_space<vmem>>, vector<1x16xf32>,
      %get3A_1021 = arith.index_cast %scan3A_182 : i32 to index
      %get3A_1022 = arith.constant 960 : index
      %get3A_1023 = tpu.vector_load %arg9[%get3A_1021, %get3A_1022] {strides = array<i32>} : memref<16x1024xf32, #tpu.memory_space<vmem>>, vector<1x16xf32>,
      %get3A_1024 = vector.shape_cast %get3A_1023 : vector<1x16xf32> to vector<16xf32>
      %get3A_1025 = arith.index_cast %scan3A_182 : i32 to index
      %get3A_1026 = arith.constant 960 : index
      %get3A_1027 = tpu.vector_load %arg11[%get3A_1025, %get3A_1026] {strides = array<i32>} : memref<16x1024xf32, #tpu.memory_space<vmem>>, vector<1x16xf32>,
      %get3A_1028 = vector.shape_cast %get3A_1027 : vector<1x16xf32> to vector<16xf32>
      %add3A_1029 = arith.addf %get3A_1024, %get3A_1028 : vector<16xf32>
      %swap3A_1030 = arith.index_cast %scan3A_182 : i32 to index
      %swap3A_1031 = arith.constant 960 : index
      %swap3A_1032 = tpu.vector_load %arg13[%swap3A_1030, %swap3A_1031] {strides = array<i32>} : memref<16x1024xf32, #tpu.memory_space<vmem>>, vector<1x16xf32>,
      %swap3A_1033 = vector.shape_cast %swap3A_1032 : vector<1x16xf32> to vector<16xf32>
      %swap3A_1034 = vector.shape_cast %add3A_1029 : vector<16xf32> to vector<1x16xf32>
      tpu.vector_store %arg13[%swap3A_1030, %swap3A_1031], %swap3A_1034 {strides = array<i32>} : memref<16x1024xf32, #tpu.memory_space<vmem>>, vector<1x16xf32>,
      %get3A_1035 = arith.index_cast %scan3A_182 : i32 to index
      %get3A_1036 = arith.constant 976 : index
      %get3A_1037 = tpu.vector_load %arg9[%get3A_1035, %get3A_1036] {strides = array<i32>} : memref<16x1024xf32, #tpu.memory_space<vmem>>, vector<1x16xf32>,
      %get3A_1038 = vector.shape_cast %get3A_1037 : vector<1x16xf32> to vector<16xf32>
      %get3A_1039 = arith.index_cast %scan3A_182 : i32 to index
      %get3A_1040 = arith.constant 976 : index
      %get3A_1041 = tpu.vector_load %arg11[%get3A_1039, %get3A_1040] {strides = array<i32>} : memref<16x1024xf32, #tpu.memory_space<vmem>>, vector<1x16xf32>,
      %get3A_1042 = vector.shape_cast %get3A_1041 : vector<1x16xf32> to vector<16xf32>
      %add3A_1043 = arith.addf %get3A_1038, %get3A_1042 : vector<16xf32>
      %swap3A_1044 = arith.index_cast %scan3A_182 : i32 to index
      %swap3A_1045 = arith.constant 976 : index
      %swap3A_1046 = tpu.vector_load %arg13[%swap3A_1044, %swap3A_1045] {strides = array<i32>} : memref<16x1024xf32, #tpu.memory_space<vmem>>, vector<1x16xf32>,
      %swap3A_1047 = vector.shape_cast %swap3A_1046 : vector<1x16xf32> to vector<16xf32>
      %swap3A_1048 = vector.shape_cast %add3A_1043 : vector<16xf32> to vector<1x16xf32>
      tpu.vector_store %arg13[%swap3A_1044, %swap3A_1045], %swap3A_1048 {strides = array<i32>} : memref<16x1024xf32, #tpu.memory_space<vmem>>, vector<1x16xf32>,
      %get3A_1049 = arith.index_cast %scan3A_182 : i32 to index
      %get3A_1050 = arith.constant 992 : index
      %get3A_1051 = tpu.vector_load %arg9[%get3A_1049, %get3A_1050] {strides = array<i32>} : memref<16x1024xf32, #tpu.memory_space<vmem>>, vector<1x16xf32>,
      %get3A_1052 = vector.shape_cast %get3A_1051 : vector<1x16xf32> to vector<16xf32>
      %get3A_1053 = arith.index_cast %scan3A_182 : i32 to index
      %get3A_1054 = arith.constant 992 : index
      %get3A_1055 = tpu.vector_load %arg11[%get3A_1053, %get3A_1054] {strides = array<i32>} : memref<16x1024xf32, #tpu.memory_space<vmem>>, vector<1x16xf32>,
      %get3A_1056 = vector.shape_cast %get3A_1055 : vector<1x16xf32> to vector<16xf32>
      %add3A_1057 = arith.addf %get3A_1052, %get3A_1056 : vector<16xf32>
      %swap3A_1058 = arith.index_cast %scan3A_182 : i32 to index
      %swap3A_1059 = arith.constant 992 : index
      %swap3A_1060 = tpu.vector_load %arg13[%swap3A_1058, %swap3A_1059] {strides = array<i32>} : memref<16x1024xf32, #tpu.memory_space<vmem>>, vector<1x16xf32>,
      %swap3A_1061 = vector.shape_cast %swap3A_1060 : vector<1x16xf32> to vector<16xf32>
      %swap3A_1062 = vector.shape_cast %add3A_1057 : vector<16xf32> to vector<1x16xf32>
      tpu.vector_store %arg13[%swap3A_1058, %swap3A_1059], %swap3A_1062 {strides = array<i32>} : memref<16x1024xf32, #tpu.memory_space<vmem>>, vector<1x16xf32>,
      %get3A_1063 = arith.index_cast %scan3A_182 : i32 to index
      %get3A_1064 = arith.constant 1008 : index
      %get3A_1065 = tpu.vector_load %arg9[%get3A_1063, %get3A_1064] {strides = array<i32>} : memref<16x1024xf32, #tpu.memory_space<vmem>>, vector<1x16xf32>,
      %get3A_1066 = vector.shape_cast %get3A_1065 : vector<1x16xf32> to vector<16xf32>
      %get3A_1067 = arith.index_cast %scan3A_182 : i32 to index
      %get3A_1068 = arith.constant 1008 : index
      %get3A_1069 = tpu.vector_load %arg11[%get3A_1067, %get3A_1068] {strides = array<i32>} : memref<16x1024xf32, #tpu.memory_space<vmem>>, vector<1x16xf32>,
      %get3A_1070 = vector.shape_cast %get3A_1069 : vector<1x16xf32> to vector<16xf32>
      %add3A_1071 = arith.addf %get3A_1066, %get3A_1070 : vector<16xf32>
      %swap3A_1072 = arith.index_cast %scan3A_182 : i32 to index
      %swap3A_1073 = arith.constant 1008 : index
      %swap3A_1074 = tpu.vector_load %arg13[%swap3A_1072, %swap3A_1073] {strides = array<i32>} : memref<16x1024xf32, #tpu.memory_space<vmem>>, vector<1x16xf32>,
      %swap3A_1075 = vector.shape_cast %swap3A_1074 : vector<1x16xf32> to vector<16xf32>
      %swap3A_1076 = vector.shape_cast %add3A_1071 : vector<16xf32> to vector<1x16xf32>
      tpu.vector_store %arg13[%swap3A_1072, %swap3A_1073], %swap3A_1076 {strides = array<i32>} : memref<16x1024xf32, #tpu.memory_space<vmem>>, vector<1x16xf32>,
    }
    %scan3A_165 = arith.constant 16 : i32
    %mul3A_166 = arith.constant 64 : i32
    %mul3A_167 = arith.muli %add3A, %mul3A_166 : i32
    %add3A_168 = arith.constant 48 : i32
    %add3A_169 = arith.addi %mul3A_167, %add3A_168 : i32
    %dma_start3A_170 = arith.constant 0 : i32
    %dma_start3A_171 = tpu.memref_slice %arg5[%add3A_169, %dma_start3A_170] : memref<2048x1024xf32, #tpu.memory_space<hbm>> -> memref<16x1024xf32, #tpu.memory_space<hbm>>
    %dma_start3A_172 = arith.constant 0 : i32
    %dma_start3A_173 = tpu.memref_slice %arg5[%add3A_169, %dma_start3A_172] : memref<2048x1024xf32, #tpu.memory_space<hbm>> -> memref<16x1024xf32, #tpu.memory_space<hbm>>
    tpu.enqueue_dma source(%arg13 : memref<16x1024xf32, #tpu.memory_space<vmem>>) target(%dma_start3A_173 : memref<16x1024xf32, #tpu.memory_space<hbm>>) target_semaphore(%arg17 : memref<!tpu.dma_semaphore, #tpu.memory_space<semaphore_mem>>)
    %dma_wait3A_174 = arith.constant 0 : i32
    %dma_wait3A_175 = tpu.memref_slice %arg5[%add3A_137, %dma_wait3A_174] : memref<2048x1024xf32, #tpu.memory_space<hbm>> -> memref<16x1024xf32, #tpu.memory_space<hbm>>
    %dma_wait3A_176 = arith.constant 0 : i32
    %dma_wait3A_177 = tpu.memref_slice %arg5[%add3A_137, %dma_wait3A_176] : memref<2048x1024xf32, #tpu.memory_space<hbm>> -> memref<16x1024xf32, #tpu.memory_space<hbm>>
    tpu.wait_dma2 semaphore(%arg16 : memref<!tpu.dma_semaphore, #tpu.memory_space<semaphore_mem>>) src(%arg12 : memref<16x1024xf32, #tpu.memory_space<vmem>>) dst(%dma_wait3A_177 : memref<16x1024xf32, #tpu.memory_space<hbm>>)
    %dma_wait3A_178 = arith.constant 0 : i32
    %dma_wait3A_179 = tpu.memref_slice %arg5[%add3A_169, %dma_wait3A_178] : memref<2048x1024xf32, #tpu.memory_space<hbm>> -> memref<16x1024xf32, #tpu.memory_space<hbm>>
    %dma_wait3A_180 = arith.constant 0 : i32
    %dma_wait3A_181 = tpu.memref_slice %arg5[%add3A_169, %dma_wait3A_180] : memref<2048x1024xf32, #tpu.memory_space<hbm>> -> memref<16x1024xf32, #tpu.memory_space<hbm>>
    tpu.wait_dma2 semaphore(%arg17 : memref<!tpu.dma_semaphore, #tpu.memory_space<semaphore_mem>>) src(%arg13 : memref<16x1024xf32, #tpu.memory_space<vmem>>) dst(%dma_wait3A_181 : memref<16x1024xf32, #tpu.memory_space<hbm>>)
    return
  }
}

module attributes {stable_mosaic.version = 14 : i64} {
  func.func @_router_kernel(%arg0: memref<2048x1024xf32, #tpu.memory_space<vmem>>, %arg1: memref<8x1024xf32, #tpu.memory_space<vmem>>, %arg2: memref<2x2048xi32, #tpu.memory_space<vmem>>, %arg3: memref<2x2048xf32, #tpu.memory_space<vmem>>, %arg4: memref<2048x1024xbf16, #tpu.memory_space<vmem>>, %arg5: memref<1x128xi32, #tpu.memory_space<vmem>>) attributes {dimension_semantics = [], scalar_prefetch = 0 : i64, scratch_operands = 0 : i64, tpu.core_type = #tpu.core_type<tc>} {
    %get3A = arith.constant 0 : index
    %get3A_0 = arith.constant 0 : index
    %get3A_1 = vector.load %arg0[%get3A, %get3A_0] : memref<2048x1024xf32, #tpu.memory_space<vmem>>, vector<2048x1024xf32>
    %convert_element_type3A = arith.truncf %get3A_1 : vector<2048x1024xf32> to vector<2048x1024xbf16>
    %swap3A = arith.constant 0 : index
    %swap3A_2 = arith.constant 0 : index
    %swap3A_3 = vector.load %arg4[%swap3A, %swap3A_2] : memref<2048x1024xbf16, #tpu.memory_space<vmem>>, vector<2048x1024xbf16>
    tpu.vector_store %arg4[%swap3A, %swap3A_2], %convert_element_type3A {strides = array<i32>} : memref<2048x1024xbf16, #tpu.memory_space<vmem>>, vector<2048x1024xbf16>,
    %get3A_4 = arith.constant 0 : index
    %get3A_5 = arith.constant 0 : index
    %get3A_6 = vector.load %arg0[%get3A_4, %get3A_5] : memref<2048x1024xf32, #tpu.memory_space<vmem>>, vector<2048x1024xf32>
    %get3A_7 = arith.constant 0 : index
    %get3A_8 = arith.constant 0 : index
    %get3A_9 = vector.load %arg1[%get3A_7, %get3A_8] : memref<8x1024xf32, #tpu.memory_space<vmem>>, vector<8x1024xf32>
    %dot_general3A = arith.constant dense<0.000000e+00> : vector<2048x8xf32>
    %dot_general3A_10 = tpu.matmul %get3A_6, %get3A_9, %dot_general3A {dimension_numbers = #tpu.dot_dimension_numbers<[1], [1], [0], [0], [0, 0, 1, 0], [], []>, transpose_lhs_hint = false} : vector<2048x1024xf32>, vector<8x1024xf32>, vector<2048x8xf32> -> vector<2048x8xf32>
    %argmax3A = tpu.reduce_index %dot_general3A_10 {axis = 1 : i32, kind = #tpu.reduction_kind<arg_max>} : vector<2048x8xf32> -> vector<2048xi32>
    %reduce_max3A = arith.constant dense<0xFF800000> : vector<2048xf32>
    %reduce_max3A_11 = vector.multi_reduction <maximumf>, %dot_general3A_10, %reduce_max3A [1] : vector<2048x8xf32> to vector<2048xf32>
    %iota3A = tpu.iota {dimensions = array<i32: 1>} : vector<2048x8xi32>
    %broadcast_in_dim3A = vector.shape_cast %argmax3A : vector<2048xi32> to vector<2048x1xi32>
    %eq3A = vector.broadcast %broadcast_in_dim3A : vector<2048x1xi32> to vector<2048x8xi32>
    %eq3A_12 = arith.cmpi eq, %iota3A, %eq3A : vector<2048x8xi32>
    %jit3A = arith.constant 0xFF800000 : f32
    %broadcast_in_dim3A_13 = vector.broadcast %jit3A : f32 to vector<2048x8xf32>
    %select_n3A = arith.select %eq3A_12, %broadcast_in_dim3A_13, %dot_general3A_10 : vector<2048x8xi1>, vector<2048x8xf32>
    %argmax3A_14 = tpu.reduce_index %select_n3A {axis = 1 : i32, kind = #tpu.reduction_kind<arg_max>} : vector<2048x8xf32> -> vector<2048xi32>
    %reduce_max3A_15 = arith.constant dense<0xFF800000> : vector<2048xf32>
    %reduce_max3A_16 = vector.multi_reduction <maximumf>, %select_n3A, %reduce_max3A_15 [1] : vector<2048x8xf32> to vector<2048xf32>
    %sub3A = arith.subf %reduce_max3A_11, %reduce_max3A_16 : vector<2048xf32>
    %logistic3A = arith.negf %sub3A : vector<2048xf32>
    %logistic3A_17 = math.exp %logistic3A : vector<2048xf32>
    %logistic3A_18 = arith.constant 1.000000e+00 : f32
    %logistic3A_19 = vector.broadcast %logistic3A_18 : f32 to vector<2048xf32>
    %logistic3A_20 = arith.addf %logistic3A_19, %logistic3A_17 : vector<2048xf32>
    %logistic3A_21 = arith.divf %logistic3A_19, %logistic3A_20 : vector<2048xf32>
    %swap3A_22 = arith.constant 0 : index
    %swap3A_23 = arith.constant 0 : index
    %swap3A_24 = vector.load %arg3[%swap3A_22, %swap3A_23] : memref<2x2048xf32, #tpu.memory_space<vmem>>, vector<1x2048xf32>
    %swap3A_25 = vector.shape_cast %swap3A_24 : vector<1x2048xf32> to vector<2048xf32>
    %swap3A_26 = vector.shape_cast %logistic3A_21 : vector<2048xf32> to vector<1x2048xf32>
    tpu.vector_store %arg3[%swap3A_22, %swap3A_23], %swap3A_26 {strides = array<i32>} : memref<2x2048xf32, #tpu.memory_space<vmem>>, vector<1x2048xf32>,
    %sub3A_27 = arith.constant 1.000000e+00 : f32
    %sub3A_28 = vector.broadcast %sub3A_27 : f32 to vector<2048xf32>
    %sub3A_29 = arith.subf %sub3A_28, %logistic3A_21 : vector<2048xf32>
    %swap3A_30 = arith.constant 1 : index
    %swap3A_31 = arith.constant 0 : index
    %swap3A_32 = vector.load %arg3[%swap3A_30, %swap3A_31] : memref<2x2048xf32, #tpu.memory_space<vmem>>, vector<1x2048xf32>
    %swap3A_33 = vector.shape_cast %swap3A_32 : vector<1x2048xf32> to vector<2048xf32>
    %swap3A_34 = vector.shape_cast %sub3A_29 : vector<2048xf32> to vector<1x2048xf32>
    tpu.vector_store %arg3[%swap3A_30, %swap3A_31], %swap3A_34 {strides = array<i32>} : memref<2x2048xf32, #tpu.memory_space<vmem>>, vector<1x2048xf32>,
    %broadcast_in_dim3A_35 = vector.shape_cast %argmax3A : vector<2048xi32> to vector<2048x1xi32>
    %eq3A_36 = vector.broadcast %broadcast_in_dim3A_35 : vector<2048x1xi32> to vector<2048x8xi32>
    %eq3A_37 = arith.cmpi eq, %iota3A, %eq3A_36 : vector<2048x8xi32>
    %convert_element_type3A_38 = arith.extui %eq3A_37 : vector<2048x8xi1> to vector<2048x8xi32>
    %convert_element_type3A_39 = arith.sitofp %convert_element_type3A_38 : vector<2048x8xi32> to vector<2048x8xf32>
    %broadcast_in_dim3A_40 = vector.shape_cast %argmax3A_14 : vector<2048xi32> to vector<2048x1xi32>
    %eq3A_41 = vector.broadcast %broadcast_in_dim3A_40 : vector<2048x1xi32> to vector<2048x8xi32>
    %eq3A_42 = arith.cmpi eq, %iota3A, %eq3A_41 : vector<2048x8xi32>
    %convert_element_type3A_43 = arith.extui %eq3A_42 : vector<2048x8xi1> to vector<2048x8xi32>
    %convert_element_type3A_44 = arith.sitofp %convert_element_type3A_43 : vector<2048x8xi32> to vector<2048x8xf32>
    %add3A = arith.addf %convert_element_type3A_39, %convert_element_type3A_44 : vector<2048x8xf32>
    %broadcast_in_dim3A_45 = arith.constant 0.000000e+00 : f32
    %broadcast_in_dim3A_46 = vector.broadcast %broadcast_in_dim3A_45 : f32 to vector<1x8xf32>
    %slice3A = vector.extract_strided_slice %add3A {offsets = [0, 0], sizes = [2047, 8], strides = [1, 1]} : vector<2048x8xf32> to vector<2047x8xf32>
    %concatenate3A = tpu.concatenate %broadcast_in_dim3A_46, %slice3A in 0 : vector<1x8xf32>, vector<2047x8xf32> -> vector<2048x8xf32>
    %add3A_47 = arith.addf %add3A, %concatenate3A : vector<2048x8xf32>
    %broadcast_in_dim3A_48 = arith.constant 0.000000e+00 : f32
    %broadcast_in_dim3A_49 = vector.broadcast %broadcast_in_dim3A_48 : f32 to vector<2x8xf32>
    %slice3A_50 = vector.extract_strided_slice %add3A_47 {offsets = [0, 0], sizes = [2046, 8], strides = [1, 1]} : vector<2048x8xf32> to vector<2046x8xf32>
    %concatenate3A_51 = tpu.concatenate %broadcast_in_dim3A_49, %slice3A_50 in 0 : vector<2x8xf32>, vector<2046x8xf32> -> vector<2048x8xf32>
    %add3A_52 = arith.addf %add3A_47, %concatenate3A_51 : vector<2048x8xf32>
    %broadcast_in_dim3A_53 = arith.constant 0.000000e+00 : f32
    %broadcast_in_dim3A_54 = vector.broadcast %broadcast_in_dim3A_53 : f32 to vector<4x8xf32>
    %slice3A_55 = vector.extract_strided_slice %add3A_52 {offsets = [0, 0], sizes = [2044, 8], strides = [1, 1]} : vector<2048x8xf32> to vector<2044x8xf32>
    %concatenate3A_56 = tpu.concatenate %broadcast_in_dim3A_54, %slice3A_55 in 0 : vector<4x8xf32>, vector<2044x8xf32> -> vector<2048x8xf32>
    %add3A_57 = arith.addf %add3A_52, %concatenate3A_56 : vector<2048x8xf32>
    %broadcast_in_dim3A_58 = arith.constant 0.000000e+00 : f32
    %broadcast_in_dim3A_59 = vector.broadcast %broadcast_in_dim3A_58 : f32 to vector<8x8xf32>
    %slice3A_60 = vector.extract_strided_slice %add3A_57 {offsets = [0, 0], sizes = [2040, 8], strides = [1, 1]} : vector<2048x8xf32> to vector<2040x8xf32>
    %concatenate3A_61 = tpu.concatenate %broadcast_in_dim3A_59, %slice3A_60 in 0 : vector<8x8xf32>, vector<2040x8xf32> -> vector<2048x8xf32>
    %add3A_62 = arith.addf %add3A_57, %concatenate3A_61 : vector<2048x8xf32>
    %broadcast_in_dim3A_63 = arith.constant 0.000000e+00 : f32
    %broadcast_in_dim3A_64 = vector.broadcast %broadcast_in_dim3A_63 : f32 to vector<16x8xf32>
    %slice3A_65 = vector.extract_strided_slice %add3A_62 {offsets = [0, 0], sizes = [2032, 8], strides = [1, 1]} : vector<2048x8xf32> to vector<2032x8xf32>
    %concatenate3A_66 = tpu.concatenate %broadcast_in_dim3A_64, %slice3A_65 in 0 : vector<16x8xf32>, vector<2032x8xf32> -> vector<2048x8xf32>
    %add3A_67 = arith.addf %add3A_62, %concatenate3A_66 : vector<2048x8xf32>
    %broadcast_in_dim3A_68 = arith.constant 0.000000e+00 : f32
    %broadcast_in_dim3A_69 = vector.broadcast %broadcast_in_dim3A_68 : f32 to vector<32x8xf32>
    %slice3A_70 = vector.extract_strided_slice %add3A_67 {offsets = [0, 0], sizes = [2016, 8], strides = [1, 1]} : vector<2048x8xf32> to vector<2016x8xf32>
    %concatenate3A_71 = tpu.concatenate %broadcast_in_dim3A_69, %slice3A_70 in 0 : vector<32x8xf32>, vector<2016x8xf32> -> vector<2048x8xf32>
    %add3A_72 = arith.addf %add3A_67, %concatenate3A_71 : vector<2048x8xf32>
    %broadcast_in_dim3A_73 = arith.constant 0.000000e+00 : f32
    %broadcast_in_dim3A_74 = vector.broadcast %broadcast_in_dim3A_73 : f32 to vector<64x8xf32>
    %slice3A_75 = vector.extract_strided_slice %add3A_72 {offsets = [0, 0], sizes = [1984, 8], strides = [1, 1]} : vector<2048x8xf32> to vector<1984x8xf32>
    %concatenate3A_76 = tpu.concatenate %broadcast_in_dim3A_74, %slice3A_75 in 0 : vector<64x8xf32>, vector<1984x8xf32> -> vector<2048x8xf32>
    %add3A_77 = arith.addf %add3A_72, %concatenate3A_76 : vector<2048x8xf32>
    %broadcast_in_dim3A_78 = arith.constant 0.000000e+00 : f32
    %broadcast_in_dim3A_79 = vector.broadcast %broadcast_in_dim3A_78 : f32 to vector<128x8xf32>
    %slice3A_80 = vector.extract_strided_slice %add3A_77 {offsets = [0, 0], sizes = [1920, 8], strides = [1, 1]} : vector<2048x8xf32> to vector<1920x8xf32>
    %concatenate3A_81 = tpu.concatenate %broadcast_in_dim3A_79, %slice3A_80 in 0 : vector<128x8xf32>, vector<1920x8xf32> -> vector<2048x8xf32>
    %add3A_82 = arith.addf %add3A_77, %concatenate3A_81 : vector<2048x8xf32>
    %broadcast_in_dim3A_83 = arith.constant 0.000000e+00 : f32
    %broadcast_in_dim3A_84 = vector.broadcast %broadcast_in_dim3A_83 : f32 to vector<256x8xf32>
    %slice3A_85 = vector.extract_strided_slice %add3A_82 {offsets = [0, 0], sizes = [1792, 8], strides = [1, 1]} : vector<2048x8xf32> to vector<1792x8xf32>
    %concatenate3A_86 = tpu.concatenate %broadcast_in_dim3A_84, %slice3A_85 in 0 : vector<256x8xf32>, vector<1792x8xf32> -> vector<2048x8xf32>
    %add3A_87 = arith.addf %add3A_82, %concatenate3A_86 : vector<2048x8xf32>
    %broadcast_in_dim3A_88 = arith.constant 0.000000e+00 : f32
    %broadcast_in_dim3A_89 = vector.broadcast %broadcast_in_dim3A_88 : f32 to vector<512x8xf32>
    %slice3A_90 = vector.extract_strided_slice %add3A_87 {offsets = [0, 0], sizes = [1536, 8], strides = [1, 1]} : vector<2048x8xf32> to vector<1536x8xf32>
    %concatenate3A_91 = tpu.concatenate %broadcast_in_dim3A_89, %slice3A_90 in 0 : vector<512x8xf32>, vector<1536x8xf32> -> vector<2048x8xf32>
    %add3A_92 = arith.addf %add3A_87, %concatenate3A_91 : vector<2048x8xf32>
    %broadcast_in_dim3A_93 = arith.constant 0.000000e+00 : f32
    %broadcast_in_dim3A_94 = vector.broadcast %broadcast_in_dim3A_93 : f32 to vector<1024x8xf32>
    %slice3A_95 = vector.extract_strided_slice %add3A_92 {offsets = [0, 0], sizes = [1024, 8], strides = [1, 1]} : vector<2048x8xf32> to vector<1024x8xf32>
    %concatenate3A_96 = tpu.concatenate %broadcast_in_dim3A_94, %slice3A_95 in 0 : vector<1024x8xf32>, vector<1024x8xf32> -> vector<2048x8xf32>
    %add3A_97 = arith.addf %add3A_92, %concatenate3A_96 : vector<2048x8xf32>
    %sub3A_98 = arith.subf %add3A_97, %add3A : vector<2048x8xf32>
    %slice3A_99 = vector.extract_strided_slice %add3A_97 {offsets = [2047, 0], sizes = [1, 8], strides = [1, 1]} : vector<2048x8xf32> to vector<1x8xf32>
    %squeeze3A = vector.shape_cast %slice3A_99 : vector<1x8xf32> to vector<8xf32>
    %reshape3A = vector.shape_cast %squeeze3A : vector<8xf32> to vector<1x8xf32>
    %add3A_100 = arith.constant 2.550000e+02 : f32
    %add3A_101 = vector.broadcast %add3A_100 : f32 to vector<1x8xf32>
    %add3A_102 = arith.addf %reshape3A, %add3A_101 : vector<1x8xf32>
    %mul3A = arith.constant 3.906250e-03 : f32
    %mul3A_103 = vector.broadcast %mul3A : f32 to vector<1x8xf32>
    %mul3A_104 = arith.mulf %add3A_102, %mul3A_103 : vector<1x8xf32>
    %floor3A = math.floor %mul3A_104 : vector<1x8xf32>
    %mul3A_105 = arith.constant 2.560000e+02 : f32
    %mul3A_106 = vector.broadcast %mul3A_105 : f32 to vector<1x8xf32>
    %mul3A_107 = arith.mulf %floor3A, %mul3A_106 : vector<1x8xf32>
    %iota3A_108 = tpu.iota {dimensions = array<i32: 0>} : vector<8x8xi32>
    %iota3A_109 = tpu.iota {dimensions = array<i32: 1>} : vector<8x8xi32>
    %gt3A = arith.cmpi sgt, %iota3A_109, %iota3A_108 : vector<8x8xi32>
    %convert_element_type3A_110 = arith.extui %gt3A : vector<8x8xi1> to vector<8x8xi32>
    %convert_element_type3A_111 = arith.sitofp %convert_element_type3A_110 : vector<8x8xi32> to vector<8x8xf32>
    %dot_general3A_112 = arith.constant dense<0.000000e+00> : vector<1x8xf32>
    %dot_general3A_113 = tpu.matmul %mul3A_107, %convert_element_type3A_111, %dot_general3A_112 {dimension_numbers = #tpu.dot_dimension_numbers<[1], [0], [0], [1], [0, 0, 1, 1], [], []>, transpose_lhs_hint = false} : vector<1x8xf32>, vector<8x8xf32>, vector<1x8xf32> -> vector<1x8xf32>
    %mul3A_114 = arith.mulf %convert_element_type3A_39, %sub3A_98 : vector<2048x8xf32>
    %reduce_sum3A = arith.constant dense<0.000000e+00> : vector<2048xf32>
    %reduce_sum3A_115 = vector.multi_reduction <add>, %mul3A_114, %reduce_sum3A [1] : vector<2048x8xf32> to vector<2048xf32>
    %mul3A_116 = arith.mulf %convert_element_type3A_44, %sub3A_98 : vector<2048x8xf32>
    %reduce_sum3A_117 = arith.constant dense<0.000000e+00> : vector<2048xf32>
    %reduce_sum3A_118 = vector.multi_reduction <add>, %mul3A_116, %reduce_sum3A_117 [1] : vector<2048x8xf32> to vector<2048xf32>
    %mul3A_119 = vector.broadcast %dot_general3A_113 : vector<1x8xf32> to vector<2048x8xf32>
    %mul3A_120 = arith.mulf %convert_element_type3A_39, %mul3A_119 : vector<2048x8xf32>
    %reduce_sum3A_121 = arith.constant dense<0.000000e+00> : vector<2048xf32>
    %reduce_sum3A_122 = vector.multi_reduction <add>, %mul3A_120, %reduce_sum3A_121 [1] : vector<2048x8xf32> to vector<2048xf32>
    %mul3A_123 = vector.broadcast %dot_general3A_113 : vector<1x8xf32> to vector<2048x8xf32>
    %mul3A_124 = arith.mulf %convert_element_type3A_44, %mul3A_123 : vector<2048x8xf32>
    %reduce_sum3A_125 = arith.constant dense<0.000000e+00> : vector<2048xf32>
    %reduce_sum3A_126 = vector.multi_reduction <add>, %mul3A_124, %reduce_sum3A_125 [1] : vector<2048x8xf32> to vector<2048xf32>
    %add3A_127 = arith.addf %reduce_sum3A_122, %reduce_sum3A_115 : vector<2048xf32>
    %convert_element_type3A_128 = arith.fptosi %add3A_127 : vector<2048xf32> to vector<2048xi32>
    %swap3A_129 = arith.constant 0 : index
    %swap3A_130 = arith.constant 0 : index
    %swap3A_131 = vector.load %arg2[%swap3A_129, %swap3A_130] : memref<2x2048xi32, #tpu.memory_space<vmem>>, vector<1x2048xi32>
    %swap3A_132 = vector.shape_cast %swap3A_131 : vector<1x2048xi32> to vector<2048xi32>
    %swap3A_133 = vector.shape_cast %convert_element_type3A_128 : vector<2048xi32> to vector<1x2048xi32>
    tpu.vector_store %arg2[%swap3A_129, %swap3A_130], %swap3A_133 {strides = array<i32>} : memref<2x2048xi32, #tpu.memory_space<vmem>>, vector<1x2048xi32>,
    %add3A_134 = arith.addf %reduce_sum3A_126, %reduce_sum3A_118 : vector<2048xf32>
    %convert_element_type3A_135 = arith.fptosi %add3A_134 : vector<2048xf32> to vector<2048xi32>
    %swap3A_136 = arith.constant 1 : index
    %swap3A_137 = arith.constant 0 : index
    %swap3A_138 = vector.load %arg2[%swap3A_136, %swap3A_137] : memref<2x2048xi32, #tpu.memory_space<vmem>>, vector<1x2048xi32>
    %swap3A_139 = vector.shape_cast %swap3A_138 : vector<1x2048xi32> to vector<2048xi32>
    %swap3A_140 = vector.shape_cast %convert_element_type3A_135 : vector<2048xi32> to vector<1x2048xi32>
    tpu.vector_store %arg2[%swap3A_136, %swap3A_137], %swap3A_140 {strides = array<i32>} : memref<2x2048xi32, #tpu.memory_space<vmem>>, vector<1x2048xi32>,
    %add3A_141 = arith.addf %dot_general3A_113, %mul3A_107 : vector<1x8xf32>
    %slice3A_142 = vector.extract_strided_slice %add3A_141 {offsets = [0, 7], sizes = [1, 1], strides = [1, 1]} : vector<1x8xf32> to vector<1x1xf32>
    %squeeze3A_143 = vector.extract %slice3A_142[0, 0] : f32 from vector<1x1xf32>
    %mul3A_144 = arith.constant 3.906250e-03 : f32
    %mul3A_145 = arith.mulf %squeeze3A_143, %mul3A_144 : f32
    %iota3A_146 = tpu.iota {dimensions = array<i32: 1>} : vector<1x128xi32>
    %iota3A_147 = vector.shape_cast %iota3A_146 : vector<1x128xi32> to vector<128xi32>
    %convert_element_type3A_148 = arith.sitofp %iota3A_147 : vector<128xi32> to vector<128xf32>
    %mul3A_149 = arith.constant 2.560000e+02 : f32
    %mul3A_150 = vector.broadcast %mul3A_149 : f32 to vector<128xf32>
    %mul3A_151 = arith.mulf %convert_element_type3A_148, %mul3A_150 : vector<128xf32>
    %broadcast_in_dim3A_152 = vector.shape_cast %mul3A_151 : vector<128xf32> to vector<128x1xf32>
    %ge3A = vector.broadcast %broadcast_in_dim3A_152 : vector<128x1xf32> to vector<128x8xf32>
    %ge3A_153 = vector.broadcast %add3A_141 : vector<1x8xf32> to vector<128x8xf32>
    %ge3A_154 = arith.cmpf oge, %ge3A, %ge3A_153 : vector<128x8xf32>
    %convert_element_type3A_155 = arith.extui %ge3A_154 : vector<128x8xi1> to vector<128x8xi32>
    %convert_element_type3A_156 = arith.sitofp %convert_element_type3A_155 : vector<128x8xi32> to vector<128x8xf32>
    %reduce_sum3A_157 = arith.constant dense<0.000000e+00> : vector<128xf32>
    %reduce_sum3A_158 = vector.multi_reduction <add>, %convert_element_type3A_156, %reduce_sum3A_157 [1] : vector<128x8xf32> to vector<128xf32>
    %min3A = arith.constant 7.000000e+00 : f32
    %min3A_159 = vector.broadcast %min3A : f32 to vector<128xf32>
    %min3A_160 = arith.minimumf %reduce_sum3A_158, %min3A_159 : vector<128xf32>
    %sub3A_161 = arith.constant 1.000000e+00 : f32
    %sub3A_162 = arith.subf %mul3A_145, %sub3A_161 : f32
    %eq3A_163 = vector.broadcast %sub3A_162 : f32 to vector<128xf32>
    %eq3A_164 = arith.cmpf oeq, %convert_element_type3A_148, %eq3A_163 : vector<128xf32>
    %jit3A_165 = arith.constant 0.000000e+00 : f32
    %broadcast_in_dim3A_166 = vector.broadcast %jit3A_165 : f32 to vector<128xf32>
    %select_n3A_167 = arith.select %eq3A_164, %min3A_160, %broadcast_in_dim3A_166 : vector<128xi1>, vector<128xf32>
    %reduce_sum3A_168 = vector.shape_cast %select_n3A_167 : vector<128xf32> to vector<1x128xf32>
    %reduce_sum3A_169 = arith.constant dense<0.000000e+00> : vector<1xf32>
    %reduce_sum3A_170 = vector.multi_reduction <add>, %reduce_sum3A_168, %reduce_sum3A_169 [1] : vector<1x128xf32> to vector<1xf32>
    %reduce_sum3A_171 = vector.shape_cast %reduce_sum3A_170 : vector<1xf32> to vector<1x1xf32>
    %reduce_sum3A_172 = vector.extract %reduce_sum3A_171[0, 0] : f32 from vector<1x1xf32>
    %lt3A = vector.broadcast %mul3A_145 : f32 to vector<128xf32>
    %lt3A_173 = arith.cmpf olt, %convert_element_type3A_148, %lt3A : vector<128xf32>
    %broadcast_in_dim3A_174 = vector.broadcast %reduce_sum3A_172 : f32 to vector<128xf32>
    %select_n3A_175 = arith.select %lt3A_173, %min3A_160, %broadcast_in_dim3A_174 : vector<128xi1>, vector<128xf32>
    %eq3A_176 = arith.constant 2.400000e+01 : f32
    %eq3A_177 = vector.broadcast %eq3A_176 : f32 to vector<128xf32>
    %eq3A_178 = arith.cmpf oeq, %convert_element_type3A_148, %eq3A_177 : vector<128xf32>
    %broadcast_in_dim3A_179 = vector.broadcast %mul3A_145 : f32 to vector<128xf32>
    %select_n3A_180 = arith.select %eq3A_178, %broadcast_in_dim3A_179, %select_n3A_175 : vector<128xi1>, vector<128xf32>
    %convert_element_type3A_181 = arith.fptosi %select_n3A_180 : vector<128xf32> to vector<128xi32>
    %swap3A_182 = arith.constant 0 : index
    %swap3A_183 = arith.constant 0 : index
    %swap3A_184 = vector.load %arg5[%swap3A_182, %swap3A_183] : memref<1x128xi32, #tpu.memory_space<vmem>>, vector<1x128xi32>
    %swap3A_185 = vector.shape_cast %swap3A_184 : vector<1x128xi32> to vector<128xi32>
    %swap3A_186 = vector.shape_cast %convert_element_type3A_181 : vector<128xi32> to vector<1x128xi32>
    tpu.vector_store %arg5[%swap3A_182, %swap3A_183], %swap3A_186 {strides = array<i32>} : memref<1x128xi32, #tpu.memory_space<vmem>>, vector<1x128xi32>,
    return
  }
}

module attributes {stable_mosaic.version = 14 : i64} {
  func.func @_ffn_kernel(%arg0: i32, %arg1: memref<128xi32, #tpu.memory_space<smem>>, %arg2: memref<2048x1024xbf16, #tpu.memory_space<vmem>>, %arg3: memref<2x2048xi32, #tpu.memory_space<vmem>>, %arg4: memref<2x2048xf32, #tpu.memory_space<vmem>>, %arg5: memref<1x1024x1024xf32, #tpu.memory_space<vmem>>, %arg6: memref<1x1024x1024xf32, #tpu.memory_space<vmem>>, %arg7: memref<1x1024x1024xf32, #tpu.memory_space<vmem>>, %arg8: memref<256x1024xf32, #tpu.memory_space<vmem>>) attributes {dimension_semantics = [#tpu.dimension_semantics<arbitrary>], iteration_bounds = array<i64: 24>, scalar_prefetch = 1 : i64, scratch_operands = 0 : i64, tpu.core_type = #tpu.core_type<tc>, window_params = [{pipeline_mode = #tpu.pipeline_mode<synchronous>, transform_indices = @transform_0, window_bounds = array<i64: 2048, 1024>}, {pipeline_mode = #tpu.pipeline_mode<synchronous>, transform_indices = @transform_1, window_bounds = array<i64: 2, 2048>}, {pipeline_mode = #tpu.pipeline_mode<synchronous>, transform_indices = @transform_2, window_bounds = array<i64: 2, 2048>}, {transform_indices = @transform_3, window_bounds = array<i64: 1, 1024, 1024>}, {transform_indices = @transform_4, window_bounds = array<i64: 1, 1024, 1024>}, {transform_indices = @transform_5, window_bounds = array<i64: 1, 1024, 1024>}, {transform_indices = @transform_6, window_bounds = array<i64: 256, 1024>}]} {
    %get3A = arith.constant 24 : index
    %get3A_0 = memref.load %arg1[%get3A] : memref<128xi32, #tpu.memory_space<smem>>
    %lt3A = arith.cmpi slt, %arg0, %get3A_0 : i32
    %convert_element_type3A = arith.extui %lt3A : i1 to i32
    %cond3A = arith.constant 0 : i32
    %cond3A_1 = arith.cmpi ne, %convert_element_type3A, %cond3A : i32
    scf.if %cond3A_1 {
      %iota3A = tpu.iota {dimensions = array<i32: 0>} : vector<256x2048xi32>
      %mul3A = arith.constant 256 : i32
      %mul3A_2 = arith.muli %arg0, %mul3A : i32
      %add3A = vector.broadcast %mul3A_2 : i32 to vector<256x2048xi32>
      %add3A_3 = arith.addi %iota3A, %add3A : vector<256x2048xi32>
      %get3A_4 = arith.constant 0 : index
      %get3A_5 = arith.constant 0 : index
      %get3A_6 = vector.load %arg3[%get3A_4, %get3A_5] : memref<2x2048xi32, #tpu.memory_space<vmem>>, vector<1x2048xi32>
      %get3A_7 = vector.shape_cast %get3A_6 : vector<1x2048xi32> to vector<2048xi32>
      %broadcast_in_dim3A = vector.shape_cast %get3A_7 : vector<2048xi32> to vector<1x2048xi32>
      %eq3A = vector.broadcast %broadcast_in_dim3A : vector<1x2048xi32> to vector<256x2048xi32>
      %eq3A_8 = arith.cmpi eq, %eq3A, %add3A_3 : vector<256x2048xi32>
      %convert_element_type3A_9 = arith.extui %eq3A_8 : vector<256x2048xi1> to vector<256x2048xi32>
      %convert_element_type3A_10 = arith.sitofp %convert_element_type3A_9 : vector<256x2048xi32> to vector<256x2048xf32>
      %convert_element_type3A_11 = arith.truncf %convert_element_type3A_10 : vector<256x2048xf32> to vector<256x2048xbf16>
      %get3A_12 = arith.constant 1 : index
      %get3A_13 = arith.constant 0 : index
      %get3A_14 = vector.load %arg3[%get3A_12, %get3A_13] : memref<2x2048xi32, #tpu.memory_space<vmem>>, vector<1x2048xi32>
      %get3A_15 = vector.shape_cast %get3A_14 : vector<1x2048xi32> to vector<2048xi32>
      %broadcast_in_dim3A_16 = vector.shape_cast %get3A_15 : vector<2048xi32> to vector<1x2048xi32>
      %eq3A_17 = vector.broadcast %broadcast_in_dim3A_16 : vector<1x2048xi32> to vector<256x2048xi32>
      %eq3A_18 = arith.cmpi eq, %eq3A_17, %add3A_3 : vector<256x2048xi32>
      %convert_element_type3A_19 = arith.extui %eq3A_18 : vector<256x2048xi1> to vector<256x2048xi32>
      %convert_element_type3A_20 = arith.sitofp %convert_element_type3A_19 : vector<256x2048xi32> to vector<256x2048xf32>
      %convert_element_type3A_21 = arith.truncf %convert_element_type3A_20 : vector<256x2048xf32> to vector<256x2048xbf16>
      %add3A_22 = arith.addf %convert_element_type3A_11, %convert_element_type3A_21 : vector<256x2048xbf16>
      %get3A_23 = arith.constant 0 : index
      %get3A_24 = arith.constant 0 : index
      %get3A_25 = vector.load %arg2[%get3A_23, %get3A_24] : memref<2048x1024xbf16, #tpu.memory_space<vmem>>, vector<2048x1024xbf16>
      %dot_general3A = arith.constant dense<0.000000e+00> : vector<256x1024xf32>
      %dot_general3A_26 = tpu.matmul %add3A_22, %get3A_25, %dot_general3A {dimension_numbers = #tpu.dot_dimension_numbers<[1], [0], [0], [1], [0, 0, 1, 1], [], []>, transpose_lhs_hint = false} : vector<256x2048xbf16>, vector<2048x1024xbf16>, vector<256x1024xf32> -> vector<256x1024xf32>
      %convert_element_type3A_27 = arith.truncf %dot_general3A_26 : vector<256x1024xf32> to vector<256x1024xbf16>
      %get3A_28 = arith.constant 0 : index
      %get3A_29 = arith.constant 0 : index
      %get3A_30 = vector.load %arg4[%get3A_28, %get3A_29] : memref<2x2048xf32, #tpu.memory_space<vmem>>, vector<1x2048xf32>
      %get3A_31 = vector.shape_cast %get3A_30 : vector<1x2048xf32> to vector<2048xf32>
      %convert_element_type3A_32 = arith.truncf %get3A_31 : vector<2048xf32> to vector<2048xbf16>
      %dot_general3A_33 = arith.constant dense<0.000000e+00> : vector<256xf32>
      %dot_general3A_34 = tpu.matmul %convert_element_type3A_11, %convert_element_type3A_32, %dot_general3A_33 {dimension_numbers = #tpu.dot_dimension_numbers<[1], [0], [0], [], [0, 0], [], []>, transpose_lhs_hint = false} : vector<256x2048xbf16>, vector<2048xbf16>, vector<256xf32> -> vector<256xf32>
      %get3A_35 = arith.constant 1 : index
      %get3A_36 = arith.constant 0 : index
      %get3A_37 = vector.load %arg4[%get3A_35, %get3A_36] : memref<2x2048xf32, #tpu.memory_space<vmem>>, vector<1x2048xf32>
      %get3A_38 = vector.shape_cast %get3A_37 : vector<1x2048xf32> to vector<2048xf32>
      %convert_element_type3A_39 = arith.truncf %get3A_38 : vector<2048xf32> to vector<2048xbf16>
      %dot_general3A_40 = arith.constant dense<0.000000e+00> : vector<256xf32>
      %dot_general3A_41 = tpu.matmul %convert_element_type3A_21, %convert_element_type3A_39, %dot_general3A_40 {dimension_numbers = #tpu.dot_dimension_numbers<[1], [0], [0], [], [0, 0], [], []>, transpose_lhs_hint = false} : vector<256x2048xbf16>, vector<2048xbf16>, vector<256xf32> -> vector<256xf32>
      %add3A_42 = arith.addf %dot_general3A_34, %dot_general3A_41 : vector<256xf32>
      %get3A_43 = arith.constant 0 : index
      %get3A_44 = arith.constant 0 : index
      %get3A_45 = arith.constant 0 : index
      %get3A_46 = vector.load %arg5[%get3A_43, %get3A_44, %get3A_45] : memref<1x1024x1024xf32, #tpu.memory_space<vmem>>, vector<1x1024x1024xf32>
      %get3A_47 = vector.shape_cast %get3A_46 : vector<1x1024x1024xf32> to vector<1024x1024xf32>
      %convert_element_type3A_48 = arith.truncf %get3A_47 : vector<1024x1024xf32> to vector<1024x1024xbf16>
      %get3A_49 = arith.constant 0 : index
      %get3A_50 = arith.constant 0 : index
      %get3A_51 = arith.constant 0 : index
      %get3A_52 = vector.load %arg6[%get3A_49, %get3A_50, %get3A_51] : memref<1x1024x1024xf32, #tpu.memory_space<vmem>>, vector<1x1024x1024xf32>
      %get3A_53 = vector.shape_cast %get3A_52 : vector<1x1024x1024xf32> to vector<1024x1024xf32>
      %convert_element_type3A_54 = arith.truncf %get3A_53 : vector<1024x1024xf32> to vector<1024x1024xbf16>
      %get3A_55 = arith.constant 0 : index
      %get3A_56 = arith.constant 0 : index
      %get3A_57 = arith.constant 0 : index
      %get3A_58 = vector.load %arg7[%get3A_55, %get3A_56, %get3A_57] : memref<1x1024x1024xf32, #tpu.memory_space<vmem>>, vector<1x1024x1024xf32>
      %get3A_59 = vector.shape_cast %get3A_58 : vector<1x1024x1024xf32> to vector<1024x1024xf32>
      %convert_element_type3A_60 = arith.truncf %get3A_59 : vector<1024x1024xf32> to vector<1024x1024xbf16>
      %dot_general3A_61 = arith.constant dense<0.000000e+00> : vector<256x1024xf32>
      %dot_general3A_62 = tpu.matmul %convert_element_type3A_27, %convert_element_type3A_48, %dot_general3A_61 {dimension_numbers = #tpu.dot_dimension_numbers<[1], [0], [0], [1], [0, 0, 1, 1], [], []>, transpose_lhs_hint = false} : vector<256x1024xbf16>, vector<1024x1024xbf16>, vector<256x1024xf32> -> vector<256x1024xf32>
      %dot_general3A_63 = arith.constant dense<0.000000e+00> : vector<256x1024xf32>
      %dot_general3A_64 = tpu.matmul %convert_element_type3A_27, %convert_element_type3A_54, %dot_general3A_63 {dimension_numbers = #tpu.dot_dimension_numbers<[1], [0], [0], [1], [0, 0, 1, 1], [], []>, transpose_lhs_hint = false} : vector<256x1024xbf16>, vector<1024x1024xbf16>, vector<256x1024xf32> -> vector<256x1024xf32>
      %logistic3A = arith.negf %dot_general3A_62 : vector<256x1024xf32>
      %logistic3A_65 = math.exp %logistic3A : vector<256x1024xf32>
      %logistic3A_66 = arith.constant 1.000000e+00 : f32
      %logistic3A_67 = vector.broadcast %logistic3A_66 : f32 to vector<256x1024xf32>
      %logistic3A_68 = arith.addf %logistic3A_67, %logistic3A_65 : vector<256x1024xf32>
      %logistic3A_69 = arith.divf %logistic3A_67, %logistic3A_68 : vector<256x1024xf32>
      %mul3A_70 = arith.mulf %dot_general3A_62, %logistic3A_69 : vector<256x1024xf32>
      %mul3A_71 = arith.mulf %mul3A_70, %dot_general3A_64 : vector<256x1024xf32>
      %convert_element_type3A_72 = arith.truncf %mul3A_71 : vector<256x1024xf32> to vector<256x1024xbf16>
      %dot_general3A_73 = arith.constant dense<0.000000e+00> : vector<256x1024xf32>
      %dot_general3A_74 = tpu.matmul %convert_element_type3A_72, %convert_element_type3A_60, %dot_general3A_73 {dimension_numbers = #tpu.dot_dimension_numbers<[1], [0], [0], [1], [0, 0, 1, 1], [], []>, transpose_lhs_hint = false} : vector<256x1024xbf16>, vector<1024x1024xbf16>, vector<256x1024xf32> -> vector<256x1024xf32>
      %broadcast_in_dim3A_75 = vector.shape_cast %add3A_42 : vector<256xf32> to vector<256x1xf32>
      %mul3A_76 = vector.broadcast %broadcast_in_dim3A_75 : vector<256x1xf32> to vector<256x1024xf32>
      %mul3A_77 = arith.mulf %mul3A_76, %dot_general3A_74 : vector<256x1024xf32>
      %swap3A = arith.constant 0 : index
      %swap3A_78 = arith.constant 0 : index
      %swap3A_79 = vector.load %arg8[%swap3A, %swap3A_78] : memref<256x1024xf32, #tpu.memory_space<vmem>>, vector<256x1024xf32>
      tpu.vector_store %arg8[%swap3A, %swap3A_78], %mul3A_77 {strides = array<i32>} : memref<256x1024xf32, #tpu.memory_space<vmem>>, vector<256x1024xf32>,
    } else {
    }
    return
  }
  func.func @transform_0(%arg0: i32, %arg1: memref<128xi32, #tpu.memory_space<smem>>) -> (i32, i32) {
    %c0_i32 = arith.constant 0 : i32
    %c0_i32_0 = arith.constant 0 : i32
    %c0_i32_1 = arith.constant 0 : i32
    return %c0_i32, %c0_i32_0 : i32, i32
  }
  func.func @transform_1(%arg0: i32, %arg1: memref<128xi32, #tpu.memory_space<smem>>) -> (i32, i32) {
    %c0_i32 = arith.constant 0 : i32
    %c0_i32_0 = arith.constant 0 : i32
    %c0_i32_1 = arith.constant 0 : i32
    return %c0_i32, %c0_i32_0 : i32, i32
  }
  func.func @transform_2(%arg0: i32, %arg1: memref<128xi32, #tpu.memory_space<smem>>) -> (i32, i32) {
    %c0_i32 = arith.constant 0 : i32
    %c0_i32_0 = arith.constant 0 : i32
    %c0_i32_1 = arith.constant 0 : i32
    return %c0_i32, %c0_i32_0 : i32, i32
  }
  func.func @transform_3(%arg0: i32, %arg1: memref<128xi32, #tpu.memory_space<smem>>) -> (i32, i32, i32) {
    %get3A = arith.index_cast %arg0 : i32 to index
    %get3A_0 = memref.load %arg1[%get3A] : memref<128xi32, #tpu.memory_space<smem>>
    %c0_i32 = arith.constant 0 : i32
    %c0_i32_1 = arith.constant 0 : i32
    %c0_i32_2 = arith.constant 0 : i32
    return %get3A_0, %c0_i32, %c0_i32_1 : i32, i32, i32
  }
  func.func @transform_4(%arg0: i32, %arg1: memref<128xi32, #tpu.memory_space<smem>>) -> (i32, i32, i32) {
    %get3A = arith.index_cast %arg0 : i32 to index
    %get3A_0 = memref.load %arg1[%get3A] : memref<128xi32, #tpu.memory_space<smem>>
    %c0_i32 = arith.constant 0 : i32
    %c0_i32_1 = arith.constant 0 : i32
    %c0_i32_2 = arith.constant 0 : i32
    return %get3A_0, %c0_i32, %c0_i32_1 : i32, i32, i32
  }
  func.func @transform_5(%arg0: i32, %arg1: memref<128xi32, #tpu.memory_space<smem>>) -> (i32, i32, i32) {
    %get3A = arith.index_cast %arg0 : i32 to index
    %get3A_0 = memref.load %arg1[%get3A] : memref<128xi32, #tpu.memory_space<smem>>
    %c0_i32 = arith.constant 0 : i32
    %c0_i32_1 = arith.constant 0 : i32
    %c0_i32_2 = arith.constant 0 : i32
    return %get3A_0, %c0_i32, %c0_i32_1 : i32, i32, i32
  }
  func.func @transform_6(%arg0: i32, %arg1: memref<128xi32, #tpu.memory_space<smem>>) -> (i32, i32) {
    %c0_i32 = arith.constant 0 : i32
    %c0_i32_0 = arith.constant 0 : i32
    return %arg0, %c0_i32 : i32, i32
  }
}

</mosaic_0001>

<sc_bundles>
// kernel: kernel.5.cloned.1.call-start
scs
__scs_entry_jumppad:
0x0: {  	(pc) =	sbr.rel $0x88, $3  }
0x1: {  	(tag) =	ssettag $0x0;
	lr =	simm.s32 $0x1  }
0x2: {  	[smem:$0x3F9C] =	sst lr;
	_ =	strace $0xD0000000  }
0x3: {  	_ = 	snop  }
0x4: {  	_ = 	snop  }
0x5: {  	_ = 	snop  }
0x6: {  	_ = 	snop  }
0x7: {  	_ = 	snop  }
__scs_overlays_trampoline_lowered:
0x8: {  	[smem:$0x3FAB] =	sst s0  }
0x9: {  	[smem:$0x3FAC] =	sst s1  }
0xa: {  	[smem:$0x3FAD] =	sst s2  }
0xb: {  	[smem:$0x3FAE] =	sst s3  }
0xc: {  	[smem:$0x3FAF] =	sst s4  }
0xd: {  	[smem:$0x3FB0] =	sst s5  }
0xe: {  	[smem:$0x3FB1] =	sst s6  }
0xf: {  	[smem:$0x3FB2] =	sst s7  }
0x10: {  	[smem:$0x3FB3] =	sst s8  }
0x11: {  	[smem:$0x3FB4] =	sst s9;
	s0 =	simm.s32 @!p0 $0x0  }
0x12: {  	s1 =	sld [smem:$0x3F9A];
	s0 =	simm.s32 @p0 $0x1  }
0x13: {  	[smem:$0x3FB5] =	sst s0;
	s0 =	simm.s32 @!p1 $0x0  }
0x14: {  	s2 =	sld [smem:$0x3F99];
	s0 =	simm.s32 @p1 $0x1  }
0x15: {  	[smem:$0x3FB6] =	sst s0;
	s0 =	simm.s32 @!p2 $0x0  }
0x16: {  	s3 =	sld [smem:$0x3FDB];
	s0 =	simm.s32 @p2 $0x1  }
0x17: {  	s4 =	simm.s32 $0x1BF5;
	[smem:$0x3FB8] =	sst s0  }
0x18: {  	s0 =	sld [smem:$0x3F9B];
	_ =	swait.ge [sflag:s4], $0x0  }
0x19: {  	s7 =	sld [smem:$0x3F9C]  }
0x1a: {  	s8 =	sadd.s32 $0xFFFFE003, lr  }
0x1b: {  	s9 =	sadd.s32 $0xFFFFFEF7, lr;
	s5 =	simm.s32 $0xFFFFFFFF;
	p2 =	slt.u32 s8, $0xFFFFF086  }
0x1c: {  	p1 =	slt.u32 s9, $0xF7A;
	s5 =	simm.s32 @!p2 $0x0  }
0x1d: {  	s5 =	simm.s32 @p1 $0x1;
	p0 =	seq.s32 s7, s2  }
0x1e: {  	s7 =	smul.u32 @!p0 $0xF7A, s2;
	p2 =	seq.s32 @!p0 s5, $0x0  }
0x1f: {  	s9 =	smul.u32 $0xF7A, s1;
	s8 =	simm.s32 @!p0 $0x1BF5;
	p2 =	por !p2, p0  }
0x20: {  	[sflag:s8] =	ssyncset.s32 @!p0 $0xFFFFF086;
	s6 =	sadd.s32 @!p0 s3, s7;
	s7 =	simm.s32 @!p0 $0x108  }
0x21: {  	s3 =	sadd.s32 s3, s9;
	s6 =	sadd.s32 @!p0 $0x88, s6;
	s7 =	simm.s32 @p2 $0x1082  }
0x22: {  	[simem:s7], [sflag:s8] =	dma.local @!p0 [hbm:s6], $0xF7A  }
0x23: {  	s9 =	sor.u32 $0xD0000000, s2;
	s6 =	simm.s32 $0x108;
	_ =	swait.ge @!p0 [sflag:s8], $0x0  }
0x24: {  	s3 =	sadd.s32 $0x88, s3;
	s6 =	simm.s32 @!p1 $0x1082;
	[sflag:s4] =	ssyncset.s32 $0xFFFFF086  }
0x25: {  	[simem:s6], [sflag:s4] =	dma.local [hbm:s3], $0xF7A  }
0x26: {  	[smem:$0x3F9C] =	sst s1;
	(tag) =	ssettag s2;
	_ =	strace s9  }
0x27: {  	s1 =	sld [smem:$0x3FAC]  }
0x28: {  	s2 =	sld [smem:$0x3FAD]  }
0x29: {  	s4 =	sld [smem:$0x3FAF]  }
0x2a: {  	p0 =	seq.s32 s5, $0x0;
	s5 =	sld [smem:$0x3FB0]  }
0x2b: {  	s6 =	sld [smem:$0x3FB1]  }
0x2c: {  	s7 =	sld [smem:$0x3FB2]  }
0x2d: {  	s3 =	simm.s32 $0x108;
	s8 =	sld [smem:$0x3FB3]  }
0x2e: {  	s3 =	simm.s32 @!p0 $0x1082;
	s9 =	sld [smem:$0x3FB4]  }
0x2f: {  	lr =	sadd.s32 s0, s3;
	s0 =	sld [smem:$0x3FAB]  }
0x30: {  	s3 =	sld [smem:$0x3FAE]  }
0x31: {  	[smem:$0x3FB7] =	sst s10  }
0x32: {  	s10 =	sld [smem:$0x3FB5];
	_ =	sdelay $0x3  }
0x33: {  	p0 =	seq.s32 s10, $0x1;
	s10 =	sld [smem:$0x3FB7];
	_ =	sdelay $0x3  }
0x34: {  	[smem:$0x3FB7] =	sst s10  }
0x35: {  	s10 =	sld [smem:$0x3FB6];
	_ =	sdelay $0x3  }
0x36: {  	p1 =	seq.s32 s10, $0x1;
	s10 =	sld [smem:$0x3FB7];
	_ =	sdelay $0x3  }
0x37: {  	[smem:$0x3FB7] =	sst s10  }
0x38: {  	s10 =	sld [smem:$0x3FB8]  }
0x39: {  	_ = 	snop;
	(pc) =	sbr.ind lr, $3  }
0x3a: {  	_ = 	snop  }
0x3b: {  	_ = 	snop  }
0x3c: {  	p2 =	seq.s32 s10, $0x1;
	s10 =	sld [smem:$0x3FB7]  }
0x3d: {  	_ =	shalt  }
0x3e: {  	_ =	shalt  }
0x3f: {  	_ =	shalt  }
0x40: {  	_ =	shalt  }
0x41: {  	_ =	shalt  }
0x42: {  	_ =	shalt  }
0x43: {  	_ =	shalt  }
0x44: {  	_ =	shalt  }
0x45: {  	_ =	shalt  }
0x46: {  	_ =	shalt  }
0x47: {  	_ =	shalt  }
0x48: {  	_ =	shalt  }
0x49: {  	_ =	shalt  }
0x4a: {  	_ =	shalt  }
0x4b: {  	_ =	shalt  }
0x4c: {  	_ =	shalt  }
0x4d: {  	_ =	shalt  }
0x4e: {  	_ =	shalt  }
0x4f: {  	_ =	shalt  }
0x50: {  	_ =	shalt  }
0x51: {  	_ =	shalt  }
0x52: {  	_ =	shalt  }
0x53: {  	_ =	shalt  }
0x54: {  	_ =	shalt  }
0x55: {  	_ =	shalt  }
0x56: {  	_ =	shalt  }
0x57: {  	_ =	shalt  }
0x58: {  	_ =	shalt  }
0x59: {  	_ =	shalt  }
0x5a: {  	_ =	shalt  }
0x5b: {  	_ =	shalt  }
0x5c: {  	_ =	shalt  }
0x5d: {  	_ =	shalt  }
0x5e: {  	_ =	shalt  }
0x5f: {  	_ =	shalt  }
0x60: {  	_ =	shalt  }
0x61: {  	_ =	shalt  }
0x62: {  	_ =	shalt  }
0x63: {  	_ =	shalt  }
0x64: {  	_ =	shalt  }
0x65: {  	_ =	shalt  }
0x66: {  	_ =	shalt  }
0x67: {  	_ =	shalt  }
0x68: {  	_ =	shalt  }
0x69: {  	_ =	shalt  }
0x6a: {  	_ =	shalt  }
0x6b: {  	_ =	shalt  }
0x6c: {  	_ =	shalt  }
0x6d: {  	_ =	shalt  }
0x6e: {  	_ =	shalt  }
0x6f: {  	_ =	shalt  }
0x70: {  	_ =	shalt  }
0x71: {  	_ =	shalt  }
0x72: {  	_ =	shalt  }
0x73: {  	_ =	shalt  }
0x74: {  	_ =	shalt  }
0x75: {  	_ =	shalt  }
0x76: {  	_ =	shalt  }
0x77: {  	_ =	shalt  }
0x78: {  	_ =	shalt  }
0x79: {  	_ =	shalt  }
0x7a: {  	_ =	shalt  }
0x7b: {  	_ =	shalt  }
0x7c: {  	_ =	shalt  }
0x7d: {  	_ =	shalt  }
0x7e: {  	_ =	shalt  }
0x7f: {  	_ =	shalt  }
0x80: {  	_ =	shalt  }
0x81: {  	_ =	shalt  }
0x82: {  	_ =	shalt  }
0x83: {  	_ =	shalt  }
0x84: {  	_ =	shalt  }
0x85: {  	_ =	shalt  }
0x86: {  	_ =	shalt  }
0x87: {  	_ =	shalt  }
.Lfunc_end0:
.L_simem_size_0:
called_computation_lowered:
.L_overlay_start_0:
0x88: {  	s2 =	sld [smem:$0x3FD9]  }
0x89: {  	s3 =	sld [smem:$0x3FFE];
	_ =	sdelay $0x1  }
0x8a: {  	s1 =	srdreg.scid  }
0x8b: {  	s0 =	sand.u32 $0x1, s1  }
0x8c: {  	s17 =	sshll.u32 s0, $0xA;
	s2 =	sadd.s32 s3, s2  }
0x8d: {  	s2 =	sadd.s32 s2, s17  }
0x8e: {  	[smem:$0x3FC3] =	sst s2  }
0x8f: {  	_ = 	snop  }
0x90: {  	s2 =	sld [smem:$0x3FD0];
	(tm) =	ssettm $0x1  }
0x91: {  	s18 =	sld [smem:$0x3FFB];
	_ =	sdelay $0x3  }
0x92: {  	_ =	strace s18  }
0x93: {  	s3 =	sld [smem:$0x3FFC];
	_ =	sdelay $0x3  }
0x94: {  	_ =	strace s3  }
0x95: {  	s3 =	sld [smem:$0x3FFD];
	_ =	sdelay $0x3  }
0x96: {  	_ =	strace s3  }
0x97: {  	_ =	strace $0x8FFFFFFF  }
0x98: {  	s19 =	sld [smem:$0x3FDB];
	_ =	sdelay $0x1  }
0x99: {  	s4 =	simm.s32 $_scs_section_size  }
0x9a: {  	s5 =	simm.s32 $_size__tile_overlayer_lowered;
	s6 =	simm.s32 $_tile_overlayer_lowered  }
0x9b: {  	s22 =	simm.s32 $0x1BFF;
	s21 =	sshll.u32 s6, $0x1;
	s3 =	sadd.s32 s4, s19  }
0x9c: {  	s7 =	simm.s32 $0x0;
	s20 =	sshll.u32 s5, $0x1;
	s5 =	sadd.s32 s21, s3  }
0x9d: {  	[timem:s7], [sflag:s22] =	dma.local [hbm:s5], s20  }
0x9e: {  	_ =	swait.ge [sflag:s22], s20  }
0x9f: {  	s4 =	ssub.s32 $0x0, s20;
	[sflag:s22] =	ssyncset.done $0x0  }
0xa0: {  	[sflag:s22] =	ssyncadd.s32 s4;
	_ =	sdelay $0x1  }
0xa1: {  	s23 =	simm.s32 $0x1B8B  }
0xa2: {  	_ =	swait.ge [sflag:s23], $0x1  }
0xa3: {  	[sflag:s23] =	ssyncset.done $0x0  }
0xa4: {  	s25 =	simm.s32 $0x1B8E;
	s24 =	sld [smem:$0x3FFE];
	[sflag:s23] =	ssyncadd.s32 $0xFFFFFFFF  }
0xa5: {  	s26 =	simm.s32 $execute0_lowered;
	[smem:$0x3FD2] =	sst s25  }
0xa6: {  	s5 =	sshll.u32 s26, $0x1;
	_ =	strace $0x80000046;
	[dreg:$0x1] =	wrdreg $0xFFFFFFFF  }
0xa7: {  	s28 =	simm.s32 $_size_execute0_lowered;
	s3 =	sadd.s32 s3, s5;
	[dreg:$0x0] =	wrdreg $0x0  }
0xa8: {  	s5 =	sshll.u32 s28, $0x1;
	[dreg:$0x2] =	wrdreg s3  }
0xa9: {  	[dreg:$0x3] =	wrdreg s5  }
0xaa: {  	[dreg:$0x4] =	wrdreg $0xC0  }
0xab: {  	_ =	task [dreg:s7], $0x5FFFF  }
0xac: {  	[dreg:$0x1] =	wrdreg $0xFFFFFFFF  }
0xad: {  	[dreg:$0x0] =	wrdreg $0x60  }
0xae: {  	[dreg:$0x2] =	wrdreg s24  }
0xaf: {  	[dreg:$0x3] =	wrdreg s2  }
0xb0: {  	[dreg:$0x4] =	wrdreg $0x9  }
0xb1: {  	_ =	task.clear_ibuf [dreg:s7], $0x5FFFF;
	_ =	strace $0x90000046  }
0xb2: {  	s29 =	simm.s32 $0x9;
	_ =	strace $0x80000048  }
0xb3: {  	_ =	swait.ge [sflag:s29], $0x1  }
0xb4: {  	[sflag:s29] =	ssyncadd.s32 $0xFFFFFFFF  }
0xb5: {  	_ =	strace $0x90000048  }
0xb6: {  	_ =	sfence  }
0xb7: {  	s30 =	sld [smem:$0x0];
	_ =	sdelay $0x2  }
0xb8: {  	s31 =	sshll.u32 s1, $0xD;
	s1 =	sshrl.u32 s1, $0x2  }
0xb9: {  	s3 =	sand.u32 $0x4000, s31;
	s1 =	sadd.s32 s1, s30  }
0xba: {  	s0 =	sor.u32 s3, s0;
	s1 =	sshll.u32 s1, $0x11  }
0xbb: {  	s0 =	sor.u32 s1, s0  }
0xbc: {  	s0 =	sadd.s32 $0x8F2B, s0  }
0xbd: {  	[sflag:s0] =	ssyncadd.remote.s32 $0x1  }
0xbe: {  	_ =	sfence.sel $0xFFFF  }
0xbf: {  	[dreg:$0x0] =	wrdreg $0xFFFFFFFF;
	(pc) =	sbr.abs _section_cstart, $3  }
0xc0: {  	[dreg:$0x1] =	wrdreg $0xFFFFFFFF  }
0xc1: {  	_ =	task.clear_ibuf [dreg:s7], $0x2FFFF;
	_ =	strace $0x9FFFFFFF  }
0xc2: {  	(tm) =	ssettm $0x7FFFFFFF  }
0xc3: {  	_ =	shalt  }
tec
execute0_lowered:
.L_overlay_start_1:
0x0: {  	(tag) =	ssettag $0x1  }
0x1: {  	s0 =	rddreg [dreg:$0x0];
	s1 =	srdreg.scid  }
0x2: {  	s2 =	stileid.u32;
	s4 =	rddreg [dreg:$0x1]  }
0x3: {  	s14 =	simm.s32 $0x5;
	s20 =	simm.s32 $0x6C00;
	s21 =	simm.s32 $0x7400  }
0x4: {  	s28 =	simm.s32 $0xF400;
	s29 =	simm.s32 $0xFC00;
	s30 =	simm.s32 $0x10400  }
0x5: {  	s31 =	simm.s32 $0x2;
	s10 =	simm.s32 $0x3;
	s11 =	simm.s32 $0x4  }
0x6: {  	s15 =	simm.s32 $0x0;
	s1 =	sand.u32 $0x1, s1;
	s3 =	sshll.u32 s2, $0x1  }
0x7: {  	s2 =	simm.s32 $0x0;
	s8 =	sadd.s32 $0x1500, s0;
	s5 =	sor.u32 s1, s3  }
0x8: {  	[smem:$0x7FF] =	sst s2;
	s1 =	ssub.s32 $0x2, s1;
	s3 =	sshll.u32 s5, $0x6  }
0x9: {  	_ =	strace $0x80000047;
	s7 =	sshrl.u32 s1, $0x1;
	s6 =	sadd.s32 s3, s0  }
0xa: {  	s5 =	sshll.u32 s5, $0xD;
	s3 =	sadd.s32 $0x1200, s0;
	s22 =	sadd.s32 $0xA00, s6  }
0xb: {  	s9 =	sadd.s32 s4, s5;
	s6 =	sadd.s32 $0x200, s6;
	[dreg:$0x3] =	wrdreg s22  }
0xc: {  	s1 =	ssub.s32 s1, s7;
	s23 =	sadd.s32 $0x800, s9;
	[dreg:$0x4] =	wrdreg s6  }
0xd: {  	s7 =	sadd.s32 $0x1400, s0;
	s24 =	sadd.s32 $0x1000, s9;
	[dreg:$0x5] =	wrdreg s23  }
0xe: {  	s4 =	simm.s32 $0xD400;
	s25 =	sadd.s32 $0x1800, s9;
	[dreg:$0x6] =	wrdreg s24  }
0xf: {  	s5 =	simm.s32 $0xE400;
	s26 =	smax.u32 s1, $0x1;
	[dreg:$0x7] =	wrdreg s25  }
0x10: {  	v2 =	vlaneseq.u32;
	s1 =	simm.s32 $0x14400;
	s6 =	sadd.s32 $0x1300, s0;
	[dreg:$0x8] =	wrdreg s26  }
0x11: {  	vm0 =	vmmov $0xffff;
	v1 =	vshrl.u32 v2, $0x3;
	s0 =	simm.s32 $0x1;
	s22 =	simm.s32 $0x7C00;
	s23 =	simm.s32 $0xC400  }
0x12: {  	v0 =	vand.u32 $0x7, v2;
	v2 =	vor.u32 $0x8, v2;
	v1 =	vmul.u32 $0x8, v1;
	s24 =	simm.s32 $0xCC00;
	s25 =	simm.s32 $0xDC00;
	s26 =	simm.s32 $0xEC00  }
.LBB2_1:
0x13: {  	s12 =	rddreg [dreg:$0x3]  }
0x14: {  	[tilespmem:s2], [sflag:$0x5] =	stream.linear.gather [hbm4b:s12+s2], $0x200, $0x38;
	[tilespmem:$0x18400] =	vst v63  }
0x15: {  	_ =	swait.ge [sflag:s14], $0x200  }
0x16: {  	[sflag:s14] =	ssyncset.done $0x0  }
0x17: {  	s13 =	simm.s32 $0x200;
	s18 =	rddreg [dreg:$0x4];
	[sflag:s14] =	ssyncadd.s32 $0xFFFFFE00  }
0x18: {  	[tilespmem:s13], [sflag:$0x5] =	stream.linear.gather [hbm4b:s18+s2], $0x200, $0x38;
	[tilespmem:$0x18400] =	vst v63  }
0x19: {  	_ =	swait.ge [sflag:s14], $0x200  }
0x1a: {  	[sflag:s14] =	ssyncset.done $0x0  }
0x1b: {  	[sflag:s14] =	ssyncadd.s32 $0xFFFFFE00  }
0x1c: {  	v3 =	vld [tilespmem:$0x0];
	_ =	sdelay $0x4  }
0x1d: {  	v4 =	vshll.u32 v3, $0x3  }
0x1e: {  	v3 =	vand.u32 $0x7, v3;
	v4 =	vand.u32 $0xFFFFFFC0, v4  }
0x1f: {  	v3 =	vor.u32 v3, v4  }
0x20: {  	v4 =	vperm.xlane v3, v0;
	_ =	sdelay $0x1  }
0x21: {  	v4 =	vadd.s32 v1, v4;
	_ =	sdelay $0x3  }
0x22: {  	s19 =	simm.s32 $0x400  }
0x23: {  	[tilespmem:s19], [sflag:$0x1] =	stream.indirect_vreg.gather [hbm4b:s3+s2], $0x80, v4, vm0, $0xb8;
	[tilespmem:$0x18400] =	vst v63  }
0x24: {  	s13 =	simm.s32 $0xC00;
	v3 =	vperm.xlane v3, v2  }
0x25: {  	[tilespmem:s13], [sflag:$0x1] =	stream.indirect_vreg.gather [hbm4b:s6+s2], $0x80, v4, vm0, $0xb8;
	[tilespmem:$0x18400] =	vst v63  }
0x26: {  	s16 =	simm.s32 $0x1400;
	v3 =	vadd.s32 v1, v3  }
0x27: {  	[tilespmem:s16], [sflag:$0x1] =	stream.indirect_vreg.gather [hbm4b:s7+s2], $0x80, v4, vm0, $0xb8;
	[tilespmem:$0x18400] =	vst v63  }
0x28: {  	s17 =	simm.s32 $0x1C00  }
0x29: {  	[tilespmem:s17], [sflag:$0x1] =	stream.indirect_vreg.gather [hbm4b:s8+s2], $0x80, v4, vm0, $0xb8;
	[tilespmem:$0x18400] =	vst v63  }
0x2a: {  	s18 =	simm.s32 $0x2400  }
0x2b: {  	[tilespmem:s18], [sflag:$0x1] =	stream.indirect_vreg.gather [hbm4b:s3+s2], $0x80, v3, vm0, $0xb8;
	[tilespmem:$0x18400] =	vst v63  }
0x2c: {  	s19 =	simm.s32 $0x2C00  }
0x2d: {  	[tilespmem:s19], [sflag:$0x1] =	stream.indirect_vreg.gather [hbm4b:s6+s2], $0x80, v3, vm0, $0xb8;
	[tilespmem:$0x18400] =	vst v63  }
0x2e: {  	s13 =	simm.s32 $0x3400  }
0x2f: {  	[tilespmem:s13], [sflag:$0x1] =	stream.indirect_vreg.gather [hbm4b:s7+s2], $0x80, v3, vm0, $0xb8;
	[tilespmem:$0x18400] =	vst v63  }
0x30: {  	s16 =	simm.s32 $0x3C00  }
0x31: {  	[tilespmem:s16], [sflag:$0x1] =	stream.indirect_vreg.gather [hbm4b:s8+s2], $0x80, v3, vm0, $0xb8;
	[tilespmem:$0x18400] =	vst v63  }
0x32: {  	v3 =	vld [tilespmem:$0x200];
	_ =	sdelay $0x4  }
0x33: {  	v61 =	vshll.u32 v3, $0x3  }
0x34: {  	v3 =	vand.u32 $0x7, v3;
	v4 =	vand.u32 $0xFFFFFFC0, v61  }
0x35: {  	v3 =	vor.u32 v3, v4  }
0x36: {  	v4 =	vperm.xlane v3, v0;
	_ =	sdelay $0x1  }
0x37: {  	v4 =	vadd.s32 v1, v4;
	_ =	sdelay $0x3  }
0x38: {  	s17 =	simm.s32 $0x8400  }
0x39: {  	[tilespmem:s17], [sflag:$0x1] =	stream.indirect_vreg.gather [hbm4b:s3+s2], $0x80, v4, vm0, $0xb8;
	[tilespmem:$0x18400] =	vst v63  }
0x3a: {  	s18 =	simm.s32 $0x8C00;
	v3 =	vperm.xlane v3, v2  }
0x3b: {  	[tilespmem:s18], [sflag:$0x1] =	stream.indirect_vreg.gather [hbm4b:s6+s2], $0x80, v4, vm0, $0xb8;
	[tilespmem:$0x18400] =	vst v63  }
0x3c: {  	s19 =	simm.s32 $0x9400;
	v3 =	vadd.s32 v1, v3  }
0x3d: {  	[tilespmem:s19], [sflag:$0x1] =	stream.indirect_vreg.gather [hbm4b:s7+s2], $0x80, v4, vm0, $0xb8;
	[tilespmem:$0x18400] =	vst v63  }
0x3e: {  	s13 =	simm.s32 $0x9C00  }
0x3f: {  	[tilespmem:s13], [sflag:$0x1] =	stream.indirect_vreg.gather [hbm4b:s8+s2], $0x80, v4, vm0, $0xb8;
	[tilespmem:$0x18400] =	vst v63  }
0x40: {  	s16 =	simm.s32 $0xA400  }
0x41: {  	[tilespmem:s16], [sflag:$0x1] =	stream.indirect_vreg.gather [hbm4b:s3+s2], $0x80, v3, vm0, $0xb8;
	[tilespmem:$0x18400] =	vst v63  }
0x42: {  	s17 =	simm.s32 $0xAC00  }
0x43: {  	[tilespmem:s17], [sflag:$0x1] =	stream.indirect_vreg.gather [hbm4b:s6+s2], $0x80, v3, vm0, $0xb8;
	[tilespmem:$0x18400] =	vst v63  }
0x44: {  	s18 =	simm.s32 $0xB400  }
0x45: {  	[tilespmem:s18], [sflag:$0x1] =	stream.indirect_vreg.gather [hbm4b:s7+s2], $0x80, v3, vm0, $0xb8;
	[tilespmem:$0x18400] =	vst v63  }
0x46: {  	s19 =	simm.s32 $0xBC00  }
0x47: {  	[tilespmem:s19], [sflag:$0x1] =	stream.indirect_vreg.gather [hbm4b:s8+s2], $0x80, v3, vm0, $0xb8;
	[tilespmem:$0x18400] =	vst v63  }
0x48: {  	_ =	swait.ge [sflag:s0], $0x4000  }
0x49: {  	[sflag:s0] =	ssyncset.done $0x0  }
0x4a: {  	[sflag:s0] =	ssyncadd.s32 $0xFFFFC000  }
0x4b: {  	_ =	swait.ge [sflag:s0], $0x4000  }
0x4c: {  	[sflag:s0] =	ssyncset.done $0x0  }
0x4d: {  	[sflag:s0] =	ssyncadd.s32 $0xFFFFC000  }
0x4e: {  	v3 =	vld [tilespmem:$0x80];
	_ =	sdelay $0x4  }
0x4f: {  	v62 =	vshll.u32 v3, $0x3  }
0x50: {  	v3 =	vand.u32 $0x7, v3;
	v4 =	vand.u32 $0xFFFFFFC0, v62  }
0x51: {  	v3 =	vor.u32 v3, v4  }
0x52: {  	v4 =	vperm.xlane v3, v0;
	_ =	sdelay $0x1  }
0x53: {  	v4 =	vadd.s32 v1, v4;
	_ =	sdelay $0x3  }
0x54: {  	s13 =	simm.s32 $0x4400  }
0x55: {  	[tilespmem:s13], [sflag:$0x2] =	stream.indirect_vreg.gather [hbm4b:s3+s2], $0x80, v4, vm0, $0xb8;
	[tilespmem:$0x18400] =	vst v63  }
0x56: {  	s16 =	simm.s32 $0x4C00;
	v3 =	vperm.xlane v3, v2  }
0x57: {  	[tilespmem:s16], [sflag:$0x2] =	stream.indirect_vreg.gather [hbm4b:s6+s2], $0x80, v4, vm0, $0xb8;
	[tilespmem:$0x18400] =	vst v63  }
0x58: {  	s17 =	simm.s32 $0x5400;
	v3 =	vadd.s32 v1, v3  }
0x59: {  	[tilespmem:s17], [sflag:$0x2] =	stream.indirect_vreg.gather [hbm4b:s7+s2], $0x80, v4, vm0, $0xb8;
	[tilespmem:$0x18400] =	vst v63  }
0x5a: {  	s18 =	simm.s32 $0x5C00  }
0x5b: {  	[tilespmem:s18], [sflag:$0x2] =	stream.indirect_vreg.gather [hbm4b:s8+s2], $0x80, v4, vm0, $0xb8;
	[tilespmem:$0x18400] =	vst v63  }
0x5c: {  	s19 =	simm.s32 $0x6400  }
0x5d: {  	[tilespmem:s19], [sflag:$0x2] =	stream.indirect_vreg.gather [hbm4b:s3+s2], $0x80, v3, vm0, $0xb8;
	[tilespmem:$0x18400] =	vst v63  }
0x5e: {  	_ = 	snop  }
0x5f: {  	[tilespmem:s20], [sflag:$0x2] =	stream.indirect_vreg.gather [hbm4b:s6+s2], $0x80, v3, vm0, $0xb8;
	[tilespmem:$0x18400] =	vst v63  }
0x60: {  	_ = 	snop  }
0x61: {  	[tilespmem:s21], [sflag:$0x2] =	stream.indirect_vreg.gather [hbm4b:s7+s2], $0x80, v3, vm0, $0xb8;
	[tilespmem:$0x18400] =	vst v63  }
0x62: {  	_ = 	snop  }
0x63: {  	[tilespmem:s22], [sflag:$0x2] =	stream.indirect_vreg.gather [hbm4b:s8+s2], $0x80, v3, vm0, $0xb8;
	[tilespmem:$0x18400] =	vst v63  }
0x64: {  	v3 =	vld [tilespmem:$0x280];
	_ =	sdelay $0x4  }
0x65: {  	v63 =	vshll.u32 v3, $0x3  }
0x66: {  	v3 =	vand.u32 $0x7, v3;
	v4 =	vand.u32 $0xFFFFFFC0, v63  }
0x67: {  	v3 =	vor.u32 v3, v4  }
0x68: {  	v4 =	vperm.xlane v3, v0;
	_ =	sdelay $0x1  }
0x69: {  	v4 =	vadd.s32 v1, v4;
	_ =	sdelay $0x4  }
0x6a: {  	[tilespmem:s23], [sflag:$0x2] =	stream.indirect_vreg.gather [hbm4b:s3+s2], $0x80, v4, vm0, $0xb8;
	[tilespmem:$0x18400] =	vst v63  }
0x6b: {  	v3 =	vperm.xlane v3, v2  }
0x6c: {  	[tilespmem:s24], [sflag:$0x2] =	stream.indirect_vreg.gather [hbm4b:s6+s2], $0x80, v4, vm0, $0xb8;
	[tilespmem:$0x18400] =	vst v63  }
0x6d: {  	v3 =	vadd.s32 v1, v3  }
0x6e: {  	[tilespmem:s4], [sflag:$0x2] =	stream.indirect_vreg.gather [hbm4b:s7+s2], $0x80, v4, vm0, $0xb8;
	[tilespmem:$0x18400] =	vst v63  }
0x6f: {  	_ = 	snop  }
0x70: {  	[tilespmem:s25], [sflag:$0x2] =	stream.indirect_vreg.gather [hbm4b:s8+s2], $0x80, v4, vm0, $0xb8;
	[tilespmem:$0x18400] =	vst v63  }
0x71: {  	_ = 	snop  }
0x72: {  	[tilespmem:s5], [sflag:$0x2] =	stream.indirect_vreg.gather [hbm4b:s3+s2], $0x80, v3, vm0, $0xb8;
	[tilespmem:$0x18400] =	vst v63  }
0x73: {  	_ = 	snop  }
0x74: {  	[tilespmem:s26], [sflag:$0x2] =	stream.indirect_vreg.gather [hbm4b:s6+s2], $0x80, v3, vm0, $0xb8;
	[tilespmem:$0x18400] =	vst v63  }
0x75: {  	s12 =	simm.s32 $0xFFFFC000  }
0x76: {  	[tilespmem:s28], [sflag:$0x2] =	stream.indirect_vreg.gather [hbm4b:s7+s2], $0x80, v3, vm0, $0xb8;
	[tilespmem:$0x18400] =	vst v63  }
0x77: {  	s13 =	simm.s32 $0x0;
	s16 =	simm.s32 $0x0;
	s17 =	simm.s32 $0x0  }
0x78: {  	[tilespmem:s29], [sflag:$0x2] =	stream.indirect_vreg.gather [hbm4b:s8+s2], $0x80, v3, vm0, $0xb8;
	[tilespmem:$0x18400] =	vst v63  }
.LBB2_2:
0x79: {  	s18 =	sadd.s32 $0x4000, s12  }
0x7a: {  	s19 =	sand.u32 $0x380, s17;
	s18 =	sand.u32 $0x2000, s18  }
0x7b: {  	s18 =	sor.u32 s19, s18  }
0x7c: {  	v3 =	vld [tilespmem:s18+$0x400]  }
0x7d: {  	v4 =	vld [tilespmem:s18+$0x8400]  }
0x7e: {  	v5 =	vld [tilespmem:s18+$0x410]  }
0x7f: {  	v6 =	vld [tilespmem:s18+$0x8410]  }
0x80: {  	v7 =	vld [tilespmem:s18+$0x420]  }
0x81: {  	v8 =	vld [tilespmem:s18+$0x8420]  }
0x82: {  	v9 =	vld [tilespmem:s18+$0x430]  }
0x83: {  	v10 =	vld [tilespmem:s18+$0x8430]  }
0x84: {  	v11 =	vld [tilespmem:s18+$0x440]  }
0x85: {  	v12 =	vld [tilespmem:s18+$0x8440]  }
0x86: {  	v13 =	vld [tilespmem:s18+$0x450]  }
0x87: {  	v14 =	vld [tilespmem:s18+$0x8450]  }
0x88: {  	v15 =	vld [tilespmem:s18+$0x460]  }
0x89: {  	v16 =	vld [tilespmem:s18+$0x8460]  }
0x8a: {  	v17 =	vld [tilespmem:s18+$0x470]  }
0x8b: {  	v18 =	vld [tilespmem:s18+$0x8470]  }
0x8c: {  	v19 =	vld [tilespmem:s18+$0x800]  }
0x8d: {  	v20 =	vld [tilespmem:s18+$0x8800]  }
0x8e: {  	v21 =	vld [tilespmem:s18+$0x810]  }
0x8f: {  	v22 =	vld [tilespmem:s18+$0x8810]  }
0x90: {  	v23 =	vld [tilespmem:s18+$0x820]  }
0x91: {  	v24 =	vld [tilespmem:s18+$0x8820]  }
0x92: {  	v25 =	vld [tilespmem:s18+$0x830]  }
0x93: {  	v26 =	vld [tilespmem:s18+$0x8830]  }
0x94: {  	v27 =	vld [tilespmem:s18+$0x840]  }
0x95: {  	v28 =	vld [tilespmem:s18+$0x8840]  }
0x96: {  	v29 =	vld [tilespmem:s18+$0x850]  }
0x97: {  	v30 =	vld [tilespmem:s18+$0x8850]  }
0x98: {  	v31 =	vld [tilespmem:s18+$0x860]  }
0x99: {  	v32 =	vld [tilespmem:s18+$0x8860]  }
0x9a: {  	v33 =	vld [tilespmem:s18+$0x870]  }
0x9b: {  	v34 =	vld [tilespmem:s18+$0x8870]  }
0x9c: {  	v35 =	vld [tilespmem:s18+$0xC00]  }
0x9d: {  	v36 =	vld [tilespmem:s18+$0x8C00]  }
0x9e: {  	v37 =	vld [tilespmem:s18+$0xC10]  }
0x9f: {  	v38 =	vld [tilespmem:s18+$0x8C10]  }
0xa0: {  	v39 =	vld [tilespmem:s18+$0xC20]  }
0xa1: {  	v40 =	vld [tilespmem:s18+$0x8C20]  }
0xa2: {  	v41 =	vld [tilespmem:s18+$0xC30]  }
0xa3: {  	v42 =	vld [tilespmem:s18+$0x8C30]  }
0xa4: {  	v43 =	vld [tilespmem:s18+$0xC40]  }
0xa5: {  	v44 =	vld [tilespmem:s18+$0x8C40]  }
0xa6: {  	v45 =	vld [tilespmem:s18+$0xC50]  }
0xa7: {  	v46 =	vld [tilespmem:s18+$0x8C50]  }
0xa8: {  	v47 =	vld [tilespmem:s18+$0xC60]  }
0xa9: {  	v48 =	vld [tilespmem:s18+$0x8C60]  }
0xaa: {  	v49 =	vld [tilespmem:s18+$0xC70]  }
0xab: {  	v50 =	vld [tilespmem:s18+$0x8C70]  }
0xac: {  	v51 =	vld [tilespmem:s18+$0x1000]  }
0xad: {  	v52 =	vld [tilespmem:s18+$0x9000]  }
0xae: {  	v53 =	vld [tilespmem:s18+$0x1010]  }
0xaf: {  	v54 =	vld [tilespmem:s18+$0x9010]  }
0xb0: {  	v55 =	vld [tilespmem:s18+$0x1020]  }
0xb1: {  	v56 =	vld [tilespmem:s18+$0x9020]  }
0xb2: {  	v57 =	vld [tilespmem:s18+$0x1030]  }
0xb3: {  	v58 =	vld [tilespmem:s18+$0x9030]  }
0xb4: {  	v59 =	vld [tilespmem:s18+$0x1040]  }
0xb5: {  	v60 =	vld [tilespmem:s18+$0x9040]  }
0xb6: {  	v61 =	vld [tilespmem:s18+$0x1050]  }
0xb7: {  	v62 =	vld [tilespmem:s18+$0x9050]  }
0xb8: {  	v63 =	vld [tilespmem:s18+$0x1060]  }
0xb9: {  	v3 =	vadd.f32 v4, v3;
	v4 =	vld [tilespmem:s18+$0x9060]  }
0xba: {  	v5 =	vadd.f32 v6, v5;
	v6 =	vld [tilespmem:s18+$0x1070]  }
0xbb: {  	v14 =	vadd.f32 v14, v13;
	v13 =	vld [tilespmem:s18+$0x9420];
	[tilespmem:s18+$0x10400] =	vst v3  }
0xbc: {  	v18 =	vadd.f32 v18, v17;
	v17 =	vld [tilespmem:s18+$0x9440];
	v3 =	vadd.f32 v8, v7;
	[tilespmem:s18+$0x10410] =	vst v5  }
0xbd: {  	v22 =	vadd.f32 v22, v21;
	v21 =	vld [tilespmem:s18+$0x9460];
	[tilespmem:s18+$0x10450] =	vst v14  }
0xbe: {  	v7 =	vld [tilespmem:s18+$0x9070];
	[tilespmem:s18+$0x10420] =	vst v3;
	v3 =	vadd.f32 v12, v11  }
0xbf: {  	v8 =	vld [tilespmem:s18+$0x1400];
	[tilespmem:s18+$0x10470] =	vst v18  }
0xc0: {  	v5 =	vadd.f32 v10, v9;
	v9 =	vld [tilespmem:s18+$0x9400];
	[tilespmem:s18+$0x10440] =	vst v3;
	v3 =	vadd.f32 v16, v15  }
0xc1: {  	v26 =	vadd.f32 v26, v25;
	v10 =	vld [tilespmem:s18+$0x1410];
	[tilespmem:s18+$0x10810] =	vst v22  }
0xc2: {  	v14 =	vld [tilespmem:s18+$0x1430];
	[tilespmem:s18+$0x10460] =	vst v3;
	v3 =	vadd.f32 v20, v19  }
0xc3: {  	v30 =	vadd.f32 v30, v29;
	[tilespmem:s18+$0x10830] =	vst v26;
	v18 =	vld [tilespmem:s18+$0x1450]  }
0xc4: {  	v19 =	vld [tilespmem:s18+$0x9450];
	[tilespmem:s18+$0x10800] =	vst v3;
	v3 =	vadd.f32 v24, v23  }
0xc5: {  	v34 =	vadd.f32 v34, v33;
	[tilespmem:s18+$0x10850] =	vst v30;
	v22 =	vld [tilespmem:s18+$0x1470]  }
0xc6: {  	v11 =	vld [tilespmem:s18+$0x9410];
	[tilespmem:s18+$0x10820] =	vst v3;
	v3 =	vadd.f32 v28, v27  }
0xc7: {  	[tilespmem:s18+$0x10870] =	vst v34;
	v12 =	vld [tilespmem:s18+$0x1420]  }
0xc8: {  	v15 =	vld [tilespmem:s18+$0x9430];
	[tilespmem:s18+$0x10840] =	vst v3;
	v3 =	vadd.f32 v32, v31  }
0xc9: {  	[tilespmem:s18+$0x10430] =	vst v5;
	v16 =	vld [tilespmem:s18+$0x1440];
	v19 =	vadd.f32 v19, v18  }
0xca: {  	v20 =	vld [tilespmem:s18+$0x1460];
	[tilespmem:s18+$0x10860] =	vst v3;
	v3 =	vadd.f32 v36, v35  }
0xcb: {  	v24 =	vld [tilespmem:s18+$0x1800];
	[tilespmem:s18+$0x11450] =	vst v19;
	v36 =	vadd.f32 v38, v37  }
0xcc: {  	v37 =	vld [tilespmem:s18+$0x9470];
	[tilespmem:s18+$0x10C00] =	vst v3;
	v3 =	vadd.f32 v40, v39  }
0xcd: {  	v38 =	vadd.f32 v42, v41;
	v41 =	vld [tilespmem:s18+$0x1810];
	[tilespmem:s18+$0x10C10] =	vst v36  }
0xce: {  	v42 =	vld [tilespmem:s18+$0x9810];
	[tilespmem:s18+$0x10C20] =	vst v3;
	v3 =	vadd.f32 v44, v43  }
0xcf: {  	v35 =	vld [tilespmem:s18+$0x1C10];
	[tilespmem:s18+$0x10C30] =	vst v38;
	v40 =	vadd.f32 v46, v45  }
0xd0: {  	v39 =	vld [tilespmem:s18+$0x9800];
	[tilespmem:s18+$0x10C40] =	vst v3;
	v3 =	vadd.f32 v48, v47  }
0xd1: {  	v45 =	vld [tilespmem:s18+$0x9820];
	v46 =	vadd.f32 v54, v53;
	[tilespmem:s18+$0x10C50] =	vst v40  }
0xd2: {  	v53 =	vld [tilespmem:s18+$0x1850];
	[tilespmem:s18+$0x10C60] =	vst v3;
	v3 =	vadd.f32 v52, v51  }
0xd3: {  	v54 =	vld [tilespmem:s18+$0x9850];
	v43 =	vadd.f32 v50, v49;
	[tilespmem:s18+$0x11010] =	vst v46  }
0xd4: {  	v36 =	vld [tilespmem:s18+$0x9C10];
	[tilespmem:s18+$0x11000] =	vst v3;
	v3 =	vadd.f32 v56, v55  }
0xd5: {  	v38 =	vld [tilespmem:s18+$0x1C20];
	v49 =	vadd.f32 v58, v57;
	[tilespmem:s18+$0x10C70] =	vst v43  }
0xd6: {  	v44 =	vld [tilespmem:s18+$0x1820];
	[tilespmem:s18+$0x11020] =	vst v3;
	v3 =	vadd.f32 v60, v59  }
0xd7: {  	v50 =	vld [tilespmem:s18+$0x1840];
	v58 =	vadd.f32 v11, v10;
	[tilespmem:s18+$0x11030] =	vst v49  }
0xd8: {  	v57 =	vld [tilespmem:s18+$0x9860];
	[tilespmem:s18+$0x11040] =	vst v3;
	v3 =	vadd.f32 v4, v63  }
0xd9: {  	v46 =	vld [tilespmem:s18+$0x1C50];
	v37 =	vadd.f32 v37, v22;
	[tilespmem:s18+$0x11410] =	vst v58  }
0xda: {  	v40 =	vadd.f32 v42, v41;
	v41 =	vld [tilespmem:s18+$0x1C30];
	[tilespmem:s18+$0x11060] =	vst v3;
	v3 =	vadd.f32 v9, v8  }
0xdb: {  	v42 =	vld [tilespmem:s18+$0x9C30];
	[tilespmem:s18+$0x11470] =	vst v37  }
0xdc: {  	v47 =	vld [tilespmem:s18+$0x1830];
	[tilespmem:s18+$0x11400] =	vst v3;
	v3 =	vadd.f32 v13, v12  }
0xdd: {  	v48 =	vld [tilespmem:s18+$0x9830];
	[tilespmem:s18+$0x11810] =	vst v40;
	v52 =	vadd.f32 v62, v61  }
0xde: {  	v49 =	vld [tilespmem:s18+$0x1C60];
	[tilespmem:s18+$0x11420] =	vst v3;
	v3 =	vadd.f32 v17, v16  }
0xdf: {  	v51 =	vld [tilespmem:s18+$0x9840];
	v61 =	vadd.f32 v15, v14;
	[tilespmem:s18+$0x11050] =	vst v52  }
0xe0: {  	v62 =	vld [tilespmem:s18+$0x1C00];
	[tilespmem:s18+$0x11440] =	vst v3;
	v3 =	vadd.f32 v21, v20  }
0xe1: {  	v55 =	vadd.f32 v7, v6;
	v56 =	vld [tilespmem:s18+$0x1860];
	[tilespmem:s18+$0x11430] =	vst v61  }
0xe2: {  	v52 =	vld [tilespmem:s18+$0x1C70];
	[tilespmem:s18+$0x11460] =	vst v3;
	v3 =	vadd.f32 v39, v24  }
0xe3: {  	v43 =	vadd.f32 v48, v47;
	v47 =	vld [tilespmem:s18+$0x9C50];
	[tilespmem:s18+$0x11070] =	vst v55  }
0xe4: {  	v59 =	vld [tilespmem:s18+$0x1870];
	[tilespmem:s18+$0x11800] =	vst v3;
	v3 =	vadd.f32 v45, v44  }
0xe5: {  	[tilespmem:s18+$0x11830] =	vst v43;
	v63 =	vld [tilespmem:s18+$0x9C00];
	v4 =	vadd.f32 v54, v53  }
0xe6: {  	v60 =	vld [tilespmem:s18+$0x9870];
	[tilespmem:s18+$0x11820] =	vst v3;
	v3 =	vadd.f32 v51, v50  }
0xe7: {  	v54 =	vadd.f32 v42, v41;
	[tilespmem:s18+$0x11850] =	vst v4;
	v39 =	vld [tilespmem:s18+$0x9C20]  }
0xe8: {  	v44 =	vld [tilespmem:s18+$0x1C40];
	[tilespmem:s18+$0x11840] =	vst v3;
	v3 =	vadd.f32 v57, v56  }
0xe9: {  	[tilespmem:s18+$0x11C30] =	vst v54;
	v55 =	vadd.f32 v47, v46;
	v45 =	vld [tilespmem:s18+$0x9C40]  }
0xea: {  	v53 =	vld [tilespmem:s18+$0x9C70];
	[tilespmem:s18+$0x11860] =	vst v3;
	v3 =	vadd.f32 v63, v62  }
0xeb: {  	v48 =	vadd.f32 v60, v59;
	[tilespmem:s18+$0x11C50] =	vst v55;
	v50 =	vld [tilespmem:s18+$0x9C60]  }
0xec: {  	[tilespmem:s18+$0x11C00] =	vst v3;
	v3 =	vadd.f32 v39, v38  }
0xed: {  	[tilespmem:s18+$0x11870] =	vst v48;
	v51 =	vadd.f32 v36, v35  }
0xee: {  	[tilespmem:s18+$0x11C20] =	vst v3;
	v3 =	vadd.f32 v45, v44  }
0xef: {  	s19 =	sand.u32 $0x7, s16;
	[tilespmem:s18+$0x11C10] =	vst v51;
	v56 =	vadd.f32 v53, v52  }
0xf0: {  	s19 =	sshll.u32 s19, $0x7;
	[tilespmem:s18+$0x11C40] =	vst v3;
	v3 =	vadd.f32 v50, v49  }
0xf1: {  	s19 =	sadd.s32 s19, s13;
	[tilespmem:s18+$0x11C70] =	vst v56  }
0xf2: {  	[tilespmem:s18+$0x11C60] =	vst v3;
	s18 =	sor.u32 $0x1C00, s19  }
0xf3: {  	v3 =	vld [tilespmem:s18+$0x400]  }
0xf4: {  	v4 =	vld [tilespmem:s18+$0x8400];
	_ =	sdelay $0x4  }
0xf5: {  	v3 =	vadd.f32 v4, v3;
	_ =	sdelay $0x1  }
0xf6: {  	[tilespmem:s18+$0x10400] =	vst v3;
	s18 =	sor.u32 $0x1C10, s19  }
0xf7: {  	v3 =	vld [tilespmem:s18+$0x400]  }
0xf8: {  	v57 =	vld [tilespmem:s18+$0x8400];
	_ =	sdelay $0x4  }
0xf9: {  	v3 =	vadd.f32 v57, v3;
	_ =	sdelay $0x1  }
0xfa: {  	[tilespmem:s18+$0x10400] =	vst v3;
	s18 =	sor.u32 $0x1C20, s19  }
0xfb: {  	v3 =	vld [tilespmem:s18+$0x400]  }
0xfc: {  	v58 =	vld [tilespmem:s18+$0x8400];
	_ =	sdelay $0x4  }
0xfd: {  	v3 =	vadd.f32 v58, v3;
	_ =	sdelay $0x1  }
0xfe: {  	[tilespmem:s18+$0x10400] =	vst v3;
	s18 =	sor.u32 $0x1C30, s19  }
0xff: {  	v3 =	vld [tilespmem:s18+$0x400]  }
0x100: {  	v59 =	vld [tilespmem:s18+$0x8400];
	_ =	sdelay $0x4  }
0x101: {  	v3 =	vadd.f32 v59, v3;
	_ =	sdelay $0x1  }
0x102: {  	[tilespmem:s18+$0x10400] =	vst v3;
	s18 =	sor.u32 $0x1C40, s19  }
0x103: {  	v3 =	vld [tilespmem:s18+$0x400]  }
0x104: {  	v60 =	vld [tilespmem:s18+$0x8400];
	_ =	sdelay $0x4  }
0x105: {  	v3 =	vadd.f32 v60, v3;
	_ =	sdelay $0x1  }
0x106: {  	[tilespmem:s18+$0x10400] =	vst v3;
	s18 =	sor.u32 $0x1C50, s19  }
0x107: {  	v3 =	vld [tilespmem:s18+$0x400]  }
0x108: {  	v61 =	vld [tilespmem:s18+$0x8400];
	_ =	sdelay $0x4  }
0x109: {  	v3 =	vadd.f32 v61, v3;
	_ =	sdelay $0x1  }
0x10a: {  	[tilespmem:s18+$0x10400] =	vst v3;
	s18 =	sor.u32 $0x1C60, s19  }
0x10b: {  	v3 =	vld [tilespmem:s18+$0x400]  }
0x10c: {  	v62 =	vld [tilespmem:s18+$0x8400];
	_ =	sdelay $0x4  }
0x10d: {  	v3 =	vadd.f32 v62, v3;
	_ =	sdelay $0x1  }
0x10e: {  	s19 =	sor.u32 $0x1C70, s19;
	[tilespmem:s18+$0x10400] =	vst v3  }
0x10f: {  	v3 =	vld [tilespmem:s19+$0x400]  }
0x110: {  	v63 =	vld [tilespmem:s19+$0x8400];
	_ =	sdelay $0x1  }
0x111: {  	p0 =	sne.s32 s17, $0x780  }
.Ltmp0:
0x112: {  	_ = 	snop;
	(pc) =	sbr.rel @p0 .LBB2_2-.Ltmp0, $4  }
0x113: {  	_ = 	snop  }
0x114: {  	v3 =	vadd.f32 v63, v3  }
0x115: {  	s12 =	sadd.s32 $0x400, s12  }
0x116: {  	s17 =	sadd.s32 $0x80, s17;
	s16 =	sadd.s32 $0x1, s16;
	s13 =	sadd.s32 $0x400, s13;
	[tilespmem:s19+$0x10400] =	vst v3  }
0x117: {  	s12 =	simm.s32 $0x0  }
0x118: {  	[hbm4b:s9+s12] =	stream.linear.scatter [tilespmem:s30], [sflag:$0x3], $0x4000, $0x38;
	[tilespmem:$0x18400] =	vst v63  }
0x119: {  	_ =	swait.ge [sflag:s31], $0x4000  }
0x11a: {  	[sflag:s31] =	ssyncset.done $0x0  }
0x11b: {  	[sflag:s31] =	ssyncadd.s32 $0xFFFFC000  }
0x11c: {  	_ =	swait.ge [sflag:s31], $0x4000  }
0x11d: {  	[sflag:s31] =	ssyncset.done $0x0  }
0x11e: {  	[sflag:s31] =	ssyncadd.s32 $0xFFFFC000  }
0x11f: {  	v3 =	vld [tilespmem:$0x100];
	_ =	sdelay $0x4  }
0x120: {  	v4 =	vshll.u32 v3, $0x3  }
0x121: {  	v3 =	vand.u32 $0x7, v3;
	v4 =	vand.u32 $0xFFFFFFC0, v4  }
0x122: {  	v3 =	vor.u32 v3, v4  }
0x123: {  	v4 =	vperm.xlane v3, v0;
	_ =	sdelay $0x1  }
0x124: {  	v4 =	vadd.s32 v1, v4;
	_ =	sdelay $0x3  }
0x125: {  	s13 =	simm.s32 $0x400  }
0x126: {  	[tilespmem:s13], [sflag:$0x1] =	stream.indirect_vreg.gather [hbm4b:s3+s12], $0x80, v4, vm0, $0xb8;
	[tilespmem:$0x18400] =	vst v63  }
0x127: {  	s17 =	simm.s32 $0xC00;
	v3 =	vperm.xlane v3, v2  }
0x128: {  	[tilespmem:s17], [sflag:$0x1] =	stream.indirect_vreg.gather [hbm4b:s6+s12], $0x80, v4, vm0, $0xb8;
	[tilespmem:$0x18400] =	vst v63  }
0x129: {  	s18 =	simm.s32 $0x1400;
	v3 =	vadd.s32 v1, v3  }
0x12a: {  	[tilespmem:s18], [sflag:$0x1] =	stream.indirect_vreg.gather [hbm4b:s7+s12], $0x80, v4, vm0, $0xb8;
	[tilespmem:$0x18400] =	vst v63  }
0x12b: {  	s19 =	simm.s32 $0x1C00  }
0x12c: {  	[tilespmem:s19], [sflag:$0x1] =	stream.indirect_vreg.gather [hbm4b:s8+s12], $0x80, v4, vm0, $0xb8;
	[tilespmem:$0x18400] =	vst v63  }
0x12d: {  	s16 =	simm.s32 $0x2400  }
0x12e: {  	[tilespmem:s16], [sflag:$0x1] =	stream.indirect_vreg.gather [hbm4b:s3+s12], $0x80, v3, vm0, $0xb8;
	[tilespmem:$0x18400] =	vst v63  }
0x12f: {  	s17 =	simm.s32 $0x2C00  }
0x130: {  	[tilespmem:s17], [sflag:$0x1] =	stream.indirect_vreg.gather [hbm4b:s6+s12], $0x80, v3, vm0, $0xb8;
	[tilespmem:$0x18400] =	vst v63  }
0x131: {  	s18 =	simm.s32 $0x3400  }
0x132: {  	[tilespmem:s18], [sflag:$0x1] =	stream.indirect_vreg.gather [hbm4b:s7+s12], $0x80, v3, vm0, $0xb8;
	[tilespmem:$0x18400] =	vst v63  }
0x133: {  	s19 =	simm.s32 $0x3C00  }
0x134: {  	[tilespmem:s19], [sflag:$0x1] =	stream.indirect_vreg.gather [hbm4b:s8+s12], $0x80, v3, vm0, $0xb8;
	[tilespmem:$0x18400] =	vst v63  }
0x135: {  	v3 =	vld [tilespmem:$0x300];
	_ =	sdelay $0x4  }
0x136: {  	v63 =	vshll.u32 v3, $0x3  }
0x137: {  	v3 =	vand.u32 $0x7, v3;
	v4 =	vand.u32 $0xFFFFFFC0, v63  }
0x138: {  	v3 =	vor.u32 v3, v4  }
0x139: {  	v4 =	vperm.xlane v3, v0;
	_ =	sdelay $0x1  }
0x13a: {  	v4 =	vadd.s32 v1, v4;
	_ =	sdelay $0x3  }
0x13b: {  	s16 =	simm.s32 $0x8400  }
0x13c: {  	[tilespmem:s16], [sflag:$0x1] =	stream.indirect_vreg.gather [hbm4b:s3+s12], $0x80, v4, vm0, $0xb8;
	[tilespmem:$0x18400] =	vst v63  }
0x13d: {  	s17 =	simm.s32 $0x8C00;
	v3 =	vperm.xlane v3, v2  }
0x13e: {  	[tilespmem:s17], [sflag:$0x1] =	stream.indirect_vreg.gather [hbm4b:s6+s12], $0x80, v4, vm0, $0xb8;
	[tilespmem:$0x18400] =	vst v63  }
0x13f: {  	s18 =	simm.s32 $0x9400;
	v3 =	vadd.s32 v1, v3  }
0x140: {  	[tilespmem:s18], [sflag:$0x1] =	stream.indirect_vreg.gather [hbm4b:s7+s12], $0x80, v4, vm0, $0xb8;
	[tilespmem:$0x18400] =	vst v63  }
0x141: {  	s19 =	simm.s32 $0x9C00  }
0x142: {  	[tilespmem:s19], [sflag:$0x1] =	stream.indirect_vreg.gather [hbm4b:s8+s12], $0x80, v4, vm0, $0xb8;
	[tilespmem:$0x18400] =	vst v63  }
0x143: {  	s16 =	simm.s32 $0xA400  }
0x144: {  	[tilespmem:s16], [sflag:$0x1] =	stream.indirect_vreg.gather [hbm4b:s3+s12], $0x80, v3, vm0, $0xb8;
	[tilespmem:$0x18400] =	vst v63  }
0x145: {  	s17 =	simm.s32 $0xAC00  }
0x146: {  	[tilespmem:s17], [sflag:$0x1] =	stream.indirect_vreg.gather [hbm4b:s6+s12], $0x80, v3, vm0, $0xb8;
	[tilespmem:$0x18400] =	vst v63  }
0x147: {  	s13 =	simm.s32 $0x0;
	s18 =	simm.s32 $0xB400  }
0x148: {  	[tilespmem:s18], [sflag:$0x1] =	stream.indirect_vreg.gather [hbm4b:s7+s12], $0x80, v3, vm0, $0xb8;
	[tilespmem:$0x18400] =	vst v63  }
0x149: {  	s19 =	simm.s32 $0xBC00;
	s16 =	simm.s32 $0xFFFFC000;
	s17 =	simm.s32 $0x0  }
0x14a: {  	[tilespmem:s19], [sflag:$0x1] =	stream.indirect_vreg.gather [hbm4b:s8+s12], $0x80, v3, vm0, $0xb8;
	[tilespmem:$0x18400] =	vst v63  }
.LBB2_4:
0x14b: {  	s18 =	sadd.s32 $0x4000, s16  }
0x14c: {  	s19 =	sand.u32 $0x380, s17;
	s18 =	sand.u32 $0x2000, s18  }
0x14d: {  	s18 =	sor.u32 s19, s18  }
0x14e: {  	v3 =	vld [tilespmem:s18+$0x4400]  }
0x14f: {  	v4 =	vld [tilespmem:s18+$0xC400]  }
0x150: {  	v5 =	vld [tilespmem:s18+$0x4410]  }
0x151: {  	v6 =	vld [tilespmem:s18+$0xC410]  }
0x152: {  	v7 =	vld [tilespmem:s18+$0x4420]  }
0x153: {  	v8 =	vld [tilespmem:s18+$0xC420]  }
0x154: {  	v9 =	vld [tilespmem:s18+$0x4430]  }
0x155: {  	v10 =	vld [tilespmem:s18+$0xC430]  }
0x156: {  	v11 =	vld [tilespmem:s18+$0x4440]  }
0x157: {  	v12 =	vld [tilespmem:s18+$0xC440]  }
0x158: {  	v13 =	vld [tilespmem:s18+$0x4450]  }
0x159: {  	v14 =	vld [tilespmem:s18+$0xC450]  }
0x15a: {  	v15 =	vld [tilespmem:s18+$0x4460]  }
0x15b: {  	v16 =	vld [tilespmem:s18+$0xC460]  }
0x15c: {  	v17 =	vld [tilespmem:s18+$0x4470]  }
0x15d: {  	v18 =	vld [tilespmem:s18+$0xC470]  }
0x15e: {  	v19 =	vld [tilespmem:s18+$0x4800]  }
0x15f: {  	v20 =	vld [tilespmem:s18+$0xC800]  }
0x160: {  	v21 =	vld [tilespmem:s18+$0x4810]  }
0x161: {  	v22 =	vld [tilespmem:s18+$0xC810]  }
0x162: {  	v23 =	vld [tilespmem:s18+$0x4820]  }
0x163: {  	v24 =	vld [tilespmem:s18+$0xC820]  }
0x164: {  	v25 =	vld [tilespmem:s18+$0x4830]  }
0x165: {  	v26 =	vld [tilespmem:s18+$0xC830]  }
0x166: {  	v27 =	vld [tilespmem:s18+$0x4840]  }
0x167: {  	v28 =	vld [tilespmem:s18+$0xC840]  }
0x168: {  	v29 =	vld [tilespmem:s18+$0x4850]  }
0x169: {  	v30 =	vld [tilespmem:s18+$0xC850]  }
0x16a: {  	v31 =	vld [tilespmem:s18+$0x4860]  }
0x16b: {  	v32 =	vld [tilespmem:s18+$0xC860]  }
0x16c: {  	v33 =	vld [tilespmem:s18+$0x4870]  }
0x16d: {  	v34 =	vld [tilespmem:s18+$0xC870]  }
0x16e: {  	v35 =	vld [tilespmem:s18+$0x4C00]  }
0x16f: {  	v36 =	vld [tilespmem:s18+$0xCC00]  }
0x170: {  	v37 =	vld [tilespmem:s18+$0x4C10]  }
0x171: {  	v38 =	vld [tilespmem:s18+$0xCC10]  }
0x172: {  	v39 =	vld [tilespmem:s18+$0x4C20]  }
0x173: {  	v40 =	vld [tilespmem:s18+$0xCC20]  }
0x174: {  	v41 =	vld [tilespmem:s18+$0x4C30]  }
0x175: {  	v42 =	vld [tilespmem:s18+$0xCC30]  }
0x176: {  	v43 =	vld [tilespmem:s18+$0x4C40]  }
0x177: {  	v44 =	vld [tilespmem:s18+$0xCC40]  }
0x178: {  	v45 =	vld [tilespmem:s18+$0x4C50]  }
0x179: {  	v46 =	vld [tilespmem:s18+$0xCC50]  }
0x17a: {  	v47 =	vld [tilespmem:s18+$0x4C60]  }
0x17b: {  	v48 =	vld [tilespmem:s18+$0xCC60]  }
0x17c: {  	v49 =	vld [tilespmem:s18+$0x4C70]  }
0x17d: {  	v50 =	vld [tilespmem:s18+$0xCC70]  }
0x17e: {  	v51 =	vld [tilespmem:s18+$0x5000]  }
0x17f: {  	v52 =	vld [tilespmem:s18+$0xD000]  }
0x180: {  	v53 =	vld [tilespmem:s18+$0x5010]  }
0x181: {  	v54 =	vld [tilespmem:s18+$0xD010]  }
0x182: {  	v55 =	vld [tilespmem:s18+$0x5020]  }
0x183: {  	v56 =	vld [tilespmem:s18+$0xD020]  }
0x184: {  	v57 =	vld [tilespmem:s18+$0x5030]  }
0x185: {  	v58 =	vld [tilespmem:s18+$0xD030]  }
0x186: {  	v59 =	vld [tilespmem:s18+$0x5040]  }
0x187: {  	v60 =	vld [tilespmem:s18+$0xD040]  }
0x188: {  	v61 =	vld [tilespmem:s18+$0x5050]  }
0x189: {  	v62 =	vld [tilespmem:s18+$0xD050]  }
0x18a: {  	v63 =	vld [tilespmem:s18+$0x5060]  }
0x18b: {  	v3 =	vadd.f32 v4, v3;
	v4 =	vld [tilespmem:s18+$0xD060]  }
0x18c: {  	v5 =	vadd.f32 v6, v5;
	v6 =	vld [tilespmem:s18+$0x5070]  }
0x18d: {  	v14 =	vadd.f32 v14, v13;
	v13 =	vld [tilespmem:s18+$0xD420];
	[tilespmem:s18+$0x14400] =	vst v3  }
0x18e: {  	v18 =	vadd.f32 v18, v17;
	v17 =	vld [tilespmem:s18+$0xD440];
	v3 =	vadd.f32 v8, v7;
	[tilespmem:s18+$0x14410] =	vst v5  }
0x18f: {  	v22 =	vadd.f32 v22, v21;
	v21 =	vld [tilespmem:s18+$0xD460];
	[tilespmem:s18+$0x14450] =	vst v14  }
0x190: {  	v7 =	vld [tilespmem:s18+$0xD070];
	[tilespmem:s18+$0x14420] =	vst v3;
	v3 =	vadd.f32 v12, v11  }
0x191: {  	v8 =	vld [tilespmem:s18+$0x5400];
	[tilespmem:s18+$0x14470] =	vst v18  }
0x192: {  	v5 =	vadd.f32 v10, v9;
	v9 =	vld [tilespmem:s18+$0xD400];
	[tilespmem:s18+$0x14440] =	vst v3;
	v3 =	vadd.f32 v16, v15  }
0x193: {  	v26 =	vadd.f32 v26, v25;
	v10 =	vld [tilespmem:s18+$0x5410];
	[tilespmem:s18+$0x14810] =	vst v22  }
0x194: {  	v14 =	vld [tilespmem:s18+$0x5430];
	[tilespmem:s18+$0x14460] =	vst v3;
	v3 =	vadd.f32 v20, v19  }
0x195: {  	v30 =	vadd.f32 v30, v29;
	[tilespmem:s18+$0x14830] =	vst v26;
	v18 =	vld [tilespmem:s18+$0x5450]  }
0x196: {  	v19 =	vld [tilespmem:s18+$0xD450];
	[tilespmem:s18+$0x14800] =	vst v3;
	v3 =	vadd.f32 v24, v23  }
0x197: {  	v34 =	vadd.f32 v34, v33;
	[tilespmem:s18+$0x14850] =	vst v30;
	v22 =	vld [tilespmem:s18+$0x5470]  }
0x198: {  	v11 =	vld [tilespmem:s18+$0xD410];
	[tilespmem:s18+$0x14820] =	vst v3;
	v3 =	vadd.f32 v28, v27  }
0x199: {  	[tilespmem:s18+$0x14870] =	vst v34;
	v12 =	vld [tilespmem:s18+$0x5420]  }
0x19a: {  	v15 =	vld [tilespmem:s18+$0xD430];
	[tilespmem:s18+$0x14840] =	vst v3;
	v3 =	vadd.f32 v32, v31  }
0x19b: {  	[tilespmem:s18+$0x14430] =	vst v5;
	v16 =	vld [tilespmem:s18+$0x5440];
	v19 =	vadd.f32 v19, v18  }
0x19c: {  	v20 =	vld [tilespmem:s18+$0x5460];
	[tilespmem:s18+$0x14860] =	vst v3;
	v3 =	vadd.f32 v36, v35  }
0x19d: {  	v24 =	vld [tilespmem:s18+$0x5800];
	[tilespmem:s18+$0x15450] =	vst v19;
	v36 =	vadd.f32 v38, v37  }
0x19e: {  	v37 =	vld [tilespmem:s18+$0xD470];
	[tilespmem:s18+$0x14C00] =	vst v3;
	v3 =	vadd.f32 v40, v39  }
0x19f: {  	v38 =	vadd.f32 v42, v41;
	v41 =	vld [tilespmem:s18+$0x5810];
	[tilespmem:s18+$0x14C10] =	vst v36  }
0x1a0: {  	v42 =	vld [tilespmem:s18+$0xD810];
	[tilespmem:s18+$0x14C20] =	vst v3;
	v3 =	vadd.f32 v44, v43  }
0x1a1: {  	v35 =	vld [tilespmem:s18+$0x5C10];
	[tilespmem:s18+$0x14C30] =	vst v38;
	v40 =	vadd.f32 v46, v45  }
0x1a2: {  	v39 =	vld [tilespmem:s18+$0xD800];
	[tilespmem:s18+$0x14C40] =	vst v3;
	v3 =	vadd.f32 v48, v47  }
0x1a3: {  	v45 =	vld [tilespmem:s18+$0xD820];
	v46 =	vadd.f32 v54, v53;
	[tilespmem:s18+$0x14C50] =	vst v40  }
0x1a4: {  	v53 =	vld [tilespmem:s18+$0x5850];
	[tilespmem:s18+$0x14C60] =	vst v3;
	v3 =	vadd.f32 v52, v51  }
0x1a5: {  	v54 =	vld [tilespmem:s18+$0xD850];
	v43 =	vadd.f32 v50, v49;
	[tilespmem:s18+$0x15010] =	vst v46  }
0x1a6: {  	v36 =	vld [tilespmem:s18+$0xDC10];
	[tilespmem:s18+$0x15000] =	vst v3;
	v3 =	vadd.f32 v56, v55  }
0x1a7: {  	v38 =	vld [tilespmem:s18+$0x5C20];
	v49 =	vadd.f32 v58, v57;
	[tilespmem:s18+$0x14C70] =	vst v43  }
0x1a8: {  	v44 =	vld [tilespmem:s18+$0x5820];
	[tilespmem:s18+$0x15020] =	vst v3;
	v3 =	vadd.f32 v60, v59  }
0x1a9: {  	v50 =	vld [tilespmem:s18+$0x5840];
	v58 =	vadd.f32 v11, v10;
	[tilespmem:s18+$0x15030] =	vst v49  }
0x1aa: {  	v57 =	vld [tilespmem:s18+$0xD860];
	[tilespmem:s18+$0x15040] =	vst v3;
	v3 =	vadd.f32 v4, v63  }
0x1ab: {  	v46 =	vld [tilespmem:s18+$0x5C50];
	v37 =	vadd.f32 v37, v22;
	[tilespmem:s18+$0x15410] =	vst v58  }
0x1ac: {  	v40 =	vadd.f32 v42, v41;
	v41 =	vld [tilespmem:s18+$0x5C30];
	[tilespmem:s18+$0x15060] =	vst v3;
	v3 =	vadd.f32 v9, v8  }
0x1ad: {  	v42 =	vld [tilespmem:s18+$0xDC30];
	[tilespmem:s18+$0x15470] =	vst v37  }
0x1ae: {  	v47 =	vld [tilespmem:s18+$0x5830];
	[tilespmem:s18+$0x15400] =	vst v3;
	v3 =	vadd.f32 v13, v12  }
0x1af: {  	v48 =	vld [tilespmem:s18+$0xD830];
	[tilespmem:s18+$0x15810] =	vst v40;
	v52 =	vadd.f32 v62, v61  }
0x1b0: {  	v49 =	vld [tilespmem:s18+$0x5C60];
	[tilespmem:s18+$0x15420] =	vst v3;
	v3 =	vadd.f32 v17, v16  }
0x1b1: {  	v51 =	vld [tilespmem:s18+$0xD840];
	v61 =	vadd.f32 v15, v14;
	[tilespmem:s18+$0x15050] =	vst v52  }
0x1b2: {  	v62 =	vld [tilespmem:s18+$0x5C00];
	[tilespmem:s18+$0x15440] =	vst v3;
	v3 =	vadd.f32 v21, v20  }
0x1b3: {  	v55 =	vadd.f32 v7, v6;
	v56 =	vld [tilespmem:s18+$0x5860];
	[tilespmem:s18+$0x15430] =	vst v61  }
0x1b4: {  	v52 =	vld [tilespmem:s18+$0x5C70];
	[tilespmem:s18+$0x15460] =	vst v3;
	v3 =	vadd.f32 v39, v24  }
0x1b5: {  	v43 =	vadd.f32 v48, v47;
	v47 =	vld [tilespmem:s18+$0xDC50];
	[tilespmem:s18+$0x15070] =	vst v55  }
0x1b6: {  	v59 =	vld [tilespmem:s18+$0x5870];
	[tilespmem:s18+$0x15800] =	vst v3;
	v3 =	vadd.f32 v45, v44  }
0x1b7: {  	[tilespmem:s18+$0x15830] =	vst v43;
	v63 =	vld [tilespmem:s18+$0xDC00];
	v4 =	vadd.f32 v54, v53  }
0x1b8: {  	v60 =	vld [tilespmem:s18+$0xD870];
	[tilespmem:s18+$0x15820] =	vst v3;
	v3 =	vadd.f32 v51, v50  }
0x1b9: {  	v54 =	vadd.f32 v42, v41;
	[tilespmem:s18+$0x15850] =	vst v4;
	v39 =	vld [tilespmem:s18+$0xDC20]  }
0x1ba: {  	v44 =	vld [tilespmem:s18+$0x5C40];
	[tilespmem:s18+$0x15840] =	vst v3;
	v3 =	vadd.f32 v57, v56  }
0x1bb: {  	[tilespmem:s18+$0x15C30] =	vst v54;
	v55 =	vadd.f32 v47, v46;
	v45 =	vld [tilespmem:s18+$0xDC40]  }
0x1bc: {  	v53 =	vld [tilespmem:s18+$0xDC70];
	[tilespmem:s18+$0x15860] =	vst v3;
	v3 =	vadd.f32 v63, v62  }
0x1bd: {  	v48 =	vadd.f32 v60, v59;
	[tilespmem:s18+$0x15C50] =	vst v55;
	v50 =	vld [tilespmem:s18+$0xDC60]  }
0x1be: {  	[tilespmem:s18+$0x15C00] =	vst v3;
	v3 =	vadd.f32 v39, v38  }
0x1bf: {  	[tilespmem:s18+$0x15870] =	vst v48;
	v51 =	vadd.f32 v36, v35  }
0x1c0: {  	[tilespmem:s18+$0x15C20] =	vst v3;
	v3 =	vadd.f32 v45, v44  }
0x1c1: {  	s19 =	sand.u32 $0x7, s12;
	[tilespmem:s18+$0x15C10] =	vst v51;
	v56 =	vadd.f32 v53, v52  }
0x1c2: {  	s19 =	sshll.u32 s19, $0x7;
	[tilespmem:s18+$0x15C40] =	vst v3;
	v3 =	vadd.f32 v50, v49  }
0x1c3: {  	s19 =	sadd.s32 s19, s13;
	[tilespmem:s18+$0x15C70] =	vst v56  }
0x1c4: {  	[tilespmem:s18+$0x15C60] =	vst v3;
	s18 =	sor.u32 $0x1C00, s19  }
0x1c5: {  	v3 =	vld [tilespmem:s18+$0x4400]  }
0x1c6: {  	v4 =	vld [tilespmem:s18+$0xC400];
	_ =	sdelay $0x4  }
0x1c7: {  	v3 =	vadd.f32 v4, v3;
	_ =	sdelay $0x1  }
0x1c8: {  	[tilespmem:s18+$0x14400] =	vst v3;
	s18 =	sor.u32 $0x1C10, s19  }
0x1c9: {  	v3 =	vld [tilespmem:s18+$0x4400]  }
0x1ca: {  	v57 =	vld [tilespmem:s18+$0xC400];
	_ =	sdelay $0x4  }
0x1cb: {  	v3 =	vadd.f32 v57, v3;
	_ =	sdelay $0x1  }
0x1cc: {  	[tilespmem:s18+$0x14400] =	vst v3;
	s18 =	sor.u32 $0x1C20, s19  }
0x1cd: {  	v3 =	vld [tilespmem:s18+$0x4400]  }
0x1ce: {  	v58 =	vld [tilespmem:s18+$0xC400];
	_ =	sdelay $0x4  }
0x1cf: {  	v3 =	vadd.f32 v58, v3;
	_ =	sdelay $0x1  }
0x1d0: {  	[tilespmem:s18+$0x14400] =	vst v3;
	s18 =	sor.u32 $0x1C30, s19  }
0x1d1: {  	v3 =	vld [tilespmem:s18+$0x4400]  }
0x1d2: {  	v59 =	vld [tilespmem:s18+$0xC400];
	_ =	sdelay $0x4  }
0x1d3: {  	v3 =	vadd.f32 v59, v3;
	_ =	sdelay $0x1  }
0x1d4: {  	[tilespmem:s18+$0x14400] =	vst v3;
	s18 =	sor.u32 $0x1C40, s19  }
0x1d5: {  	v3 =	vld [tilespmem:s18+$0x4400]  }
0x1d6: {  	v60 =	vld [tilespmem:s18+$0xC400];
	_ =	sdelay $0x4  }
0x1d7: {  	v3 =	vadd.f32 v60, v3;
	_ =	sdelay $0x1  }
0x1d8: {  	[tilespmem:s18+$0x14400] =	vst v3;
	s18 =	sor.u32 $0x1C50, s19  }
0x1d9: {  	v3 =	vld [tilespmem:s18+$0x4400]  }
0x1da: {  	v61 =	vld [tilespmem:s18+$0xC400];
	_ =	sdelay $0x4  }
0x1db: {  	v3 =	vadd.f32 v61, v3;
	_ =	sdelay $0x1  }
0x1dc: {  	[tilespmem:s18+$0x14400] =	vst v3;
	s18 =	sor.u32 $0x1C60, s19  }
0x1dd: {  	v3 =	vld [tilespmem:s18+$0x4400]  }
0x1de: {  	v62 =	vld [tilespmem:s18+$0xC400];
	_ =	sdelay $0x4  }
0x1df: {  	v3 =	vadd.f32 v62, v3;
	_ =	sdelay $0x1  }
0x1e0: {  	s19 =	sor.u32 $0x1C70, s19;
	[tilespmem:s18+$0x14400] =	vst v3  }
0x1e1: {  	v3 =	vld [tilespmem:s19+$0x4400]  }
0x1e2: {  	v63 =	vld [tilespmem:s19+$0xC400];
	_ =	sdelay $0x1  }
0x1e3: {  	p0 =	sne.s32 s17, $0x780  }
.Ltmp1:
0x1e4: {  	_ = 	snop;
	(pc) =	sbr.rel @p0 .LBB2_4-.Ltmp1, $4  }
0x1e5: {  	_ = 	snop  }
0x1e6: {  	v3 =	vadd.f32 v63, v3  }
0x1e7: {  	s16 =	sadd.s32 $0x400, s16  }
0x1e8: {  	s17 =	sadd.s32 $0x80, s17;
	s12 =	sadd.s32 $0x1, s12;
	s13 =	sadd.s32 $0x400, s13;
	[tilespmem:s19+$0x14400] =	vst v3  }
0x1e9: {  	s12 =	simm.s32 $0x0;
	s13 =	rddreg [dreg:$0x5]  }
0x1ea: {  	[hbm4b:s13+s12] =	stream.linear.scatter [tilespmem:s1], [sflag:$0x4], $0x4000, $0x38;
	[tilespmem:$0x18400] =	vst v63  }
0x1eb: {  	_ =	swait.ge [sflag:s0], $0x4000  }
0x1ec: {  	[sflag:s0] =	ssyncset.done $0x0  }
0x1ed: {  	[sflag:s0] =	ssyncadd.s32 $0xFFFFC000  }
0x1ee: {  	_ =	swait.ge [sflag:s0], $0x4000  }
0x1ef: {  	[sflag:s0] =	ssyncset.done $0x0  }
0x1f0: {  	[sflag:s0] =	ssyncadd.s32 $0xFFFFC000  }
0x1f1: {  	v3 =	vld [tilespmem:$0x180];
	_ =	sdelay $0x4  }
0x1f2: {  	v4 =	vshll.u32 v3, $0x3  }
0x1f3: {  	v3 =	vand.u32 $0x7, v3;
	v4 =	vand.u32 $0xFFFFFFC0, v4  }
0x1f4: {  	v3 =	vor.u32 v3, v4  }
0x1f5: {  	v4 =	vperm.xlane v3, v0;
	_ =	sdelay $0x1  }
0x1f6: {  	v4 =	vadd.s32 v1, v4;
	_ =	sdelay $0x3  }
0x1f7: {  	s19 =	simm.s32 $0x4400  }
0x1f8: {  	[tilespmem:s19], [sflag:$0x2] =	stream.indirect_vreg.gather [hbm4b:s3+s12], $0x80, v4, vm0, $0xb8;
	[tilespmem:$0x18400] =	vst v63  }
0x1f9: {  	s16 =	simm.s32 $0x4C00;
	v3 =	vperm.xlane v3, v2  }
0x1fa: {  	[tilespmem:s16], [sflag:$0x2] =	stream.indirect_vreg.gather [hbm4b:s6+s12], $0x80, v4, vm0, $0xb8;
	[tilespmem:$0x18400] =	vst v63  }
0x1fb: {  	s17 =	simm.s32 $0x5400;
	v3 =	vadd.s32 v1, v3  }
0x1fc: {  	[tilespmem:s17], [sflag:$0x2] =	stream.indirect_vreg.gather [hbm4b:s7+s12], $0x80, v4, vm0, $0xb8;
	[tilespmem:$0x18400] =	vst v63  }
0x1fd: {  	s18 =	simm.s32 $0x5C00  }
0x1fe: {  	[tilespmem:s18], [sflag:$0x2] =	stream.indirect_vreg.gather [hbm4b:s8+s12], $0x80, v4, vm0, $0xb8;
	[tilespmem:$0x18400] =	vst v63  }
0x1ff: {  	s19 =	simm.s32 $0x6400  }
0x200: {  	[tilespmem:s19], [sflag:$0x2] =	stream.indirect_vreg.gather [hbm4b:s3+s12], $0x80, v3, vm0, $0xb8;
	[tilespmem:$0x18400] =	vst v63  }
0x201: {  	_ = 	snop  }
0x202: {  	[tilespmem:s20], [sflag:$0x2] =	stream.indirect_vreg.gather [hbm4b:s6+s12], $0x80, v3, vm0, $0xb8;
	[tilespmem:$0x18400] =	vst v63  }
0x203: {  	_ = 	snop  }
0x204: {  	[tilespmem:s21], [sflag:$0x2] =	stream.indirect_vreg.gather [hbm4b:s7+s12], $0x80, v3, vm0, $0xb8;
	[tilespmem:$0x18400] =	vst v63  }
0x205: {  	_ = 	snop  }
0x206: {  	[tilespmem:s22], [sflag:$0x2] =	stream.indirect_vreg.gather [hbm4b:s8+s12], $0x80, v3, vm0, $0xb8;
	[tilespmem:$0x18400] =	vst v63  }
0x207: {  	v3 =	vld [tilespmem:$0x380];
	_ =	sdelay $0x4  }
0x208: {  	v63 =	vshll.u32 v3, $0x3  }
0x209: {  	v3 =	vand.u32 $0x7, v3;
	v4 =	vand.u32 $0xFFFFFFC0, v63  }
0x20a: {  	v3 =	vor.u32 v3, v4  }
0x20b: {  	v4 =	vperm.xlane v3, v0;
	_ =	sdelay $0x1  }
0x20c: {  	v4 =	vadd.s32 v1, v4;
	_ =	sdelay $0x4  }
0x20d: {  	[tilespmem:s23], [sflag:$0x2] =	stream.indirect_vreg.gather [hbm4b:s3+s12], $0x80, v4, vm0, $0xb8;
	[tilespmem:$0x18400] =	vst v63  }
0x20e: {  	v3 =	vperm.xlane v3, v2  }
0x20f: {  	[tilespmem:s24], [sflag:$0x2] =	stream.indirect_vreg.gather [hbm4b:s6+s12], $0x80, v4, vm0, $0xb8;
	[tilespmem:$0x18400] =	vst v63  }
0x210: {  	v3 =	vadd.s32 v1, v3  }
0x211: {  	[tilespmem:s4], [sflag:$0x2] =	stream.indirect_vreg.gather [hbm4b:s7+s12], $0x80, v4, vm0, $0xb8;
	[tilespmem:$0x18400] =	vst v63  }
0x212: {  	_ = 	snop  }
0x213: {  	[tilespmem:s25], [sflag:$0x2] =	stream.indirect_vreg.gather [hbm4b:s8+s12], $0x80, v4, vm0, $0xb8;
	[tilespmem:$0x18400] =	vst v63  }
0x214: {  	_ = 	snop  }
0x215: {  	[tilespmem:s5], [sflag:$0x2] =	stream.indirect_vreg.gather [hbm4b:s3+s12], $0x80, v3, vm0, $0xb8;
	[tilespmem:$0x18400] =	vst v63  }
0x216: {  	_ = 	snop  }
0x217: {  	[tilespmem:s26], [sflag:$0x2] =	stream.indirect_vreg.gather [hbm4b:s6+s12], $0x80, v3, vm0, $0xb8;
	[tilespmem:$0x18400] =	vst v63  }
0x218: {  	_ = 	snop  }
0x219: {  	[tilespmem:s28], [sflag:$0x2] =	stream.indirect_vreg.gather [hbm4b:s7+s12], $0x80, v3, vm0, $0xb8;
	[tilespmem:$0x18400] =	vst v63  }
0x21a: {  	_ = 	snop  }
0x21b: {  	[tilespmem:s29], [sflag:$0x2] =	stream.indirect_vreg.gather [hbm4b:s8+s12], $0x80, v3, vm0, $0xb8;
	[tilespmem:$0x18400] =	vst v63  }
0x21c: {  	_ =	swait.ge [sflag:s10], $0x4000  }
0x21d: {  	s13 =	simm.s32 $0x0;
	[sflag:s10] =	ssyncset.done $0x0  }
0x21e: {  	s16 =	simm.s32 $0xFFFFC000;
	s17 =	simm.s32 $0x0;
	[sflag:s10] =	ssyncadd.s32 $0xFFFFC000  }
.LBB2_6:
0x21f: {  	s18 =	sadd.s32 $0x4000, s16  }
0x220: {  	s19 =	sand.u32 $0x380, s17;
	s18 =	sand.u32 $0x2000, s18  }
0x221: {  	s18 =	sor.u32 s19, s18  }
0x222: {  	v3 =	vld [tilespmem:s18+$0x400]  }
0x223: {  	v4 =	vld [tilespmem:s18+$0x8400]  }
0x224: {  	v5 =	vld [tilespmem:s18+$0x410]  }
0x225: {  	v6 =	vld [tilespmem:s18+$0x8410]  }
0x226: {  	v7 =	vld [tilespmem:s18+$0x420]  }
0x227: {  	v8 =	vld [tilespmem:s18+$0x8420]  }
0x228: {  	v9 =	vld [tilespmem:s18+$0x430]  }
0x229: {  	v10 =	vld [tilespmem:s18+$0x8430]  }
0x22a: {  	v11 =	vld [tilespmem:s18+$0x440]  }
0x22b: {  	v12 =	vld [tilespmem:s18+$0x8440]  }
0x22c: {  	v13 =	vld [tilespmem:s18+$0x450]  }
0x22d: {  	v14 =	vld [tilespmem:s18+$0x8450]  }
0x22e: {  	v15 =	vld [tilespmem:s18+$0x460]  }
0x22f: {  	v16 =	vld [tilespmem:s18+$0x8460]  }
0x230: {  	v17 =	vld [tilespmem:s18+$0x470]  }
0x231: {  	v18 =	vld [tilespmem:s18+$0x8470]  }
0x232: {  	v19 =	vld [tilespmem:s18+$0x800]  }
0x233: {  	v20 =	vld [tilespmem:s18+$0x8800]  }
0x234: {  	v21 =	vld [tilespmem:s18+$0x810]  }
0x235: {  	v22 =	vld [tilespmem:s18+$0x8810]  }
0x236: {  	v23 =	vld [tilespmem:s18+$0x820]  }
0x237: {  	v24 =	vld [tilespmem:s18+$0x8820]  }
0x238: {  	v25 =	vld [tilespmem:s18+$0x830]  }
0x239: {  	v26 =	vld [tilespmem:s18+$0x8830]  }
0x23a: {  	v27 =	vld [tilespmem:s18+$0x840]  }
0x23b: {  	v28 =	vld [tilespmem:s18+$0x8840]  }
0x23c: {  	v29 =	vld [tilespmem:s18+$0x850]  }
0x23d: {  	v30 =	vld [tilespmem:s18+$0x8850]  }
0x23e: {  	v31 =	vld [tilespmem:s18+$0x860]  }
0x23f: {  	v32 =	vld [tilespmem:s18+$0x8860]  }
0x240: {  	v33 =	vld [tilespmem:s18+$0x870]  }
0x241: {  	v34 =	vld [tilespmem:s18+$0x8870]  }
0x242: {  	v35 =	vld [tilespmem:s18+$0xC00]  }
0x243: {  	v36 =	vld [tilespmem:s18+$0x8C00]  }
0x244: {  	v37 =	vld [tilespmem:s18+$0xC10]  }
0x245: {  	v38 =	vld [tilespmem:s18+$0x8C10]  }
0x246: {  	v39 =	vld [tilespmem:s18+$0xC20]  }
0x247: {  	v40 =	vld [tilespmem:s18+$0x8C20]  }
0x248: {  	v41 =	vld [tilespmem:s18+$0xC30]  }
0x249: {  	v42 =	vld [tilespmem:s18+$0x8C30]  }
0x24a: {  	v43 =	vld [tilespmem:s18+$0xC40]  }
0x24b: {  	v44 =	vld [tilespmem:s18+$0x8C40]  }
0x24c: {  	v45 =	vld [tilespmem:s18+$0xC50]  }
0x24d: {  	v46 =	vld [tilespmem:s18+$0x8C50]  }
0x24e: {  	v47 =	vld [tilespmem:s18+$0xC60]  }
0x24f: {  	v48 =	vld [tilespmem:s18+$0x8C60]  }
0x250: {  	v49 =	vld [tilespmem:s18+$0xC70]  }
0x251: {  	v50 =	vld [tilespmem:s18+$0x8C70]  }
0x252: {  	v51 =	vld [tilespmem:s18+$0x1000]  }
0x253: {  	v52 =	vld [tilespmem:s18+$0x9000]  }
0x254: {  	v53 =	vld [tilespmem:s18+$0x1010]  }
0x255: {  	v54 =	vld [tilespmem:s18+$0x9010]  }
0x256: {  	v55 =	vld [tilespmem:s18+$0x1020]  }
0x257: {  	v56 =	vld [tilespmem:s18+$0x9020]  }
0x258: {  	v57 =	vld [tilespmem:s18+$0x1030]  }
0x259: {  	v58 =	vld [tilespmem:s18+$0x9030]  }
0x25a: {  	v59 =	vld [tilespmem:s18+$0x1040]  }
0x25b: {  	v60 =	vld [tilespmem:s18+$0x9040]  }
0x25c: {  	v61 =	vld [tilespmem:s18+$0x1050]  }
0x25d: {  	v62 =	vld [tilespmem:s18+$0x9050]  }
0x25e: {  	v63 =	vld [tilespmem:s18+$0x1060]  }
0x25f: {  	v3 =	vadd.f32 v4, v3;
	v4 =	vld [tilespmem:s18+$0x9060]  }
0x260: {  	v5 =	vadd.f32 v6, v5;
	v6 =	vld [tilespmem:s18+$0x1070]  }
0x261: {  	v14 =	vadd.f32 v14, v13;
	v13 =	vld [tilespmem:s18+$0x9420];
	[tilespmem:s18+$0x10400] =	vst v3  }
0x262: {  	v18 =	vadd.f32 v18, v17;
	v17 =	vld [tilespmem:s18+$0x9440];
	v3 =	vadd.f32 v8, v7;
	[tilespmem:s18+$0x10410] =	vst v5  }
0x263: {  	v22 =	vadd.f32 v22, v21;
	v21 =	vld [tilespmem:s18+$0x9460];
	[tilespmem:s18+$0x10450] =	vst v14  }
0x264: {  	v7 =	vld [tilespmem:s18+$0x9070];
	[tilespmem:s18+$0x10420] =	vst v3;
	v3 =	vadd.f32 v12, v11  }
0x265: {  	v8 =	vld [tilespmem:s18+$0x1400];
	[tilespmem:s18+$0x10470] =	vst v18  }
0x266: {  	v5 =	vadd.f32 v10, v9;
	v9 =	vld [tilespmem:s18+$0x9400];
	[tilespmem:s18+$0x10440] =	vst v3;
	v3 =	vadd.f32 v16, v15  }
0x267: {  	v26 =	vadd.f32 v26, v25;
	v10 =	vld [tilespmem:s18+$0x1410];
	[tilespmem:s18+$0x10810] =	vst v22  }
0x268: {  	v14 =	vld [tilespmem:s18+$0x1430];
	[tilespmem:s18+$0x10460] =	vst v3;
	v3 =	vadd.f32 v20, v19  }
0x269: {  	v30 =	vadd.f32 v30, v29;
	[tilespmem:s18+$0x10830] =	vst v26;
	v18 =	vld [tilespmem:s18+$0x1450]  }
0x26a: {  	v19 =	vld [tilespmem:s18+$0x9450];
	[tilespmem:s18+$0x10800] =	vst v3;
	v3 =	vadd.f32 v24, v23  }
0x26b: {  	v34 =	vadd.f32 v34, v33;
	[tilespmem:s18+$0x10850] =	vst v30;
	v22 =	vld [tilespmem:s18+$0x1470]  }
0x26c: {  	v11 =	vld [tilespmem:s18+$0x9410];
	[tilespmem:s18+$0x10820] =	vst v3;
	v3 =	vadd.f32 v28, v27  }
0x26d: {  	[tilespmem:s18+$0x10870] =	vst v34;
	v12 =	vld [tilespmem:s18+$0x1420]  }
0x26e: {  	v15 =	vld [tilespmem:s18+$0x9430];
	[tilespmem:s18+$0x10840] =	vst v3;
	v3 =	vadd.f32 v32, v31  }
0x26f: {  	[tilespmem:s18+$0x10430] =	vst v5;
	v16 =	vld [tilespmem:s18+$0x1440];
	v19 =	vadd.f32 v19, v18  }
0x270: {  	v20 =	vld [tilespmem:s18+$0x1460];
	[tilespmem:s18+$0x10860] =	vst v3;
	v3 =	vadd.f32 v36, v35  }
0x271: {  	v24 =	vld [tilespmem:s18+$0x1800];
	[tilespmem:s18+$0x11450] =	vst v19;
	v36 =	vadd.f32 v38, v37  }
0x272: {  	v37 =	vld [tilespmem:s18+$0x9470];
	[tilespmem:s18+$0x10C00] =	vst v3;
	v3 =	vadd.f32 v40, v39  }
0x273: {  	v38 =	vadd.f32 v42, v41;
	v41 =	vld [tilespmem:s18+$0x1810];
	[tilespmem:s18+$0x10C10] =	vst v36  }
0x274: {  	v42 =	vld [tilespmem:s18+$0x9810];
	[tilespmem:s18+$0x10C20] =	vst v3;
	v3 =	vadd.f32 v44, v43  }
0x275: {  	v35 =	vld [tilespmem:s18+$0x1C10];
	[tilespmem:s18+$0x10C30] =	vst v38;
	v40 =	vadd.f32 v46, v45  }
0x276: {  	v39 =	vld [tilespmem:s18+$0x9800];
	[tilespmem:s18+$0x10C40] =	vst v3;
	v3 =	vadd.f32 v48, v47  }
0x277: {  	v45 =	vld [tilespmem:s18+$0x9820];
	v46 =	vadd.f32 v54, v53;
	[tilespmem:s18+$0x10C50] =	vst v40  }
0x278: {  	v53 =	vld [tilespmem:s18+$0x1850];
	[tilespmem:s18+$0x10C60] =	vst v3;
	v3 =	vadd.f32 v52, v51  }
0x279: {  	v54 =	vld [tilespmem:s18+$0x9850];
	v43 =	vadd.f32 v50, v49;
	[tilespmem:s18+$0x11010] =	vst v46  }
0x27a: {  	v36 =	vld [tilespmem:s18+$0x9C10];
	[tilespmem:s18+$0x11000] =	vst v3;
	v3 =	vadd.f32 v56, v55  }
0x27b: {  	v38 =	vld [tilespmem:s18+$0x1C20];
	v49 =	vadd.f32 v58, v57;
	[tilespmem:s18+$0x10C70] =	vst v43  }
0x27c: {  	v44 =	vld [tilespmem:s18+$0x1820];
	[tilespmem:s18+$0x11020] =	vst v3;
	v3 =	vadd.f32 v60, v59  }
0x27d: {  	v50 =	vld [tilespmem:s18+$0x1840];
	v58 =	vadd.f32 v11, v10;
	[tilespmem:s18+$0x11030] =	vst v49  }
0x27e: {  	v57 =	vld [tilespmem:s18+$0x9860];
	[tilespmem:s18+$0x11040] =	vst v3;
	v3 =	vadd.f32 v4, v63  }
0x27f: {  	v46 =	vld [tilespmem:s18+$0x1C50];
	v37 =	vadd.f32 v37, v22;
	[tilespmem:s18+$0x11410] =	vst v58  }
0x280: {  	v40 =	vadd.f32 v42, v41;
	v41 =	vld [tilespmem:s18+$0x1C30];
	[tilespmem:s18+$0x11060] =	vst v3;
	v3 =	vadd.f32 v9, v8  }
0x281: {  	v42 =	vld [tilespmem:s18+$0x9C30];
	[tilespmem:s18+$0x11470] =	vst v37  }
0x282: {  	v47 =	vld [tilespmem:s18+$0x1830];
	[tilespmem:s18+$0x11400] =	vst v3;
	v3 =	vadd.f32 v13, v12  }
0x283: {  	v48 =	vld [tilespmem:s18+$0x9830];
	[tilespmem:s18+$0x11810] =	vst v40;
	v52 =	vadd.f32 v62, v61  }
0x284: {  	v49 =	vld [tilespmem:s18+$0x1C60];
	[tilespmem:s18+$0x11420] =	vst v3;
	v3 =	vadd.f32 v17, v16  }
0x285: {  	v51 =	vld [tilespmem:s18+$0x9840];
	v61 =	vadd.f32 v15, v14;
	[tilespmem:s18+$0x11050] =	vst v52  }
0x286: {  	v62 =	vld [tilespmem:s18+$0x1C00];
	[tilespmem:s18+$0x11440] =	vst v3;
	v3 =	vadd.f32 v21, v20  }
0x287: {  	v55 =	vadd.f32 v7, v6;
	v56 =	vld [tilespmem:s18+$0x1860];
	[tilespmem:s18+$0x11430] =	vst v61  }
0x288: {  	v52 =	vld [tilespmem:s18+$0x1C70];
	[tilespmem:s18+$0x11460] =	vst v3;
	v3 =	vadd.f32 v39, v24  }
0x289: {  	v43 =	vadd.f32 v48, v47;
	v47 =	vld [tilespmem:s18+$0x9C50];
	[tilespmem:s18+$0x11070] =	vst v55  }
0x28a: {  	v59 =	vld [tilespmem:s18+$0x1870];
	[tilespmem:s18+$0x11800] =	vst v3;
	v3 =	vadd.f32 v45, v44  }
0x28b: {  	[tilespmem:s18+$0x11830] =	vst v43;
	v63 =	vld [tilespmem:s18+$0x9C00];
	v4 =	vadd.f32 v54, v53  }
0x28c: {  	v60 =	vld [tilespmem:s18+$0x9870];
	[tilespmem:s18+$0x11820] =	vst v3;
	v3 =	vadd.f32 v51, v50  }
0x28d: {  	v54 =	vadd.f32 v42, v41;
	[tilespmem:s18+$0x11850] =	vst v4;
	v39 =	vld [tilespmem:s18+$0x9C20]  }
0x28e: {  	v44 =	vld [tilespmem:s18+$0x1C40];
	[tilespmem:s18+$0x11840] =	vst v3;
	v3 =	vadd.f32 v57, v56  }
0x28f: {  	[tilespmem:s18+$0x11C30] =	vst v54;
	v55 =	vadd.f32 v47, v46;
	v45 =	vld [tilespmem:s18+$0x9C40]  }
0x290: {  	v53 =	vld [tilespmem:s18+$0x9C70];
	[tilespmem:s18+$0x11860] =	vst v3;
	v3 =	vadd.f32 v63, v62  }
0x291: {  	v48 =	vadd.f32 v60, v59;
	[tilespmem:s18+$0x11C50] =	vst v55;
	v50 =	vld [tilespmem:s18+$0x9C60]  }
0x292: {  	[tilespmem:s18+$0x11C00] =	vst v3;
	v3 =	vadd.f32 v39, v38  }
0x293: {  	[tilespmem:s18+$0x11870] =	vst v48;
	v51 =	vadd.f32 v36, v35  }
0x294: {  	[tilespmem:s18+$0x11C20] =	vst v3;
	v3 =	vadd.f32 v45, v44  }
0x295: {  	s19 =	sand.u32 $0x7, s12;
	[tilespmem:s18+$0x11C10] =	vst v51;
	v56 =	vadd.f32 v53, v52  }
0x296: {  	s19 =	sshll.u32 s19, $0x7;
	[tilespmem:s18+$0x11C40] =	vst v3;
	v3 =	vadd.f32 v50, v49  }
0x297: {  	s19 =	sadd.s32 s19, s13;
	[tilespmem:s18+$0x11C70] =	vst v56  }
0x298: {  	[tilespmem:s18+$0x11C60] =	vst v3;
	s18 =	sor.u32 $0x1C00, s19  }
0x299: {  	v3 =	vld [tilespmem:s18+$0x400]  }
0x29a: {  	v4 =	vld [tilespmem:s18+$0x8400];
	_ =	sdelay $0x4  }
0x29b: {  	v3 =	vadd.f32 v4, v3;
	_ =	sdelay $0x1  }
0x29c: {  	[tilespmem:s18+$0x10400] =	vst v3;
	s18 =	sor.u32 $0x1C10, s19  }
0x29d: {  	v3 =	vld [tilespmem:s18+$0x400]  }
0x29e: {  	v57 =	vld [tilespmem:s18+$0x8400];
	_ =	sdelay $0x4  }
0x29f: {  	v3 =	vadd.f32 v57, v3;
	_ =	sdelay $0x1  }
0x2a0: {  	[tilespmem:s18+$0x10400] =	vst v3;
	s18 =	sor.u32 $0x1C20, s19  }
0x2a1: {  	v3 =	vld [tilespmem:s18+$0x400]  }
0x2a2: {  	v58 =	vld [tilespmem:s18+$0x8400];
	_ =	sdelay $0x4  }
0x2a3: {  	v3 =	vadd.f32 v58, v3;
	_ =	sdelay $0x1  }
0x2a4: {  	[tilespmem:s18+$0x10400] =	vst v3;
	s18 =	sor.u32 $0x1C30, s19  }
0x2a5: {  	v3 =	vld [tilespmem:s18+$0x400]  }
0x2a6: {  	v59 =	vld [tilespmem:s18+$0x8400];
	_ =	sdelay $0x4  }
0x2a7: {  	v3 =	vadd.f32 v59, v3;
	_ =	sdelay $0x1  }
0x2a8: {  	[tilespmem:s18+$0x10400] =	vst v3;
	s18 =	sor.u32 $0x1C40, s19  }
0x2a9: {  	v3 =	vld [tilespmem:s18+$0x400]  }
0x2aa: {  	v60 =	vld [tilespmem:s18+$0x8400];
	_ =	sdelay $0x4  }
0x2ab: {  	v3 =	vadd.f32 v60, v3;
	_ =	sdelay $0x1  }
0x2ac: {  	[tilespmem:s18+$0x10400] =	vst v3;
	s18 =	sor.u32 $0x1C50, s19  }
0x2ad: {  	v3 =	vld [tilespmem:s18+$0x400]  }
0x2ae: {  	v61 =	vld [tilespmem:s18+$0x8400];
	_ =	sdelay $0x4  }
0x2af: {  	v3 =	vadd.f32 v61, v3;
	_ =	sdelay $0x1  }
0x2b0: {  	[tilespmem:s18+$0x10400] =	vst v3;
	s18 =	sor.u32 $0x1C60, s19  }
0x2b1: {  	v3 =	vld [tilespmem:s18+$0x400]  }
0x2b2: {  	v62 =	vld [tilespmem:s18+$0x8400];
	_ =	sdelay $0x4  }
0x2b3: {  	v3 =	vadd.f32 v62, v3;
	_ =	sdelay $0x1  }
0x2b4: {  	s19 =	sor.u32 $0x1C70, s19;
	[tilespmem:s18+$0x10400] =	vst v3  }
0x2b5: {  	v3 =	vld [tilespmem:s19+$0x400]  }
0x2b6: {  	v63 =	vld [tilespmem:s19+$0x8400];
	_ =	sdelay $0x1  }
0x2b7: {  	p0 =	sne.s32 s17, $0x780  }
.Ltmp2:
0x2b8: {  	_ = 	snop;
	(pc) =	sbr.rel @p0 .LBB2_6-.Ltmp2, $4  }
0x2b9: {  	_ = 	snop  }
0x2ba: {  	v3 =	vadd.f32 v63, v3  }
0x2bb: {  	s16 =	sadd.s32 $0x400, s16  }
0x2bc: {  	s17 =	sadd.s32 $0x80, s17;
	s12 =	sadd.s32 $0x1, s12;
	s13 =	sadd.s32 $0x400, s13;
	[tilespmem:s19+$0x10400] =	vst v3  }
0x2bd: {  	s12 =	simm.s32 $0x0;
	s13 =	rddreg [dreg:$0x6]  }
0x2be: {  	[hbm4b:s13+s12] =	stream.linear.scatter [tilespmem:s30], [sflag:$0x3], $0x4000, $0x38;
	[tilespmem:$0x18400] =	vst v63  }
0x2bf: {  	_ =	swait.ge [sflag:s31], $0x4000  }
0x2c0: {  	[sflag:s31] =	ssyncset.done $0x0  }
0x2c1: {  	[sflag:s31] =	ssyncadd.s32 $0xFFFFC000  }
0x2c2: {  	_ =	swait.ge [sflag:s31], $0x4000  }
0x2c3: {  	[sflag:s31] =	ssyncset.done $0x0  }
0x2c4: {  	[sflag:s31] =	ssyncadd.s32 $0xFFFFC000  }
0x2c5: {  	_ =	swait.ge [sflag:s11], $0x4000  }
0x2c6: {  	s16 =	simm.s32 $0xFFFFC000;
	[sflag:s11] =	ssyncset.done $0x0  }
0x2c7: {  	s17 =	simm.s32 $0x0;
	s13 =	simm.s32 $0x0;
	[sflag:s11] =	ssyncadd.s32 $0xFFFFC000  }
.LBB2_8:
0x2c8: {  	s18 =	sadd.s32 $0x4000, s16  }
0x2c9: {  	s19 =	sand.u32 $0x380, s17;
	s18 =	sand.u32 $0x2000, s18  }
0x2ca: {  	s18 =	sor.u32 s19, s18  }
0x2cb: {  	v3 =	vld [tilespmem:s18+$0x4400]  }
0x2cc: {  	v4 =	vld [tilespmem:s18+$0xC400]  }
0x2cd: {  	v5 =	vld [tilespmem:s18+$0x4410]  }
0x2ce: {  	v6 =	vld [tilespmem:s18+$0xC410]  }
0x2cf: {  	v7 =	vld [tilespmem:s18+$0x4420]  }
0x2d0: {  	v8 =	vld [tilespmem:s18+$0xC420]  }
0x2d1: {  	v9 =	vld [tilespmem:s18+$0x4430]  }
0x2d2: {  	v10 =	vld [tilespmem:s18+$0xC430]  }
0x2d3: {  	v11 =	vld [tilespmem:s18+$0x4440]  }
0x2d4: {  	v12 =	vld [tilespmem:s18+$0xC440]  }
0x2d5: {  	v13 =	vld [tilespmem:s18+$0x4450]  }
0x2d6: {  	v14 =	vld [tilespmem:s18+$0xC450]  }
0x2d7: {  	v15 =	vld [tilespmem:s18+$0x4460]  }
0x2d8: {  	v16 =	vld [tilespmem:s18+$0xC460]  }
0x2d9: {  	v17 =	vld [tilespmem:s18+$0x4470]  }
0x2da: {  	v18 =	vld [tilespmem:s18+$0xC470]  }
0x2db: {  	v19 =	vld [tilespmem:s18+$0x4800]  }
0x2dc: {  	v20 =	vld [tilespmem:s18+$0xC800]  }
0x2dd: {  	v21 =	vld [tilespmem:s18+$0x4810]  }
0x2de: {  	v22 =	vld [tilespmem:s18+$0xC810]  }
0x2df: {  	v23 =	vld [tilespmem:s18+$0x4820]  }
0x2e0: {  	v24 =	vld [tilespmem:s18+$0xC820]  }
0x2e1: {  	v25 =	vld [tilespmem:s18+$0x4830]  }
0x2e2: {  	v26 =	vld [tilespmem:s18+$0xC830]  }
0x2e3: {  	v27 =	vld [tilespmem:s18+$0x4840]  }
0x2e4: {  	v28 =	vld [tilespmem:s18+$0xC840]  }
0x2e5: {  	v29 =	vld [tilespmem:s18+$0x4850]  }
0x2e6: {  	v30 =	vld [tilespmem:s18+$0xC850]  }
0x2e7: {  	v31 =	vld [tilespmem:s18+$0x4860]  }
0x2e8: {  	v32 =	vld [tilespmem:s18+$0xC860]  }
0x2e9: {  	v33 =	vld [tilespmem:s18+$0x4870]  }
0x2ea: {  	v34 =	vld [tilespmem:s18+$0xC870]  }
0x2eb: {  	v35 =	vld [tilespmem:s18+$0x4C00]  }
0x2ec: {  	v36 =	vld [tilespmem:s18+$0xCC00]  }
0x2ed: {  	v37 =	vld [tilespmem:s18+$0x4C10]  }
0x2ee: {  	v38 =	vld [tilespmem:s18+$0xCC10]  }
0x2ef: {  	v39 =	vld [tilespmem:s18+$0x4C20]  }
0x2f0: {  	v40 =	vld [tilespmem:s18+$0xCC20]  }
0x2f1: {  	v41 =	vld [tilespmem:s18+$0x4C30]  }
0x2f2: {  	v42 =	vld [tilespmem:s18+$0xCC30]  }
0x2f3: {  	v43 =	vld [tilespmem:s18+$0x4C40]  }
0x2f4: {  	v44 =	vld [tilespmem:s18+$0xCC40]  }
0x2f5: {  	v45 =	vld [tilespmem:s18+$0x4C50]  }
0x2f6: {  	v46 =	vld [tilespmem:s18+$0xCC50]  }
0x2f7: {  	v47 =	vld [tilespmem:s18+$0x4C60]  }
0x2f8: {  	v48 =	vld [tilespmem:s18+$0xCC60]  }
0x2f9: {  	v49 =	vld [tilespmem:s18+$0x4C70]  }
0x2fa: {  	v50 =	vld [tilespmem:s18+$0xCC70]  }
0x2fb: {  	v51 =	vld [tilespmem:s18+$0x5000]  }
0x2fc: {  	v52 =	vld [tilespmem:s18+$0xD000]  }
0x2fd: {  	v53 =	vld [tilespmem:s18+$0x5010]  }
0x2fe: {  	v54 =	vld [tilespmem:s18+$0xD010]  }
0x2ff: {  	v55 =	vld [tilespmem:s18+$0x5020]  }
0x300: {  	v56 =	vld [tilespmem:s18+$0xD020]  }
0x301: {  	v57 =	vld [tilespmem:s18+$0x5030]  }
0x302: {  	v58 =	vld [tilespmem:s18+$0xD030]  }
0x303: {  	v59 =	vld [tilespmem:s18+$0x5040]  }
0x304: {  	v60 =	vld [tilespmem:s18+$0xD040]  }
0x305: {  	v61 =	vld [tilespmem:s18+$0x5050]  }
0x306: {  	v62 =	vld [tilespmem:s18+$0xD050]  }
0x307: {  	v63 =	vld [tilespmem:s18+$0x5060]  }
0x308: {  	v3 =	vadd.f32 v4, v3;
	v4 =	vld [tilespmem:s18+$0xD060]  }
0x309: {  	v5 =	vadd.f32 v6, v5;
	v6 =	vld [tilespmem:s18+$0x5070]  }
0x30a: {  	v14 =	vadd.f32 v14, v13;
	v13 =	vld [tilespmem:s18+$0xD420];
	[tilespmem:s18+$0x14400] =	vst v3  }
0x30b: {  	v18 =	vadd.f32 v18, v17;
	v17 =	vld [tilespmem:s18+$0xD440];
	v3 =	vadd.f32 v8, v7;
	[tilespmem:s18+$0x14410] =	vst v5  }
0x30c: {  	v22 =	vadd.f32 v22, v21;
	v21 =	vld [tilespmem:s18+$0xD460];
	[tilespmem:s18+$0x14450] =	vst v14  }
0x30d: {  	v7 =	vld [tilespmem:s18+$0xD070];
	[tilespmem:s18+$0x14420] =	vst v3;
	v3 =	vadd.f32 v12, v11  }
0x30e: {  	v8 =	vld [tilespmem:s18+$0x5400];
	[tilespmem:s18+$0x14470] =	vst v18  }
0x30f: {  	v5 =	vadd.f32 v10, v9;
	v9 =	vld [tilespmem:s18+$0xD400];
	[tilespmem:s18+$0x14440] =	vst v3;
	v3 =	vadd.f32 v16, v15  }
0x310: {  	v26 =	vadd.f32 v26, v25;
	v10 =	vld [tilespmem:s18+$0x5410];
	[tilespmem:s18+$0x14810] =	vst v22  }
0x311: {  	v14 =	vld [tilespmem:s18+$0x5430];
	[tilespmem:s18+$0x14460] =	vst v3;
	v3 =	vadd.f32 v20, v19  }
0x312: {  	v30 =	vadd.f32 v30, v29;
	[tilespmem:s18+$0x14830] =	vst v26;
	v18 =	vld [tilespmem:s18+$0x5450]  }
0x313: {  	v19 =	vld [tilespmem:s18+$0xD450];
	[tilespmem:s18+$0x14800] =	vst v3;
	v3 =	vadd.f32 v24, v23  }
0x314: {  	v34 =	vadd.f32 v34, v33;
	[tilespmem:s18+$0x14850] =	vst v30;
	v22 =	vld [tilespmem:s18+$0x5470]  }
0x315: {  	v11 =	vld [tilespmem:s18+$0xD410];
	[tilespmem:s18+$0x14820] =	vst v3;
	v3 =	vadd.f32 v28, v27  }
0x316: {  	[tilespmem:s18+$0x14870] =	vst v34;
	v12 =	vld [tilespmem:s18+$0x5420]  }
0x317: {  	v15 =	vld [tilespmem:s18+$0xD430];
	[tilespmem:s18+$0x14840] =	vst v3;
	v3 =	vadd.f32 v32, v31  }
0x318: {  	[tilespmem:s18+$0x14430] =	vst v5;
	v16 =	vld [tilespmem:s18+$0x5440];
	v19 =	vadd.f32 v19, v18  }
0x319: {  	v20 =	vld [tilespmem:s18+$0x5460];
	[tilespmem:s18+$0x14860] =	vst v3;
	v3 =	vadd.f32 v36, v35  }
0x31a: {  	v24 =	vld [tilespmem:s18+$0x5800];
	[tilespmem:s18+$0x15450] =	vst v19;
	v36 =	vadd.f32 v38, v37  }
0x31b: {  	v37 =	vld [tilespmem:s18+$0xD470];
	[tilespmem:s18+$0x14C00] =	vst v3;
	v3 =	vadd.f32 v40, v39  }
0x31c: {  	v38 =	vadd.f32 v42, v41;
	v41 =	vld [tilespmem:s18+$0x5810];
	[tilespmem:s18+$0x14C10] =	vst v36  }
0x31d: {  	v42 =	vld [tilespmem:s18+$0xD810];
	[tilespmem:s18+$0x14C20] =	vst v3;
	v3 =	vadd.f32 v44, v43  }
0x31e: {  	v35 =	vld [tilespmem:s18+$0x5C10];
	[tilespmem:s18+$0x14C30] =	vst v38;
	v40 =	vadd.f32 v46, v45  }
0x31f: {  	v39 =	vld [tilespmem:s18+$0xD800];
	[tilespmem:s18+$0x14C40] =	vst v3;
	v3 =	vadd.f32 v48, v47  }
0x320: {  	v45 =	vld [tilespmem:s18+$0xD820];
	v46 =	vadd.f32 v54, v53;
	[tilespmem:s18+$0x14C50] =	vst v40  }
0x321: {  	v53 =	vld [tilespmem:s18+$0x5850];
	[tilespmem:s18+$0x14C60] =	vst v3;
	v3 =	vadd.f32 v52, v51  }
0x322: {  	v54 =	vld [tilespmem:s18+$0xD850];
	v43 =	vadd.f32 v50, v49;
	[tilespmem:s18+$0x15010] =	vst v46  }
0x323: {  	v36 =	vld [tilespmem:s18+$0xDC10];
	[tilespmem:s18+$0x15000] =	vst v3;
	v3 =	vadd.f32 v56, v55  }
0x324: {  	v38 =	vld [tilespmem:s18+$0x5C20];
	v49 =	vadd.f32 v58, v57;
	[tilespmem:s18+$0x14C70] =	vst v43  }
0x325: {  	v44 =	vld [tilespmem:s18+$0x5820];
	[tilespmem:s18+$0x15020] =	vst v3;
	v3 =	vadd.f32 v60, v59  }
0x326: {  	v50 =	vld [tilespmem:s18+$0x5840];
	v58 =	vadd.f32 v11, v10;
	[tilespmem:s18+$0x15030] =	vst v49  }
0x327: {  	v57 =	vld [tilespmem:s18+$0xD860];
	[tilespmem:s18+$0x15040] =	vst v3;
	v3 =	vadd.f32 v4, v63  }
0x328: {  	v46 =	vld [tilespmem:s18+$0x5C50];
	v37 =	vadd.f32 v37, v22;
	[tilespmem:s18+$0x15410] =	vst v58  }
0x329: {  	v40 =	vadd.f32 v42, v41;
	v41 =	vld [tilespmem:s18+$0x5C30];
	[tilespmem:s18+$0x15060] =	vst v3;
	v3 =	vadd.f32 v9, v8  }
0x32a: {  	v42 =	vld [tilespmem:s18+$0xDC30];
	[tilespmem:s18+$0x15470] =	vst v37  }
0x32b: {  	v47 =	vld [tilespmem:s18+$0x5830];
	[tilespmem:s18+$0x15400] =	vst v3;
	v3 =	vadd.f32 v13, v12  }
0x32c: {  	v48 =	vld [tilespmem:s18+$0xD830];
	[tilespmem:s18+$0x15810] =	vst v40;
	v52 =	vadd.f32 v62, v61  }
0x32d: {  	v49 =	vld [tilespmem:s18+$0x5C60];
	[tilespmem:s18+$0x15420] =	vst v3;
	v3 =	vadd.f32 v17, v16  }
0x32e: {  	v51 =	vld [tilespmem:s18+$0xD840];
	v61 =	vadd.f32 v15, v14;
	[tilespmem:s18+$0x15050] =	vst v52  }
0x32f: {  	v62 =	vld [tilespmem:s18+$0x5C00];
	[tilespmem:s18+$0x15440] =	vst v3;
	v3 =	vadd.f32 v21, v20  }
0x330: {  	v55 =	vadd.f32 v7, v6;
	v56 =	vld [tilespmem:s18+$0x5860];
	[tilespmem:s18+$0x15430] =	vst v61  }
0x331: {  	v52 =	vld [tilespmem:s18+$0x5C70];
	[tilespmem:s18+$0x15460] =	vst v3;
	v3 =	vadd.f32 v39, v24  }
0x332: {  	v43 =	vadd.f32 v48, v47;
	v47 =	vld [tilespmem:s18+$0xDC50];
	[tilespmem:s18+$0x15070] =	vst v55  }
0x333: {  	v59 =	vld [tilespmem:s18+$0x5870];
	[tilespmem:s18+$0x15800] =	vst v3;
	v3 =	vadd.f32 v45, v44  }
0x334: {  	[tilespmem:s18+$0x15830] =	vst v43;
	v63 =	vld [tilespmem:s18+$0xDC00];
	v4 =	vadd.f32 v54, v53  }
0x335: {  	v60 =	vld [tilespmem:s18+$0xD870];
	[tilespmem:s18+$0x15820] =	vst v3;
	v3 =	vadd.f32 v51, v50  }
0x336: {  	v54 =	vadd.f32 v42, v41;
	[tilespmem:s18+$0x15850] =	vst v4;
	v39 =	vld [tilespmem:s18+$0xDC20]  }
0x337: {  	v44 =	vld [tilespmem:s18+$0x5C40];
	[tilespmem:s18+$0x15840] =	vst v3;
	v3 =	vadd.f32 v57, v56  }
0x338: {  	[tilespmem:s18+$0x15C30] =	vst v54;
	v55 =	vadd.f32 v47, v46;
	v45 =	vld [tilespmem:s18+$0xDC40]  }
0x339: {  	v53 =	vld [tilespmem:s18+$0xDC70];
	[tilespmem:s18+$0x15860] =	vst v3;
	v3 =	vadd.f32 v63, v62  }
0x33a: {  	v48 =	vadd.f32 v60, v59;
	[tilespmem:s18+$0x15C50] =	vst v55;
	v50 =	vld [tilespmem:s18+$0xDC60]  }
0x33b: {  	[tilespmem:s18+$0x15C00] =	vst v3;
	v3 =	vadd.f32 v39, v38  }
0x33c: {  	[tilespmem:s18+$0x15870] =	vst v48;
	v51 =	vadd.f32 v36, v35  }
0x33d: {  	[tilespmem:s18+$0x15C20] =	vst v3;
	v3 =	vadd.f32 v45, v44  }
0x33e: {  	s19 =	sand.u32 $0x7, s12;
	[tilespmem:s18+$0x15C10] =	vst v51;
	v56 =	vadd.f32 v53, v52  }
0x33f: {  	s19 =	sshll.u32 s19, $0x7;
	[tilespmem:s18+$0x15C40] =	vst v3;
	v3 =	vadd.f32 v50, v49  }
0x340: {  	s19 =	sadd.s32 s19, s13;
	[tilespmem:s18+$0x15C70] =	vst v56  }
0x341: {  	[tilespmem:s18+$0x15C60] =	vst v3;
	s18 =	sor.u32 $0x1C00, s19  }
0x342: {  	v3 =	vld [tilespmem:s18+$0x4400]  }
0x343: {  	v4 =	vld [tilespmem:s18+$0xC400];
	_ =	sdelay $0x4  }
0x344: {  	v3 =	vadd.f32 v4, v3;
	_ =	sdelay $0x1  }
0x345: {  	[tilespmem:s18+$0x14400] =	vst v3;
	s18 =	sor.u32 $0x1C10, s19  }
0x346: {  	v3 =	vld [tilespmem:s18+$0x4400]  }
0x347: {  	v57 =	vld [tilespmem:s18+$0xC400];
	_ =	sdelay $0x4  }
0x348: {  	v3 =	vadd.f32 v57, v3;
	_ =	sdelay $0x1  }
0x349: {  	[tilespmem:s18+$0x14400] =	vst v3;
	s18 =	sor.u32 $0x1C20, s19  }
0x34a: {  	v3 =	vld [tilespmem:s18+$0x4400]  }
0x34b: {  	v58 =	vld [tilespmem:s18+$0xC400];
	_ =	sdelay $0x4  }
0x34c: {  	v3 =	vadd.f32 v58, v3;
	_ =	sdelay $0x1  }
0x34d: {  	[tilespmem:s18+$0x14400] =	vst v3;
	s18 =	sor.u32 $0x1C30, s19  }
0x34e: {  	v3 =	vld [tilespmem:s18+$0x4400]  }
0x34f: {  	v59 =	vld [tilespmem:s18+$0xC400];
	_ =	sdelay $0x4  }
0x350: {  	v3 =	vadd.f32 v59, v3;
	_ =	sdelay $0x1  }
0x351: {  	[tilespmem:s18+$0x14400] =	vst v3;
	s18 =	sor.u32 $0x1C40, s19  }
0x352: {  	v3 =	vld [tilespmem:s18+$0x4400]  }
0x353: {  	v60 =	vld [tilespmem:s18+$0xC400];
	_ =	sdelay $0x4  }
0x354: {  	v3 =	vadd.f32 v60, v3;
	_ =	sdelay $0x1  }
0x355: {  	[tilespmem:s18+$0x14400] =	vst v3;
	s18 =	sor.u32 $0x1C50, s19  }
0x356: {  	v3 =	vld [tilespmem:s18+$0x4400]  }
0x357: {  	v61 =	vld [tilespmem:s18+$0xC400];
	_ =	sdelay $0x4  }
0x358: {  	v3 =	vadd.f32 v61, v3;
	_ =	sdelay $0x1  }
0x359: {  	[tilespmem:s18+$0x14400] =	vst v3;
	s18 =	sor.u32 $0x1C60, s19  }
0x35a: {  	v3 =	vld [tilespmem:s18+$0x4400]  }
0x35b: {  	v62 =	vld [tilespmem:s18+$0xC400];
	_ =	sdelay $0x4  }
0x35c: {  	v3 =	vadd.f32 v62, v3;
	_ =	sdelay $0x1  }
0x35d: {  	s19 =	sor.u32 $0x1C70, s19;
	[tilespmem:s18+$0x14400] =	vst v3  }
0x35e: {  	v3 =	vld [tilespmem:s19+$0x4400]  }
0x35f: {  	v63 =	vld [tilespmem:s19+$0xC400];
	_ =	sdelay $0x1  }
0x360: {  	p0 =	sne.s32 s17, $0x780  }
.Ltmp3:
0x361: {  	_ = 	snop;
	(pc) =	sbr.rel @p0 .LBB2_8-.Ltmp3, $4  }
0x362: {  	_ = 	snop  }
0x363: {  	v3 =	vadd.f32 v63, v3  }
0x364: {  	s16 =	sadd.s32 $0x400, s16  }
0x365: {  	s17 =	sadd.s32 $0x80, s17;
	s12 =	sadd.s32 $0x1, s12;
	s13 =	sadd.s32 $0x400, s13;
	[tilespmem:s19+$0x14400] =	vst v3  }
0x366: {  	s12 =	rddreg [dreg:$0x7]  }
0x367: {  	[hbm4b:s12+s2] =	stream.linear.scatter [tilespmem:s1], [sflag:$0x4], $0x4000, $0x38;
	[tilespmem:$0x18400] =	vst v63  }
0x368: {  	_ =	swait.ge [sflag:s10], $0x4000  }
0x369: {  	[sflag:s10] =	ssyncset.done $0x0  }
0x36a: {  	[sflag:s10] =	ssyncadd.s32 $0xFFFFC000  }
0x36b: {  	_ =	swait.ge [sflag:s11], $0x4000  }
0x36c: {  	s15 =	sadd.s32 $0x1, s15;
	s19 =	rddreg [dreg:$0x8]  }
0x36d: {  	p0 =	sne.s32 s15, s19  }
.Ltmp4:
0x36e: {  	_ = 	snop;
	(pc) =	sbr.rel @p0 .LBB2_1-.Ltmp4, $3  }
0x36f: {  	_ =	sdelay $0x1  }
0x370: {  	[sflag:s11] =	ssyncset.done $0x0  }
0x371: {  	[sflag:s11] =	ssyncadd.s32 $0xFFFFC000  }
0x372: {  	_ =	sfence.sel $0x180000  }
0x373: {  	[bflag:$0x0] =	sbarrier.arrive $0xFFFF  }
0x374: {  	_ =	strace $0x90000047  }
0x375: {  	s0 =	stileid.u32;
	[bflag:$0x2] =	sbarrier.arrive $0xFFFF  }
0x376: {  	p0 =	sne.s32 s0, $0x0;
	s0 =	rddreg [dreg:$0x2]  }
0x377: {  	s0 =	sadd.s32 @!p0 $0x100000, s0  }
0x378: {  	[sflag:s0] =	ssyncadd.tile.s32 @!p0 $0x1;
	_ =	shalt  }
.Lfunc_end2:
_tile_overlayer_lowered:
.L_overlay_start_2:
0x379: {  	(tag) =	ssettag $0x2  }
0x37a: {  	s0 =	rddreg [dreg:$0x0];
	s2 =	stileid.u32  }
0x37b: {  	s1 =	rddreg [dreg:$0x1];
	p0 =	sne.s32 s2, $0x0  }
0x37c: {  	s3 =	rddreg [dreg:$0x2];
	[bflag:$0x3] =	sbarrier.arrive $0xFFFF;
	s2 =	simm.s32 @!p0 $0x1C05  }
0x37d: {  	[timem:s3], [sflag:s2] =	dma.local @!p0 [hbm:s0], s1  }
0x37e: {  	s0 =	simm.s32 @!p0 $0x5  }
0x37f: {  	_ =	swait.ge @!p0 [sflag:s0], s1  }
0x380: {  	s1 =	ssub.s32 @!p0 $0x0, s1;
	[sflag:s0] =	ssyncset.done @!p0 $0x0  }
0x381: {  	[sflag:s0] =	ssyncadd.s32 @!p0 s1  }
0x382: {  	[bflag:$0x3] =	sbarrier.arrive $0xFFFF  }
0x383: {  	_ =	shalt  }

</sc_bundles>
